<compile_context>
chip_gen: v7x
topology: tpu7x:2x2x1
jax: 0.10.2.dev20260603
libtpu: 0.0.44.dev20260713+nightly
codegen_flags: <defaults>
</compile_context>

<pallas_src>
import functools

import jax
import jax.numpy as jnp
from jax import lax
from jax.experimental import pallas as pl
from jax.experimental.pallas import tpu as pltpu
from jax.experimental.pallas import tpu_sc as plsc

B = 16384
K = 1024
KP = K // 2
NC = 2
NS = 16
L = 16
NW = NC * NS
BPW = B // NW
C = 16
NCHUNK = BPW // C
NBUF = 4
NACC = 8


def _softmax_pack_body(lp_ref, out_ref):
    x = lp_ref[...]
    m = jnp.max(x, axis=-1, keepdims=True)
    e = jnp.exp(x - m)
    p = e / jnp.sum(e, axis=-1, keepdims=True)
    bits = lax.bitcast_convert_type(p, jnp.uint32)
    half = jnp.uint32(0x8000)
    lo = (bits[:, :KP] + half) >> 16
    hi = (bits[:, KP:] + half) & jnp.uint32(0xFFFF0000)
    out_ref[...] = lax.bitcast_convert_type(hi | lo, jnp.int32)


def _softmax_pack(lp):
    blk = K // 8
    return pl.pallas_call(
        _softmax_pack_body,
        grid=(8,),
        in_specs=[pl.BlockSpec((blk, K), lambda i: (i, 0))],
        out_specs=pl.BlockSpec((blk, KP), lambda i: (i, 0)),
        out_shape=jax.ShapeDtypeStruct((K, KP), jnp.int32),
    )(lp)


def _sc_body(probs_hbm, dist_hbm, idx_hbm, out_hbm,
             idx_v, pbuf, dbuf, ovmem,
             psem0, psem1, psem2, psem3,
             dsem0, dsem1, dsem2, dsem3):
    wid = lax.axis_index("s") * NC + lax.axis_index("c")
    base = wid * BPW
    psems = (psem0, psem1, psem2, psem3)
    dsems = (dsem0, dsem1, dsem2, dsem3)

    pltpu.sync_copy(idx_hbm.at[pl.ds(base, BPW)], idx_v)

    def start(g, slot):
        idxc = idx_v.at[pl.ds(g * C, C)]
        pltpu.async_copy(probs_hbm.at[idxc], pbuf.at[slot], psems[slot])
        pltpu.async_copy(dist_hbm.at[pl.ds(base + g * C, C)],
                         dbuf.at[slot], dsems[slot])

    def wait(g, slot):
        idxc = idx_v.at[pl.ds(g * C, C)]
        pltpu.make_async_copy(probs_hbm.at[idxc], pbuf.at[slot],
                              psems[slot]).wait()
        pltpu.make_async_copy(dist_hbm.at[pl.ds(base + g * C, C)],
                              dbuf.at[slot], dsems[slot]).wait()

    himask = jnp.full((L,), -65536, jnp.int32)

    def consume(slot, accs):
        def row(r, accs):
            accs = list(accs)
            for j in range(K // 32):
                w = pbuf[slot, r, pl.ds(j * L, L)]
                lo = lax.bitcast_convert_type(w * 65536, jnp.float32)
                hi = lax.bitcast_convert_type(w & himask, jnp.float32)
                d0 = dbuf[slot, r, pl.ds(j * L, L)]
                d1 = dbuf[slot, r, pl.ds(KP + j * L, L)]
                a0 = (2 * j) % NACC
                a1 = (2 * j + 1) % NACC
                accs[a0] = accs[a0] + lo * d0
                accs[a1] = accs[a1] + hi * d1
            return tuple(accs)
        return lax.fori_loop(0, C, row, accs)

    for g in range(NBUF - 1):
        start(g, g)

    zero = jnp.zeros((L,), jnp.float32)
    accs0 = (zero,) * NACC

    def outer(g4, accs):
        for b in range(NBUF):
            g = g4 * NBUF + b

            @pl.when(g + NBUF - 1 < NCHUNK)
            def _():
                start(g + NBUF - 1, (b + NBUF - 1) % NBUF)

            wait(g, b)
            accs = consume(b, accs)
        return accs

    accs = lax.fori_loop(0, NCHUNK // NBUF, outer, accs0)

    total = accs[0]
    for a in accs[1:]:
        total = total + a
    ovmem[...] = total
    pltpu.sync_copy(ovmem, out_hbm.at[wid])


_sc_dot = functools.partial(
    pl.kernel,
    out_type=jax.ShapeDtypeStruct((NW, L), jnp.float32),
    mesh=plsc.VectorSubcoreMesh(core_axis_name="c", subcore_axis_name="s",
                                num_cores=NC, num_subcores=NS),
    scratch_types=[
        pltpu.VMEM((BPW,), jnp.int32),
        pltpu.VMEM((NBUF, C, KP), jnp.int32),
        pltpu.VMEM((NBUF, C, K), jnp.float32),
        pltpu.VMEM((L,), jnp.float32),
        pltpu.SemaphoreType.DMA,
        pltpu.SemaphoreType.DMA,
        pltpu.SemaphoreType.DMA,
        pltpu.SemaphoreType.DMA,
        pltpu.SemaphoreType.DMA,
        pltpu.SemaphoreType.DMA,
        pltpu.SemaphoreType.DMA,
        pltpu.SemaphoreType.DMA,
    ],
)(_sc_body)


def kernel(all_codebook_idxs, distance_matrix, log_probs):
    sel = all_codebook_idxs[-2].astype(jnp.int32)
    probs_packed = _softmax_pack(log_probs)
    partials = _sc_dot(probs_packed, distance_matrix, sel)
    return jnp.sum(partials)

# --- scband reference (transcript-rebuilt; emitter-appended) ---
"""Pipeline reference for scband-smoothness-loss-40518721470546 (READ-ONLY COPY).

The authoritative reference and input builder live on the scoring server;
editing this copy changes nothing except your own understanding.
"""

import jax, jax.numpy as jnp
import numpy as np

B = 16384
K = 1024  # som_dim = 32, so distance matrix last dim = 32*32 = 1024
T = 4     # temporal steps of codebook indices; forward uses all_codebook_idxs[-2]

def setup_inputs(seed: int = 0) -> dict:
    key = jax.random.key(seed)
    k1, k2, k3 = jax.random.split(key, 3)
    all_codebook_idxs = jax.random.randint(k1, (T, B), 0, K, dtype=jnp.int64)
    distance_matrix = jax.random.uniform(k2, (B, K), dtype=jnp.float32)
    log_probs = jax.random.normal(k3, (K, K), dtype=jnp.float32)  # named_parameters['quantizer.log_probs']
    return {"all_codebook_idxs": all_codebook_idxs, "distance_matrix": distance_matrix, "log_probs": log_probs}

def reference(all_codebook_idxs, distance_matrix, log_probs):
    # sel_probs = softmax(log_probs, dim=-1)[all_sel_nodes[-2]]
    sel = all_codebook_idxs[-2]                       # [B] int indices into codebook grid
    probs = jax.nn.softmax(log_probs, axis=-1)        # [K, K]
    sel_probs = jnp.take(probs, sel, axis=0)          # gather rows -> [B, K]
    smoothness = jnp.sum(sel_probs * distance_matrix, axis=-1)  # [B]
    # reduction == 'sum'
    return jnp.sum(smoothness, axis=0)                # scalar

if __name__ == "__main__":
    import jax
    _d = setup_inputs()
    print(jax.jit(kernel)(*tuple(_d.values())))

</pallas_src>

<mosaic_0001>
#map = affine_map<(d0, d1) -> (0, 0)>
#map1 = affine_map<(d0, d1) -> (0)>
module attributes {stable_mosaic.version = 14 : i64} {
  func.func @_sc_body(%arg0: i32, %arg1: i32, %arg2: memref<1024x512xi32, #tpu.memory_space<hbm>>, %arg3: memref<16384x1024xf32, #tpu.memory_space<hbm>>, %arg4: memref<16384xi32, #tpu.memory_space<hbm>>, %arg5: memref<32x16xf32, #tpu.memory_space<hbm>>, %arg6: memref<512xi32, #tpu.memory_space<vmem>>, %arg7: memref<4x16x512xi32, #tpu.memory_space<vmem>>, %arg8: memref<4x16x1024xf32, #tpu.memory_space<vmem>>, %arg9: memref<16xf32, #tpu.memory_space<vmem>>, %arg10: memref<!tpu.dma_semaphore, #tpu.memory_space<semaphore_mem>>, %arg11: memref<!tpu.dma_semaphore, #tpu.memory_space<semaphore_mem>>, %arg12: memref<!tpu.dma_semaphore, #tpu.memory_space<semaphore_mem>>, %arg13: memref<!tpu.dma_semaphore, #tpu.memory_space<semaphore_mem>>, %arg14: memref<!tpu.dma_semaphore, #tpu.memory_space<semaphore_mem>>, %arg15: memref<!tpu.dma_semaphore, #tpu.memory_space<semaphore_mem>>, %arg16: memref<!tpu.dma_semaphore, #tpu.memory_space<semaphore_mem>>, %arg17: memref<!tpu.dma_semaphore, #tpu.memory_space<semaphore_mem>>) attributes {dimension_semantics = [#tpu.dimension_semantics<core_parallel>, #tpu.dimension_semantics<subcore_parallel>], iteration_bounds = array<i64: 2, 16>, scalar_prefetch = 0 : i64, scratch_operands = 12 : i64, tpu.core_type = #tpu.core_type<sc_vector_subcore>, window_params = [{transform_indices = #map}, {transform_indices = #map}, {transform_indices = #map1}, {transform_indices = #map}]} {
    %mul3A = arith.constant 2 : i32
    %mul3A_0 = arith.muli %arg1, %mul3A : i32
    %add3A = arith.addi %mul3A_0, %arg0 : i32
    %mul3A_1 = arith.constant 512 : i32
    %mul3A_2 = arith.muli %add3A, %mul3A_1 : i32
    "tpu.region"() ({
      %run_scoped3A = tpu.sem_alloc : memref<!tpu.dma_semaphore, #tpu.memory_space<semaphore_mem>>
      %dma_start3A_95 = tpu.memref_slice %arg4[%mul3A_2] : memref<16384xi32, #tpu.memory_space<hbm>> -> memref<512xi32, #tpu.memory_space<hbm>>
      %dma_start3A_96 = tpu.memref_slice %arg4[%mul3A_2] : memref<16384xi32, #tpu.memory_space<hbm>> -> memref<512xi32, #tpu.memory_space<hbm>>
      tpu.enqueue_dma source(%dma_start3A_96 : memref<512xi32, #tpu.memory_space<hbm>>) target(%arg6 : memref<512xi32, #tpu.memory_space<vmem>>) target_semaphore(%run_scoped3A : memref<!tpu.dma_semaphore, #tpu.memory_space<semaphore_mem>>)
      %dma_wait3A = tpu.memref_slice %arg4[%mul3A_2] : memref<16384xi32, #tpu.memory_space<hbm>> -> memref<512xi32, #tpu.memory_space<hbm>>
      %dma_wait3A_97 = tpu.memref_slice %arg4[%mul3A_2] : memref<16384xi32, #tpu.memory_space<hbm>> -> memref<512xi32, #tpu.memory_space<hbm>>
      tpu.wait_dma2 semaphore(%run_scoped3A : memref<!tpu.dma_semaphore, #tpu.memory_space<semaphore_mem>>) src(%dma_wait3A_97 : memref<512xi32, #tpu.memory_space<hbm>>) dst(%arg6 : memref<512xi32, #tpu.memory_space<vmem>>)
      tpu.yield
    }) : () -> ()
    %broadcast_in_dim3A = arith.constant -65536 : i32
    %broadcast_in_dim3A_3 = vector.broadcast %broadcast_in_dim3A : i32 to vector<16xi32>
    %dma_start3A = arith.constant 0 : i32
    %dma_start3A_4 = arith.constant 0 : i32
    %dma_start3A_5 = arith.constant 0 : i32
    %dma_start3A_6 = tpu.memref_slice %arg7[%dma_start3A, %dma_start3A_4, %dma_start3A_5] : memref<4x16x512xi32, #tpu.memory_space<vmem>> -> memref<1x16x512xi32, #tpu.memory_space<vmem>>
    %dma_start3A_7 = tpu.memref_squeeze %dma_start3A_6 : memref<1x16x512xi32, #tpu.memory_space<vmem>> -> memref<16x512xi32, #tpu.memory_space<vmem>>
    %dma_start3A_8 = arith.constant 0 : i32
    %dma_start3A_9 = tpu.memref_slice %arg6[%dma_start3A_8] : memref<512xi32, #tpu.memory_space<vmem>> -> memref<16xi32, #tpu.memory_space<vmem>>
    %dma_start3A_10 = arith.constant 0 : i32
    %dma_start3A_11 = arith.constant 0 : i32
    %dma_start3A_12 = tpu.memref_slice %arg2[%dma_start3A_10, %dma_start3A_11] : memref<1024x512xi32, #tpu.memory_space<hbm>> -> memref<1024x512xi32, #tpu.memory_space<hbm>>
    tpu.enqueue_indirect_dma source(%dma_start3A_12 : memref<1024x512xi32, #tpu.memory_space<hbm>>) target(%dma_start3A_7 : memref<16x512xi32, #tpu.memory_space<vmem>>) offsets(%dma_start3A_9 : memref<16xi32, #tpu.memory_space<vmem>>) semaphore(%arg10 : memref<!tpu.dma_semaphore, #tpu.memory_space<semaphore_mem>>)
    %add3A_13 = arith.constant 0 : i32
    %add3A_14 = arith.addi %mul3A_2, %add3A_13 : i32
    %dma_start3A_15 = arith.constant 0 : i32
    %dma_start3A_16 = arith.constant 0 : i32
    %dma_start3A_17 = arith.constant 0 : i32
    %dma_start3A_18 = tpu.memref_slice %arg8[%dma_start3A_15, %dma_start3A_16, %dma_start3A_17] : memref<4x16x1024xf32, #tpu.memory_space<vmem>> -> memref<1x16x1024xf32, #tpu.memory_space<vmem>>
    %dma_start3A_19 = tpu.memref_squeeze %dma_start3A_18 : memref<1x16x1024xf32, #tpu.memory_space<vmem>> -> memref<16x1024xf32, #tpu.memory_space<vmem>>
    %dma_start3A_20 = arith.constant 0 : i32
    %dma_start3A_21 = tpu.memref_slice %arg3[%add3A_14, %dma_start3A_20] : memref<16384x1024xf32, #tpu.memory_space<hbm>> -> memref<16x1024xf32, #tpu.memory_space<hbm>>
    %dma_start3A_22 = arith.constant 0 : i32
    %dma_start3A_23 = arith.constant 0 : i32
    %dma_start3A_24 = tpu.memref_slice %arg8[%dma_start3A_15, %dma_start3A_22, %dma_start3A_23] : memref<4x16x1024xf32, #tpu.memory_space<vmem>> -> memref<1x16x1024xf32, #tpu.memory_space<vmem>>
    %dma_start3A_25 = tpu.memref_squeeze %dma_start3A_24 : memref<1x16x1024xf32, #tpu.memory_space<vmem>> -> memref<16x1024xf32, #tpu.memory_space<vmem>>
    %dma_start3A_26 = arith.constant 0 : i32
    %dma_start3A_27 = tpu.memref_slice %arg3[%add3A_14, %dma_start3A_26] : memref<16384x1024xf32, #tpu.memory_space<hbm>> -> memref<16x1024xf32, #tpu.memory_space<hbm>>
    tpu.enqueue_dma source(%dma_start3A_27 : memref<16x1024xf32, #tpu.memory_space<hbm>>) target(%dma_start3A_25 : memref<16x1024xf32, #tpu.memory_space<vmem>>) target_semaphore(%arg14 : memref<!tpu.dma_semaphore, #tpu.memory_space<semaphore_mem>>)
    %dma_start3A_28 = arith.constant 1 : i32
    %dma_start3A_29 = arith.constant 0 : i32
    %dma_start3A_30 = arith.constant 0 : i32
    %dma_start3A_31 = tpu.memref_slice %arg7[%dma_start3A_28, %dma_start3A_29, %dma_start3A_30] : memref<4x16x512xi32, #tpu.memory_space<vmem>> -> memref<1x16x512xi32, #tpu.memory_space<vmem>>
    %dma_start3A_32 = tpu.memref_squeeze %dma_start3A_31 : memref<1x16x512xi32, #tpu.memory_space<vmem>> -> memref<16x512xi32, #tpu.memory_space<vmem>>
    %dma_start3A_33 = arith.constant 16 : i32
    %dma_start3A_34 = tpu.memref_slice %arg6[%dma_start3A_33] : memref<512xi32, #tpu.memory_space<vmem>> -> memref<16xi32, #tpu.memory_space<vmem>>
    %dma_start3A_35 = arith.constant 0 : i32
    %dma_start3A_36 = arith.constant 0 : i32
    %dma_start3A_37 = tpu.memref_slice %arg2[%dma_start3A_35, %dma_start3A_36] : memref<1024x512xi32, #tpu.memory_space<hbm>> -> memref<1024x512xi32, #tpu.memory_space<hbm>>
    tpu.enqueue_indirect_dma source(%dma_start3A_37 : memref<1024x512xi32, #tpu.memory_space<hbm>>) target(%dma_start3A_32 : memref<16x512xi32, #tpu.memory_space<vmem>>) offsets(%dma_start3A_34 : memref<16xi32, #tpu.memory_space<vmem>>) semaphore(%arg11 : memref<!tpu.dma_semaphore, #tpu.memory_space<semaphore_mem>>)
    %add3A_38 = arith.constant 16 : i32
    %add3A_39 = arith.addi %mul3A_2, %add3A_38 : i32
    %dma_start3A_40 = arith.constant 1 : i32
    %dma_start3A_41 = arith.constant 0 : i32
    %dma_start3A_42 = arith.constant 0 : i32
    %dma_start3A_43 = tpu.memref_slice %arg8[%dma_start3A_40, %dma_start3A_41, %dma_start3A_42] : memref<4x16x1024xf32, #tpu.memory_space<vmem>> -> memref<1x16x1024xf32, #tpu.memory_space<vmem>>
    %dma_start3A_44 = tpu.memref_squeeze %dma_start3A_43 : memref<1x16x1024xf32, #tpu.memory_space<vmem>> -> memref<16x1024xf32, #tpu.memory_space<vmem>>
    %dma_start3A_45 = arith.constant 0 : i32
    %dma_start3A_46 = tpu.memref_slice %arg3[%add3A_39, %dma_start3A_45] : memref<16384x1024xf32, #tpu.memory_space<hbm>> -> memref<16x1024xf32, #tpu.memory_space<hbm>>
    %dma_start3A_47 = arith.constant 0 : i32
    %dma_start3A_48 = arith.constant 0 : i32
    %dma_start3A_49 = tpu.memref_slice %arg8[%dma_start3A_40, %dma_start3A_47, %dma_start3A_48] : memref<4x16x1024xf32, #tpu.memory_space<vmem>> -> memref<1x16x1024xf32, #tpu.memory_space<vmem>>
    %dma_start3A_50 = tpu.memref_squeeze %dma_start3A_49 : memref<1x16x1024xf32, #tpu.memory_space<vmem>> -> memref<16x1024xf32, #tpu.memory_space<vmem>>
    %dma_start3A_51 = arith.constant 0 : i32
    %dma_start3A_52 = tpu.memref_slice %arg3[%add3A_39, %dma_start3A_51] : memref<16384x1024xf32, #tpu.memory_space<hbm>> -> memref<16x1024xf32, #tpu.memory_space<hbm>>
    tpu.enqueue_dma source(%dma_start3A_52 : memref<16x1024xf32, #tpu.memory_space<hbm>>) target(%dma_start3A_50 : memref<16x1024xf32, #tpu.memory_space<vmem>>) target_semaphore(%arg15 : memref<!tpu.dma_semaphore, #tpu.memory_space<semaphore_mem>>)
    %dma_start3A_53 = arith.constant 2 : i32
    %dma_start3A_54 = arith.constant 0 : i32
    %dma_start3A_55 = arith.constant 0 : i32
    %dma_start3A_56 = tpu.memref_slice %arg7[%dma_start3A_53, %dma_start3A_54, %dma_start3A_55] : memref<4x16x512xi32, #tpu.memory_space<vmem>> -> memref<1x16x512xi32, #tpu.memory_space<vmem>>
    %dma_start3A_57 = tpu.memref_squeeze %dma_start3A_56 : memref<1x16x512xi32, #tpu.memory_space<vmem>> -> memref<16x512xi32, #tpu.memory_space<vmem>>
    %dma_start3A_58 = arith.constant 32 : i32
    %dma_start3A_59 = tpu.memref_slice %arg6[%dma_start3A_58] : memref<512xi32, #tpu.memory_space<vmem>> -> memref<16xi32, #tpu.memory_space<vmem>>
    %dma_start3A_60 = arith.constant 0 : i32
    %dma_start3A_61 = arith.constant 0 : i32
    %dma_start3A_62 = tpu.memref_slice %arg2[%dma_start3A_60, %dma_start3A_61] : memref<1024x512xi32, #tpu.memory_space<hbm>> -> memref<1024x512xi32, #tpu.memory_space<hbm>>
    tpu.enqueue_indirect_dma source(%dma_start3A_62 : memref<1024x512xi32, #tpu.memory_space<hbm>>) target(%dma_start3A_57 : memref<16x512xi32, #tpu.memory_space<vmem>>) offsets(%dma_start3A_59 : memref<16xi32, #tpu.memory_space<vmem>>) semaphore(%arg12 : memref<!tpu.dma_semaphore, #tpu.memory_space<semaphore_mem>>)
    %add3A_63 = arith.constant 32 : i32
    %add3A_64 = arith.addi %mul3A_2, %add3A_63 : i32
    %dma_start3A_65 = arith.constant 2 : i32
    %dma_start3A_66 = arith.constant 0 : i32
    %dma_start3A_67 = arith.constant 0 : i32
    %dma_start3A_68 = tpu.memref_slice %arg8[%dma_start3A_65, %dma_start3A_66, %dma_start3A_67] : memref<4x16x1024xf32, #tpu.memory_space<vmem>> -> memref<1x16x1024xf32, #tpu.memory_space<vmem>>
    %dma_start3A_69 = tpu.memref_squeeze %dma_start3A_68 : memref<1x16x1024xf32, #tpu.memory_space<vmem>> -> memref<16x1024xf32, #tpu.memory_space<vmem>>
    %dma_start3A_70 = arith.constant 0 : i32
    %dma_start3A_71 = tpu.memref_slice %arg3[%add3A_64, %dma_start3A_70] : memref<16384x1024xf32, #tpu.memory_space<hbm>> -> memref<16x1024xf32, #tpu.memory_space<hbm>>
    %dma_start3A_72 = arith.constant 0 : i32
    %dma_start3A_73 = arith.constant 0 : i32
    %dma_start3A_74 = tpu.memref_slice %arg8[%dma_start3A_65, %dma_start3A_72, %dma_start3A_73] : memref<4x16x1024xf32, #tpu.memory_space<vmem>> -> memref<1x16x1024xf32, #tpu.memory_space<vmem>>
    %dma_start3A_75 = tpu.memref_squeeze %dma_start3A_74 : memref<1x16x1024xf32, #tpu.memory_space<vmem>> -> memref<16x1024xf32, #tpu.memory_space<vmem>>
    %dma_start3A_76 = arith.constant 0 : i32
    %dma_start3A_77 = tpu.memref_slice %arg3[%add3A_64, %dma_start3A_76] : memref<16384x1024xf32, #tpu.memory_space<hbm>> -> memref<16x1024xf32, #tpu.memory_space<hbm>>
    tpu.enqueue_dma source(%dma_start3A_77 : memref<16x1024xf32, #tpu.memory_space<hbm>>) target(%dma_start3A_75 : memref<16x1024xf32, #tpu.memory_space<vmem>>) target_semaphore(%arg16 : memref<!tpu.dma_semaphore, #tpu.memory_space<semaphore_mem>>)
    %broadcast_in_dim3A_78 = arith.constant 0.000000e+00 : f32
    %broadcast_in_dim3A_79 = vector.broadcast %broadcast_in_dim3A_78 : f32 to vector<16xf32>
    %scan3A = arith.constant 0 : i32
    %scan3A_80 = arith.constant 8 : i32
    %scan3A_81 = arith.addi %scan3A, %scan3A_80 : i32
    %scan3A_82 = arith.constant 1 : i32
    %scan3A_83:8 = scf.for %scan3A_95 = %scan3A to %scan3A_81 step %scan3A_82 iter_args(%scan3A_96 = %broadcast_in_dim3A_79, %scan3A_97 = %broadcast_in_dim3A_79, %scan3A_98 = %broadcast_in_dim3A_79, %scan3A_99 = %broadcast_in_dim3A_79, %scan3A_100 = %broadcast_in_dim3A_79, %scan3A_101 = %broadcast_in_dim3A_79, %scan3A_102 = %broadcast_in_dim3A_79, %scan3A_103 = %broadcast_in_dim3A_79) -> (vector<16xf32>, vector<16xf32>, vector<16xf32>, vector<16xf32>, vector<16xf32>, vector<16xf32>, vector<16xf32>, vector<16xf32>)  : i32 {
      %mul3A_104 = arith.constant 4 : i32
      %mul3A_105 = arith.muli %scan3A_95, %mul3A_104 : i32
      %add3A_106 = arith.constant 0 : i32
      %add3A_107 = arith.addi %mul3A_105, %add3A_106 : i32
      %add3A_108 = arith.constant 4 : i32
      %add3A_109 = arith.addi %add3A_107, %add3A_108 : i32
      %sub3A = arith.constant 1 : i32
      %sub3A_110 = arith.subi %add3A_109, %sub3A : i32
      %lt3A = arith.constant 32 : i32
      %lt3A_111 = arith.cmpi slt, %sub3A_110, %lt3A : i32
      %convert_element_type3A = arith.extui %lt3A_111 : i1 to i32
      %cond3A = arith.constant 0 : i32
      %cond3A_112 = arith.cmpi ne, %convert_element_type3A, %cond3A : i32
      scf.if %cond3A_112 {
        %add3A_283 = arith.constant 4 : i32
        %add3A_284 = arith.addi %add3A_107, %add3A_283 : i32
        %sub3A_285 = arith.constant 1 : i32
        %sub3A_286 = arith.subi %add3A_284, %sub3A_285 : i32
        %mul3A_287 = arith.constant 16 : i32
        %mul3A_288 = arith.muli %sub3A_286, %mul3A_287 : i32
        %dma_start3A_289 = arith.constant 3 : i32
        %dma_start3A_290 = arith.constant 0 : i32
        %dma_start3A_291 = arith.constant 0 : i32
        %dma_start3A_292 = tpu.memref_slice %arg7[%dma_start3A_289, %dma_start3A_290, %dma_start3A_291] : memref<4x16x512xi32, #tpu.memory_space<vmem>> -> memref<1x16x512xi32, #tpu.memory_space<vmem>>
        %dma_start3A_293 = tpu.memref_squeeze %dma_start3A_292 : memref<1x16x512xi32, #tpu.memory_space<vmem>> -> memref<16x512xi32, #tpu.memory_space<vmem>>
        %dma_start3A_294 = tpu.memref_slice %arg6[%mul3A_288] : memref<512xi32, #tpu.memory_space<vmem>> -> memref<16xi32, #tpu.memory_space<vmem>>
        %dma_start3A_295 = arith.constant 0 : i32
        %dma_start3A_296 = arith.constant 0 : i32
        %dma_start3A_297 = tpu.memref_slice %arg2[%dma_start3A_295, %dma_start3A_296] : memref<1024x512xi32, #tpu.memory_space<hbm>> -> memref<1024x512xi32, #tpu.memory_space<hbm>>
        tpu.enqueue_indirect_dma source(%dma_start3A_297 : memref<1024x512xi32, #tpu.memory_space<hbm>>) target(%dma_start3A_293 : memref<16x512xi32, #tpu.memory_space<vmem>>) offsets(%dma_start3A_294 : memref<16xi32, #tpu.memory_space<vmem>>) semaphore(%arg13 : memref<!tpu.dma_semaphore, #tpu.memory_space<semaphore_mem>>)
        %mul3A_298 = arith.constant 16 : i32
        %mul3A_299 = arith.muli %sub3A_286, %mul3A_298 : i32
        %add3A_300 = arith.addi %mul3A_2, %mul3A_299 : i32
        %dma_start3A_301 = arith.constant 3 : i32
        %dma_start3A_302 = arith.constant 0 : i32
        %dma_start3A_303 = arith.constant 0 : i32
        %dma_start3A_304 = tpu.memref_slice %arg8[%dma_start3A_301, %dma_start3A_302, %dma_start3A_303] : memref<4x16x1024xf32, #tpu.memory_space<vmem>> -> memref<1x16x1024xf32, #tpu.memory_space<vmem>>
        %dma_start3A_305 = tpu.memref_squeeze %dma_start3A_304 : memref<1x16x1024xf32, #tpu.memory_space<vmem>> -> memref<16x1024xf32, #tpu.memory_space<vmem>>
        %dma_start3A_306 = arith.constant 0 : i32
        %dma_start3A_307 = tpu.memref_slice %arg3[%add3A_300, %dma_start3A_306] : memref<16384x1024xf32, #tpu.memory_space<hbm>> -> memref<16x1024xf32, #tpu.memory_space<hbm>>
        %dma_start3A_308 = arith.constant 0 : i32
        %dma_start3A_309 = arith.constant 0 : i32
        %dma_start3A_310 = tpu.memref_slice %arg8[%dma_start3A_301, %dma_start3A_308, %dma_start3A_309] : memref<4x16x1024xf32, #tpu.memory_space<vmem>> -> memref<1x16x1024xf32, #tpu.memory_space<vmem>>
        %dma_start3A_311 = tpu.memref_squeeze %dma_start3A_310 : memref<1x16x1024xf32, #tpu.memory_space<vmem>> -> memref<16x1024xf32, #tpu.memory_space<vmem>>
        %dma_start3A_312 = arith.constant 0 : i32
        %dma_start3A_313 = tpu.memref_slice %arg3[%add3A_300, %dma_start3A_312] : memref<16384x1024xf32, #tpu.memory_space<hbm>> -> memref<16x1024xf32, #tpu.memory_space<hbm>>
        tpu.enqueue_dma source(%dma_start3A_313 : memref<16x1024xf32, #tpu.memory_space<hbm>>) target(%dma_start3A_311 : memref<16x1024xf32, #tpu.memory_space<vmem>>) target_semaphore(%arg17 : memref<!tpu.dma_semaphore, #tpu.memory_space<semaphore_mem>>)
      } else {
      }
      %mul3A_113 = arith.constant 16 : i32
      %mul3A_114 = arith.muli %add3A_107, %mul3A_113 : i32
      %dma_wait3A = arith.constant 0 : i32
      %dma_wait3A_115 = arith.constant 0 : i32
      %dma_wait3A_116 = arith.constant 0 : i32
      %dma_wait3A_117 = tpu.memref_slice %arg7[%dma_wait3A, %dma_wait3A_115, %dma_wait3A_116] : memref<4x16x512xi32, #tpu.memory_space<vmem>> -> memref<1x16x512xi32, #tpu.memory_space<vmem>>
      %dma_wait3A_118 = tpu.memref_squeeze %dma_wait3A_117 : memref<1x16x512xi32, #tpu.memory_space<vmem>> -> memref<16x512xi32, #tpu.memory_space<vmem>>
      %dma_wait3A_119 = tpu.memref_slice %arg6[%mul3A_114] : memref<512xi32, #tpu.memory_space<vmem>> -> memref<16xi32, #tpu.memory_space<vmem>>
      %dma_wait3A_120 = arith.constant 0 : i32
      %dma_wait3A_121 = arith.constant 0 : i32
      %dma_wait3A_122 = tpu.memref_slice %arg2[%dma_wait3A_120, %dma_wait3A_121] : memref<1024x512xi32, #tpu.memory_space<hbm>> -> memref<1024x512xi32, #tpu.memory_space<hbm>>
      tpu.wait_indirect_dma semaphore(%arg10 : memref<!tpu.dma_semaphore, #tpu.memory_space<semaphore_mem>>) src(%dma_wait3A_122 : memref<1024x512xi32, #tpu.memory_space<hbm>>) dst(%dma_wait3A_118 : memref<16x512xi32, #tpu.memory_space<vmem>>)
      %mul3A_123 = arith.constant 16 : i32
      %mul3A_124 = arith.muli %add3A_107, %mul3A_123 : i32
      %add3A_125 = arith.addi %mul3A_2, %mul3A_124 : i32
      %dma_wait3A_126 = arith.constant 0 : i32
      %dma_wait3A_127 = arith.constant 0 : i32
      %dma_wait3A_128 = arith.constant 0 : i32
      %dma_wait3A_129 = tpu.memref_slice %arg8[%dma_wait3A_126, %dma_wait3A_127, %dma_wait3A_128] : memref<4x16x1024xf32, #tpu.memory_space<vmem>> -> memref<1x16x1024xf32, #tpu.memory_space<vmem>>
      %dma_wait3A_130 = tpu.memref_squeeze %dma_wait3A_129 : memref<1x16x1024xf32, #tpu.memory_space<vmem>> -> memref<16x1024xf32, #tpu.memory_space<vmem>>
      %dma_wait3A_131 = arith.constant 0 : i32
      %dma_wait3A_132 = tpu.memref_slice %arg3[%add3A_125, %dma_wait3A_131] : memref<16384x1024xf32, #tpu.memory_space<hbm>> -> memref<16x1024xf32, #tpu.memory_space<hbm>>
      %dma_wait3A_133 = arith.constant 0 : i32
      %dma_wait3A_134 = arith.constant 0 : i32
      %dma_wait3A_135 = tpu.memref_slice %arg8[%dma_wait3A_126, %dma_wait3A_133, %dma_wait3A_134] : memref<4x16x1024xf32, #tpu.memory_space<vmem>> -> memref<1x16x1024xf32, #tpu.memory_space<vmem>>
      %dma_wait3A_136 = tpu.memref_squeeze %dma_wait3A_135 : memref<1x16x1024xf32, #tpu.memory_space<vmem>> -> memref<16x1024xf32, #tpu.memory_space<vmem>>
      %dma_wait3A_137 = arith.constant 0 : i32
      %dma_wait3A_138 = tpu.memref_slice %arg3[%add3A_125, %dma_wait3A_137] : memref<16384x1024xf32, #tpu.memory_space<hbm>> -> memref<16x1024xf32, #tpu.memory_space<hbm>>
      tpu.wait_dma2 semaphore(%arg14 : memref<!tpu.dma_semaphore, #tpu.memory_space<semaphore_mem>>) src(%dma_wait3A_138 : memref<16x1024xf32, #tpu.memory_space<hbm>>) dst(%dma_wait3A_136 : memref<16x1024xf32, #tpu.memory_space<vmem>>)
      %scan3A_139 = arith.constant 0 : i32
      %scan3A_140 = arith.constant 16 : i32
      %scan3A_141 = arith.addi %scan3A_139, %scan3A_140 : i32
      %scan3A_142 = arith.constant 1 : i32
      %scan3A_143:8 = scf.for %scan3A_283 = %scan3A_139 to %scan3A_141 step %scan3A_142 iter_args(%scan3A_284 = %scan3A_96, %scan3A_285 = %scan3A_97, %scan3A_286 = %scan3A_98, %scan3A_287 = %scan3A_99, %scan3A_288 = %scan3A_100, %scan3A_289 = %scan3A_101, %scan3A_290 = %scan3A_102, %scan3A_291 = %scan3A_103) -> (vector<16xf32>, vector<16xf32>, vector<16xf32>, vector<16xf32>, vector<16xf32>, vector<16xf32>, vector<16xf32>, vector<16xf32>)  : i32 {
        %get3A = arith.constant 0 : i32
        %get3A_292 = arith.index_cast %get3A : i32 to index
        %get3A_293 = arith.index_cast %scan3A_283 : i32 to index
        %get3A_294 = arith.constant 0 : index
        %get3A_295 = tpu.vector_load %arg7[%get3A_292, %get3A_293, %get3A_294] {strides = array<i32>} : memref<4x16x512xi32, #tpu.memory_space<vmem>>, vector<1x1x16xi32>,
        %get3A_296 = vector.shape_cast %get3A_295 : vector<1x1x16xi32> to vector<16xi32>
        %mul3A_297 = arith.constant 65536 : i32
        %mul3A_298 = vector.broadcast %mul3A_297 : i32 to vector<16xi32>
        %mul3A_299 = arith.muli %get3A_296, %mul3A_298 : vector<16xi32>
        %bitcast_convert_type3A = tpu.bitcast %mul3A_299 : vector<16xi32> -> vector<16xf32>
        %and3A = arith.andi %get3A_296, %broadcast_in_dim3A_3 : vector<16xi32>
        %bitcast_convert_type3A_300 = tpu.bitcast %and3A : vector<16xi32> -> vector<16xf32>
        %get3A_301 = arith.constant 0 : i32
        %get3A_302 = arith.index_cast %get3A_301 : i32 to index
        %get3A_303 = arith.index_cast %scan3A_283 : i32 to index
        %get3A_304 = arith.constant 0 : index
        %get3A_305 = tpu.vector_load %arg8[%get3A_302, %get3A_303, %get3A_304] {strides = array<i32>} : memref<4x16x1024xf32, #tpu.memory_space<vmem>>, vector<1x1x16xf32>,
        %get3A_306 = vector.shape_cast %get3A_305 : vector<1x1x16xf32> to vector<16xf32>
        %get3A_307 = arith.constant 0 : i32
        %get3A_308 = arith.index_cast %get3A_307 : i32 to index
        %get3A_309 = arith.index_cast %scan3A_283 : i32 to index
        %get3A_310 = arith.constant 512 : index
        %get3A_311 = tpu.vector_load %arg8[%get3A_308, %get3A_309, %get3A_310] {strides = array<i32>} : memref<4x16x1024xf32, #tpu.memory_space<vmem>>, vector<1x1x16xf32>,
        %get3A_312 = vector.shape_cast %get3A_311 : vector<1x1x16xf32> to vector<16xf32>
        %mul3A_313 = arith.mulf %bitcast_convert_type3A, %get3A_306 : vector<16xf32>
        %add3A_314 = arith.addf %scan3A_284, %mul3A_313 : vector<16xf32>
        %mul3A_315 = arith.mulf %bitcast_convert_type3A_300, %get3A_312 : vector<16xf32>
        %add3A_316 = arith.addf %scan3A_285, %mul3A_315 : vector<16xf32>
        %get3A_317 = arith.constant 0 : i32
        %get3A_318 = arith.index_cast %get3A_317 : i32 to index
        %get3A_319 = arith.index_cast %scan3A_283 : i32 to index
        %get3A_320 = arith.constant 16 : index
        %get3A_321 = tpu.vector_load %arg7[%get3A_318, %get3A_319, %get3A_320] {strides = array<i32>} : memref<4x16x512xi32, #tpu.memory_space<vmem>>, vector<1x1x16xi32>,
        %get3A_322 = vector.shape_cast %get3A_321 : vector<1x1x16xi32> to vector<16xi32>
        %mul3A_323 = arith.constant 65536 : i32
        %mul3A_324 = vector.broadcast %mul3A_323 : i32 to vector<16xi32>
        %mul3A_325 = arith.muli %get3A_322, %mul3A_324 : vector<16xi32>
        %bitcast_convert_type3A_326 = tpu.bitcast %mul3A_325 : vector<16xi32> -> vector<16xf32>
        %and3A_327 = arith.andi %get3A_322, %broadcast_in_dim3A_3 : vector<16xi32>
        %bitcast_convert_type3A_328 = tpu.bitcast %and3A_327 : vector<16xi32> -> vector<16xf32>
        %get3A_329 = arith.constant 0 : i32
        %get3A_330 = arith.index_cast %get3A_329 : i32 to index
        %get3A_331 = arith.index_cast %scan3A_283 : i32 to index
        %get3A_332 = arith.constant 16 : index
        %get3A_333 = tpu.vector_load %arg8[%get3A_330, %get3A_331, %get3A_332] {strides = array<i32>} : memref<4x16x1024xf32, #tpu.memory_space<vmem>>, vector<1x1x16xf32>,
        %get3A_334 = vector.shape_cast %get3A_333 : vector<1x1x16xf32> to vector<16xf32>
        %get3A_335 = arith.constant 0 : i32
        %get3A_336 = arith.index_cast %get3A_335 : i32 to index
        %get3A_337 = arith.index_cast %scan3A_283 : i32 to index
        %get3A_338 = arith.constant 528 : index
        %get3A_339 = tpu.vector_load %arg8[%get3A_336, %get3A_337, %get3A_338] {strides = array<i32>} : memref<4x16x1024xf32, #tpu.memory_space<vmem>>, vector<1x1x16xf32>,
        %get3A_340 = vector.shape_cast %get3A_339 : vector<1x1x16xf32> to vector<16xf32>
        %mul3A_341 = arith.mulf %bitcast_convert_type3A_326, %get3A_334 : vector<16xf32>
        %add3A_342 = arith.addf %scan3A_286, %mul3A_341 : vector<16xf32>
        %mul3A_343 = arith.mulf %bitcast_convert_type3A_328, %get3A_340 : vector<16xf32>
        %add3A_344 = arith.addf %scan3A_287, %mul3A_343 : vector<16xf32>
        %get3A_345 = arith.constant 0 : i32
        %get3A_346 = arith.index_cast %get3A_345 : i32 to index
        %get3A_347 = arith.index_cast %scan3A_283 : i32 to index
        %get3A_348 = arith.constant 32 : index
        %get3A_349 = tpu.vector_load %arg7[%get3A_346, %get3A_347, %get3A_348] {strides = array<i32>} : memref<4x16x512xi32, #tpu.memory_space<vmem>>, vector<1x1x16xi32>,
        %get3A_350 = vector.shape_cast %get3A_349 : vector<1x1x16xi32> to vector<16xi32>
        %mul3A_351 = arith.constant 65536 : i32
        %mul3A_352 = vector.broadcast %mul3A_351 : i32 to vector<16xi32>
        %mul3A_353 = arith.muli %get3A_350, %mul3A_352 : vector<16xi32>
        %bitcast_convert_type3A_354 = tpu.bitcast %mul3A_353 : vector<16xi32> -> vector<16xf32>
        %and3A_355 = arith.andi %get3A_350, %broadcast_in_dim3A_3 : vector<16xi32>
        %bitcast_convert_type3A_356 = tpu.bitcast %and3A_355 : vector<16xi32> -> vector<16xf32>
        %get3A_357 = arith.constant 0 : i32
        %get3A_358 = arith.index_cast %get3A_357 : i32 to index
        %get3A_359 = arith.index_cast %scan3A_283 : i32 to index
        %get3A_360 = arith.constant 32 : index
        %get3A_361 = tpu.vector_load %arg8[%get3A_358, %get3A_359, %get3A_360] {strides = array<i32>} : memref<4x16x1024xf32, #tpu.memory_space<vmem>>, vector<1x1x16xf32>,
        %get3A_362 = vector.shape_cast %get3A_361 : vector<1x1x16xf32> to vector<16xf32>
        %get3A_363 = arith.constant 0 : i32
        %get3A_364 = arith.index_cast %get3A_363 : i32 to index
        %get3A_365 = arith.index_cast %scan3A_283 : i32 to index
        %get3A_366 = arith.constant 544 : index
        %get3A_367 = tpu.vector_load %arg8[%get3A_364, %get3A_365, %get3A_366] {strides = array<i32>} : memref<4x16x1024xf32, #tpu.memory_space<vmem>>, vector<1x1x16xf32>,
        %get3A_368 = vector.shape_cast %get3A_367 : vector<1x1x16xf32> to vector<16xf32>
        %mul3A_369 = arith.mulf %bitcast_convert_type3A_354, %get3A_362 : vector<16xf32>
        %add3A_370 = arith.addf %scan3A_288, %mul3A_369 : vector<16xf32>
        %mul3A_371 = arith.mulf %bitcast_convert_type3A_356, %get3A_368 : vector<16xf32>
        %add3A_372 = arith.addf %scan3A_289, %mul3A_371 : vector<16xf32>
        %get3A_373 = arith.constant 0 : i32
        %get3A_374 = arith.index_cast %get3A_373 : i32 to index
        %get3A_375 = arith.index_cast %scan3A_283 : i32 to index
        %get3A_376 = arith.constant 48 : index
        %get3A_377 = tpu.vector_load %arg7[%get3A_374, %get3A_375, %get3A_376] {strides = array<i32>} : memref<4x16x512xi32, #tpu.memory_space<vmem>>, vector<1x1x16xi32>,
        %get3A_378 = vector.shape_cast %get3A_377 : vector<1x1x16xi32> to vector<16xi32>
        %mul3A_379 = arith.constant 65536 : i32
        %mul3A_380 = vector.broadcast %mul3A_379 : i32 to vector<16xi32>
        %mul3A_381 = arith.muli %get3A_378, %mul3A_380 : vector<16xi32>
        %bitcast_convert_type3A_382 = tpu.bitcast %mul3A_381 : vector<16xi32> -> vector<16xf32>
        %and3A_383 = arith.andi %get3A_378, %broadcast_in_dim3A_3 : vector<16xi32>
        %bitcast_convert_type3A_384 = tpu.bitcast %and3A_383 : vector<16xi32> -> vector<16xf32>
        %get3A_385 = arith.constant 0 : i32
        %get3A_386 = arith.index_cast %get3A_385 : i32 to index
        %get3A_387 = arith.index_cast %scan3A_283 : i32 to index
        %get3A_388 = arith.constant 48 : index
        %get3A_389 = tpu.vector_load %arg8[%get3A_386, %get3A_387, %get3A_388] {strides = array<i32>} : memref<4x16x1024xf32, #tpu.memory_space<vmem>>, vector<1x1x16xf32>,
        %get3A_390 = vector.shape_cast %get3A_389 : vector<1x1x16xf32> to vector<16xf32>
        %get3A_391 = arith.constant 0 : i32
        %get3A_392 = arith.index_cast %get3A_391 : i32 to index
        %get3A_393 = arith.index_cast %scan3A_283 : i32 to index
        %get3A_394 = arith.constant 560 : index
        %get3A_395 = tpu.vector_load %arg8[%get3A_392, %get3A_393, %get3A_394] {strides = array<i32>} : memref<4x16x1024xf32, #tpu.memory_space<vmem>>, vector<1x1x16xf32>,
        %get3A_396 = vector.shape_cast %get3A_395 : vector<1x1x16xf32> to vector<16xf32>
        %mul3A_397 = arith.mulf %bitcast_convert_type3A_382, %get3A_390 : vector<16xf32>
        %add3A_398 = arith.addf %scan3A_290, %mul3A_397 : vector<16xf32>
        %mul3A_399 = arith.mulf %bitcast_convert_type3A_384, %get3A_396 : vector<16xf32>
        %add3A_400 = arith.addf %scan3A_291, %mul3A_399 : vector<16xf32>
        %get3A_401 = arith.constant 0 : i32
        %get3A_402 = arith.index_cast %get3A_401 : i32 to index
        %get3A_403 = arith.index_cast %scan3A_283 : i32 to index
        %get3A_404 = arith.constant 64 : index
        %get3A_405 = tpu.vector_load %arg7[%get3A_402, %get3A_403, %get3A_404] {strides = array<i32>} : memref<4x16x512xi32, #tpu.memory_space<vmem>>, vector<1x1x16xi32>,
        %get3A_406 = vector.shape_cast %get3A_405 : vector<1x1x16xi32> to vector<16xi32>
        %mul3A_407 = arith.constant 65536 : i32
        %mul3A_408 = vector.broadcast %mul3A_407 : i32 to vector<16xi32>
        %mul3A_409 = arith.muli %get3A_406, %mul3A_408 : vector<16xi32>
        %bitcast_convert_type3A_410 = tpu.bitcast %mul3A_409 : vector<16xi32> -> vector<16xf32>
        %and3A_411 = arith.andi %get3A_406, %broadcast_in_dim3A_3 : vector<16xi32>
        %bitcast_convert_type3A_412 = tpu.bitcast %and3A_411 : vector<16xi32> -> vector<16xf32>
        %get3A_413 = arith.constant 0 : i32
        %get3A_414 = arith.index_cast %get3A_413 : i32 to index
        %get3A_415 = arith.index_cast %scan3A_283 : i32 to index
        %get3A_416 = arith.constant 64 : index
        %get3A_417 = tpu.vector_load %arg8[%get3A_414, %get3A_415, %get3A_416] {strides = array<i32>} : memref<4x16x1024xf32, #tpu.memory_space<vmem>>, vector<1x1x16xf32>,
        %get3A_418 = vector.shape_cast %get3A_417 : vector<1x1x16xf32> to vector<16xf32>
        %get3A_419 = arith.constant 0 : i32
        %get3A_420 = arith.index_cast %get3A_419 : i32 to index
        %get3A_421 = arith.index_cast %scan3A_283 : i32 to index
        %get3A_422 = arith.constant 576 : index
        %get3A_423 = tpu.vector_load %arg8[%get3A_420, %get3A_421, %get3A_422] {strides = array<i32>} : memref<4x16x1024xf32, #tpu.memory_space<vmem>>, vector<1x1x16xf32>,
        %get3A_424 = vector.shape_cast %get3A_423 : vector<1x1x16xf32> to vector<16xf32>
        %mul3A_425 = arith.mulf %bitcast_convert_type3A_410, %get3A_418 : vector<16xf32>
        %add3A_426 = arith.addf %add3A_314, %mul3A_425 : vector<16xf32>
        %mul3A_427 = arith.mulf %bitcast_convert_type3A_412, %get3A_424 : vector<16xf32>
        %add3A_428 = arith.addf %add3A_316, %mul3A_427 : vector<16xf32>
        %get3A_429 = arith.constant 0 : i32
        %get3A_430 = arith.index_cast %get3A_429 : i32 to index
        %get3A_431 = arith.index_cast %scan3A_283 : i32 to index
        %get3A_432 = arith.constant 80 : index
        %get3A_433 = tpu.vector_load %arg7[%get3A_430, %get3A_431, %get3A_432] {strides = array<i32>} : memref<4x16x512xi32, #tpu.memory_space<vmem>>, vector<1x1x16xi32>,
        %get3A_434 = vector.shape_cast %get3A_433 : vector<1x1x16xi32> to vector<16xi32>
        %mul3A_435 = arith.constant 65536 : i32
        %mul3A_436 = vector.broadcast %mul3A_435 : i32 to vector<16xi32>
        %mul3A_437 = arith.muli %get3A_434, %mul3A_436 : vector<16xi32>
        %bitcast_convert_type3A_438 = tpu.bitcast %mul3A_437 : vector<16xi32> -> vector<16xf32>
        %and3A_439 = arith.andi %get3A_434, %broadcast_in_dim3A_3 : vector<16xi32>
        %bitcast_convert_type3A_440 = tpu.bitcast %and3A_439 : vector<16xi32> -> vector<16xf32>
        %get3A_441 = arith.constant 0 : i32
        %get3A_442 = arith.index_cast %get3A_441 : i32 to index
        %get3A_443 = arith.index_cast %scan3A_283 : i32 to index
        %get3A_444 = arith.constant 80 : index
        %get3A_445 = tpu.vector_load %arg8[%get3A_442, %get3A_443, %get3A_444] {strides = array<i32>} : memref<4x16x1024xf32, #tpu.memory_space<vmem>>, vector<1x1x16xf32>,
        %get3A_446 = vector.shape_cast %get3A_445 : vector<1x1x16xf32> to vector<16xf32>
        %get3A_447 = arith.constant 0 : i32
        %get3A_448 = arith.index_cast %get3A_447 : i32 to index
        %get3A_449 = arith.index_cast %scan3A_283 : i32 to index
        %get3A_450 = arith.constant 592 : index
        %get3A_451 = tpu.vector_load %arg8[%get3A_448, %get3A_449, %get3A_450] {strides = array<i32>} : memref<4x16x1024xf32, #tpu.memory_space<vmem>>, vector<1x1x16xf32>,
        %get3A_452 = vector.shape_cast %get3A_451 : vector<1x1x16xf32> to vector<16xf32>
        %mul3A_453 = arith.mulf %bitcast_convert_type3A_438, %get3A_446 : vector<16xf32>
        %add3A_454 = arith.addf %add3A_342, %mul3A_453 : vector<16xf32>
        %mul3A_455 = arith.mulf %bitcast_convert_type3A_440, %get3A_452 : vector<16xf32>
        %add3A_456 = arith.addf %add3A_344, %mul3A_455 : vector<16xf32>
        %get3A_457 = arith.constant 0 : i32
        %get3A_458 = arith.index_cast %get3A_457 : i32 to index
        %get3A_459 = arith.index_cast %scan3A_283 : i32 to index
        %get3A_460 = arith.constant 96 : index
        %get3A_461 = tpu.vector_load %arg7[%get3A_458, %get3A_459, %get3A_460] {strides = array<i32>} : memref<4x16x512xi32, #tpu.memory_space<vmem>>, vector<1x1x16xi32>,
        %get3A_462 = vector.shape_cast %get3A_461 : vector<1x1x16xi32> to vector<16xi32>
        %mul3A_463 = arith.constant 65536 : i32
        %mul3A_464 = vector.broadcast %mul3A_463 : i32 to vector<16xi32>
        %mul3A_465 = arith.muli %get3A_462, %mul3A_464 : vector<16xi32>
        %bitcast_convert_type3A_466 = tpu.bitcast %mul3A_465 : vector<16xi32> -> vector<16xf32>
        %and3A_467 = arith.andi %get3A_462, %broadcast_in_dim3A_3 : vector<16xi32>
        %bitcast_convert_type3A_468 = tpu.bitcast %and3A_467 : vector<16xi32> -> vector<16xf32>
        %get3A_469 = arith.constant 0 : i32
        %get3A_470 = arith.index_cast %get3A_469 : i32 to index
        %get3A_471 = arith.index_cast %scan3A_283 : i32 to index
        %get3A_472 = arith.constant 96 : index
        %get3A_473 = tpu.vector_load %arg8[%get3A_470, %get3A_471, %get3A_472] {strides = array<i32>} : memref<4x16x1024xf32, #tpu.memory_space<vmem>>, vector<1x1x16xf32>,
        %get3A_474 = vector.shape_cast %get3A_473 : vector<1x1x16xf32> to vector<16xf32>
        %get3A_475 = arith.constant 0 : i32
        %get3A_476 = arith.index_cast %get3A_475 : i32 to index
        %get3A_477 = arith.index_cast %scan3A_283 : i32 to index
        %get3A_478 = arith.constant 608 : index
        %get3A_479 = tpu.vector_load %arg8[%get3A_476, %get3A_477, %get3A_478] {strides = array<i32>} : memref<4x16x1024xf32, #tpu.memory_space<vmem>>, vector<1x1x16xf32>,
        %get3A_480 = vector.shape_cast %get3A_479 : vector<1x1x16xf32> to vector<16xf32>
        %mul3A_481 = arith.mulf %bitcast_convert_type3A_466, %get3A_474 : vector<16xf32>
        %add3A_482 = arith.addf %add3A_370, %mul3A_481 : vector<16xf32>
        %mul3A_483 = arith.mulf %bitcast_convert_type3A_468, %get3A_480 : vector<16xf32>
        %add3A_484 = arith.addf %add3A_372, %mul3A_483 : vector<16xf32>
        %get3A_485 = arith.constant 0 : i32
        %get3A_486 = arith.index_cast %get3A_485 : i32 to index
        %get3A_487 = arith.index_cast %scan3A_283 : i32 to index
        %get3A_488 = arith.constant 112 : index
        %get3A_489 = tpu.vector_load %arg7[%get3A_486, %get3A_487, %get3A_488] {strides = array<i32>} : memref<4x16x512xi32, #tpu.memory_space<vmem>>, vector<1x1x16xi32>,
        %get3A_490 = vector.shape_cast %get3A_489 : vector<1x1x16xi32> to vector<16xi32>
        %mul3A_491 = arith.constant 65536 : i32
        %mul3A_492 = vector.broadcast %mul3A_491 : i32 to vector<16xi32>
        %mul3A_493 = arith.muli %get3A_490, %mul3A_492 : vector<16xi32>
        %bitcast_convert_type3A_494 = tpu.bitcast %mul3A_493 : vector<16xi32> -> vector<16xf32>
        %and3A_495 = arith.andi %get3A_490, %broadcast_in_dim3A_3 : vector<16xi32>
        %bitcast_convert_type3A_496 = tpu.bitcast %and3A_495 : vector<16xi32> -> vector<16xf32>
        %get3A_497 = arith.constant 0 : i32
        %get3A_498 = arith.index_cast %get3A_497 : i32 to index
        %get3A_499 = arith.index_cast %scan3A_283 : i32 to index
        %get3A_500 = arith.constant 112 : index
        %get3A_501 = tpu.vector_load %arg8[%get3A_498, %get3A_499, %get3A_500] {strides = array<i32>} : memref<4x16x1024xf32, #tpu.memory_space<vmem>>, vector<1x1x16xf32>,
        %get3A_502 = vector.shape_cast %get3A_501 : vector<1x1x16xf32> to vector<16xf32>
        %get3A_503 = arith.constant 0 : i32
        %get3A_504 = arith.index_cast %get3A_503 : i32 to index
        %get3A_505 = arith.index_cast %scan3A_283 : i32 to index
        %get3A_506 = arith.constant 624 : index
        %get3A_507 = tpu.vector_load %arg8[%get3A_504, %get3A_505, %get3A_506] {strides = array<i32>} : memref<4x16x1024xf32, #tpu.memory_space<vmem>>, vector<1x1x16xf32>,
        %get3A_508 = vector.shape_cast %get3A_507 : vector<1x1x16xf32> to vector<16xf32>
        %mul3A_509 = arith.mulf %bitcast_convert_type3A_494, %get3A_502 : vector<16xf32>
        %add3A_510 = arith.addf %add3A_398, %mul3A_509 : vector<16xf32>
        %mul3A_511 = arith.mulf %bitcast_convert_type3A_496, %get3A_508 : vector<16xf32>
        %add3A_512 = arith.addf %add3A_400, %mul3A_511 : vector<16xf32>
        %get3A_513 = arith.constant 0 : i32
        %get3A_514 = arith.index_cast %get3A_513 : i32 to index
        %get3A_515 = arith.index_cast %scan3A_283 : i32 to index
        %get3A_516 = arith.constant 128 : index
        %get3A_517 = tpu.vector_load %arg7[%get3A_514, %get3A_515, %get3A_516] {strides = array<i32>} : memref<4x16x512xi32, #tpu.memory_space<vmem>>, vector<1x1x16xi32>,
        %get3A_518 = vector.shape_cast %get3A_517 : vector<1x1x16xi32> to vector<16xi32>
        %mul3A_519 = arith.constant 65536 : i32
        %mul3A_520 = vector.broadcast %mul3A_519 : i32 to vector<16xi32>
        %mul3A_521 = arith.muli %get3A_518, %mul3A_520 : vector<16xi32>
        %bitcast_convert_type3A_522 = tpu.bitcast %mul3A_521 : vector<16xi32> -> vector<16xf32>
        %and3A_523 = arith.andi %get3A_518, %broadcast_in_dim3A_3 : vector<16xi32>
        %bitcast_convert_type3A_524 = tpu.bitcast %and3A_523 : vector<16xi32> -> vector<16xf32>
        %get3A_525 = arith.constant 0 : i32
        %get3A_526 = arith.index_cast %get3A_525 : i32 to index
        %get3A_527 = arith.index_cast %scan3A_283 : i32 to index
        %get3A_528 = arith.constant 128 : index
        %get3A_529 = tpu.vector_load %arg8[%get3A_526, %get3A_527, %get3A_528] {strides = array<i32>} : memref<4x16x1024xf32, #tpu.memory_space<vmem>>, vector<1x1x16xf32>,
        %get3A_530 = vector.shape_cast %get3A_529 : vector<1x1x16xf32> to vector<16xf32>
        %get3A_531 = arith.constant 0 : i32
        %get3A_532 = arith.index_cast %get3A_531 : i32 to index
        %get3A_533 = arith.index_cast %scan3A_283 : i32 to index
        %get3A_534 = arith.constant 640 : index
        %get3A_535 = tpu.vector_load %arg8[%get3A_532, %get3A_533, %get3A_534] {strides = array<i32>} : memref<4x16x1024xf32, #tpu.memory_space<vmem>>, vector<1x1x16xf32>,
        %get3A_536 = vector.shape_cast %get3A_535 : vector<1x1x16xf32> to vector<16xf32>
        %mul3A_537 = arith.mulf %bitcast_convert_type3A_522, %get3A_530 : vector<16xf32>
        %add3A_538 = arith.addf %add3A_426, %mul3A_537 : vector<16xf32>
        %mul3A_539 = arith.mulf %bitcast_convert_type3A_524, %get3A_536 : vector<16xf32>
        %add3A_540 = arith.addf %add3A_428, %mul3A_539 : vector<16xf32>
        %get3A_541 = arith.constant 0 : i32
        %get3A_542 = arith.index_cast %get3A_541 : i32 to index
        %get3A_543 = arith.index_cast %scan3A_283 : i32 to index
        %get3A_544 = arith.constant 144 : index
        %get3A_545 = tpu.vector_load %arg7[%get3A_542, %get3A_543, %get3A_544] {strides = array<i32>} : memref<4x16x512xi32, #tpu.memory_space<vmem>>, vector<1x1x16xi32>,
        %get3A_546 = vector.shape_cast %get3A_545 : vector<1x1x16xi32> to vector<16xi32>
        %mul3A_547 = arith.constant 65536 : i32
        %mul3A_548 = vector.broadcast %mul3A_547 : i32 to vector<16xi32>
        %mul3A_549 = arith.muli %get3A_546, %mul3A_548 : vector<16xi32>
        %bitcast_convert_type3A_550 = tpu.bitcast %mul3A_549 : vector<16xi32> -> vector<16xf32>
        %and3A_551 = arith.andi %get3A_546, %broadcast_in_dim3A_3 : vector<16xi32>
        %bitcast_convert_type3A_552 = tpu.bitcast %and3A_551 : vector<16xi32> -> vector<16xf32>
        %get3A_553 = arith.constant 0 : i32
        %get3A_554 = arith.index_cast %get3A_553 : i32 to index
        %get3A_555 = arith.index_cast %scan3A_283 : i32 to index
        %get3A_556 = arith.constant 144 : index
        %get3A_557 = tpu.vector_load %arg8[%get3A_554, %get3A_555, %get3A_556] {strides = array<i32>} : memref<4x16x1024xf32, #tpu.memory_space<vmem>>, vector<1x1x16xf32>,
        %get3A_558 = vector.shape_cast %get3A_557 : vector<1x1x16xf32> to vector<16xf32>
        %get3A_559 = arith.constant 0 : i32
        %get3A_560 = arith.index_cast %get3A_559 : i32 to index
        %get3A_561 = arith.index_cast %scan3A_283 : i32 to index
        %get3A_562 = arith.constant 656 : index
        %get3A_563 = tpu.vector_load %arg8[%get3A_560, %get3A_561, %get3A_562] {strides = array<i32>} : memref<4x16x1024xf32, #tpu.memory_space<vmem>>, vector<1x1x16xf32>,
        %get3A_564 = vector.shape_cast %get3A_563 : vector<1x1x16xf32> to vector<16xf32>
        %mul3A_565 = arith.mulf %bitcast_convert_type3A_550, %get3A_558 : vector<16xf32>
        %add3A_566 = arith.addf %add3A_454, %mul3A_565 : vector<16xf32>
        %mul3A_567 = arith.mulf %bitcast_convert_type3A_552, %get3A_564 : vector<16xf32>
        %add3A_568 = arith.addf %add3A_456, %mul3A_567 : vector<16xf32>
        %get3A_569 = arith.constant 0 : i32
        %get3A_570 = arith.index_cast %get3A_569 : i32 to index
        %get3A_571 = arith.index_cast %scan3A_283 : i32 to index
        %get3A_572 = arith.constant 160 : index
        %get3A_573 = tpu.vector_load %arg7[%get3A_570, %get3A_571, %get3A_572] {strides = array<i32>} : memref<4x16x512xi32, #tpu.memory_space<vmem>>, vector<1x1x16xi32>,
        %get3A_574 = vector.shape_cast %get3A_573 : vector<1x1x16xi32> to vector<16xi32>
        %mul3A_575 = arith.constant 65536 : i32
        %mul3A_576 = vector.broadcast %mul3A_575 : i32 to vector<16xi32>
        %mul3A_577 = arith.muli %get3A_574, %mul3A_576 : vector<16xi32>
        %bitcast_convert_type3A_578 = tpu.bitcast %mul3A_577 : vector<16xi32> -> vector<16xf32>
        %and3A_579 = arith.andi %get3A_574, %broadcast_in_dim3A_3 : vector<16xi32>
        %bitcast_convert_type3A_580 = tpu.bitcast %and3A_579 : vector<16xi32> -> vector<16xf32>
        %get3A_581 = arith.constant 0 : i32
        %get3A_582 = arith.index_cast %get3A_581 : i32 to index
        %get3A_583 = arith.index_cast %scan3A_283 : i32 to index
        %get3A_584 = arith.constant 160 : index
        %get3A_585 = tpu.vector_load %arg8[%get3A_582, %get3A_583, %get3A_584] {strides = array<i32>} : memref<4x16x1024xf32, #tpu.memory_space<vmem>>, vector<1x1x16xf32>,
        %get3A_586 = vector.shape_cast %get3A_585 : vector<1x1x16xf32> to vector<16xf32>
        %get3A_587 = arith.constant 0 : i32
        %get3A_588 = arith.index_cast %get3A_587 : i32 to index
        %get3A_589 = arith.index_cast %scan3A_283 : i32 to index
        %get3A_590 = arith.constant 672 : index
        %get3A_591 = tpu.vector_load %arg8[%get3A_588, %get3A_589, %get3A_590] {strides = array<i32>} : memref<4x16x1024xf32, #tpu.memory_space<vmem>>, vector<1x1x16xf32>,
        %get3A_592 = vector.shape_cast %get3A_591 : vector<1x1x16xf32> to vector<16xf32>
        %mul3A_593 = arith.mulf %bitcast_convert_type3A_578, %get3A_586 : vector<16xf32>
        %add3A_594 = arith.addf %add3A_482, %mul3A_593 : vector<16xf32>
        %mul3A_595 = arith.mulf %bitcast_convert_type3A_580, %get3A_592 : vector<16xf32>
        %add3A_596 = arith.addf %add3A_484, %mul3A_595 : vector<16xf32>
        %get3A_597 = arith.constant 0 : i32
        %get3A_598 = arith.index_cast %get3A_597 : i32 to index
        %get3A_599 = arith.index_cast %scan3A_283 : i32 to index
        %get3A_600 = arith.constant 176 : index
        %get3A_601 = tpu.vector_load %arg7[%get3A_598, %get3A_599, %get3A_600] {strides = array<i32>} : memref<4x16x512xi32, #tpu.memory_space<vmem>>, vector<1x1x16xi32>,
        %get3A_602 = vector.shape_cast %get3A_601 : vector<1x1x16xi32> to vector<16xi32>
        %mul3A_603 = arith.constant 65536 : i32
        %mul3A_604 = vector.broadcast %mul3A_603 : i32 to vector<16xi32>
        %mul3A_605 = arith.muli %get3A_602, %mul3A_604 : vector<16xi32>
        %bitcast_convert_type3A_606 = tpu.bitcast %mul3A_605 : vector<16xi32> -> vector<16xf32>
        %and3A_607 = arith.andi %get3A_602, %broadcast_in_dim3A_3 : vector<16xi32>
        %bitcast_convert_type3A_608 = tpu.bitcast %and3A_607 : vector<16xi32> -> vector<16xf32>
        %get3A_609 = arith.constant 0 : i32
        %get3A_610 = arith.index_cast %get3A_609 : i32 to index
        %get3A_611 = arith.index_cast %scan3A_283 : i32 to index
        %get3A_612 = arith.constant 176 : index
        %get3A_613 = tpu.vector_load %arg8[%get3A_610, %get3A_611, %get3A_612] {strides = array<i32>} : memref<4x16x1024xf32, #tpu.memory_space<vmem>>, vector<1x1x16xf32>,
        %get3A_614 = vector.shape_cast %get3A_613 : vector<1x1x16xf32> to vector<16xf32>
        %get3A_615 = arith.constant 0 : i32
        %get3A_616 = arith.index_cast %get3A_615 : i32 to index
        %get3A_617 = arith.index_cast %scan3A_283 : i32 to index
        %get3A_618 = arith.constant 688 : index
        %get3A_619 = tpu.vector_load %arg8[%get3A_616, %get3A_617, %get3A_618] {strides = array<i32>} : memref<4x16x1024xf32, #tpu.memory_space<vmem>>, vector<1x1x16xf32>,
        %get3A_620 = vector.shape_cast %get3A_619 : vector<1x1x16xf32> to vector<16xf32>
        %mul3A_621 = arith.mulf %bitcast_convert_type3A_606, %get3A_614 : vector<16xf32>
        %add3A_622 = arith.addf %add3A_510, %mul3A_621 : vector<16xf32>
        %mul3A_623 = arith.mulf %bitcast_convert_type3A_608, %get3A_620 : vector<16xf32>
        %add3A_624 = arith.addf %add3A_512, %mul3A_623 : vector<16xf32>
        %get3A_625 = arith.constant 0 : i32
        %get3A_626 = arith.index_cast %get3A_625 : i32 to index
        %get3A_627 = arith.index_cast %scan3A_283 : i32 to index
        %get3A_628 = arith.constant 192 : index
        %get3A_629 = tpu.vector_load %arg7[%get3A_626, %get3A_627, %get3A_628] {strides = array<i32>} : memref<4x16x512xi32, #tpu.memory_space<vmem>>, vector<1x1x16xi32>,
        %get3A_630 = vector.shape_cast %get3A_629 : vector<1x1x16xi32> to vector<16xi32>
        %mul3A_631 = arith.constant 65536 : i32
        %mul3A_632 = vector.broadcast %mul3A_631 : i32 to vector<16xi32>
        %mul3A_633 = arith.muli %get3A_630, %mul3A_632 : vector<16xi32>
        %bitcast_convert_type3A_634 = tpu.bitcast %mul3A_633 : vector<16xi32> -> vector<16xf32>
        %and3A_635 = arith.andi %get3A_630, %broadcast_in_dim3A_3 : vector<16xi32>
        %bitcast_convert_type3A_636 = tpu.bitcast %and3A_635 : vector<16xi32> -> vector<16xf32>
        %get3A_637 = arith.constant 0 : i32
        %get3A_638 = arith.index_cast %get3A_637 : i32 to index
        %get3A_639 = arith.index_cast %scan3A_283 : i32 to index
        %get3A_640 = arith.constant 192 : index
        %get3A_641 = tpu.vector_load %arg8[%get3A_638, %get3A_639, %get3A_640] {strides = array<i32>} : memref<4x16x1024xf32, #tpu.memory_space<vmem>>, vector<1x1x16xf32>,
        %get3A_642 = vector.shape_cast %get3A_641 : vector<1x1x16xf32> to vector<16xf32>
        %get3A_643 = arith.constant 0 : i32
        %get3A_644 = arith.index_cast %get3A_643 : i32 to index
        %get3A_645 = arith.index_cast %scan3A_283 : i32 to index
        %get3A_646 = arith.constant 704 : index
        %get3A_647 = tpu.vector_load %arg8[%get3A_644, %get3A_645, %get3A_646] {strides = array<i32>} : memref<4x16x1024xf32, #tpu.memory_space<vmem>>, vector<1x1x16xf32>,
        %get3A_648 = vector.shape_cast %get3A_647 : vector<1x1x16xf32> to vector<16xf32>
        %mul3A_649 = arith.mulf %bitcast_convert_type3A_634, %get3A_642 : vector<16xf32>
        %add3A_650 = arith.addf %add3A_538, %mul3A_649 : vector<16xf32>
        %mul3A_651 = arith.mulf %bitcast_convert_type3A_636, %get3A_648 : vector<16xf32>
        %add3A_652 = arith.addf %add3A_540, %mul3A_651 : vector<16xf32>
        %get3A_653 = arith.constant 0 : i32
        %get3A_654 = arith.index_cast %get3A_653 : i32 to index
        %get3A_655 = arith.index_cast %scan3A_283 : i32 to index
        %get3A_656 = arith.constant 208 : index
        %get3A_657 = tpu.vector_load %arg7[%get3A_654, %get3A_655, %get3A_656] {strides = array<i32>} : memref<4x16x512xi32, #tpu.memory_space<vmem>>, vector<1x1x16xi32>,
        %get3A_658 = vector.shape_cast %get3A_657 : vector<1x1x16xi32> to vector<16xi32>
        %mul3A_659 = arith.constant 65536 : i32
        %mul3A_660 = vector.broadcast %mul3A_659 : i32 to vector<16xi32>
        %mul3A_661 = arith.muli %get3A_658, %mul3A_660 : vector<16xi32>
        %bitcast_convert_type3A_662 = tpu.bitcast %mul3A_661 : vector<16xi32> -> vector<16xf32>
        %and3A_663 = arith.andi %get3A_658, %broadcast_in_dim3A_3 : vector<16xi32>
        %bitcast_convert_type3A_664 = tpu.bitcast %and3A_663 : vector<16xi32> -> vector<16xf32>
        %get3A_665 = arith.constant 0 : i32
        %get3A_666 = arith.index_cast %get3A_665 : i32 to index
        %get3A_667 = arith.index_cast %scan3A_283 : i32 to index
        %get3A_668 = arith.constant 208 : index
        %get3A_669 = tpu.vector_load %arg8[%get3A_666, %get3A_667, %get3A_668] {strides = array<i32>} : memref<4x16x1024xf32, #tpu.memory_space<vmem>>, vector<1x1x16xf32>,
        %get3A_670 = vector.shape_cast %get3A_669 : vector<1x1x16xf32> to vector<16xf32>
        %get3A_671 = arith.constant 0 : i32
        %get3A_672 = arith.index_cast %get3A_671 : i32 to index
        %get3A_673 = arith.index_cast %scan3A_283 : i32 to index
        %get3A_674 = arith.constant 720 : index
        %get3A_675 = tpu.vector_load %arg8[%get3A_672, %get3A_673, %get3A_674] {strides = array<i32>} : memref<4x16x1024xf32, #tpu.memory_space<vmem>>, vector<1x1x16xf32>,
        %get3A_676 = vector.shape_cast %get3A_675 : vector<1x1x16xf32> to vector<16xf32>
        %mul3A_677 = arith.mulf %bitcast_convert_type3A_662, %get3A_670 : vector<16xf32>
        %add3A_678 = arith.addf %add3A_566, %mul3A_677 : vector<16xf32>
        %mul3A_679 = arith.mulf %bitcast_convert_type3A_664, %get3A_676 : vector<16xf32>
        %add3A_680 = arith.addf %add3A_568, %mul3A_679 : vector<16xf32>
        %get3A_681 = arith.constant 0 : i32
        %get3A_682 = arith.index_cast %get3A_681 : i32 to index
        %get3A_683 = arith.index_cast %scan3A_283 : i32 to index
        %get3A_684 = arith.constant 224 : index
        %get3A_685 = tpu.vector_load %arg7[%get3A_682, %get3A_683, %get3A_684] {strides = array<i32>} : memref<4x16x512xi32, #tpu.memory_space<vmem>>, vector<1x1x16xi32>,
        %get3A_686 = vector.shape_cast %get3A_685 : vector<1x1x16xi32> to vector<16xi32>
        %mul3A_687 = arith.constant 65536 : i32
        %mul3A_688 = vector.broadcast %mul3A_687 : i32 to vector<16xi32>
        %mul3A_689 = arith.muli %get3A_686, %mul3A_688 : vector<16xi32>
        %bitcast_convert_type3A_690 = tpu.bitcast %mul3A_689 : vector<16xi32> -> vector<16xf32>
        %and3A_691 = arith.andi %get3A_686, %broadcast_in_dim3A_3 : vector<16xi32>
        %bitcast_convert_type3A_692 = tpu.bitcast %and3A_691 : vector<16xi32> -> vector<16xf32>
        %get3A_693 = arith.constant 0 : i32
        %get3A_694 = arith.index_cast %get3A_693 : i32 to index
        %get3A_695 = arith.index_cast %scan3A_283 : i32 to index
        %get3A_696 = arith.constant 224 : index
        %get3A_697 = tpu.vector_load %arg8[%get3A_694, %get3A_695, %get3A_696] {strides = array<i32>} : memref<4x16x1024xf32, #tpu.memory_space<vmem>>, vector<1x1x16xf32>,
        %get3A_698 = vector.shape_cast %get3A_697 : vector<1x1x16xf32> to vector<16xf32>
        %get3A_699 = arith.constant 0 : i32
        %get3A_700 = arith.index_cast %get3A_699 : i32 to index
        %get3A_701 = arith.index_cast %scan3A_283 : i32 to index
        %get3A_702 = arith.constant 736 : index
        %get3A_703 = tpu.vector_load %arg8[%get3A_700, %get3A_701, %get3A_702] {strides = array<i32>} : memref<4x16x1024xf32, #tpu.memory_space<vmem>>, vector<1x1x16xf32>,
        %get3A_704 = vector.shape_cast %get3A_703 : vector<1x1x16xf32> to vector<16xf32>
        %mul3A_705 = arith.mulf %bitcast_convert_type3A_690, %get3A_698 : vector<16xf32>
        %add3A_706 = arith.addf %add3A_594, %mul3A_705 : vector<16xf32>
        %mul3A_707 = arith.mulf %bitcast_convert_type3A_692, %get3A_704 : vector<16xf32>
        %add3A_708 = arith.addf %add3A_596, %mul3A_707 : vector<16xf32>
        %get3A_709 = arith.constant 0 : i32
        %get3A_710 = arith.index_cast %get3A_709 : i32 to index
        %get3A_711 = arith.index_cast %scan3A_283 : i32 to index
        %get3A_712 = arith.constant 240 : index
        %get3A_713 = tpu.vector_load %arg7[%get3A_710, %get3A_711, %get3A_712] {strides = array<i32>} : memref<4x16x512xi32, #tpu.memory_space<vmem>>, vector<1x1x16xi32>,
        %get3A_714 = vector.shape_cast %get3A_713 : vector<1x1x16xi32> to vector<16xi32>
        %mul3A_715 = arith.constant 65536 : i32
        %mul3A_716 = vector.broadcast %mul3A_715 : i32 to vector<16xi32>
        %mul3A_717 = arith.muli %get3A_714, %mul3A_716 : vector<16xi32>
        %bitcast_convert_type3A_718 = tpu.bitcast %mul3A_717 : vector<16xi32> -> vector<16xf32>
        %and3A_719 = arith.andi %get3A_714, %broadcast_in_dim3A_3 : vector<16xi32>
        %bitcast_convert_type3A_720 = tpu.bitcast %and3A_719 : vector<16xi32> -> vector<16xf32>
        %get3A_721 = arith.constant 0 : i32
        %get3A_722 = arith.index_cast %get3A_721 : i32 to index
        %get3A_723 = arith.index_cast %scan3A_283 : i32 to index
        %get3A_724 = arith.constant 240 : index
        %get3A_725 = tpu.vector_load %arg8[%get3A_722, %get3A_723, %get3A_724] {strides = array<i32>} : memref<4x16x1024xf32, #tpu.memory_space<vmem>>, vector<1x1x16xf32>,
        %get3A_726 = vector.shape_cast %get3A_725 : vector<1x1x16xf32> to vector<16xf32>
        %get3A_727 = arith.constant 0 : i32
        %get3A_728 = arith.index_cast %get3A_727 : i32 to index
        %get3A_729 = arith.index_cast %scan3A_283 : i32 to index
        %get3A_730 = arith.constant 752 : index
        %get3A_731 = tpu.vector_load %arg8[%get3A_728, %get3A_729, %get3A_730] {strides = array<i32>} : memref<4x16x1024xf32, #tpu.memory_space<vmem>>, vector<1x1x16xf32>,
        %get3A_732 = vector.shape_cast %get3A_731 : vector<1x1x16xf32> to vector<16xf32>
        %mul3A_733 = arith.mulf %bitcast_convert_type3A_718, %get3A_726 : vector<16xf32>
        %add3A_734 = arith.addf %add3A_622, %mul3A_733 : vector<16xf32>
        %mul3A_735 = arith.mulf %bitcast_convert_type3A_720, %get3A_732 : vector<16xf32>
        %add3A_736 = arith.addf %add3A_624, %mul3A_735 : vector<16xf32>
        %get3A_737 = arith.constant 0 : i32
        %get3A_738 = arith.index_cast %get3A_737 : i32 to index
        %get3A_739 = arith.index_cast %scan3A_283 : i32 to index
        %get3A_740 = arith.constant 256 : index
        %get3A_741 = tpu.vector_load %arg7[%get3A_738, %get3A_739, %get3A_740] {strides = array<i32>} : memref<4x16x512xi32, #tpu.memory_space<vmem>>, vector<1x1x16xi32>,
        %get3A_742 = vector.shape_cast %get3A_741 : vector<1x1x16xi32> to vector<16xi32>
        %mul3A_743 = arith.constant 65536 : i32
        %mul3A_744 = vector.broadcast %mul3A_743 : i32 to vector<16xi32>
        %mul3A_745 = arith.muli %get3A_742, %mul3A_744 : vector<16xi32>
        %bitcast_convert_type3A_746 = tpu.bitcast %mul3A_745 : vector<16xi32> -> vector<16xf32>
        %and3A_747 = arith.andi %get3A_742, %broadcast_in_dim3A_3 : vector<16xi32>
        %bitcast_convert_type3A_748 = tpu.bitcast %and3A_747 : vector<16xi32> -> vector<16xf32>
        %get3A_749 = arith.constant 0 : i32
        %get3A_750 = arith.index_cast %get3A_749 : i32 to index
        %get3A_751 = arith.index_cast %scan3A_283 : i32 to index
        %get3A_752 = arith.constant 256 : index
        %get3A_753 = tpu.vector_load %arg8[%get3A_750, %get3A_751, %get3A_752] {strides = array<i32>} : memref<4x16x1024xf32, #tpu.memory_space<vmem>>, vector<1x1x16xf32>,
        %get3A_754 = vector.shape_cast %get3A_753 : vector<1x1x16xf32> to vector<16xf32>
        %get3A_755 = arith.constant 0 : i32
        %get3A_756 = arith.index_cast %get3A_755 : i32 to index
        %get3A_757 = arith.index_cast %scan3A_283 : i32 to index
        %get3A_758 = arith.constant 768 : index
        %get3A_759 = tpu.vector_load %arg8[%get3A_756, %get3A_757, %get3A_758] {strides = array<i32>} : memref<4x16x1024xf32, #tpu.memory_space<vmem>>, vector<1x1x16xf32>,
        %get3A_760 = vector.shape_cast %get3A_759 : vector<1x1x16xf32> to vector<16xf32>
        %mul3A_761 = arith.mulf %bitcast_convert_type3A_746, %get3A_754 : vector<16xf32>
        %add3A_762 = arith.addf %add3A_650, %mul3A_761 : vector<16xf32>
        %mul3A_763 = arith.mulf %bitcast_convert_type3A_748, %get3A_760 : vector<16xf32>
        %add3A_764 = arith.addf %add3A_652, %mul3A_763 : vector<16xf32>
        %get3A_765 = arith.constant 0 : i32
        %get3A_766 = arith.index_cast %get3A_765 : i32 to index
        %get3A_767 = arith.index_cast %scan3A_283 : i32 to index
        %get3A_768 = arith.constant 272 : index
        %get3A_769 = tpu.vector_load %arg7[%get3A_766, %get3A_767, %get3A_768] {strides = array<i32>} : memref<4x16x512xi32, #tpu.memory_space<vmem>>, vector<1x1x16xi32>,
        %get3A_770 = vector.shape_cast %get3A_769 : vector<1x1x16xi32> to vector<16xi32>
        %mul3A_771 = arith.constant 65536 : i32
        %mul3A_772 = vector.broadcast %mul3A_771 : i32 to vector<16xi32>
        %mul3A_773 = arith.muli %get3A_770, %mul3A_772 : vector<16xi32>
        %bitcast_convert_type3A_774 = tpu.bitcast %mul3A_773 : vector<16xi32> -> vector<16xf32>
        %and3A_775 = arith.andi %get3A_770, %broadcast_in_dim3A_3 : vector<16xi32>
        %bitcast_convert_type3A_776 = tpu.bitcast %and3A_775 : vector<16xi32> -> vector<16xf32>
        %get3A_777 = arith.constant 0 : i32
        %get3A_778 = arith.index_cast %get3A_777 : i32 to index
        %get3A_779 = arith.index_cast %scan3A_283 : i32 to index
        %get3A_780 = arith.constant 272 : index
        %get3A_781 = tpu.vector_load %arg8[%get3A_778, %get3A_779, %get3A_780] {strides = array<i32>} : memref<4x16x1024xf32, #tpu.memory_space<vmem>>, vector<1x1x16xf32>,
        %get3A_782 = vector.shape_cast %get3A_781 : vector<1x1x16xf32> to vector<16xf32>
        %get3A_783 = arith.constant 0 : i32
        %get3A_784 = arith.index_cast %get3A_783 : i32 to index
        %get3A_785 = arith.index_cast %scan3A_283 : i32 to index
        %get3A_786 = arith.constant 784 : index
        %get3A_787 = tpu.vector_load %arg8[%get3A_784, %get3A_785, %get3A_786] {strides = array<i32>} : memref<4x16x1024xf32, #tpu.memory_space<vmem>>, vector<1x1x16xf32>,
        %get3A_788 = vector.shape_cast %get3A_787 : vector<1x1x16xf32> to vector<16xf32>
        %mul3A_789 = arith.mulf %bitcast_convert_type3A_774, %get3A_782 : vector<16xf32>
        %add3A_790 = arith.addf %add3A_678, %mul3A_789 : vector<16xf32>
        %mul3A_791 = arith.mulf %bitcast_convert_type3A_776, %get3A_788 : vector<16xf32>
        %add3A_792 = arith.addf %add3A_680, %mul3A_791 : vector<16xf32>
        %get3A_793 = arith.constant 0 : i32
        %get3A_794 = arith.index_cast %get3A_793 : i32 to index
        %get3A_795 = arith.index_cast %scan3A_283 : i32 to index
        %get3A_796 = arith.constant 288 : index
        %get3A_797 = tpu.vector_load %arg7[%get3A_794, %get3A_795, %get3A_796] {strides = array<i32>} : memref<4x16x512xi32, #tpu.memory_space<vmem>>, vector<1x1x16xi32>,
        %get3A_798 = vector.shape_cast %get3A_797 : vector<1x1x16xi32> to vector<16xi32>
        %mul3A_799 = arith.constant 65536 : i32
        %mul3A_800 = vector.broadcast %mul3A_799 : i32 to vector<16xi32>
        %mul3A_801 = arith.muli %get3A_798, %mul3A_800 : vector<16xi32>
        %bitcast_convert_type3A_802 = tpu.bitcast %mul3A_801 : vector<16xi32> -> vector<16xf32>
        %and3A_803 = arith.andi %get3A_798, %broadcast_in_dim3A_3 : vector<16xi32>
        %bitcast_convert_type3A_804 = tpu.bitcast %and3A_803 : vector<16xi32> -> vector<16xf32>
        %get3A_805 = arith.constant 0 : i32
        %get3A_806 = arith.index_cast %get3A_805 : i32 to index
        %get3A_807 = arith.index_cast %scan3A_283 : i32 to index
        %get3A_808 = arith.constant 288 : index
        %get3A_809 = tpu.vector_load %arg8[%get3A_806, %get3A_807, %get3A_808] {strides = array<i32>} : memref<4x16x1024xf32, #tpu.memory_space<vmem>>, vector<1x1x16xf32>,
        %get3A_810 = vector.shape_cast %get3A_809 : vector<1x1x16xf32> to vector<16xf32>
        %get3A_811 = arith.constant 0 : i32
        %get3A_812 = arith.index_cast %get3A_811 : i32 to index
        %get3A_813 = arith.index_cast %scan3A_283 : i32 to index
        %get3A_814 = arith.constant 800 : index
        %get3A_815 = tpu.vector_load %arg8[%get3A_812, %get3A_813, %get3A_814] {strides = array<i32>} : memref<4x16x1024xf32, #tpu.memory_space<vmem>>, vector<1x1x16xf32>,
        %get3A_816 = vector.shape_cast %get3A_815 : vector<1x1x16xf32> to vector<16xf32>
        %mul3A_817 = arith.mulf %bitcast_convert_type3A_802, %get3A_810 : vector<16xf32>
        %add3A_818 = arith.addf %add3A_706, %mul3A_817 : vector<16xf32>
        %mul3A_819 = arith.mulf %bitcast_convert_type3A_804, %get3A_816 : vector<16xf32>
        %add3A_820 = arith.addf %add3A_708, %mul3A_819 : vector<16xf32>
        %get3A_821 = arith.constant 0 : i32
        %get3A_822 = arith.index_cast %get3A_821 : i32 to index
        %get3A_823 = arith.index_cast %scan3A_283 : i32 to index
        %get3A_824 = arith.constant 304 : index
        %get3A_825 = tpu.vector_load %arg7[%get3A_822, %get3A_823, %get3A_824] {strides = array<i32>} : memref<4x16x512xi32, #tpu.memory_space<vmem>>, vector<1x1x16xi32>,
        %get3A_826 = vector.shape_cast %get3A_825 : vector<1x1x16xi32> to vector<16xi32>
        %mul3A_827 = arith.constant 65536 : i32
        %mul3A_828 = vector.broadcast %mul3A_827 : i32 to vector<16xi32>
        %mul3A_829 = arith.muli %get3A_826, %mul3A_828 : vector<16xi32>
        %bitcast_convert_type3A_830 = tpu.bitcast %mul3A_829 : vector<16xi32> -> vector<16xf32>
        %and3A_831 = arith.andi %get3A_826, %broadcast_in_dim3A_3 : vector<16xi32>
        %bitcast_convert_type3A_832 = tpu.bitcast %and3A_831 : vector<16xi32> -> vector<16xf32>
        %get3A_833 = arith.constant 0 : i32
        %get3A_834 = arith.index_cast %get3A_833 : i32 to index
        %get3A_835 = arith.index_cast %scan3A_283 : i32 to index
        %get3A_836 = arith.constant 304 : index
        %get3A_837 = tpu.vector_load %arg8[%get3A_834, %get3A_835, %get3A_836] {strides = array<i32>} : memref<4x16x1024xf32, #tpu.memory_space<vmem>>, vector<1x1x16xf32>,
        %get3A_838 = vector.shape_cast %get3A_837 : vector<1x1x16xf32> to vector<16xf32>
        %get3A_839 = arith.constant 0 : i32
        %get3A_840 = arith.index_cast %get3A_839 : i32 to index
        %get3A_841 = arith.index_cast %scan3A_283 : i32 to index
        %get3A_842 = arith.constant 816 : index
        %get3A_843 = tpu.vector_load %arg8[%get3A_840, %get3A_841, %get3A_842] {strides = array<i32>} : memref<4x16x1024xf32, #tpu.memory_space<vmem>>, vector<1x1x16xf32>,
        %get3A_844 = vector.shape_cast %get3A_843 : vector<1x1x16xf32> to vector<16xf32>
        %mul3A_845 = arith.mulf %bitcast_convert_type3A_830, %get3A_838 : vector<16xf32>
        %add3A_846 = arith.addf %add3A_734, %mul3A_845 : vector<16xf32>
        %mul3A_847 = arith.mulf %bitcast_convert_type3A_832, %get3A_844 : vector<16xf32>
        %add3A_848 = arith.addf %add3A_736, %mul3A_847 : vector<16xf32>
        %get3A_849 = arith.constant 0 : i32
        %get3A_850 = arith.index_cast %get3A_849 : i32 to index
        %get3A_851 = arith.index_cast %scan3A_283 : i32 to index
        %get3A_852 = arith.constant 320 : index
        %get3A_853 = tpu.vector_load %arg7[%get3A_850, %get3A_851, %get3A_852] {strides = array<i32>} : memref<4x16x512xi32, #tpu.memory_space<vmem>>, vector<1x1x16xi32>,
        %get3A_854 = vector.shape_cast %get3A_853 : vector<1x1x16xi32> to vector<16xi32>
        %mul3A_855 = arith.constant 65536 : i32
        %mul3A_856 = vector.broadcast %mul3A_855 : i32 to vector<16xi32>
        %mul3A_857 = arith.muli %get3A_854, %mul3A_856 : vector<16xi32>
        %bitcast_convert_type3A_858 = tpu.bitcast %mul3A_857 : vector<16xi32> -> vector<16xf32>
        %and3A_859 = arith.andi %get3A_854, %broadcast_in_dim3A_3 : vector<16xi32>
        %bitcast_convert_type3A_860 = tpu.bitcast %and3A_859 : vector<16xi32> -> vector<16xf32>
        %get3A_861 = arith.constant 0 : i32
        %get3A_862 = arith.index_cast %get3A_861 : i32 to index
        %get3A_863 = arith.index_cast %scan3A_283 : i32 to index
        %get3A_864 = arith.constant 320 : index
        %get3A_865 = tpu.vector_load %arg8[%get3A_862, %get3A_863, %get3A_864] {strides = array<i32>} : memref<4x16x1024xf32, #tpu.memory_space<vmem>>, vector<1x1x16xf32>,
        %get3A_866 = vector.shape_cast %get3A_865 : vector<1x1x16xf32> to vector<16xf32>
        %get3A_867 = arith.constant 0 : i32
        %get3A_868 = arith.index_cast %get3A_867 : i32 to index
        %get3A_869 = arith.index_cast %scan3A_283 : i32 to index
        %get3A_870 = arith.constant 832 : index
        %get3A_871 = tpu.vector_load %arg8[%get3A_868, %get3A_869, %get3A_870] {strides = array<i32>} : memref<4x16x1024xf32, #tpu.memory_space<vmem>>, vector<1x1x16xf32>,
        %get3A_872 = vector.shape_cast %get3A_871 : vector<1x1x16xf32> to vector<16xf32>
        %mul3A_873 = arith.mulf %bitcast_convert_type3A_858, %get3A_866 : vector<16xf32>
        %add3A_874 = arith.addf %add3A_762, %mul3A_873 : vector<16xf32>
        %mul3A_875 = arith.mulf %bitcast_convert_type3A_860, %get3A_872 : vector<16xf32>
        %add3A_876 = arith.addf %add3A_764, %mul3A_875 : vector<16xf32>
        %get3A_877 = arith.constant 0 : i32
        %get3A_878 = arith.index_cast %get3A_877 : i32 to index
        %get3A_879 = arith.index_cast %scan3A_283 : i32 to index
        %get3A_880 = arith.constant 336 : index
        %get3A_881 = tpu.vector_load %arg7[%get3A_878, %get3A_879, %get3A_880] {strides = array<i32>} : memref<4x16x512xi32, #tpu.memory_space<vmem>>, vector<1x1x16xi32>,
        %get3A_882 = vector.shape_cast %get3A_881 : vector<1x1x16xi32> to vector<16xi32>
        %mul3A_883 = arith.constant 65536 : i32
        %mul3A_884 = vector.broadcast %mul3A_883 : i32 to vector<16xi32>
        %mul3A_885 = arith.muli %get3A_882, %mul3A_884 : vector<16xi32>
        %bitcast_convert_type3A_886 = tpu.bitcast %mul3A_885 : vector<16xi32> -> vector<16xf32>
        %and3A_887 = arith.andi %get3A_882, %broadcast_in_dim3A_3 : vector<16xi32>
        %bitcast_convert_type3A_888 = tpu.bitcast %and3A_887 : vector<16xi32> -> vector<16xf32>
        %get3A_889 = arith.constant 0 : i32
        %get3A_890 = arith.index_cast %get3A_889 : i32 to index
        %get3A_891 = arith.index_cast %scan3A_283 : i32 to index
        %get3A_892 = arith.constant 336 : index
        %get3A_893 = tpu.vector_load %arg8[%get3A_890, %get3A_891, %get3A_892] {strides = array<i32>} : memref<4x16x1024xf32, #tpu.memory_space<vmem>>, vector<1x1x16xf32>,
        %get3A_894 = vector.shape_cast %get3A_893 : vector<1x1x16xf32> to vector<16xf32>
        %get3A_895 = arith.constant 0 : i32
        %get3A_896 = arith.index_cast %get3A_895 : i32 to index
        %get3A_897 = arith.index_cast %scan3A_283 : i32 to index
        %get3A_898 = arith.constant 848 : index
        %get3A_899 = tpu.vector_load %arg8[%get3A_896, %get3A_897, %get3A_898] {strides = array<i32>} : memref<4x16x1024xf32, #tpu.memory_space<vmem>>, vector<1x1x16xf32>,
        %get3A_900 = vector.shape_cast %get3A_899 : vector<1x1x16xf32> to vector<16xf32>
        %mul3A_901 = arith.mulf %bitcast_convert_type3A_886, %get3A_894 : vector<16xf32>
        %add3A_902 = arith.addf %add3A_790, %mul3A_901 : vector<16xf32>
        %mul3A_903 = arith.mulf %bitcast_convert_type3A_888, %get3A_900 : vector<16xf32>
        %add3A_904 = arith.addf %add3A_792, %mul3A_903 : vector<16xf32>
        %get3A_905 = arith.constant 0 : i32
        %get3A_906 = arith.index_cast %get3A_905 : i32 to index
        %get3A_907 = arith.index_cast %scan3A_283 : i32 to index
        %get3A_908 = arith.constant 352 : index
        %get3A_909 = tpu.vector_load %arg7[%get3A_906, %get3A_907, %get3A_908] {strides = array<i32>} : memref<4x16x512xi32, #tpu.memory_space<vmem>>, vector<1x1x16xi32>,
        %get3A_910 = vector.shape_cast %get3A_909 : vector<1x1x16xi32> to vector<16xi32>
        %mul3A_911 = arith.constant 65536 : i32
        %mul3A_912 = vector.broadcast %mul3A_911 : i32 to vector<16xi32>
        %mul3A_913 = arith.muli %get3A_910, %mul3A_912 : vector<16xi32>
        %bitcast_convert_type3A_914 = tpu.bitcast %mul3A_913 : vector<16xi32> -> vector<16xf32>
        %and3A_915 = arith.andi %get3A_910, %broadcast_in_dim3A_3 : vector<16xi32>
        %bitcast_convert_type3A_916 = tpu.bitcast %and3A_915 : vector<16xi32> -> vector<16xf32>
        %get3A_917 = arith.constant 0 : i32
        %get3A_918 = arith.index_cast %get3A_917 : i32 to index
        %get3A_919 = arith.index_cast %scan3A_283 : i32 to index
        %get3A_920 = arith.constant 352 : index
        %get3A_921 = tpu.vector_load %arg8[%get3A_918, %get3A_919, %get3A_920] {strides = array<i32>} : memref<4x16x1024xf32, #tpu.memory_space<vmem>>, vector<1x1x16xf32>,
        %get3A_922 = vector.shape_cast %get3A_921 : vector<1x1x16xf32> to vector<16xf32>
        %get3A_923 = arith.constant 0 : i32
        %get3A_924 = arith.index_cast %get3A_923 : i32 to index
        %get3A_925 = arith.index_cast %scan3A_283 : i32 to index
        %get3A_926 = arith.constant 864 : index
        %get3A_927 = tpu.vector_load %arg8[%get3A_924, %get3A_925, %get3A_926] {strides = array<i32>} : memref<4x16x1024xf32, #tpu.memory_space<vmem>>, vector<1x1x16xf32>,
        %get3A_928 = vector.shape_cast %get3A_927 : vector<1x1x16xf32> to vector<16xf32>
        %mul3A_929 = arith.mulf %bitcast_convert_type3A_914, %get3A_922 : vector<16xf32>
        %add3A_930 = arith.addf %add3A_818, %mul3A_929 : vector<16xf32>
        %mul3A_931 = arith.mulf %bitcast_convert_type3A_916, %get3A_928 : vector<16xf32>
        %add3A_932 = arith.addf %add3A_820, %mul3A_931 : vector<16xf32>
        %get3A_933 = arith.constant 0 : i32
        %get3A_934 = arith.index_cast %get3A_933 : i32 to index
        %get3A_935 = arith.index_cast %scan3A_283 : i32 to index
        %get3A_936 = arith.constant 368 : index
        %get3A_937 = tpu.vector_load %arg7[%get3A_934, %get3A_935, %get3A_936] {strides = array<i32>} : memref<4x16x512xi32, #tpu.memory_space<vmem>>, vector<1x1x16xi32>,
        %get3A_938 = vector.shape_cast %get3A_937 : vector<1x1x16xi32> to vector<16xi32>
        %mul3A_939 = arith.constant 65536 : i32
        %mul3A_940 = vector.broadcast %mul3A_939 : i32 to vector<16xi32>
        %mul3A_941 = arith.muli %get3A_938, %mul3A_940 : vector<16xi32>
        %bitcast_convert_type3A_942 = tpu.bitcast %mul3A_941 : vector<16xi32> -> vector<16xf32>
        %and3A_943 = arith.andi %get3A_938, %broadcast_in_dim3A_3 : vector<16xi32>
        %bitcast_convert_type3A_944 = tpu.bitcast %and3A_943 : vector<16xi32> -> vector<16xf32>
        %get3A_945 = arith.constant 0 : i32
        %get3A_946 = arith.index_cast %get3A_945 : i32 to index
        %get3A_947 = arith.index_cast %scan3A_283 : i32 to index
        %get3A_948 = arith.constant 368 : index
        %get3A_949 = tpu.vector_load %arg8[%get3A_946, %get3A_947, %get3A_948] {strides = array<i32>} : memref<4x16x1024xf32, #tpu.memory_space<vmem>>, vector<1x1x16xf32>,
        %get3A_950 = vector.shape_cast %get3A_949 : vector<1x1x16xf32> to vector<16xf32>
        %get3A_951 = arith.constant 0 : i32
        %get3A_952 = arith.index_cast %get3A_951 : i32 to index
        %get3A_953 = arith.index_cast %scan3A_283 : i32 to index
        %get3A_954 = arith.constant 880 : index
        %get3A_955 = tpu.vector_load %arg8[%get3A_952, %get3A_953, %get3A_954] {strides = array<i32>} : memref<4x16x1024xf32, #tpu.memory_space<vmem>>, vector<1x1x16xf32>,
        %get3A_956 = vector.shape_cast %get3A_955 : vector<1x1x16xf32> to vector<16xf32>
        %mul3A_957 = arith.mulf %bitcast_convert_type3A_942, %get3A_950 : vector<16xf32>
        %add3A_958 = arith.addf %add3A_846, %mul3A_957 : vector<16xf32>
        %mul3A_959 = arith.mulf %bitcast_convert_type3A_944, %get3A_956 : vector<16xf32>
        %add3A_960 = arith.addf %add3A_848, %mul3A_959 : vector<16xf32>
        %get3A_961 = arith.constant 0 : i32
        %get3A_962 = arith.index_cast %get3A_961 : i32 to index
        %get3A_963 = arith.index_cast %scan3A_283 : i32 to index
        %get3A_964 = arith.constant 384 : index
        %get3A_965 = tpu.vector_load %arg7[%get3A_962, %get3A_963, %get3A_964] {strides = array<i32>} : memref<4x16x512xi32, #tpu.memory_space<vmem>>, vector<1x1x16xi32>,
        %get3A_966 = vector.shape_cast %get3A_965 : vector<1x1x16xi32> to vector<16xi32>
        %mul3A_967 = arith.constant 65536 : i32
        %mul3A_968 = vector.broadcast %mul3A_967 : i32 to vector<16xi32>
        %mul3A_969 = arith.muli %get3A_966, %mul3A_968 : vector<16xi32>
        %bitcast_convert_type3A_970 = tpu.bitcast %mul3A_969 : vector<16xi32> -> vector<16xf32>
        %and3A_971 = arith.andi %get3A_966, %broadcast_in_dim3A_3 : vector<16xi32>
        %bitcast_convert_type3A_972 = tpu.bitcast %and3A_971 : vector<16xi32> -> vector<16xf32>
        %get3A_973 = arith.constant 0 : i32
        %get3A_974 = arith.index_cast %get3A_973 : i32 to index
        %get3A_975 = arith.index_cast %scan3A_283 : i32 to index
        %get3A_976 = arith.constant 384 : index
        %get3A_977 = tpu.vector_load %arg8[%get3A_974, %get3A_975, %get3A_976] {strides = array<i32>} : memref<4x16x1024xf32, #tpu.memory_space<vmem>>, vector<1x1x16xf32>,
        %get3A_978 = vector.shape_cast %get3A_977 : vector<1x1x16xf32> to vector<16xf32>
        %get3A_979 = arith.constant 0 : i32
        %get3A_980 = arith.index_cast %get3A_979 : i32 to index
        %get3A_981 = arith.index_cast %scan3A_283 : i32 to index
        %get3A_982 = arith.constant 896 : index
        %get3A_983 = tpu.vector_load %arg8[%get3A_980, %get3A_981, %get3A_982] {strides = array<i32>} : memref<4x16x1024xf32, #tpu.memory_space<vmem>>, vector<1x1x16xf32>,
        %get3A_984 = vector.shape_cast %get3A_983 : vector<1x1x16xf32> to vector<16xf32>
        %mul3A_985 = arith.mulf %bitcast_convert_type3A_970, %get3A_978 : vector<16xf32>
        %add3A_986 = arith.addf %add3A_874, %mul3A_985 : vector<16xf32>
        %mul3A_987 = arith.mulf %bitcast_convert_type3A_972, %get3A_984 : vector<16xf32>
        %add3A_988 = arith.addf %add3A_876, %mul3A_987 : vector<16xf32>
        %get3A_989 = arith.constant 0 : i32
        %get3A_990 = arith.index_cast %get3A_989 : i32 to index
        %get3A_991 = arith.index_cast %scan3A_283 : i32 to index
        %get3A_992 = arith.constant 400 : index
        %get3A_993 = tpu.vector_load %arg7[%get3A_990, %get3A_991, %get3A_992] {strides = array<i32>} : memref<4x16x512xi32, #tpu.memory_space<vmem>>, vector<1x1x16xi32>,
        %get3A_994 = vector.shape_cast %get3A_993 : vector<1x1x16xi32> to vector<16xi32>
        %mul3A_995 = arith.constant 65536 : i32
        %mul3A_996 = vector.broadcast %mul3A_995 : i32 to vector<16xi32>
        %mul3A_997 = arith.muli %get3A_994, %mul3A_996 : vector<16xi32>
        %bitcast_convert_type3A_998 = tpu.bitcast %mul3A_997 : vector<16xi32> -> vector<16xf32>
        %and3A_999 = arith.andi %get3A_994, %broadcast_in_dim3A_3 : vector<16xi32>
        %bitcast_convert_type3A_1000 = tpu.bitcast %and3A_999 : vector<16xi32> -> vector<16xf32>
        %get3A_1001 = arith.constant 0 : i32
        %get3A_1002 = arith.index_cast %get3A_1001 : i32 to index
        %get3A_1003 = arith.index_cast %scan3A_283 : i32 to index
        %get3A_1004 = arith.constant 400 : index
        %get3A_1005 = tpu.vector_load %arg8[%get3A_1002, %get3A_1003, %get3A_1004] {strides = array<i32>} : memref<4x16x1024xf32, #tpu.memory_space<vmem>>, vector<1x1x16xf32>,
        %get3A_1006 = vector.shape_cast %get3A_1005 : vector<1x1x16xf32> to vector<16xf32>
        %get3A_1007 = arith.constant 0 : i32
        %get3A_1008 = arith.index_cast %get3A_1007 : i32 to index
        %get3A_1009 = arith.index_cast %scan3A_283 : i32 to index
        %get3A_1010 = arith.constant 912 : index
        %get3A_1011 = tpu.vector_load %arg8[%get3A_1008, %get3A_1009, %get3A_1010] {strides = array<i32>} : memref<4x16x1024xf32, #tpu.memory_space<vmem>>, vector<1x1x16xf32>,
        %get3A_1012 = vector.shape_cast %get3A_1011 : vector<1x1x16xf32> to vector<16xf32>
        %mul3A_1013 = arith.mulf %bitcast_convert_type3A_998, %get3A_1006 : vector<16xf32>
        %add3A_1014 = arith.addf %add3A_902, %mul3A_1013 : vector<16xf32>
        %mul3A_1015 = arith.mulf %bitcast_convert_type3A_1000, %get3A_1012 : vector<16xf32>
        %add3A_1016 = arith.addf %add3A_904, %mul3A_1015 : vector<16xf32>
        %get3A_1017 = arith.constant 0 : i32
        %get3A_1018 = arith.index_cast %get3A_1017 : i32 to index
        %get3A_1019 = arith.index_cast %scan3A_283 : i32 to index
        %get3A_1020 = arith.constant 416 : index
        %get3A_1021 = tpu.vector_load %arg7[%get3A_1018, %get3A_1019, %get3A_1020] {strides = array<i32>} : memref<4x16x512xi32, #tpu.memory_space<vmem>>, vector<1x1x16xi32>,
        %get3A_1022 = vector.shape_cast %get3A_1021 : vector<1x1x16xi32> to vector<16xi32>
        %mul3A_1023 = arith.constant 65536 : i32
        %mul3A_1024 = vector.broadcast %mul3A_1023 : i32 to vector<16xi32>
        %mul3A_1025 = arith.muli %get3A_1022, %mul3A_1024 : vector<16xi32>
        %bitcast_convert_type3A_1026 = tpu.bitcast %mul3A_1025 : vector<16xi32> -> vector<16xf32>
        %and3A_1027 = arith.andi %get3A_1022, %broadcast_in_dim3A_3 : vector<16xi32>
        %bitcast_convert_type3A_1028 = tpu.bitcast %and3A_1027 : vector<16xi32> -> vector<16xf32>
        %get3A_1029 = arith.constant 0 : i32
        %get3A_1030 = arith.index_cast %get3A_1029 : i32 to index
        %get3A_1031 = arith.index_cast %scan3A_283 : i32 to index
        %get3A_1032 = arith.constant 416 : index
        %get3A_1033 = tpu.vector_load %arg8[%get3A_1030, %get3A_1031, %get3A_1032] {strides = array<i32>} : memref<4x16x1024xf32, #tpu.memory_space<vmem>>, vector<1x1x16xf32>,
        %get3A_1034 = vector.shape_cast %get3A_1033 : vector<1x1x16xf32> to vector<16xf32>
        %get3A_1035 = arith.constant 0 : i32
        %get3A_1036 = arith.index_cast %get3A_1035 : i32 to index
        %get3A_1037 = arith.index_cast %scan3A_283 : i32 to index
        %get3A_1038 = arith.constant 928 : index
        %get3A_1039 = tpu.vector_load %arg8[%get3A_1036, %get3A_1037, %get3A_1038] {strides = array<i32>} : memref<4x16x1024xf32, #tpu.memory_space<vmem>>, vector<1x1x16xf32>,
        %get3A_1040 = vector.shape_cast %get3A_1039 : vector<1x1x16xf32> to vector<16xf32>
        %mul3A_1041 = arith.mulf %bitcast_convert_type3A_1026, %get3A_1034 : vector<16xf32>
        %add3A_1042 = arith.addf %add3A_930, %mul3A_1041 : vector<16xf32>
        %mul3A_1043 = arith.mulf %bitcast_convert_type3A_1028, %get3A_1040 : vector<16xf32>
        %add3A_1044 = arith.addf %add3A_932, %mul3A_1043 : vector<16xf32>
        %get3A_1045 = arith.constant 0 : i32
        %get3A_1046 = arith.index_cast %get3A_1045 : i32 to index
        %get3A_1047 = arith.index_cast %scan3A_283 : i32 to index
        %get3A_1048 = arith.constant 432 : index
        %get3A_1049 = tpu.vector_load %arg7[%get3A_1046, %get3A_1047, %get3A_1048] {strides = array<i32>} : memref<4x16x512xi32, #tpu.memory_space<vmem>>, vector<1x1x16xi32>,
        %get3A_1050 = vector.shape_cast %get3A_1049 : vector<1x1x16xi32> to vector<16xi32>
        %mul3A_1051 = arith.constant 65536 : i32
        %mul3A_1052 = vector.broadcast %mul3A_1051 : i32 to vector<16xi32>
        %mul3A_1053 = arith.muli %get3A_1050, %mul3A_1052 : vector<16xi32>
        %bitcast_convert_type3A_1054 = tpu.bitcast %mul3A_1053 : vector<16xi32> -> vector<16xf32>
        %and3A_1055 = arith.andi %get3A_1050, %broadcast_in_dim3A_3 : vector<16xi32>
        %bitcast_convert_type3A_1056 = tpu.bitcast %and3A_1055 : vector<16xi32> -> vector<16xf32>
        %get3A_1057 = arith.constant 0 : i32
        %get3A_1058 = arith.index_cast %get3A_1057 : i32 to index
        %get3A_1059 = arith.index_cast %scan3A_283 : i32 to index
        %get3A_1060 = arith.constant 432 : index
        %get3A_1061 = tpu.vector_load %arg8[%get3A_1058, %get3A_1059, %get3A_1060] {strides = array<i32>} : memref<4x16x1024xf32, #tpu.memory_space<vmem>>, vector<1x1x16xf32>,
        %get3A_1062 = vector.shape_cast %get3A_1061 : vector<1x1x16xf32> to vector<16xf32>
        %get3A_1063 = arith.constant 0 : i32
        %get3A_1064 = arith.index_cast %get3A_1063 : i32 to index
        %get3A_1065 = arith.index_cast %scan3A_283 : i32 to index
        %get3A_1066 = arith.constant 944 : index
        %get3A_1067 = tpu.vector_load %arg8[%get3A_1064, %get3A_1065, %get3A_1066] {strides = array<i32>} : memref<4x16x1024xf32, #tpu.memory_space<vmem>>, vector<1x1x16xf32>,
        %get3A_1068 = vector.shape_cast %get3A_1067 : vector<1x1x16xf32> to vector<16xf32>
        %mul3A_1069 = arith.mulf %bitcast_convert_type3A_1054, %get3A_1062 : vector<16xf32>
        %add3A_1070 = arith.addf %add3A_958, %mul3A_1069 : vector<16xf32>
        %mul3A_1071 = arith.mulf %bitcast_convert_type3A_1056, %get3A_1068 : vector<16xf32>
        %add3A_1072 = arith.addf %add3A_960, %mul3A_1071 : vector<16xf32>
        %get3A_1073 = arith.constant 0 : i32
        %get3A_1074 = arith.index_cast %get3A_1073 : i32 to index
        %get3A_1075 = arith.index_cast %scan3A_283 : i32 to index
        %get3A_1076 = arith.constant 448 : index
        %get3A_1077 = tpu.vector_load %arg7[%get3A_1074, %get3A_1075, %get3A_1076] {strides = array<i32>} : memref<4x16x512xi32, #tpu.memory_space<vmem>>, vector<1x1x16xi32>,
        %get3A_1078 = vector.shape_cast %get3A_1077 : vector<1x1x16xi32> to vector<16xi32>
        %mul3A_1079 = arith.constant 65536 : i32
        %mul3A_1080 = vector.broadcast %mul3A_1079 : i32 to vector<16xi32>
        %mul3A_1081 = arith.muli %get3A_1078, %mul3A_1080 : vector<16xi32>
        %bitcast_convert_type3A_1082 = tpu.bitcast %mul3A_1081 : vector<16xi32> -> vector<16xf32>
        %and3A_1083 = arith.andi %get3A_1078, %broadcast_in_dim3A_3 : vector<16xi32>
        %bitcast_convert_type3A_1084 = tpu.bitcast %and3A_1083 : vector<16xi32> -> vector<16xf32>
        %get3A_1085 = arith.constant 0 : i32
        %get3A_1086 = arith.index_cast %get3A_1085 : i32 to index
        %get3A_1087 = arith.index_cast %scan3A_283 : i32 to index
        %get3A_1088 = arith.constant 448 : index
        %get3A_1089 = tpu.vector_load %arg8[%get3A_1086, %get3A_1087, %get3A_1088] {strides = array<i32>} : memref<4x16x1024xf32, #tpu.memory_space<vmem>>, vector<1x1x16xf32>,
        %get3A_1090 = vector.shape_cast %get3A_1089 : vector<1x1x16xf32> to vector<16xf32>
        %get3A_1091 = arith.constant 0 : i32
        %get3A_1092 = arith.index_cast %get3A_1091 : i32 to index
        %get3A_1093 = arith.index_cast %scan3A_283 : i32 to index
        %get3A_1094 = arith.constant 960 : index
        %get3A_1095 = tpu.vector_load %arg8[%get3A_1092, %get3A_1093, %get3A_1094] {strides = array<i32>} : memref<4x16x1024xf32, #tpu.memory_space<vmem>>, vector<1x1x16xf32>,
        %get3A_1096 = vector.shape_cast %get3A_1095 : vector<1x1x16xf32> to vector<16xf32>
        %mul3A_1097 = arith.mulf %bitcast_convert_type3A_1082, %get3A_1090 : vector<16xf32>
        %add3A_1098 = arith.addf %add3A_986, %mul3A_1097 : vector<16xf32>
        %mul3A_1099 = arith.mulf %bitcast_convert_type3A_1084, %get3A_1096 : vector<16xf32>
        %add3A_1100 = arith.addf %add3A_988, %mul3A_1099 : vector<16xf32>
        %get3A_1101 = arith.constant 0 : i32
        %get3A_1102 = arith.index_cast %get3A_1101 : i32 to index
        %get3A_1103 = arith.index_cast %scan3A_283 : i32 to index
        %get3A_1104 = arith.constant 464 : index
        %get3A_1105 = tpu.vector_load %arg7[%get3A_1102, %get3A_1103, %get3A_1104] {strides = array<i32>} : memref<4x16x512xi32, #tpu.memory_space<vmem>>, vector<1x1x16xi32>,
        %get3A_1106 = vector.shape_cast %get3A_1105 : vector<1x1x16xi32> to vector<16xi32>
        %mul3A_1107 = arith.constant 65536 : i32
        %mul3A_1108 = vector.broadcast %mul3A_1107 : i32 to vector<16xi32>
        %mul3A_1109 = arith.muli %get3A_1106, %mul3A_1108 : vector<16xi32>
        %bitcast_convert_type3A_1110 = tpu.bitcast %mul3A_1109 : vector<16xi32> -> vector<16xf32>
        %and3A_1111 = arith.andi %get3A_1106, %broadcast_in_dim3A_3 : vector<16xi32>
        %bitcast_convert_type3A_1112 = tpu.bitcast %and3A_1111 : vector<16xi32> -> vector<16xf32>
        %get3A_1113 = arith.constant 0 : i32
        %get3A_1114 = arith.index_cast %get3A_1113 : i32 to index
        %get3A_1115 = arith.index_cast %scan3A_283 : i32 to index
        %get3A_1116 = arith.constant 464 : index
        %get3A_1117 = tpu.vector_load %arg8[%get3A_1114, %get3A_1115, %get3A_1116] {strides = array<i32>} : memref<4x16x1024xf32, #tpu.memory_space<vmem>>, vector<1x1x16xf32>,
        %get3A_1118 = vector.shape_cast %get3A_1117 : vector<1x1x16xf32> to vector<16xf32>
        %get3A_1119 = arith.constant 0 : i32
        %get3A_1120 = arith.index_cast %get3A_1119 : i32 to index
        %get3A_1121 = arith.index_cast %scan3A_283 : i32 to index
        %get3A_1122 = arith.constant 976 : index
        %get3A_1123 = tpu.vector_load %arg8[%get3A_1120, %get3A_1121, %get3A_1122] {strides = array<i32>} : memref<4x16x1024xf32, #tpu.memory_space<vmem>>, vector<1x1x16xf32>,
        %get3A_1124 = vector.shape_cast %get3A_1123 : vector<1x1x16xf32> to vector<16xf32>
        %mul3A_1125 = arith.mulf %bitcast_convert_type3A_1110, %get3A_1118 : vector<16xf32>
        %add3A_1126 = arith.addf %add3A_1014, %mul3A_1125 : vector<16xf32>
        %mul3A_1127 = arith.mulf %bitcast_convert_type3A_1112, %get3A_1124 : vector<16xf32>
        %add3A_1128 = arith.addf %add3A_1016, %mul3A_1127 : vector<16xf32>
        %get3A_1129 = arith.constant 0 : i32
        %get3A_1130 = arith.index_cast %get3A_1129 : i32 to index
        %get3A_1131 = arith.index_cast %scan3A_283 : i32 to index
        %get3A_1132 = arith.constant 480 : index
        %get3A_1133 = tpu.vector_load %arg7[%get3A_1130, %get3A_1131, %get3A_1132] {strides = array<i32>} : memref<4x16x512xi32, #tpu.memory_space<vmem>>, vector<1x1x16xi32>,
        %get3A_1134 = vector.shape_cast %get3A_1133 : vector<1x1x16xi32> to vector<16xi32>
        %mul3A_1135 = arith.constant 65536 : i32
        %mul3A_1136 = vector.broadcast %mul3A_1135 : i32 to vector<16xi32>
        %mul3A_1137 = arith.muli %get3A_1134, %mul3A_1136 : vector<16xi32>
        %bitcast_convert_type3A_1138 = tpu.bitcast %mul3A_1137 : vector<16xi32> -> vector<16xf32>
        %and3A_1139 = arith.andi %get3A_1134, %broadcast_in_dim3A_3 : vector<16xi32>
        %bitcast_convert_type3A_1140 = tpu.bitcast %and3A_1139 : vector<16xi32> -> vector<16xf32>
        %get3A_1141 = arith.constant 0 : i32
        %get3A_1142 = arith.index_cast %get3A_1141 : i32 to index
        %get3A_1143 = arith.index_cast %scan3A_283 : i32 to index
        %get3A_1144 = arith.constant 480 : index
        %get3A_1145 = tpu.vector_load %arg8[%get3A_1142, %get3A_1143, %get3A_1144] {strides = array<i32>} : memref<4x16x1024xf32, #tpu.memory_space<vmem>>, vector<1x1x16xf32>,
        %get3A_1146 = vector.shape_cast %get3A_1145 : vector<1x1x16xf32> to vector<16xf32>
        %get3A_1147 = arith.constant 0 : i32
        %get3A_1148 = arith.index_cast %get3A_1147 : i32 to index
        %get3A_1149 = arith.index_cast %scan3A_283 : i32 to index
        %get3A_1150 = arith.constant 992 : index
        %get3A_1151 = tpu.vector_load %arg8[%get3A_1148, %get3A_1149, %get3A_1150] {strides = array<i32>} : memref<4x16x1024xf32, #tpu.memory_space<vmem>>, vector<1x1x16xf32>,
        %get3A_1152 = vector.shape_cast %get3A_1151 : vector<1x1x16xf32> to vector<16xf32>
        %mul3A_1153 = arith.mulf %bitcast_convert_type3A_1138, %get3A_1146 : vector<16xf32>
        %add3A_1154 = arith.addf %add3A_1042, %mul3A_1153 : vector<16xf32>
        %mul3A_1155 = arith.mulf %bitcast_convert_type3A_1140, %get3A_1152 : vector<16xf32>
        %add3A_1156 = arith.addf %add3A_1044, %mul3A_1155 : vector<16xf32>
        %get3A_1157 = arith.constant 0 : i32
        %get3A_1158 = arith.index_cast %get3A_1157 : i32 to index
        %get3A_1159 = arith.index_cast %scan3A_283 : i32 to index
        %get3A_1160 = arith.constant 496 : index
        %get3A_1161 = tpu.vector_load %arg7[%get3A_1158, %get3A_1159, %get3A_1160] {strides = array<i32>} : memref<4x16x512xi32, #tpu.memory_space<vmem>>, vector<1x1x16xi32>,
        %get3A_1162 = vector.shape_cast %get3A_1161 : vector<1x1x16xi32> to vector<16xi32>
        %mul3A_1163 = arith.constant 65536 : i32
        %mul3A_1164 = vector.broadcast %mul3A_1163 : i32 to vector<16xi32>
        %mul3A_1165 = arith.muli %get3A_1162, %mul3A_1164 : vector<16xi32>
        %bitcast_convert_type3A_1166 = tpu.bitcast %mul3A_1165 : vector<16xi32> -> vector<16xf32>
        %and3A_1167 = arith.andi %get3A_1162, %broadcast_in_dim3A_3 : vector<16xi32>
        %bitcast_convert_type3A_1168 = tpu.bitcast %and3A_1167 : vector<16xi32> -> vector<16xf32>
        %get3A_1169 = arith.constant 0 : i32
        %get3A_1170 = arith.index_cast %get3A_1169 : i32 to index
        %get3A_1171 = arith.index_cast %scan3A_283 : i32 to index
        %get3A_1172 = arith.constant 496 : index
        %get3A_1173 = tpu.vector_load %arg8[%get3A_1170, %get3A_1171, %get3A_1172] {strides = array<i32>} : memref<4x16x1024xf32, #tpu.memory_space<vmem>>, vector<1x1x16xf32>,
        %get3A_1174 = vector.shape_cast %get3A_1173 : vector<1x1x16xf32> to vector<16xf32>
        %get3A_1175 = arith.constant 0 : i32
        %get3A_1176 = arith.index_cast %get3A_1175 : i32 to index
        %get3A_1177 = arith.index_cast %scan3A_283 : i32 to index
        %get3A_1178 = arith.constant 1008 : index
        %get3A_1179 = tpu.vector_load %arg8[%get3A_1176, %get3A_1177, %get3A_1178] {strides = array<i32>} : memref<4x16x1024xf32, #tpu.memory_space<vmem>>, vector<1x1x16xf32>,
        %get3A_1180 = vector.shape_cast %get3A_1179 : vector<1x1x16xf32> to vector<16xf32>
        %mul3A_1181 = arith.mulf %bitcast_convert_type3A_1166, %get3A_1174 : vector<16xf32>
        %add3A_1182 = arith.addf %add3A_1070, %mul3A_1181 : vector<16xf32>
        %mul3A_1183 = arith.mulf %bitcast_convert_type3A_1168, %get3A_1180 : vector<16xf32>
        %add3A_1184 = arith.addf %add3A_1072, %mul3A_1183 : vector<16xf32>
        scf.yield %add3A_1098, %add3A_1100, %add3A_1126, %add3A_1128, %add3A_1154, %add3A_1156, %add3A_1182, %add3A_1184 : vector<16xf32>, vector<16xf32>, vector<16xf32>, vector<16xf32>, vector<16xf32>, vector<16xf32>, vector<16xf32>, vector<16xf32>
      }
      %scan3A_144 = arith.constant 16 : i32
      %mul3A_145 = arith.constant 4 : i32
      %mul3A_146 = arith.muli %scan3A_95, %mul3A_145 : i32
      %add3A_147 = arith.constant 1 : i32
      %add3A_148 = arith.addi %mul3A_146, %add3A_147 : i32
      %add3A_149 = arith.constant 4 : i32
      %add3A_150 = arith.addi %add3A_148, %add3A_149 : i32
      %sub3A_151 = arith.constant 1 : i32
      %sub3A_152 = arith.subi %add3A_150, %sub3A_151 : i32
      %lt3A_153 = arith.constant 32 : i32
      %lt3A_154 = arith.cmpi slt, %sub3A_152, %lt3A_153 : i32
      %convert_element_type3A_155 = arith.extui %lt3A_154 : i1 to i32
      %cond3A_156 = arith.constant 0 : i32
      %cond3A_157 = arith.cmpi ne, %convert_element_type3A_155, %cond3A_156 : i32
      scf.if %cond3A_157 {
        %add3A_283 = arith.constant 4 : i32
        %add3A_284 = arith.addi %add3A_148, %add3A_283 : i32
        %sub3A_285 = arith.constant 1 : i32
        %sub3A_286 = arith.subi %add3A_284, %sub3A_285 : i32
        %mul3A_287 = arith.constant 16 : i32
        %mul3A_288 = arith.muli %sub3A_286, %mul3A_287 : i32
        %dma_start3A_289 = arith.constant 0 : i32
        %dma_start3A_290 = arith.constant 0 : i32
        %dma_start3A_291 = arith.constant 0 : i32
        %dma_start3A_292 = tpu.memref_slice %arg7[%dma_start3A_289, %dma_start3A_290, %dma_start3A_291] : memref<4x16x512xi32, #tpu.memory_space<vmem>> -> memref<1x16x512xi32, #tpu.memory_space<vmem>>
        %dma_start3A_293 = tpu.memref_squeeze %dma_start3A_292 : memref<1x16x512xi32, #tpu.memory_space<vmem>> -> memref<16x512xi32, #tpu.memory_space<vmem>>
        %dma_start3A_294 = tpu.memref_slice %arg6[%mul3A_288] : memref<512xi32, #tpu.memory_space<vmem>> -> memref<16xi32, #tpu.memory_space<vmem>>
        %dma_start3A_295 = arith.constant 0 : i32
        %dma_start3A_296 = arith.constant 0 : i32
        %dma_start3A_297 = tpu.memref_slice %arg2[%dma_start3A_295, %dma_start3A_296] : memref<1024x512xi32, #tpu.memory_space<hbm>> -> memref<1024x512xi32, #tpu.memory_space<hbm>>
        tpu.enqueue_indirect_dma source(%dma_start3A_297 : memref<1024x512xi32, #tpu.memory_space<hbm>>) target(%dma_start3A_293 : memref<16x512xi32, #tpu.memory_space<vmem>>) offsets(%dma_start3A_294 : memref<16xi32, #tpu.memory_space<vmem>>) semaphore(%arg10 : memref<!tpu.dma_semaphore, #tpu.memory_space<semaphore_mem>>)
        %mul3A_298 = arith.constant 16 : i32
        %mul3A_299 = arith.muli %sub3A_286, %mul3A_298 : i32
        %add3A_300 = arith.addi %mul3A_2, %mul3A_299 : i32
        %dma_start3A_301 = arith.constant 0 : i32
        %dma_start3A_302 = arith.constant 0 : i32
        %dma_start3A_303 = arith.constant 0 : i32
        %dma_start3A_304 = tpu.memref_slice %arg8[%dma_start3A_301, %dma_start3A_302, %dma_start3A_303] : memref<4x16x1024xf32, #tpu.memory_space<vmem>> -> memref<1x16x1024xf32, #tpu.memory_space<vmem>>
        %dma_start3A_305 = tpu.memref_squeeze %dma_start3A_304 : memref<1x16x1024xf32, #tpu.memory_space<vmem>> -> memref<16x1024xf32, #tpu.memory_space<vmem>>
        %dma_start3A_306 = arith.constant 0 : i32
        %dma_start3A_307 = tpu.memref_slice %arg3[%add3A_300, %dma_start3A_306] : memref<16384x1024xf32, #tpu.memory_space<hbm>> -> memref<16x1024xf32, #tpu.memory_space<hbm>>
        %dma_start3A_308 = arith.constant 0 : i32
        %dma_start3A_309 = arith.constant 0 : i32
        %dma_start3A_310 = tpu.memref_slice %arg8[%dma_start3A_301, %dma_start3A_308, %dma_start3A_309] : memref<4x16x1024xf32, #tpu.memory_space<vmem>> -> memref<1x16x1024xf32, #tpu.memory_space<vmem>>
        %dma_start3A_311 = tpu.memref_squeeze %dma_start3A_310 : memref<1x16x1024xf32, #tpu.memory_space<vmem>> -> memref<16x1024xf32, #tpu.memory_space<vmem>>
        %dma_start3A_312 = arith.constant 0 : i32
        %dma_start3A_313 = tpu.memref_slice %arg3[%add3A_300, %dma_start3A_312] : memref<16384x1024xf32, #tpu.memory_space<hbm>> -> memref<16x1024xf32, #tpu.memory_space<hbm>>
        tpu.enqueue_dma source(%dma_start3A_313 : memref<16x1024xf32, #tpu.memory_space<hbm>>) target(%dma_start3A_311 : memref<16x1024xf32, #tpu.memory_space<vmem>>) target_semaphore(%arg14 : memref<!tpu.dma_semaphore, #tpu.memory_space<semaphore_mem>>)
      } else {
      }
      %mul3A_158 = arith.constant 16 : i32
      %mul3A_159 = arith.muli %add3A_148, %mul3A_158 : i32
      %dma_wait3A_160 = arith.constant 1 : i32
      %dma_wait3A_161 = arith.constant 0 : i32
      %dma_wait3A_162 = arith.constant 0 : i32
      %dma_wait3A_163 = tpu.memref_slice %arg7[%dma_wait3A_160, %dma_wait3A_161, %dma_wait3A_162] : memref<4x16x512xi32, #tpu.memory_space<vmem>> -> memref<1x16x512xi32, #tpu.memory_space<vmem>>
      %dma_wait3A_164 = tpu.memref_squeeze %dma_wait3A_163 : memref<1x16x512xi32, #tpu.memory_space<vmem>> -> memref<16x512xi32, #tpu.memory_space<vmem>>
      %dma_wait3A_165 = tpu.memref_slice %arg6[%mul3A_159] : memref<512xi32, #tpu.memory_space<vmem>> -> memref<16xi32, #tpu.memory_space<vmem>>
      %dma_wait3A_166 = arith.constant 0 : i32
      %dma_wait3A_167 = arith.constant 0 : i32
      %dma_wait3A_168 = tpu.memref_slice %arg2[%dma_wait3A_166, %dma_wait3A_167] : memref<1024x512xi32, #tpu.memory_space<hbm>> -> memref<1024x512xi32, #tpu.memory_space<hbm>>
      tpu.wait_indirect_dma semaphore(%arg11 : memref<!tpu.dma_semaphore, #tpu.memory_space<semaphore_mem>>) src(%dma_wait3A_168 : memref<1024x512xi32, #tpu.memory_space<hbm>>) dst(%dma_wait3A_164 : memref<16x512xi32, #tpu.memory_space<vmem>>)
      %mul3A_169 = arith.constant 16 : i32
      %mul3A_170 = arith.muli %add3A_148, %mul3A_169 : i32
      %add3A_171 = arith.addi %mul3A_2, %mul3A_170 : i32
      %dma_wait3A_172 = arith.constant 1 : i32
      %dma_wait3A_173 = arith.constant 0 : i32
      %dma_wait3A_174 = arith.constant 0 : i32
      %dma_wait3A_175 = tpu.memref_slice %arg8[%dma_wait3A_172, %dma_wait3A_173, %dma_wait3A_174] : memref<4x16x1024xf32, #tpu.memory_space<vmem>> -> memref<1x16x1024xf32, #tpu.memory_space<vmem>>
      %dma_wait3A_176 = tpu.memref_squeeze %dma_wait3A_175 : memref<1x16x1024xf32, #tpu.memory_space<vmem>> -> memref<16x1024xf32, #tpu.memory_space<vmem>>
      %dma_wait3A_177 = arith.constant 0 : i32
      %dma_wait3A_178 = tpu.memref_slice %arg3[%add3A_171, %dma_wait3A_177] : memref<16384x1024xf32, #tpu.memory_space<hbm>> -> memref<16x1024xf32, #tpu.memory_space<hbm>>
      %dma_wait3A_179 = arith.constant 0 : i32
      %dma_wait3A_180 = arith.constant 0 : i32
      %dma_wait3A_181 = tpu.memref_slice %arg8[%dma_wait3A_172, %dma_wait3A_179, %dma_wait3A_180] : memref<4x16x1024xf32, #tpu.memory_space<vmem>> -> memref<1x16x1024xf32, #tpu.memory_space<vmem>>
      %dma_wait3A_182 = tpu.memref_squeeze %dma_wait3A_181 : memref<1x16x1024xf32, #tpu.memory_space<vmem>> -> memref<16x1024xf32, #tpu.memory_space<vmem>>
      %dma_wait3A_183 = arith.constant 0 : i32
      %dma_wait3A_184 = tpu.memref_slice %arg3[%add3A_171, %dma_wait3A_183] : memref<16384x1024xf32, #tpu.memory_space<hbm>> -> memref<16x1024xf32, #tpu.memory_space<hbm>>
      tpu.wait_dma2 semaphore(%arg15 : memref<!tpu.dma_semaphore, #tpu.memory_space<semaphore_mem>>) src(%dma_wait3A_184 : memref<16x1024xf32, #tpu.memory_space<hbm>>) dst(%dma_wait3A_182 : memref<16x1024xf32, #tpu.memory_space<vmem>>)
      %scan3A_185 = arith.constant 0 : i32
      %scan3A_186 = arith.constant 16 : i32
      %scan3A_187 = arith.addi %scan3A_185, %scan3A_186 : i32
      %scan3A_188 = arith.constant 1 : i32
      %scan3A_189:8 = scf.for %scan3A_283 = %scan3A_185 to %scan3A_187 step %scan3A_188 iter_args(%scan3A_284 = %scan3A_143#0, %scan3A_285 = %scan3A_143#1, %scan3A_286 = %scan3A_143#2, %scan3A_287 = %scan3A_143#3, %scan3A_288 = %scan3A_143#4, %scan3A_289 = %scan3A_143#5, %scan3A_290 = %scan3A_143#6, %scan3A_291 = %scan3A_143#7) -> (vector<16xf32>, vector<16xf32>, vector<16xf32>, vector<16xf32>, vector<16xf32>, vector<16xf32>, vector<16xf32>, vector<16xf32>)  : i32 {
        %get3A = arith.constant 1 : i32
        %get3A_292 = arith.index_cast %get3A : i32 to index
        %get3A_293 = arith.index_cast %scan3A_283 : i32 to index
        %get3A_294 = arith.constant 0 : index
        %get3A_295 = tpu.vector_load %arg7[%get3A_292, %get3A_293, %get3A_294] {strides = array<i32>} : memref<4x16x512xi32, #tpu.memory_space<vmem>>, vector<1x1x16xi32>,
        %get3A_296 = vector.shape_cast %get3A_295 : vector<1x1x16xi32> to vector<16xi32>
        %mul3A_297 = arith.constant 65536 : i32
        %mul3A_298 = vector.broadcast %mul3A_297 : i32 to vector<16xi32>
        %mul3A_299 = arith.muli %get3A_296, %mul3A_298 : vector<16xi32>
        %bitcast_convert_type3A = tpu.bitcast %mul3A_299 : vector<16xi32> -> vector<16xf32>
        %and3A = arith.andi %get3A_296, %broadcast_in_dim3A_3 : vector<16xi32>
        %bitcast_convert_type3A_300 = tpu.bitcast %and3A : vector<16xi32> -> vector<16xf32>
        %get3A_301 = arith.constant 1 : i32
        %get3A_302 = arith.index_cast %get3A_301 : i32 to index
        %get3A_303 = arith.index_cast %scan3A_283 : i32 to index
        %get3A_304 = arith.constant 0 : index
        %get3A_305 = tpu.vector_load %arg8[%get3A_302, %get3A_303, %get3A_304] {strides = array<i32>} : memref<4x16x1024xf32, #tpu.memory_space<vmem>>, vector<1x1x16xf32>,
        %get3A_306 = vector.shape_cast %get3A_305 : vector<1x1x16xf32> to vector<16xf32>
        %get3A_307 = arith.constant 1 : i32
        %get3A_308 = arith.index_cast %get3A_307 : i32 to index
        %get3A_309 = arith.index_cast %scan3A_283 : i32 to index
        %get3A_310 = arith.constant 512 : index
        %get3A_311 = tpu.vector_load %arg8[%get3A_308, %get3A_309, %get3A_310] {strides = array<i32>} : memref<4x16x1024xf32, #tpu.memory_space<vmem>>, vector<1x1x16xf32>,
        %get3A_312 = vector.shape_cast %get3A_311 : vector<1x1x16xf32> to vector<16xf32>
        %mul3A_313 = arith.mulf %bitcast_convert_type3A, %get3A_306 : vector<16xf32>
        %add3A_314 = arith.addf %scan3A_284, %mul3A_313 : vector<16xf32>
        %mul3A_315 = arith.mulf %bitcast_convert_type3A_300, %get3A_312 : vector<16xf32>
        %add3A_316 = arith.addf %scan3A_285, %mul3A_315 : vector<16xf32>
        %get3A_317 = arith.constant 1 : i32
        %get3A_318 = arith.index_cast %get3A_317 : i32 to index
        %get3A_319 = arith.index_cast %scan3A_283 : i32 to index
        %get3A_320 = arith.constant 16 : index
        %get3A_321 = tpu.vector_load %arg7[%get3A_318, %get3A_319, %get3A_320] {strides = array<i32>} : memref<4x16x512xi32, #tpu.memory_space<vmem>>, vector<1x1x16xi32>,
        %get3A_322 = vector.shape_cast %get3A_321 : vector<1x1x16xi32> to vector<16xi32>
        %mul3A_323 = arith.constant 65536 : i32
        %mul3A_324 = vector.broadcast %mul3A_323 : i32 to vector<16xi32>
        %mul3A_325 = arith.muli %get3A_322, %mul3A_324 : vector<16xi32>
        %bitcast_convert_type3A_326 = tpu.bitcast %mul3A_325 : vector<16xi32> -> vector<16xf32>
        %and3A_327 = arith.andi %get3A_322, %broadcast_in_dim3A_3 : vector<16xi32>
        %bitcast_convert_type3A_328 = tpu.bitcast %and3A_327 : vector<16xi32> -> vector<16xf32>
        %get3A_329 = arith.constant 1 : i32
        %get3A_330 = arith.index_cast %get3A_329 : i32 to index
        %get3A_331 = arith.index_cast %scan3A_283 : i32 to index
        %get3A_332 = arith.constant 16 : index
        %get3A_333 = tpu.vector_load %arg8[%get3A_330, %get3A_331, %get3A_332] {strides = array<i32>} : memref<4x16x1024xf32, #tpu.memory_space<vmem>>, vector<1x1x16xf32>,
        %get3A_334 = vector.shape_cast %get3A_333 : vector<1x1x16xf32> to vector<16xf32>
        %get3A_335 = arith.constant 1 : i32
        %get3A_336 = arith.index_cast %get3A_335 : i32 to index
        %get3A_337 = arith.index_cast %scan3A_283 : i32 to index
        %get3A_338 = arith.constant 528 : index
        %get3A_339 = tpu.vector_load %arg8[%get3A_336, %get3A_337, %get3A_338] {strides = array<i32>} : memref<4x16x1024xf32, #tpu.memory_space<vmem>>, vector<1x1x16xf32>,
        %get3A_340 = vector.shape_cast %get3A_339 : vector<1x1x16xf32> to vector<16xf32>
        %mul3A_341 = arith.mulf %bitcast_convert_type3A_326, %get3A_334 : vector<16xf32>
        %add3A_342 = arith.addf %scan3A_286, %mul3A_341 : vector<16xf32>
        %mul3A_343 = arith.mulf %bitcast_convert_type3A_328, %get3A_340 : vector<16xf32>
        %add3A_344 = arith.addf %scan3A_287, %mul3A_343 : vector<16xf32>
        %get3A_345 = arith.constant 1 : i32
        %get3A_346 = arith.index_cast %get3A_345 : i32 to index
        %get3A_347 = arith.index_cast %scan3A_283 : i32 to index
        %get3A_348 = arith.constant 32 : index
        %get3A_349 = tpu.vector_load %arg7[%get3A_346, %get3A_347, %get3A_348] {strides = array<i32>} : memref<4x16x512xi32, #tpu.memory_space<vmem>>, vector<1x1x16xi32>,
        %get3A_350 = vector.shape_cast %get3A_349 : vector<1x1x16xi32> to vector<16xi32>
        %mul3A_351 = arith.constant 65536 : i32
        %mul3A_352 = vector.broadcast %mul3A_351 : i32 to vector<16xi32>
        %mul3A_353 = arith.muli %get3A_350, %mul3A_352 : vector<16xi32>
        %bitcast_convert_type3A_354 = tpu.bitcast %mul3A_353 : vector<16xi32> -> vector<16xf32>
        %and3A_355 = arith.andi %get3A_350, %broadcast_in_dim3A_3 : vector<16xi32>
        %bitcast_convert_type3A_356 = tpu.bitcast %and3A_355 : vector<16xi32> -> vector<16xf32>
        %get3A_357 = arith.constant 1 : i32
        %get3A_358 = arith.index_cast %get3A_357 : i32 to index
        %get3A_359 = arith.index_cast %scan3A_283 : i32 to index
        %get3A_360 = arith.constant 32 : index
        %get3A_361 = tpu.vector_load %arg8[%get3A_358, %get3A_359, %get3A_360] {strides = array<i32>} : memref<4x16x1024xf32, #tpu.memory_space<vmem>>, vector<1x1x16xf32>,
        %get3A_362 = vector.shape_cast %get3A_361 : vector<1x1x16xf32> to vector<16xf32>
        %get3A_363 = arith.constant 1 : i32
        %get3A_364 = arith.index_cast %get3A_363 : i32 to index
        %get3A_365 = arith.index_cast %scan3A_283 : i32 to index
        %get3A_366 = arith.constant 544 : index
        %get3A_367 = tpu.vector_load %arg8[%get3A_364, %get3A_365, %get3A_366] {strides = array<i32>} : memref<4x16x1024xf32, #tpu.memory_space<vmem>>, vector<1x1x16xf32>,
        %get3A_368 = vector.shape_cast %get3A_367 : vector<1x1x16xf32> to vector<16xf32>
        %mul3A_369 = arith.mulf %bitcast_convert_type3A_354, %get3A_362 : vector<16xf32>
        %add3A_370 = arith.addf %scan3A_288, %mul3A_369 : vector<16xf32>
        %mul3A_371 = arith.mulf %bitcast_convert_type3A_356, %get3A_368 : vector<16xf32>
        %add3A_372 = arith.addf %scan3A_289, %mul3A_371 : vector<16xf32>
        %get3A_373 = arith.constant 1 : i32
        %get3A_374 = arith.index_cast %get3A_373 : i32 to index
        %get3A_375 = arith.index_cast %scan3A_283 : i32 to index
        %get3A_376 = arith.constant 48 : index
        %get3A_377 = tpu.vector_load %arg7[%get3A_374, %get3A_375, %get3A_376] {strides = array<i32>} : memref<4x16x512xi32, #tpu.memory_space<vmem>>, vector<1x1x16xi32>,
        %get3A_378 = vector.shape_cast %get3A_377 : vector<1x1x16xi32> to vector<16xi32>
        %mul3A_379 = arith.constant 65536 : i32
        %mul3A_380 = vector.broadcast %mul3A_379 : i32 to vector<16xi32>
        %mul3A_381 = arith.muli %get3A_378, %mul3A_380 : vector<16xi32>
        %bitcast_convert_type3A_382 = tpu.bitcast %mul3A_381 : vector<16xi32> -> vector<16xf32>
        %and3A_383 = arith.andi %get3A_378, %broadcast_in_dim3A_3 : vector<16xi32>
        %bitcast_convert_type3A_384 = tpu.bitcast %and3A_383 : vector<16xi32> -> vector<16xf32>
        %get3A_385 = arith.constant 1 : i32
        %get3A_386 = arith.index_cast %get3A_385 : i32 to index
        %get3A_387 = arith.index_cast %scan3A_283 : i32 to index
        %get3A_388 = arith.constant 48 : index
        %get3A_389 = tpu.vector_load %arg8[%get3A_386, %get3A_387, %get3A_388] {strides = array<i32>} : memref<4x16x1024xf32, #tpu.memory_space<vmem>>, vector<1x1x16xf32>,
        %get3A_390 = vector.shape_cast %get3A_389 : vector<1x1x16xf32> to vector<16xf32>
        %get3A_391 = arith.constant 1 : i32
        %get3A_392 = arith.index_cast %get3A_391 : i32 to index
        %get3A_393 = arith.index_cast %scan3A_283 : i32 to index
        %get3A_394 = arith.constant 560 : index
        %get3A_395 = tpu.vector_load %arg8[%get3A_392, %get3A_393, %get3A_394] {strides = array<i32>} : memref<4x16x1024xf32, #tpu.memory_space<vmem>>, vector<1x1x16xf32>,
        %get3A_396 = vector.shape_cast %get3A_395 : vector<1x1x16xf32> to vector<16xf32>
        %mul3A_397 = arith.mulf %bitcast_convert_type3A_382, %get3A_390 : vector<16xf32>
        %add3A_398 = arith.addf %scan3A_290, %mul3A_397 : vector<16xf32>
        %mul3A_399 = arith.mulf %bitcast_convert_type3A_384, %get3A_396 : vector<16xf32>
        %add3A_400 = arith.addf %scan3A_291, %mul3A_399 : vector<16xf32>
        %get3A_401 = arith.constant 1 : i32
        %get3A_402 = arith.index_cast %get3A_401 : i32 to index
        %get3A_403 = arith.index_cast %scan3A_283 : i32 to index
        %get3A_404 = arith.constant 64 : index
        %get3A_405 = tpu.vector_load %arg7[%get3A_402, %get3A_403, %get3A_404] {strides = array<i32>} : memref<4x16x512xi32, #tpu.memory_space<vmem>>, vector<1x1x16xi32>,
        %get3A_406 = vector.shape_cast %get3A_405 : vector<1x1x16xi32> to vector<16xi32>
        %mul3A_407 = arith.constant 65536 : i32
        %mul3A_408 = vector.broadcast %mul3A_407 : i32 to vector<16xi32>
        %mul3A_409 = arith.muli %get3A_406, %mul3A_408 : vector<16xi32>
        %bitcast_convert_type3A_410 = tpu.bitcast %mul3A_409 : vector<16xi32> -> vector<16xf32>
        %and3A_411 = arith.andi %get3A_406, %broadcast_in_dim3A_3 : vector<16xi32>
        %bitcast_convert_type3A_412 = tpu.bitcast %and3A_411 : vector<16xi32> -> vector<16xf32>
        %get3A_413 = arith.constant 1 : i32
        %get3A_414 = arith.index_cast %get3A_413 : i32 to index
        %get3A_415 = arith.index_cast %scan3A_283 : i32 to index
        %get3A_416 = arith.constant 64 : index
        %get3A_417 = tpu.vector_load %arg8[%get3A_414, %get3A_415, %get3A_416] {strides = array<i32>} : memref<4x16x1024xf32, #tpu.memory_space<vmem>>, vector<1x1x16xf32>,
        %get3A_418 = vector.shape_cast %get3A_417 : vector<1x1x16xf32> to vector<16xf32>
        %get3A_419 = arith.constant 1 : i32
        %get3A_420 = arith.index_cast %get3A_419 : i32 to index
        %get3A_421 = arith.index_cast %scan3A_283 : i32 to index
        %get3A_422 = arith.constant 576 : index
        %get3A_423 = tpu.vector_load %arg8[%get3A_420, %get3A_421, %get3A_422] {strides = array<i32>} : memref<4x16x1024xf32, #tpu.memory_space<vmem>>, vector<1x1x16xf32>,
        %get3A_424 = vector.shape_cast %get3A_423 : vector<1x1x16xf32> to vector<16xf32>
        %mul3A_425 = arith.mulf %bitcast_convert_type3A_410, %get3A_418 : vector<16xf32>
        %add3A_426 = arith.addf %add3A_314, %mul3A_425 : vector<16xf32>
        %mul3A_427 = arith.mulf %bitcast_convert_type3A_412, %get3A_424 : vector<16xf32>
        %add3A_428 = arith.addf %add3A_316, %mul3A_427 : vector<16xf32>
        %get3A_429 = arith.constant 1 : i32
        %get3A_430 = arith.index_cast %get3A_429 : i32 to index
        %get3A_431 = arith.index_cast %scan3A_283 : i32 to index
        %get3A_432 = arith.constant 80 : index
        %get3A_433 = tpu.vector_load %arg7[%get3A_430, %get3A_431, %get3A_432] {strides = array<i32>} : memref<4x16x512xi32, #tpu.memory_space<vmem>>, vector<1x1x16xi32>,
        %get3A_434 = vector.shape_cast %get3A_433 : vector<1x1x16xi32> to vector<16xi32>
        %mul3A_435 = arith.constant 65536 : i32
        %mul3A_436 = vector.broadcast %mul3A_435 : i32 to vector<16xi32>
        %mul3A_437 = arith.muli %get3A_434, %mul3A_436 : vector<16xi32>
        %bitcast_convert_type3A_438 = tpu.bitcast %mul3A_437 : vector<16xi32> -> vector<16xf32>
        %and3A_439 = arith.andi %get3A_434, %broadcast_in_dim3A_3 : vector<16xi32>
        %bitcast_convert_type3A_440 = tpu.bitcast %and3A_439 : vector<16xi32> -> vector<16xf32>
        %get3A_441 = arith.constant 1 : i32
        %get3A_442 = arith.index_cast %get3A_441 : i32 to index
        %get3A_443 = arith.index_cast %scan3A_283 : i32 to index
        %get3A_444 = arith.constant 80 : index
        %get3A_445 = tpu.vector_load %arg8[%get3A_442, %get3A_443, %get3A_444] {strides = array<i32>} : memref<4x16x1024xf32, #tpu.memory_space<vmem>>, vector<1x1x16xf32>,
        %get3A_446 = vector.shape_cast %get3A_445 : vector<1x1x16xf32> to vector<16xf32>
        %get3A_447 = arith.constant 1 : i32
        %get3A_448 = arith.index_cast %get3A_447 : i32 to index
        %get3A_449 = arith.index_cast %scan3A_283 : i32 to index
        %get3A_450 = arith.constant 592 : index
        %get3A_451 = tpu.vector_load %arg8[%get3A_448, %get3A_449, %get3A_450] {strides = array<i32>} : memref<4x16x1024xf32, #tpu.memory_space<vmem>>, vector<1x1x16xf32>,
        %get3A_452 = vector.shape_cast %get3A_451 : vector<1x1x16xf32> to vector<16xf32>
        %mul3A_453 = arith.mulf %bitcast_convert_type3A_438, %get3A_446 : vector<16xf32>
        %add3A_454 = arith.addf %add3A_342, %mul3A_453 : vector<16xf32>
        %mul3A_455 = arith.mulf %bitcast_convert_type3A_440, %get3A_452 : vector<16xf32>
        %add3A_456 = arith.addf %add3A_344, %mul3A_455 : vector<16xf32>
        %get3A_457 = arith.constant 1 : i32
        %get3A_458 = arith.index_cast %get3A_457 : i32 to index
        %get3A_459 = arith.index_cast %scan3A_283 : i32 to index
        %get3A_460 = arith.constant 96 : index
        %get3A_461 = tpu.vector_load %arg7[%get3A_458, %get3A_459, %get3A_460] {strides = array<i32>} : memref<4x16x512xi32, #tpu.memory_space<vmem>>, vector<1x1x16xi32>,
        %get3A_462 = vector.shape_cast %get3A_461 : vector<1x1x16xi32> to vector<16xi32>
        %mul3A_463 = arith.constant 65536 : i32
        %mul3A_464 = vector.broadcast %mul3A_463 : i32 to vector<16xi32>
        %mul3A_465 = arith.muli %get3A_462, %mul3A_464 : vector<16xi32>
        %bitcast_convert_type3A_466 = tpu.bitcast %mul3A_465 : vector<16xi32> -> vector<16xf32>
        %and3A_467 = arith.andi %get3A_462, %broadcast_in_dim3A_3 : vector<16xi32>
        %bitcast_convert_type3A_468 = tpu.bitcast %and3A_467 : vector<16xi32> -> vector<16xf32>
        %get3A_469 = arith.constant 1 : i32
        %get3A_470 = arith.index_cast %get3A_469 : i32 to index
        %get3A_471 = arith.index_cast %scan3A_283 : i32 to index
        %get3A_472 = arith.constant 96 : index
        %get3A_473 = tpu.vector_load %arg8[%get3A_470, %get3A_471, %get3A_472] {strides = array<i32>} : memref<4x16x1024xf32, #tpu.memory_space<vmem>>, vector<1x1x16xf32>,
        %get3A_474 = vector.shape_cast %get3A_473 : vector<1x1x16xf32> to vector<16xf32>
        %get3A_475 = arith.constant 1 : i32
        %get3A_476 = arith.index_cast %get3A_475 : i32 to index
        %get3A_477 = arith.index_cast %scan3A_283 : i32 to index
        %get3A_478 = arith.constant 608 : index
        %get3A_479 = tpu.vector_load %arg8[%get3A_476, %get3A_477, %get3A_478] {strides = array<i32>} : memref<4x16x1024xf32, #tpu.memory_space<vmem>>, vector<1x1x16xf32>,
        %get3A_480 = vector.shape_cast %get3A_479 : vector<1x1x16xf32> to vector<16xf32>
        %mul3A_481 = arith.mulf %bitcast_convert_type3A_466, %get3A_474 : vector<16xf32>
        %add3A_482 = arith.addf %add3A_370, %mul3A_481 : vector<16xf32>
        %mul3A_483 = arith.mulf %bitcast_convert_type3A_468, %get3A_480 : vector<16xf32>
        %add3A_484 = arith.addf %add3A_372, %mul3A_483 : vector<16xf32>
        %get3A_485 = arith.constant 1 : i32
        %get3A_486 = arith.index_cast %get3A_485 : i32 to index
        %get3A_487 = arith.index_cast %scan3A_283 : i32 to index
        %get3A_488 = arith.constant 112 : index
        %get3A_489 = tpu.vector_load %arg7[%get3A_486, %get3A_487, %get3A_488] {strides = array<i32>} : memref<4x16x512xi32, #tpu.memory_space<vmem>>, vector<1x1x16xi32>,
        %get3A_490 = vector.shape_cast %get3A_489 : vector<1x1x16xi32> to vector<16xi32>
        %mul3A_491 = arith.constant 65536 : i32
        %mul3A_492 = vector.broadcast %mul3A_491 : i32 to vector<16xi32>
        %mul3A_493 = arith.muli %get3A_490, %mul3A_492 : vector<16xi32>
        %bitcast_convert_type3A_494 = tpu.bitcast %mul3A_493 : vector<16xi32> -> vector<16xf32>
        %and3A_495 = arith.andi %get3A_490, %broadcast_in_dim3A_3 : vector<16xi32>
        %bitcast_convert_type3A_496 = tpu.bitcast %and3A_495 : vector<16xi32> -> vector<16xf32>
        %get3A_497 = arith.constant 1 : i32
        %get3A_498 = arith.index_cast %get3A_497 : i32 to index
        %get3A_499 = arith.index_cast %scan3A_283 : i32 to index
        %get3A_500 = arith.constant 112 : index
        %get3A_501 = tpu.vector_load %arg8[%get3A_498, %get3A_499, %get3A_500] {strides = array<i32>} : memref<4x16x1024xf32, #tpu.memory_space<vmem>>, vector<1x1x16xf32>,
        %get3A_502 = vector.shape_cast %get3A_501 : vector<1x1x16xf32> to vector<16xf32>
        %get3A_503 = arith.constant 1 : i32
        %get3A_504 = arith.index_cast %get3A_503 : i32 to index
        %get3A_505 = arith.index_cast %scan3A_283 : i32 to index
        %get3A_506 = arith.constant 624 : index
        %get3A_507 = tpu.vector_load %arg8[%get3A_504, %get3A_505, %get3A_506] {strides = array<i32>} : memref<4x16x1024xf32, #tpu.memory_space<vmem>>, vector<1x1x16xf32>,
        %get3A_508 = vector.shape_cast %get3A_507 : vector<1x1x16xf32> to vector<16xf32>
        %mul3A_509 = arith.mulf %bitcast_convert_type3A_494, %get3A_502 : vector<16xf32>
        %add3A_510 = arith.addf %add3A_398, %mul3A_509 : vector<16xf32>
        %mul3A_511 = arith.mulf %bitcast_convert_type3A_496, %get3A_508 : vector<16xf32>
        %add3A_512 = arith.addf %add3A_400, %mul3A_511 : vector<16xf32>
        %get3A_513 = arith.constant 1 : i32
        %get3A_514 = arith.index_cast %get3A_513 : i32 to index
        %get3A_515 = arith.index_cast %scan3A_283 : i32 to index
        %get3A_516 = arith.constant 128 : index
        %get3A_517 = tpu.vector_load %arg7[%get3A_514, %get3A_515, %get3A_516] {strides = array<i32>} : memref<4x16x512xi32, #tpu.memory_space<vmem>>, vector<1x1x16xi32>,
        %get3A_518 = vector.shape_cast %get3A_517 : vector<1x1x16xi32> to vector<16xi32>
        %mul3A_519 = arith.constant 65536 : i32
        %mul3A_520 = vector.broadcast %mul3A_519 : i32 to vector<16xi32>
        %mul3A_521 = arith.muli %get3A_518, %mul3A_520 : vector<16xi32>
        %bitcast_convert_type3A_522 = tpu.bitcast %mul3A_521 : vector<16xi32> -> vector<16xf32>
        %and3A_523 = arith.andi %get3A_518, %broadcast_in_dim3A_3 : vector<16xi32>
        %bitcast_convert_type3A_524 = tpu.bitcast %and3A_523 : vector<16xi32> -> vector<16xf32>
        %get3A_525 = arith.constant 1 : i32
        %get3A_526 = arith.index_cast %get3A_525 : i32 to index
        %get3A_527 = arith.index_cast %scan3A_283 : i32 to index
        %get3A_528 = arith.constant 128 : index
        %get3A_529 = tpu.vector_load %arg8[%get3A_526, %get3A_527, %get3A_528] {strides = array<i32>} : memref<4x16x1024xf32, #tpu.memory_space<vmem>>, vector<1x1x16xf32>,
        %get3A_530 = vector.shape_cast %get3A_529 : vector<1x1x16xf32> to vector<16xf32>
        %get3A_531 = arith.constant 1 : i32
        %get3A_532 = arith.index_cast %get3A_531 : i32 to index
        %get3A_533 = arith.index_cast %scan3A_283 : i32 to index
        %get3A_534 = arith.constant 640 : index
        %get3A_535 = tpu.vector_load %arg8[%get3A_532, %get3A_533, %get3A_534] {strides = array<i32>} : memref<4x16x1024xf32, #tpu.memory_space<vmem>>, vector<1x1x16xf32>,
        %get3A_536 = vector.shape_cast %get3A_535 : vector<1x1x16xf32> to vector<16xf32>
        %mul3A_537 = arith.mulf %bitcast_convert_type3A_522, %get3A_530 : vector<16xf32>
        %add3A_538 = arith.addf %add3A_426, %mul3A_537 : vector<16xf32>
        %mul3A_539 = arith.mulf %bitcast_convert_type3A_524, %get3A_536 : vector<16xf32>
        %add3A_540 = arith.addf %add3A_428, %mul3A_539 : vector<16xf32>
        %get3A_541 = arith.constant 1 : i32
        %get3A_542 = arith.index_cast %get3A_541 : i32 to index
        %get3A_543 = arith.index_cast %scan3A_283 : i32 to index
        %get3A_544 = arith.constant 144 : index
        %get3A_545 = tpu.vector_load %arg7[%get3A_542, %get3A_543, %get3A_544] {strides = array<i32>} : memref<4x16x512xi32, #tpu.memory_space<vmem>>, vector<1x1x16xi32>,
        %get3A_546 = vector.shape_cast %get3A_545 : vector<1x1x16xi32> to vector<16xi32>
        %mul3A_547 = arith.constant 65536 : i32
        %mul3A_548 = vector.broadcast %mul3A_547 : i32 to vector<16xi32>
        %mul3A_549 = arith.muli %get3A_546, %mul3A_548 : vector<16xi32>
        %bitcast_convert_type3A_550 = tpu.bitcast %mul3A_549 : vector<16xi32> -> vector<16xf32>
        %and3A_551 = arith.andi %get3A_546, %broadcast_in_dim3A_3 : vector<16xi32>
        %bitcast_convert_type3A_552 = tpu.bitcast %and3A_551 : vector<16xi32> -> vector<16xf32>
        %get3A_553 = arith.constant 1 : i32
        %get3A_554 = arith.index_cast %get3A_553 : i32 to index
        %get3A_555 = arith.index_cast %scan3A_283 : i32 to index
        %get3A_556 = arith.constant 144 : index
        %get3A_557 = tpu.vector_load %arg8[%get3A_554, %get3A_555, %get3A_556] {strides = array<i32>} : memref<4x16x1024xf32, #tpu.memory_space<vmem>>, vector<1x1x16xf32>,
        %get3A_558 = vector.shape_cast %get3A_557 : vector<1x1x16xf32> to vector<16xf32>
        %get3A_559 = arith.constant 1 : i32
        %get3A_560 = arith.index_cast %get3A_559 : i32 to index
        %get3A_561 = arith.index_cast %scan3A_283 : i32 to index
        %get3A_562 = arith.constant 656 : index
        %get3A_563 = tpu.vector_load %arg8[%get3A_560, %get3A_561, %get3A_562] {strides = array<i32>} : memref<4x16x1024xf32, #tpu.memory_space<vmem>>, vector<1x1x16xf32>,
        %get3A_564 = vector.shape_cast %get3A_563 : vector<1x1x16xf32> to vector<16xf32>
        %mul3A_565 = arith.mulf %bitcast_convert_type3A_550, %get3A_558 : vector<16xf32>
        %add3A_566 = arith.addf %add3A_454, %mul3A_565 : vector<16xf32>
        %mul3A_567 = arith.mulf %bitcast_convert_type3A_552, %get3A_564 : vector<16xf32>
        %add3A_568 = arith.addf %add3A_456, %mul3A_567 : vector<16xf32>
        %get3A_569 = arith.constant 1 : i32
        %get3A_570 = arith.index_cast %get3A_569 : i32 to index
        %get3A_571 = arith.index_cast %scan3A_283 : i32 to index
        %get3A_572 = arith.constant 160 : index
        %get3A_573 = tpu.vector_load %arg7[%get3A_570, %get3A_571, %get3A_572] {strides = array<i32>} : memref<4x16x512xi32, #tpu.memory_space<vmem>>, vector<1x1x16xi32>,
        %get3A_574 = vector.shape_cast %get3A_573 : vector<1x1x16xi32> to vector<16xi32>
        %mul3A_575 = arith.constant 65536 : i32
        %mul3A_576 = vector.broadcast %mul3A_575 : i32 to vector<16xi32>
        %mul3A_577 = arith.muli %get3A_574, %mul3A_576 : vector<16xi32>
        %bitcast_convert_type3A_578 = tpu.bitcast %mul3A_577 : vector<16xi32> -> vector<16xf32>
        %and3A_579 = arith.andi %get3A_574, %broadcast_in_dim3A_3 : vector<16xi32>
        %bitcast_convert_type3A_580 = tpu.bitcast %and3A_579 : vector<16xi32> -> vector<16xf32>
        %get3A_581 = arith.constant 1 : i32
        %get3A_582 = arith.index_cast %get3A_581 : i32 to index
        %get3A_583 = arith.index_cast %scan3A_283 : i32 to index
        %get3A_584 = arith.constant 160 : index
        %get3A_585 = tpu.vector_load %arg8[%get3A_582, %get3A_583, %get3A_584] {strides = array<i32>} : memref<4x16x1024xf32, #tpu.memory_space<vmem>>, vector<1x1x16xf32>,
        %get3A_586 = vector.shape_cast %get3A_585 : vector<1x1x16xf32> to vector<16xf32>
        %get3A_587 = arith.constant 1 : i32
        %get3A_588 = arith.index_cast %get3A_587 : i32 to index
        %get3A_589 = arith.index_cast %scan3A_283 : i32 to index
        %get3A_590 = arith.constant 672 : index
        %get3A_591 = tpu.vector_load %arg8[%get3A_588, %get3A_589, %get3A_590] {strides = array<i32>} : memref<4x16x1024xf32, #tpu.memory_space<vmem>>, vector<1x1x16xf32>,
        %get3A_592 = vector.shape_cast %get3A_591 : vector<1x1x16xf32> to vector<16xf32>
        %mul3A_593 = arith.mulf %bitcast_convert_type3A_578, %get3A_586 : vector<16xf32>
        %add3A_594 = arith.addf %add3A_482, %mul3A_593 : vector<16xf32>
        %mul3A_595 = arith.mulf %bitcast_convert_type3A_580, %get3A_592 : vector<16xf32>
        %add3A_596 = arith.addf %add3A_484, %mul3A_595 : vector<16xf32>
        %get3A_597 = arith.constant 1 : i32
        %get3A_598 = arith.index_cast %get3A_597 : i32 to index
        %get3A_599 = arith.index_cast %scan3A_283 : i32 to index
        %get3A_600 = arith.constant 176 : index
        %get3A_601 = tpu.vector_load %arg7[%get3A_598, %get3A_599, %get3A_600] {strides = array<i32>} : memref<4x16x512xi32, #tpu.memory_space<vmem>>, vector<1x1x16xi32>,
        %get3A_602 = vector.shape_cast %get3A_601 : vector<1x1x16xi32> to vector<16xi32>
        %mul3A_603 = arith.constant 65536 : i32
        %mul3A_604 = vector.broadcast %mul3A_603 : i32 to vector<16xi32>
        %mul3A_605 = arith.muli %get3A_602, %mul3A_604 : vector<16xi32>
        %bitcast_convert_type3A_606 = tpu.bitcast %mul3A_605 : vector<16xi32> -> vector<16xf32>
        %and3A_607 = arith.andi %get3A_602, %broadcast_in_dim3A_3 : vector<16xi32>
        %bitcast_convert_type3A_608 = tpu.bitcast %and3A_607 : vector<16xi32> -> vector<16xf32>
        %get3A_609 = arith.constant 1 : i32
        %get3A_610 = arith.index_cast %get3A_609 : i32 to index
        %get3A_611 = arith.index_cast %scan3A_283 : i32 to index
        %get3A_612 = arith.constant 176 : index
        %get3A_613 = tpu.vector_load %arg8[%get3A_610, %get3A_611, %get3A_612] {strides = array<i32>} : memref<4x16x1024xf32, #tpu.memory_space<vmem>>, vector<1x1x16xf32>,
        %get3A_614 = vector.shape_cast %get3A_613 : vector<1x1x16xf32> to vector<16xf32>
        %get3A_615 = arith.constant 1 : i32
        %get3A_616 = arith.index_cast %get3A_615 : i32 to index
        %get3A_617 = arith.index_cast %scan3A_283 : i32 to index
        %get3A_618 = arith.constant 688 : index
        %get3A_619 = tpu.vector_load %arg8[%get3A_616, %get3A_617, %get3A_618] {strides = array<i32>} : memref<4x16x1024xf32, #tpu.memory_space<vmem>>, vector<1x1x16xf32>,
        %get3A_620 = vector.shape_cast %get3A_619 : vector<1x1x16xf32> to vector<16xf32>
        %mul3A_621 = arith.mulf %bitcast_convert_type3A_606, %get3A_614 : vector<16xf32>
        %add3A_622 = arith.addf %add3A_510, %mul3A_621 : vector<16xf32>
        %mul3A_623 = arith.mulf %bitcast_convert_type3A_608, %get3A_620 : vector<16xf32>
        %add3A_624 = arith.addf %add3A_512, %mul3A_623 : vector<16xf32>
        %get3A_625 = arith.constant 1 : i32
        %get3A_626 = arith.index_cast %get3A_625 : i32 to index
        %get3A_627 = arith.index_cast %scan3A_283 : i32 to index
        %get3A_628 = arith.constant 192 : index
        %get3A_629 = tpu.vector_load %arg7[%get3A_626, %get3A_627, %get3A_628] {strides = array<i32>} : memref<4x16x512xi32, #tpu.memory_space<vmem>>, vector<1x1x16xi32>,
        %get3A_630 = vector.shape_cast %get3A_629 : vector<1x1x16xi32> to vector<16xi32>
        %mul3A_631 = arith.constant 65536 : i32
        %mul3A_632 = vector.broadcast %mul3A_631 : i32 to vector<16xi32>
        %mul3A_633 = arith.muli %get3A_630, %mul3A_632 : vector<16xi32>
        %bitcast_convert_type3A_634 = tpu.bitcast %mul3A_633 : vector<16xi32> -> vector<16xf32>
        %and3A_635 = arith.andi %get3A_630, %broadcast_in_dim3A_3 : vector<16xi32>
        %bitcast_convert_type3A_636 = tpu.bitcast %and3A_635 : vector<16xi32> -> vector<16xf32>
        %get3A_637 = arith.constant 1 : i32
        %get3A_638 = arith.index_cast %get3A_637 : i32 to index
        %get3A_639 = arith.index_cast %scan3A_283 : i32 to index
        %get3A_640 = arith.constant 192 : index
        %get3A_641 = tpu.vector_load %arg8[%get3A_638, %get3A_639, %get3A_640] {strides = array<i32>} : memref<4x16x1024xf32, #tpu.memory_space<vmem>>, vector<1x1x16xf32>,
        %get3A_642 = vector.shape_cast %get3A_641 : vector<1x1x16xf32> to vector<16xf32>
        %get3A_643 = arith.constant 1 : i32
        %get3A_644 = arith.index_cast %get3A_643 : i32 to index
        %get3A_645 = arith.index_cast %scan3A_283 : i32 to index
        %get3A_646 = arith.constant 704 : index
        %get3A_647 = tpu.vector_load %arg8[%get3A_644, %get3A_645, %get3A_646] {strides = array<i32>} : memref<4x16x1024xf32, #tpu.memory_space<vmem>>, vector<1x1x16xf32>,
        %get3A_648 = vector.shape_cast %get3A_647 : vector<1x1x16xf32> to vector<16xf32>
        %mul3A_649 = arith.mulf %bitcast_convert_type3A_634, %get3A_642 : vector<16xf32>
        %add3A_650 = arith.addf %add3A_538, %mul3A_649 : vector<16xf32>
        %mul3A_651 = arith.mulf %bitcast_convert_type3A_636, %get3A_648 : vector<16xf32>
        %add3A_652 = arith.addf %add3A_540, %mul3A_651 : vector<16xf32>
        %get3A_653 = arith.constant 1 : i32
        %get3A_654 = arith.index_cast %get3A_653 : i32 to index
        %get3A_655 = arith.index_cast %scan3A_283 : i32 to index
        %get3A_656 = arith.constant 208 : index
        %get3A_657 = tpu.vector_load %arg7[%get3A_654, %get3A_655, %get3A_656] {strides = array<i32>} : memref<4x16x512xi32, #tpu.memory_space<vmem>>, vector<1x1x16xi32>,
        %get3A_658 = vector.shape_cast %get3A_657 : vector<1x1x16xi32> to vector<16xi32>
        %mul3A_659 = arith.constant 65536 : i32
        %mul3A_660 = vector.broadcast %mul3A_659 : i32 to vector<16xi32>
        %mul3A_661 = arith.muli %get3A_658, %mul3A_660 : vector<16xi32>
        %bitcast_convert_type3A_662 = tpu.bitcast %mul3A_661 : vector<16xi32> -> vector<16xf32>
        %and3A_663 = arith.andi %get3A_658, %broadcast_in_dim3A_3 : vector<16xi32>
        %bitcast_convert_type3A_664 = tpu.bitcast %and3A_663 : vector<16xi32> -> vector<16xf32>
        %get3A_665 = arith.constant 1 : i32
        %get3A_666 = arith.index_cast %get3A_665 : i32 to index
        %get3A_667 = arith.index_cast %scan3A_283 : i32 to index
        %get3A_668 = arith.constant 208 : index
        %get3A_669 = tpu.vector_load %arg8[%get3A_666, %get3A_667, %get3A_668] {strides = array<i32>} : memref<4x16x1024xf32, #tpu.memory_space<vmem>>, vector<1x1x16xf32>,
        %get3A_670 = vector.shape_cast %get3A_669 : vector<1x1x16xf32> to vector<16xf32>
        %get3A_671 = arith.constant 1 : i32
        %get3A_672 = arith.index_cast %get3A_671 : i32 to index
        %get3A_673 = arith.index_cast %scan3A_283 : i32 to index
        %get3A_674 = arith.constant 720 : index
        %get3A_675 = tpu.vector_load %arg8[%get3A_672, %get3A_673, %get3A_674] {strides = array<i32>} : memref<4x16x1024xf32, #tpu.memory_space<vmem>>, vector<1x1x16xf32>,
        %get3A_676 = vector.shape_cast %get3A_675 : vector<1x1x16xf32> to vector<16xf32>
        %mul3A_677 = arith.mulf %bitcast_convert_type3A_662, %get3A_670 : vector<16xf32>
        %add3A_678 = arith.addf %add3A_566, %mul3A_677 : vector<16xf32>
        %mul3A_679 = arith.mulf %bitcast_convert_type3A_664, %get3A_676 : vector<16xf32>
        %add3A_680 = arith.addf %add3A_568, %mul3A_679 : vector<16xf32>
        %get3A_681 = arith.constant 1 : i32
        %get3A_682 = arith.index_cast %get3A_681 : i32 to index
        %get3A_683 = arith.index_cast %scan3A_283 : i32 to index
        %get3A_684 = arith.constant 224 : index
        %get3A_685 = tpu.vector_load %arg7[%get3A_682, %get3A_683, %get3A_684] {strides = array<i32>} : memref<4x16x512xi32, #tpu.memory_space<vmem>>, vector<1x1x16xi32>,
        %get3A_686 = vector.shape_cast %get3A_685 : vector<1x1x16xi32> to vector<16xi32>
        %mul3A_687 = arith.constant 65536 : i32
        %mul3A_688 = vector.broadcast %mul3A_687 : i32 to vector<16xi32>
        %mul3A_689 = arith.muli %get3A_686, %mul3A_688 : vector<16xi32>
        %bitcast_convert_type3A_690 = tpu.bitcast %mul3A_689 : vector<16xi32> -> vector<16xf32>
        %and3A_691 = arith.andi %get3A_686, %broadcast_in_dim3A_3 : vector<16xi32>
        %bitcast_convert_type3A_692 = tpu.bitcast %and3A_691 : vector<16xi32> -> vector<16xf32>
        %get3A_693 = arith.constant 1 : i32
        %get3A_694 = arith.index_cast %get3A_693 : i32 to index
        %get3A_695 = arith.index_cast %scan3A_283 : i32 to index
        %get3A_696 = arith.constant 224 : index
        %get3A_697 = tpu.vector_load %arg8[%get3A_694, %get3A_695, %get3A_696] {strides = array<i32>} : memref<4x16x1024xf32, #tpu.memory_space<vmem>>, vector<1x1x16xf32>,
        %get3A_698 = vector.shape_cast %get3A_697 : vector<1x1x16xf32> to vector<16xf32>
        %get3A_699 = arith.constant 1 : i32
        %get3A_700 = arith.index_cast %get3A_699 : i32 to index
        %get3A_701 = arith.index_cast %scan3A_283 : i32 to index
        %get3A_702 = arith.constant 736 : index
        %get3A_703 = tpu.vector_load %arg8[%get3A_700, %get3A_701, %get3A_702] {strides = array<i32>} : memref<4x16x1024xf32, #tpu.memory_space<vmem>>, vector<1x1x16xf32>,
        %get3A_704 = vector.shape_cast %get3A_703 : vector<1x1x16xf32> to vector<16xf32>
        %mul3A_705 = arith.mulf %bitcast_convert_type3A_690, %get3A_698 : vector<16xf32>
        %add3A_706 = arith.addf %add3A_594, %mul3A_705 : vector<16xf32>
        %mul3A_707 = arith.mulf %bitcast_convert_type3A_692, %get3A_704 : vector<16xf32>
        %add3A_708 = arith.addf %add3A_596, %mul3A_707 : vector<16xf32>
        %get3A_709 = arith.constant 1 : i32
        %get3A_710 = arith.index_cast %get3A_709 : i32 to index
        %get3A_711 = arith.index_cast %scan3A_283 : i32 to index
        %get3A_712 = arith.constant 240 : index
        %get3A_713 = tpu.vector_load %arg7[%get3A_710, %get3A_711, %get3A_712] {strides = array<i32>} : memref<4x16x512xi32, #tpu.memory_space<vmem>>, vector<1x1x16xi32>,
        %get3A_714 = vector.shape_cast %get3A_713 : vector<1x1x16xi32> to vector<16xi32>
        %mul3A_715 = arith.constant 65536 : i32
        %mul3A_716 = vector.broadcast %mul3A_715 : i32 to vector<16xi32>
        %mul3A_717 = arith.muli %get3A_714, %mul3A_716 : vector<16xi32>
        %bitcast_convert_type3A_718 = tpu.bitcast %mul3A_717 : vector<16xi32> -> vector<16xf32>
        %and3A_719 = arith.andi %get3A_714, %broadcast_in_dim3A_3 : vector<16xi32>
        %bitcast_convert_type3A_720 = tpu.bitcast %and3A_719 : vector<16xi32> -> vector<16xf32>
        %get3A_721 = arith.constant 1 : i32
        %get3A_722 = arith.index_cast %get3A_721 : i32 to index
        %get3A_723 = arith.index_cast %scan3A_283 : i32 to index
        %get3A_724 = arith.constant 240 : index
        %get3A_725 = tpu.vector_load %arg8[%get3A_722, %get3A_723, %get3A_724] {strides = array<i32>} : memref<4x16x1024xf32, #tpu.memory_space<vmem>>, vector<1x1x16xf32>,
        %get3A_726 = vector.shape_cast %get3A_725 : vector<1x1x16xf32> to vector<16xf32>
        %get3A_727 = arith.constant 1 : i32
        %get3A_728 = arith.index_cast %get3A_727 : i32 to index
        %get3A_729 = arith.index_cast %scan3A_283 : i32 to index
        %get3A_730 = arith.constant 752 : index
        %get3A_731 = tpu.vector_load %arg8[%get3A_728, %get3A_729, %get3A_730] {strides = array<i32>} : memref<4x16x1024xf32, #tpu.memory_space<vmem>>, vector<1x1x16xf32>,
        %get3A_732 = vector.shape_cast %get3A_731 : vector<1x1x16xf32> to vector<16xf32>
        %mul3A_733 = arith.mulf %bitcast_convert_type3A_718, %get3A_726 : vector<16xf32>
        %add3A_734 = arith.addf %add3A_622, %mul3A_733 : vector<16xf32>
        %mul3A_735 = arith.mulf %bitcast_convert_type3A_720, %get3A_732 : vector<16xf32>
        %add3A_736 = arith.addf %add3A_624, %mul3A_735 : vector<16xf32>
        %get3A_737 = arith.constant 1 : i32
        %get3A_738 = arith.index_cast %get3A_737 : i32 to index
        %get3A_739 = arith.index_cast %scan3A_283 : i32 to index
        %get3A_740 = arith.constant 256 : index
        %get3A_741 = tpu.vector_load %arg7[%get3A_738, %get3A_739, %get3A_740] {strides = array<i32>} : memref<4x16x512xi32, #tpu.memory_space<vmem>>, vector<1x1x16xi32>,
        %get3A_742 = vector.shape_cast %get3A_741 : vector<1x1x16xi32> to vector<16xi32>
        %mul3A_743 = arith.constant 65536 : i32
        %mul3A_744 = vector.broadcast %mul3A_743 : i32 to vector<16xi32>
        %mul3A_745 = arith.muli %get3A_742, %mul3A_744 : vector<16xi32>
        %bitcast_convert_type3A_746 = tpu.bitcast %mul3A_745 : vector<16xi32> -> vector<16xf32>
        %and3A_747 = arith.andi %get3A_742, %broadcast_in_dim3A_3 : vector<16xi32>
        %bitcast_convert_type3A_748 = tpu.bitcast %and3A_747 : vector<16xi32> -> vector<16xf32>
        %get3A_749 = arith.constant 1 : i32
        %get3A_750 = arith.index_cast %get3A_749 : i32 to index
        %get3A_751 = arith.index_cast %scan3A_283 : i32 to index
        %get3A_752 = arith.constant 256 : index
        %get3A_753 = tpu.vector_load %arg8[%get3A_750, %get3A_751, %get3A_752] {strides = array<i32>} : memref<4x16x1024xf32, #tpu.memory_space<vmem>>, vector<1x1x16xf32>,
        %get3A_754 = vector.shape_cast %get3A_753 : vector<1x1x16xf32> to vector<16xf32>
        %get3A_755 = arith.constant 1 : i32
        %get3A_756 = arith.index_cast %get3A_755 : i32 to index
        %get3A_757 = arith.index_cast %scan3A_283 : i32 to index
        %get3A_758 = arith.constant 768 : index
        %get3A_759 = tpu.vector_load %arg8[%get3A_756, %get3A_757, %get3A_758] {strides = array<i32>} : memref<4x16x1024xf32, #tpu.memory_space<vmem>>, vector<1x1x16xf32>,
        %get3A_760 = vector.shape_cast %get3A_759 : vector<1x1x16xf32> to vector<16xf32>
        %mul3A_761 = arith.mulf %bitcast_convert_type3A_746, %get3A_754 : vector<16xf32>
        %add3A_762 = arith.addf %add3A_650, %mul3A_761 : vector<16xf32>
        %mul3A_763 = arith.mulf %bitcast_convert_type3A_748, %get3A_760 : vector<16xf32>
        %add3A_764 = arith.addf %add3A_652, %mul3A_763 : vector<16xf32>
        %get3A_765 = arith.constant 1 : i32
        %get3A_766 = arith.index_cast %get3A_765 : i32 to index
        %get3A_767 = arith.index_cast %scan3A_283 : i32 to index
        %get3A_768 = arith.constant 272 : index
        %get3A_769 = tpu.vector_load %arg7[%get3A_766, %get3A_767, %get3A_768] {strides = array<i32>} : memref<4x16x512xi32, #tpu.memory_space<vmem>>, vector<1x1x16xi32>,
        %get3A_770 = vector.shape_cast %get3A_769 : vector<1x1x16xi32> to vector<16xi32>
        %mul3A_771 = arith.constant 65536 : i32
        %mul3A_772 = vector.broadcast %mul3A_771 : i32 to vector<16xi32>
        %mul3A_773 = arith.muli %get3A_770, %mul3A_772 : vector<16xi32>
        %bitcast_convert_type3A_774 = tpu.bitcast %mul3A_773 : vector<16xi32> -> vector<16xf32>
        %and3A_775 = arith.andi %get3A_770, %broadcast_in_dim3A_3 : vector<16xi32>
        %bitcast_convert_type3A_776 = tpu.bitcast %and3A_775 : vector<16xi32> -> vector<16xf32>
        %get3A_777 = arith.constant 1 : i32
        %get3A_778 = arith.index_cast %get3A_777 : i32 to index
        %get3A_779 = arith.index_cast %scan3A_283 : i32 to index
        %get3A_780 = arith.constant 272 : index
        %get3A_781 = tpu.vector_load %arg8[%get3A_778, %get3A_779, %get3A_780] {strides = array<i32>} : memref<4x16x1024xf32, #tpu.memory_space<vmem>>, vector<1x1x16xf32>,
        %get3A_782 = vector.shape_cast %get3A_781 : vector<1x1x16xf32> to vector<16xf32>
        %get3A_783 = arith.constant 1 : i32
        %get3A_784 = arith.index_cast %get3A_783 : i32 to index
        %get3A_785 = arith.index_cast %scan3A_283 : i32 to index
        %get3A_786 = arith.constant 784 : index
        %get3A_787 = tpu.vector_load %arg8[%get3A_784, %get3A_785, %get3A_786] {strides = array<i32>} : memref<4x16x1024xf32, #tpu.memory_space<vmem>>, vector<1x1x16xf32>,
        %get3A_788 = vector.shape_cast %get3A_787 : vector<1x1x16xf32> to vector<16xf32>
        %mul3A_789 = arith.mulf %bitcast_convert_type3A_774, %get3A_782 : vector<16xf32>
        %add3A_790 = arith.addf %add3A_678, %mul3A_789 : vector<16xf32>
        %mul3A_791 = arith.mulf %bitcast_convert_type3A_776, %get3A_788 : vector<16xf32>
        %add3A_792 = arith.addf %add3A_680, %mul3A_791 : vector<16xf32>
        %get3A_793 = arith.constant 1 : i32
        %get3A_794 = arith.index_cast %get3A_793 : i32 to index
        %get3A_795 = arith.index_cast %scan3A_283 : i32 to index
        %get3A_796 = arith.constant 288 : index
        %get3A_797 = tpu.vector_load %arg7[%get3A_794, %get3A_795, %get3A_796] {strides = array<i32>} : memref<4x16x512xi32, #tpu.memory_space<vmem>>, vector<1x1x16xi32>,
        %get3A_798 = vector.shape_cast %get3A_797 : vector<1x1x16xi32> to vector<16xi32>
        %mul3A_799 = arith.constant 65536 : i32
        %mul3A_800 = vector.broadcast %mul3A_799 : i32 to vector<16xi32>
        %mul3A_801 = arith.muli %get3A_798, %mul3A_800 : vector<16xi32>
        %bitcast_convert_type3A_802 = tpu.bitcast %mul3A_801 : vector<16xi32> -> vector<16xf32>
        %and3A_803 = arith.andi %get3A_798, %broadcast_in_dim3A_3 : vector<16xi32>
        %bitcast_convert_type3A_804 = tpu.bitcast %and3A_803 : vector<16xi32> -> vector<16xf32>
        %get3A_805 = arith.constant 1 : i32
        %get3A_806 = arith.index_cast %get3A_805 : i32 to index
        %get3A_807 = arith.index_cast %scan3A_283 : i32 to index
        %get3A_808 = arith.constant 288 : index
        %get3A_809 = tpu.vector_load %arg8[%get3A_806, %get3A_807, %get3A_808] {strides = array<i32>} : memref<4x16x1024xf32, #tpu.memory_space<vmem>>, vector<1x1x16xf32>,
        %get3A_810 = vector.shape_cast %get3A_809 : vector<1x1x16xf32> to vector<16xf32>
        %get3A_811 = arith.constant 1 : i32
        %get3A_812 = arith.index_cast %get3A_811 : i32 to index
        %get3A_813 = arith.index_cast %scan3A_283 : i32 to index
        %get3A_814 = arith.constant 800 : index
        %get3A_815 = tpu.vector_load %arg8[%get3A_812, %get3A_813, %get3A_814] {strides = array<i32>} : memref<4x16x1024xf32, #tpu.memory_space<vmem>>, vector<1x1x16xf32>,
        %get3A_816 = vector.shape_cast %get3A_815 : vector<1x1x16xf32> to vector<16xf32>
        %mul3A_817 = arith.mulf %bitcast_convert_type3A_802, %get3A_810 : vector<16xf32>
        %add3A_818 = arith.addf %add3A_706, %mul3A_817 : vector<16xf32>
        %mul3A_819 = arith.mulf %bitcast_convert_type3A_804, %get3A_816 : vector<16xf32>
        %add3A_820 = arith.addf %add3A_708, %mul3A_819 : vector<16xf32>
        %get3A_821 = arith.constant 1 : i32
        %get3A_822 = arith.index_cast %get3A_821 : i32 to index
        %get3A_823 = arith.index_cast %scan3A_283 : i32 to index
        %get3A_824 = arith.constant 304 : index
        %get3A_825 = tpu.vector_load %arg7[%get3A_822, %get3A_823, %get3A_824] {strides = array<i32>} : memref<4x16x512xi32, #tpu.memory_space<vmem>>, vector<1x1x16xi32>,
        %get3A_826 = vector.shape_cast %get3A_825 : vector<1x1x16xi32> to vector<16xi32>
        %mul3A_827 = arith.constant 65536 : i32
        %mul3A_828 = vector.broadcast %mul3A_827 : i32 to vector<16xi32>
        %mul3A_829 = arith.muli %get3A_826, %mul3A_828 : vector<16xi32>
        %bitcast_convert_type3A_830 = tpu.bitcast %mul3A_829 : vector<16xi32> -> vector<16xf32>
        %and3A_831 = arith.andi %get3A_826, %broadcast_in_dim3A_3 : vector<16xi32>
        %bitcast_convert_type3A_832 = tpu.bitcast %and3A_831 : vector<16xi32> -> vector<16xf32>
        %get3A_833 = arith.constant 1 : i32
        %get3A_834 = arith.index_cast %get3A_833 : i32 to index
        %get3A_835 = arith.index_cast %scan3A_283 : i32 to index
        %get3A_836 = arith.constant 304 : index
        %get3A_837 = tpu.vector_load %arg8[%get3A_834, %get3A_835, %get3A_836] {strides = array<i32>} : memref<4x16x1024xf32, #tpu.memory_space<vmem>>, vector<1x1x16xf32>,
        %get3A_838 = vector.shape_cast %get3A_837 : vector<1x1x16xf32> to vector<16xf32>
        %get3A_839 = arith.constant 1 : i32
        %get3A_840 = arith.index_cast %get3A_839 : i32 to index
        %get3A_841 = arith.index_cast %scan3A_283 : i32 to index
        %get3A_842 = arith.constant 816 : index
        %get3A_843 = tpu.vector_load %arg8[%get3A_840, %get3A_841, %get3A_842] {strides = array<i32>} : memref<4x16x1024xf32, #tpu.memory_space<vmem>>, vector<1x1x16xf32>,
        %get3A_844 = vector.shape_cast %get3A_843 : vector<1x1x16xf32> to vector<16xf32>
        %mul3A_845 = arith.mulf %bitcast_convert_type3A_830, %get3A_838 : vector<16xf32>
        %add3A_846 = arith.addf %add3A_734, %mul3A_845 : vector<16xf32>
        %mul3A_847 = arith.mulf %bitcast_convert_type3A_832, %get3A_844 : vector<16xf32>
        %add3A_848 = arith.addf %add3A_736, %mul3A_847 : vector<16xf32>
        %get3A_849 = arith.constant 1 : i32
        %get3A_850 = arith.index_cast %get3A_849 : i32 to index
        %get3A_851 = arith.index_cast %scan3A_283 : i32 to index
        %get3A_852 = arith.constant 320 : index
        %get3A_853 = tpu.vector_load %arg7[%get3A_850, %get3A_851, %get3A_852] {strides = array<i32>} : memref<4x16x512xi32, #tpu.memory_space<vmem>>, vector<1x1x16xi32>,
        %get3A_854 = vector.shape_cast %get3A_853 : vector<1x1x16xi32> to vector<16xi32>
        %mul3A_855 = arith.constant 65536 : i32
        %mul3A_856 = vector.broadcast %mul3A_855 : i32 to vector<16xi32>
        %mul3A_857 = arith.muli %get3A_854, %mul3A_856 : vector<16xi32>
        %bitcast_convert_type3A_858 = tpu.bitcast %mul3A_857 : vector<16xi32> -> vector<16xf32>
        %and3A_859 = arith.andi %get3A_854, %broadcast_in_dim3A_3 : vector<16xi32>
        %bitcast_convert_type3A_860 = tpu.bitcast %and3A_859 : vector<16xi32> -> vector<16xf32>
        %get3A_861 = arith.constant 1 : i32
        %get3A_862 = arith.index_cast %get3A_861 : i32 to index
        %get3A_863 = arith.index_cast %scan3A_283 : i32 to index
        %get3A_864 = arith.constant 320 : index
        %get3A_865 = tpu.vector_load %arg8[%get3A_862, %get3A_863, %get3A_864] {strides = array<i32>} : memref<4x16x1024xf32, #tpu.memory_space<vmem>>, vector<1x1x16xf32>,
        %get3A_866 = vector.shape_cast %get3A_865 : vector<1x1x16xf32> to vector<16xf32>
        %get3A_867 = arith.constant 1 : i32
        %get3A_868 = arith.index_cast %get3A_867 : i32 to index
        %get3A_869 = arith.index_cast %scan3A_283 : i32 to index
        %get3A_870 = arith.constant 832 : index
        %get3A_871 = tpu.vector_load %arg8[%get3A_868, %get3A_869, %get3A_870] {strides = array<i32>} : memref<4x16x1024xf32, #tpu.memory_space<vmem>>, vector<1x1x16xf32>,
        %get3A_872 = vector.shape_cast %get3A_871 : vector<1x1x16xf32> to vector<16xf32>
        %mul3A_873 = arith.mulf %bitcast_convert_type3A_858, %get3A_866 : vector<16xf32>
        %add3A_874 = arith.addf %add3A_762, %mul3A_873 : vector<16xf32>
        %mul3A_875 = arith.mulf %bitcast_convert_type3A_860, %get3A_872 : vector<16xf32>
        %add3A_876 = arith.addf %add3A_764, %mul3A_875 : vector<16xf32>
        %get3A_877 = arith.constant 1 : i32
        %get3A_878 = arith.index_cast %get3A_877 : i32 to index
        %get3A_879 = arith.index_cast %scan3A_283 : i32 to index
        %get3A_880 = arith.constant 336 : index
        %get3A_881 = tpu.vector_load %arg7[%get3A_878, %get3A_879, %get3A_880] {strides = array<i32>} : memref<4x16x512xi32, #tpu.memory_space<vmem>>, vector<1x1x16xi32>,
        %get3A_882 = vector.shape_cast %get3A_881 : vector<1x1x16xi32> to vector<16xi32>
        %mul3A_883 = arith.constant 65536 : i32
        %mul3A_884 = vector.broadcast %mul3A_883 : i32 to vector<16xi32>
        %mul3A_885 = arith.muli %get3A_882, %mul3A_884 : vector<16xi32>
        %bitcast_convert_type3A_886 = tpu.bitcast %mul3A_885 : vector<16xi32> -> vector<16xf32>
        %and3A_887 = arith.andi %get3A_882, %broadcast_in_dim3A_3 : vector<16xi32>
        %bitcast_convert_type3A_888 = tpu.bitcast %and3A_887 : vector<16xi32> -> vector<16xf32>
        %get3A_889 = arith.constant 1 : i32
        %get3A_890 = arith.index_cast %get3A_889 : i32 to index
        %get3A_891 = arith.index_cast %scan3A_283 : i32 to index
        %get3A_892 = arith.constant 336 : index
        %get3A_893 = tpu.vector_load %arg8[%get3A_890, %get3A_891, %get3A_892] {strides = array<i32>} : memref<4x16x1024xf32, #tpu.memory_space<vmem>>, vector<1x1x16xf32>,
        %get3A_894 = vector.shape_cast %get3A_893 : vector<1x1x16xf32> to vector<16xf32>
        %get3A_895 = arith.constant 1 : i32
        %get3A_896 = arith.index_cast %get3A_895 : i32 to index
        %get3A_897 = arith.index_cast %scan3A_283 : i32 to index
        %get3A_898 = arith.constant 848 : index
        %get3A_899 = tpu.vector_load %arg8[%get3A_896, %get3A_897, %get3A_898] {strides = array<i32>} : memref<4x16x1024xf32, #tpu.memory_space<vmem>>, vector<1x1x16xf32>,
        %get3A_900 = vector.shape_cast %get3A_899 : vector<1x1x16xf32> to vector<16xf32>
        %mul3A_901 = arith.mulf %bitcast_convert_type3A_886, %get3A_894 : vector<16xf32>
        %add3A_902 = arith.addf %add3A_790, %mul3A_901 : vector<16xf32>
        %mul3A_903 = arith.mulf %bitcast_convert_type3A_888, %get3A_900 : vector<16xf32>
        %add3A_904 = arith.addf %add3A_792, %mul3A_903 : vector<16xf32>
        %get3A_905 = arith.constant 1 : i32
        %get3A_906 = arith.index_cast %get3A_905 : i32 to index
        %get3A_907 = arith.index_cast %scan3A_283 : i32 to index
        %get3A_908 = arith.constant 352 : index
        %get3A_909 = tpu.vector_load %arg7[%get3A_906, %get3A_907, %get3A_908] {strides = array<i32>} : memref<4x16x512xi32, #tpu.memory_space<vmem>>, vector<1x1x16xi32>,
        %get3A_910 = vector.shape_cast %get3A_909 : vector<1x1x16xi32> to vector<16xi32>
        %mul3A_911 = arith.constant 65536 : i32
        %mul3A_912 = vector.broadcast %mul3A_911 : i32 to vector<16xi32>
        %mul3A_913 = arith.muli %get3A_910, %mul3A_912 : vector<16xi32>
        %bitcast_convert_type3A_914 = tpu.bitcast %mul3A_913 : vector<16xi32> -> vector<16xf32>
        %and3A_915 = arith.andi %get3A_910, %broadcast_in_dim3A_3 : vector<16xi32>
        %bitcast_convert_type3A_916 = tpu.bitcast %and3A_915 : vector<16xi32> -> vector<16xf32>
        %get3A_917 = arith.constant 1 : i32
        %get3A_918 = arith.index_cast %get3A_917 : i32 to index
        %get3A_919 = arith.index_cast %scan3A_283 : i32 to index
        %get3A_920 = arith.constant 352 : index
        %get3A_921 = tpu.vector_load %arg8[%get3A_918, %get3A_919, %get3A_920] {strides = array<i32>} : memref<4x16x1024xf32, #tpu.memory_space<vmem>>, vector<1x1x16xf32>,
        %get3A_922 = vector.shape_cast %get3A_921 : vector<1x1x16xf32> to vector<16xf32>
        %get3A_923 = arith.constant 1 : i32
        %get3A_924 = arith.index_cast %get3A_923 : i32 to index
        %get3A_925 = arith.index_cast %scan3A_283 : i32 to index
        %get3A_926 = arith.constant 864 : index
        %get3A_927 = tpu.vector_load %arg8[%get3A_924, %get3A_925, %get3A_926] {strides = array<i32>} : memref<4x16x1024xf32, #tpu.memory_space<vmem>>, vector<1x1x16xf32>,
        %get3A_928 = vector.shape_cast %get3A_927 : vector<1x1x16xf32> to vector<16xf32>
        %mul3A_929 = arith.mulf %bitcast_convert_type3A_914, %get3A_922 : vector<16xf32>
        %add3A_930 = arith.addf %add3A_818, %mul3A_929 : vector<16xf32>
        %mul3A_931 = arith.mulf %bitcast_convert_type3A_916, %get3A_928 : vector<16xf32>
        %add3A_932 = arith.addf %add3A_820, %mul3A_931 : vector<16xf32>
        %get3A_933 = arith.constant 1 : i32
        %get3A_934 = arith.index_cast %get3A_933 : i32 to index
        %get3A_935 = arith.index_cast %scan3A_283 : i32 to index
        %get3A_936 = arith.constant 368 : index
        %get3A_937 = tpu.vector_load %arg7[%get3A_934, %get3A_935, %get3A_936] {strides = array<i32>} : memref<4x16x512xi32, #tpu.memory_space<vmem>>, vector<1x1x16xi32>,
        %get3A_938 = vector.shape_cast %get3A_937 : vector<1x1x16xi32> to vector<16xi32>
        %mul3A_939 = arith.constant 65536 : i32
        %mul3A_940 = vector.broadcast %mul3A_939 : i32 to vector<16xi32>
        %mul3A_941 = arith.muli %get3A_938, %mul3A_940 : vector<16xi32>
        %bitcast_convert_type3A_942 = tpu.bitcast %mul3A_941 : vector<16xi32> -> vector<16xf32>
        %and3A_943 = arith.andi %get3A_938, %broadcast_in_dim3A_3 : vector<16xi32>
        %bitcast_convert_type3A_944 = tpu.bitcast %and3A_943 : vector<16xi32> -> vector<16xf32>
        %get3A_945 = arith.constant 1 : i32
        %get3A_946 = arith.index_cast %get3A_945 : i32 to index
        %get3A_947 = arith.index_cast %scan3A_283 : i32 to index
        %get3A_948 = arith.constant 368 : index
        %get3A_949 = tpu.vector_load %arg8[%get3A_946, %get3A_947, %get3A_948] {strides = array<i32>} : memref<4x16x1024xf32, #tpu.memory_space<vmem>>, vector<1x1x16xf32>,
        %get3A_950 = vector.shape_cast %get3A_949 : vector<1x1x16xf32> to vector<16xf32>
        %get3A_951 = arith.constant 1 : i32
        %get3A_952 = arith.index_cast %get3A_951 : i32 to index
        %get3A_953 = arith.index_cast %scan3A_283 : i32 to index
        %get3A_954 = arith.constant 880 : index
        %get3A_955 = tpu.vector_load %arg8[%get3A_952, %get3A_953, %get3A_954] {strides = array<i32>} : memref<4x16x1024xf32, #tpu.memory_space<vmem>>, vector<1x1x16xf32>,
        %get3A_956 = vector.shape_cast %get3A_955 : vector<1x1x16xf32> to vector<16xf32>
        %mul3A_957 = arith.mulf %bitcast_convert_type3A_942, %get3A_950 : vector<16xf32>
        %add3A_958 = arith.addf %add3A_846, %mul3A_957 : vector<16xf32>
        %mul3A_959 = arith.mulf %bitcast_convert_type3A_944, %get3A_956 : vector<16xf32>
        %add3A_960 = arith.addf %add3A_848, %mul3A_959 : vector<16xf32>
        %get3A_961 = arith.constant 1 : i32
        %get3A_962 = arith.index_cast %get3A_961 : i32 to index
        %get3A_963 = arith.index_cast %scan3A_283 : i32 to index
        %get3A_964 = arith.constant 384 : index
        %get3A_965 = tpu.vector_load %arg7[%get3A_962, %get3A_963, %get3A_964] {strides = array<i32>} : memref<4x16x512xi32, #tpu.memory_space<vmem>>, vector<1x1x16xi32>,
        %get3A_966 = vector.shape_cast %get3A_965 : vector<1x1x16xi32> to vector<16xi32>
        %mul3A_967 = arith.constant 65536 : i32
        %mul3A_968 = vector.broadcast %mul3A_967 : i32 to vector<16xi32>
        %mul3A_969 = arith.muli %get3A_966, %mul3A_968 : vector<16xi32>
        %bitcast_convert_type3A_970 = tpu.bitcast %mul3A_969 : vector<16xi32> -> vector<16xf32>
        %and3A_971 = arith.andi %get3A_966, %broadcast_in_dim3A_3 : vector<16xi32>
        %bitcast_convert_type3A_972 = tpu.bitcast %and3A_971 : vector<16xi32> -> vector<16xf32>
        %get3A_973 = arith.constant 1 : i32
        %get3A_974 = arith.index_cast %get3A_973 : i32 to index
        %get3A_975 = arith.index_cast %scan3A_283 : i32 to index
        %get3A_976 = arith.constant 384 : index
        %get3A_977 = tpu.vector_load %arg8[%get3A_974, %get3A_975, %get3A_976] {strides = array<i32>} : memref<4x16x1024xf32, #tpu.memory_space<vmem>>, vector<1x1x16xf32>,
        %get3A_978 = vector.shape_cast %get3A_977 : vector<1x1x16xf32> to vector<16xf32>
        %get3A_979 = arith.constant 1 : i32
        %get3A_980 = arith.index_cast %get3A_979 : i32 to index
        %get3A_981 = arith.index_cast %scan3A_283 : i32 to index
        %get3A_982 = arith.constant 896 : index
        %get3A_983 = tpu.vector_load %arg8[%get3A_980, %get3A_981, %get3A_982] {strides = array<i32>} : memref<4x16x1024xf32, #tpu.memory_space<vmem>>, vector<1x1x16xf32>,
        %get3A_984 = vector.shape_cast %get3A_983 : vector<1x1x16xf32> to vector<16xf32>
        %mul3A_985 = arith.mulf %bitcast_convert_type3A_970, %get3A_978 : vector<16xf32>
        %add3A_986 = arith.addf %add3A_874, %mul3A_985 : vector<16xf32>
        %mul3A_987 = arith.mulf %bitcast_convert_type3A_972, %get3A_984 : vector<16xf32>
        %add3A_988 = arith.addf %add3A_876, %mul3A_987 : vector<16xf32>
        %get3A_989 = arith.constant 1 : i32
        %get3A_990 = arith.index_cast %get3A_989 : i32 to index
        %get3A_991 = arith.index_cast %scan3A_283 : i32 to index
        %get3A_992 = arith.constant 400 : index
        %get3A_993 = tpu.vector_load %arg7[%get3A_990, %get3A_991, %get3A_992] {strides = array<i32>} : memref<4x16x512xi32, #tpu.memory_space<vmem>>, vector<1x1x16xi32>,
        %get3A_994 = vector.shape_cast %get3A_993 : vector<1x1x16xi32> to vector<16xi32>
        %mul3A_995 = arith.constant 65536 : i32
        %mul3A_996 = vector.broadcast %mul3A_995 : i32 to vector<16xi32>
        %mul3A_997 = arith.muli %get3A_994, %mul3A_996 : vector<16xi32>
        %bitcast_convert_type3A_998 = tpu.bitcast %mul3A_997 : vector<16xi32> -> vector<16xf32>
        %and3A_999 = arith.andi %get3A_994, %broadcast_in_dim3A_3 : vector<16xi32>
        %bitcast_convert_type3A_1000 = tpu.bitcast %and3A_999 : vector<16xi32> -> vector<16xf32>
        %get3A_1001 = arith.constant 1 : i32
        %get3A_1002 = arith.index_cast %get3A_1001 : i32 to index
        %get3A_1003 = arith.index_cast %scan3A_283 : i32 to index
        %get3A_1004 = arith.constant 400 : index
        %get3A_1005 = tpu.vector_load %arg8[%get3A_1002, %get3A_1003, %get3A_1004] {strides = array<i32>} : memref<4x16x1024xf32, #tpu.memory_space<vmem>>, vector<1x1x16xf32>,
        %get3A_1006 = vector.shape_cast %get3A_1005 : vector<1x1x16xf32> to vector<16xf32>
        %get3A_1007 = arith.constant 1 : i32
        %get3A_1008 = arith.index_cast %get3A_1007 : i32 to index
        %get3A_1009 = arith.index_cast %scan3A_283 : i32 to index
        %get3A_1010 = arith.constant 912 : index
        %get3A_1011 = tpu.vector_load %arg8[%get3A_1008, %get3A_1009, %get3A_1010] {strides = array<i32>} : memref<4x16x1024xf32, #tpu.memory_space<vmem>>, vector<1x1x16xf32>,
        %get3A_1012 = vector.shape_cast %get3A_1011 : vector<1x1x16xf32> to vector<16xf32>
        %mul3A_1013 = arith.mulf %bitcast_convert_type3A_998, %get3A_1006 : vector<16xf32>
        %add3A_1014 = arith.addf %add3A_902, %mul3A_1013 : vector<16xf32>
        %mul3A_1015 = arith.mulf %bitcast_convert_type3A_1000, %get3A_1012 : vector<16xf32>
        %add3A_1016 = arith.addf %add3A_904, %mul3A_1015 : vector<16xf32>
        %get3A_1017 = arith.constant 1 : i32
        %get3A_1018 = arith.index_cast %get3A_1017 : i32 to index
        %get3A_1019 = arith.index_cast %scan3A_283 : i32 to index
        %get3A_1020 = arith.constant 416 : index
        %get3A_1021 = tpu.vector_load %arg7[%get3A_1018, %get3A_1019, %get3A_1020] {strides = array<i32>} : memref<4x16x512xi32, #tpu.memory_space<vmem>>, vector<1x1x16xi32>,
        %get3A_1022 = vector.shape_cast %get3A_1021 : vector<1x1x16xi32> to vector<16xi32>
        %mul3A_1023 = arith.constant 65536 : i32
        %mul3A_1024 = vector.broadcast %mul3A_1023 : i32 to vector<16xi32>
        %mul3A_1025 = arith.muli %get3A_1022, %mul3A_1024 : vector<16xi32>
        %bitcast_convert_type3A_1026 = tpu.bitcast %mul3A_1025 : vector<16xi32> -> vector<16xf32>
        %and3A_1027 = arith.andi %get3A_1022, %broadcast_in_dim3A_3 : vector<16xi32>
        %bitcast_convert_type3A_1028 = tpu.bitcast %and3A_1027 : vector<16xi32> -> vector<16xf32>
        %get3A_1029 = arith.constant 1 : i32
        %get3A_1030 = arith.index_cast %get3A_1029 : i32 to index
        %get3A_1031 = arith.index_cast %scan3A_283 : i32 to index
        %get3A_1032 = arith.constant 416 : index
        %get3A_1033 = tpu.vector_load %arg8[%get3A_1030, %get3A_1031, %get3A_1032] {strides = array<i32>} : memref<4x16x1024xf32, #tpu.memory_space<vmem>>, vector<1x1x16xf32>,
        %get3A_1034 = vector.shape_cast %get3A_1033 : vector<1x1x16xf32> to vector<16xf32>
        %get3A_1035 = arith.constant 1 : i32
        %get3A_1036 = arith.index_cast %get3A_1035 : i32 to index
        %get3A_1037 = arith.index_cast %scan3A_283 : i32 to index
        %get3A_1038 = arith.constant 928 : index
        %get3A_1039 = tpu.vector_load %arg8[%get3A_1036, %get3A_1037, %get3A_1038] {strides = array<i32>} : memref<4x16x1024xf32, #tpu.memory_space<vmem>>, vector<1x1x16xf32>,
        %get3A_1040 = vector.shape_cast %get3A_1039 : vector<1x1x16xf32> to vector<16xf32>
        %mul3A_1041 = arith.mulf %bitcast_convert_type3A_1026, %get3A_1034 : vector<16xf32>
        %add3A_1042 = arith.addf %add3A_930, %mul3A_1041 : vector<16xf32>
        %mul3A_1043 = arith.mulf %bitcast_convert_type3A_1028, %get3A_1040 : vector<16xf32>
        %add3A_1044 = arith.addf %add3A_932, %mul3A_1043 : vector<16xf32>
        %get3A_1045 = arith.constant 1 : i32
        %get3A_1046 = arith.index_cast %get3A_1045 : i32 to index
        %get3A_1047 = arith.index_cast %scan3A_283 : i32 to index
        %get3A_1048 = arith.constant 432 : index
        %get3A_1049 = tpu.vector_load %arg7[%get3A_1046, %get3A_1047, %get3A_1048] {strides = array<i32>} : memref<4x16x512xi32, #tpu.memory_space<vmem>>, vector<1x1x16xi32>,
        %get3A_1050 = vector.shape_cast %get3A_1049 : vector<1x1x16xi32> to vector<16xi32>
        %mul3A_1051 = arith.constant 65536 : i32
        %mul3A_1052 = vector.broadcast %mul3A_1051 : i32 to vector<16xi32>
        %mul3A_1053 = arith.muli %get3A_1050, %mul3A_1052 : vector<16xi32>
        %bitcast_convert_type3A_1054 = tpu.bitcast %mul3A_1053 : vector<16xi32> -> vector<16xf32>
        %and3A_1055 = arith.andi %get3A_1050, %broadcast_in_dim3A_3 : vector<16xi32>
        %bitcast_convert_type3A_1056 = tpu.bitcast %and3A_1055 : vector<16xi32> -> vector<16xf32>
        %get3A_1057 = arith.constant 1 : i32
        %get3A_1058 = arith.index_cast %get3A_1057 : i32 to index
        %get3A_1059 = arith.index_cast %scan3A_283 : i32 to index
        %get3A_1060 = arith.constant 432 : index
        %get3A_1061 = tpu.vector_load %arg8[%get3A_1058, %get3A_1059, %get3A_1060] {strides = array<i32>} : memref<4x16x1024xf32, #tpu.memory_space<vmem>>, vector<1x1x16xf32>,
        %get3A_1062 = vector.shape_cast %get3A_1061 : vector<1x1x16xf32> to vector<16xf32>
        %get3A_1063 = arith.constant 1 : i32
        %get3A_1064 = arith.index_cast %get3A_1063 : i32 to index
        %get3A_1065 = arith.index_cast %scan3A_283 : i32 to index
        %get3A_1066 = arith.constant 944 : index
        %get3A_1067 = tpu.vector_load %arg8[%get3A_1064, %get3A_1065, %get3A_1066] {strides = array<i32>} : memref<4x16x1024xf32, #tpu.memory_space<vmem>>, vector<1x1x16xf32>,
        %get3A_1068 = vector.shape_cast %get3A_1067 : vector<1x1x16xf32> to vector<16xf32>
        %mul3A_1069 = arith.mulf %bitcast_convert_type3A_1054, %get3A_1062 : vector<16xf32>
        %add3A_1070 = arith.addf %add3A_958, %mul3A_1069 : vector<16xf32>
        %mul3A_1071 = arith.mulf %bitcast_convert_type3A_1056, %get3A_1068 : vector<16xf32>
        %add3A_1072 = arith.addf %add3A_960, %mul3A_1071 : vector<16xf32>
        %get3A_1073 = arith.constant 1 : i32
        %get3A_1074 = arith.index_cast %get3A_1073 : i32 to index
        %get3A_1075 = arith.index_cast %scan3A_283 : i32 to index
        %get3A_1076 = arith.constant 448 : index
        %get3A_1077 = tpu.vector_load %arg7[%get3A_1074, %get3A_1075, %get3A_1076] {strides = array<i32>} : memref<4x16x512xi32, #tpu.memory_space<vmem>>, vector<1x1x16xi32>,
        %get3A_1078 = vector.shape_cast %get3A_1077 : vector<1x1x16xi32> to vector<16xi32>
        %mul3A_1079 = arith.constant 65536 : i32
        %mul3A_1080 = vector.broadcast %mul3A_1079 : i32 to vector<16xi32>
        %mul3A_1081 = arith.muli %get3A_1078, %mul3A_1080 : vector<16xi32>
        %bitcast_convert_type3A_1082 = tpu.bitcast %mul3A_1081 : vector<16xi32> -> vector<16xf32>
        %and3A_1083 = arith.andi %get3A_1078, %broadcast_in_dim3A_3 : vector<16xi32>
        %bitcast_convert_type3A_1084 = tpu.bitcast %and3A_1083 : vector<16xi32> -> vector<16xf32>
        %get3A_1085 = arith.constant 1 : i32
        %get3A_1086 = arith.index_cast %get3A_1085 : i32 to index
        %get3A_1087 = arith.index_cast %scan3A_283 : i32 to index
        %get3A_1088 = arith.constant 448 : index
        %get3A_1089 = tpu.vector_load %arg8[%get3A_1086, %get3A_1087, %get3A_1088] {strides = array<i32>} : memref<4x16x1024xf32, #tpu.memory_space<vmem>>, vector<1x1x16xf32>,
        %get3A_1090 = vector.shape_cast %get3A_1089 : vector<1x1x16xf32> to vector<16xf32>
        %get3A_1091 = arith.constant 1 : i32
        %get3A_1092 = arith.index_cast %get3A_1091 : i32 to index
        %get3A_1093 = arith.index_cast %scan3A_283 : i32 to index
        %get3A_1094 = arith.constant 960 : index
        %get3A_1095 = tpu.vector_load %arg8[%get3A_1092, %get3A_1093, %get3A_1094] {strides = array<i32>} : memref<4x16x1024xf32, #tpu.memory_space<vmem>>, vector<1x1x16xf32>,
        %get3A_1096 = vector.shape_cast %get3A_1095 : vector<1x1x16xf32> to vector<16xf32>
        %mul3A_1097 = arith.mulf %bitcast_convert_type3A_1082, %get3A_1090 : vector<16xf32>
        %add3A_1098 = arith.addf %add3A_986, %mul3A_1097 : vector<16xf32>
        %mul3A_1099 = arith.mulf %bitcast_convert_type3A_1084, %get3A_1096 : vector<16xf32>
        %add3A_1100 = arith.addf %add3A_988, %mul3A_1099 : vector<16xf32>
        %get3A_1101 = arith.constant 1 : i32
        %get3A_1102 = arith.index_cast %get3A_1101 : i32 to index
        %get3A_1103 = arith.index_cast %scan3A_283 : i32 to index
        %get3A_1104 = arith.constant 464 : index
        %get3A_1105 = tpu.vector_load %arg7[%get3A_1102, %get3A_1103, %get3A_1104] {strides = array<i32>} : memref<4x16x512xi32, #tpu.memory_space<vmem>>, vector<1x1x16xi32>,
        %get3A_1106 = vector.shape_cast %get3A_1105 : vector<1x1x16xi32> to vector<16xi32>
        %mul3A_1107 = arith.constant 65536 : i32
        %mul3A_1108 = vector.broadcast %mul3A_1107 : i32 to vector<16xi32>
        %mul3A_1109 = arith.muli %get3A_1106, %mul3A_1108 : vector<16xi32>
        %bitcast_convert_type3A_1110 = tpu.bitcast %mul3A_1109 : vector<16xi32> -> vector<16xf32>
        %and3A_1111 = arith.andi %get3A_1106, %broadcast_in_dim3A_3 : vector<16xi32>
        %bitcast_convert_type3A_1112 = tpu.bitcast %and3A_1111 : vector<16xi32> -> vector<16xf32>
        %get3A_1113 = arith.constant 1 : i32
        %get3A_1114 = arith.index_cast %get3A_1113 : i32 to index
        %get3A_1115 = arith.index_cast %scan3A_283 : i32 to index
        %get3A_1116 = arith.constant 464 : index
        %get3A_1117 = tpu.vector_load %arg8[%get3A_1114, %get3A_1115, %get3A_1116] {strides = array<i32>} : memref<4x16x1024xf32, #tpu.memory_space<vmem>>, vector<1x1x16xf32>,
        %get3A_1118 = vector.shape_cast %get3A_1117 : vector<1x1x16xf32> to vector<16xf32>
        %get3A_1119 = arith.constant 1 : i32
        %get3A_1120 = arith.index_cast %get3A_1119 : i32 to index
        %get3A_1121 = arith.index_cast %scan3A_283 : i32 to index
        %get3A_1122 = arith.constant 976 : index
        %get3A_1123 = tpu.vector_load %arg8[%get3A_1120, %get3A_1121, %get3A_1122] {strides = array<i32>} : memref<4x16x1024xf32, #tpu.memory_space<vmem>>, vector<1x1x16xf32>,
        %get3A_1124 = vector.shape_cast %get3A_1123 : vector<1x1x16xf32> to vector<16xf32>
        %mul3A_1125 = arith.mulf %bitcast_convert_type3A_1110, %get3A_1118 : vector<16xf32>
        %add3A_1126 = arith.addf %add3A_1014, %mul3A_1125 : vector<16xf32>
        %mul3A_1127 = arith.mulf %bitcast_convert_type3A_1112, %get3A_1124 : vector<16xf32>
        %add3A_1128 = arith.addf %add3A_1016, %mul3A_1127 : vector<16xf32>
        %get3A_1129 = arith.constant 1 : i32
        %get3A_1130 = arith.index_cast %get3A_1129 : i32 to index
        %get3A_1131 = arith.index_cast %scan3A_283 : i32 to index
        %get3A_1132 = arith.constant 480 : index
        %get3A_1133 = tpu.vector_load %arg7[%get3A_1130, %get3A_1131, %get3A_1132] {strides = array<i32>} : memref<4x16x512xi32, #tpu.memory_space<vmem>>, vector<1x1x16xi32>,
        %get3A_1134 = vector.shape_cast %get3A_1133 : vector<1x1x16xi32> to vector<16xi32>
        %mul3A_1135 = arith.constant 65536 : i32
        %mul3A_1136 = vector.broadcast %mul3A_1135 : i32 to vector<16xi32>
        %mul3A_1137 = arith.muli %get3A_1134, %mul3A_1136 : vector<16xi32>
        %bitcast_convert_type3A_1138 = tpu.bitcast %mul3A_1137 : vector<16xi32> -> vector<16xf32>
        %and3A_1139 = arith.andi %get3A_1134, %broadcast_in_dim3A_3 : vector<16xi32>
        %bitcast_convert_type3A_1140 = tpu.bitcast %and3A_1139 : vector<16xi32> -> vector<16xf32>
        %get3A_1141 = arith.constant 1 : i32
        %get3A_1142 = arith.index_cast %get3A_1141 : i32 to index
        %get3A_1143 = arith.index_cast %scan3A_283 : i32 to index
        %get3A_1144 = arith.constant 480 : index
        %get3A_1145 = tpu.vector_load %arg8[%get3A_1142, %get3A_1143, %get3A_1144] {strides = array<i32>} : memref<4x16x1024xf32, #tpu.memory_space<vmem>>, vector<1x1x16xf32>,
        %get3A_1146 = vector.shape_cast %get3A_1145 : vector<1x1x16xf32> to vector<16xf32>
        %get3A_1147 = arith.constant 1 : i32
        %get3A_1148 = arith.index_cast %get3A_1147 : i32 to index
        %get3A_1149 = arith.index_cast %scan3A_283 : i32 to index
        %get3A_1150 = arith.constant 992 : index
        %get3A_1151 = tpu.vector_load %arg8[%get3A_1148, %get3A_1149, %get3A_1150] {strides = array<i32>} : memref<4x16x1024xf32, #tpu.memory_space<vmem>>, vector<1x1x16xf32>,
        %get3A_1152 = vector.shape_cast %get3A_1151 : vector<1x1x16xf32> to vector<16xf32>
        %mul3A_1153 = arith.mulf %bitcast_convert_type3A_1138, %get3A_1146 : vector<16xf32>
        %add3A_1154 = arith.addf %add3A_1042, %mul3A_1153 : vector<16xf32>
        %mul3A_1155 = arith.mulf %bitcast_convert_type3A_1140, %get3A_1152 : vector<16xf32>
        %add3A_1156 = arith.addf %add3A_1044, %mul3A_1155 : vector<16xf32>
        %get3A_1157 = arith.constant 1 : i32
        %get3A_1158 = arith.index_cast %get3A_1157 : i32 to index
        %get3A_1159 = arith.index_cast %scan3A_283 : i32 to index
        %get3A_1160 = arith.constant 496 : index
        %get3A_1161 = tpu.vector_load %arg7[%get3A_1158, %get3A_1159, %get3A_1160] {strides = array<i32>} : memref<4x16x512xi32, #tpu.memory_space<vmem>>, vector<1x1x16xi32>,
        %get3A_1162 = vector.shape_cast %get3A_1161 : vector<1x1x16xi32> to vector<16xi32>
        %mul3A_1163 = arith.constant 65536 : i32
        %mul3A_1164 = vector.broadcast %mul3A_1163 : i32 to vector<16xi32>
        %mul3A_1165 = arith.muli %get3A_1162, %mul3A_1164 : vector<16xi32>
        %bitcast_convert_type3A_1166 = tpu.bitcast %mul3A_1165 : vector<16xi32> -> vector<16xf32>
        %and3A_1167 = arith.andi %get3A_1162, %broadcast_in_dim3A_3 : vector<16xi32>
        %bitcast_convert_type3A_1168 = tpu.bitcast %and3A_1167 : vector<16xi32> -> vector<16xf32>
        %get3A_1169 = arith.constant 1 : i32
        %get3A_1170 = arith.index_cast %get3A_1169 : i32 to index
        %get3A_1171 = arith.index_cast %scan3A_283 : i32 to index
        %get3A_1172 = arith.constant 496 : index
        %get3A_1173 = tpu.vector_load %arg8[%get3A_1170, %get3A_1171, %get3A_1172] {strides = array<i32>} : memref<4x16x1024xf32, #tpu.memory_space<vmem>>, vector<1x1x16xf32>,
        %get3A_1174 = vector.shape_cast %get3A_1173 : vector<1x1x16xf32> to vector<16xf32>
        %get3A_1175 = arith.constant 1 : i32
        %get3A_1176 = arith.index_cast %get3A_1175 : i32 to index
        %get3A_1177 = arith.index_cast %scan3A_283 : i32 to index
        %get3A_1178 = arith.constant 1008 : index
        %get3A_1179 = tpu.vector_load %arg8[%get3A_1176, %get3A_1177, %get3A_1178] {strides = array<i32>} : memref<4x16x1024xf32, #tpu.memory_space<vmem>>, vector<1x1x16xf32>,
        %get3A_1180 = vector.shape_cast %get3A_1179 : vector<1x1x16xf32> to vector<16xf32>
        %mul3A_1181 = arith.mulf %bitcast_convert_type3A_1166, %get3A_1174 : vector<16xf32>
        %add3A_1182 = arith.addf %add3A_1070, %mul3A_1181 : vector<16xf32>
        %mul3A_1183 = arith.mulf %bitcast_convert_type3A_1168, %get3A_1180 : vector<16xf32>
        %add3A_1184 = arith.addf %add3A_1072, %mul3A_1183 : vector<16xf32>
        scf.yield %add3A_1098, %add3A_1100, %add3A_1126, %add3A_1128, %add3A_1154, %add3A_1156, %add3A_1182, %add3A_1184 : vector<16xf32>, vector<16xf32>, vector<16xf32>, vector<16xf32>, vector<16xf32>, vector<16xf32>, vector<16xf32>, vector<16xf32>
      }
      %scan3A_190 = arith.constant 16 : i32
      %mul3A_191 = arith.constant 4 : i32
      %mul3A_192 = arith.muli %scan3A_95, %mul3A_191 : i32
      %add3A_193 = arith.constant 2 : i32
      %add3A_194 = arith.addi %mul3A_192, %add3A_193 : i32
      %add3A_195 = arith.constant 4 : i32
      %add3A_196 = arith.addi %add3A_194, %add3A_195 : i32
      %sub3A_197 = arith.constant 1 : i32
      %sub3A_198 = arith.subi %add3A_196, %sub3A_197 : i32
      %lt3A_199 = arith.constant 32 : i32
      %lt3A_200 = arith.cmpi slt, %sub3A_198, %lt3A_199 : i32
      %convert_element_type3A_201 = arith.extui %lt3A_200 : i1 to i32
      %cond3A_202 = arith.constant 0 : i32
      %cond3A_203 = arith.cmpi ne, %convert_element_type3A_201, %cond3A_202 : i32
      scf.if %cond3A_203 {
        %add3A_283 = arith.constant 4 : i32
        %add3A_284 = arith.addi %add3A_194, %add3A_283 : i32
        %sub3A_285 = arith.constant 1 : i32
        %sub3A_286 = arith.subi %add3A_284, %sub3A_285 : i32
        %mul3A_287 = arith.constant 16 : i32
        %mul3A_288 = arith.muli %sub3A_286, %mul3A_287 : i32
        %dma_start3A_289 = arith.constant 1 : i32
        %dma_start3A_290 = arith.constant 0 : i32
        %dma_start3A_291 = arith.constant 0 : i32
        %dma_start3A_292 = tpu.memref_slice %arg7[%dma_start3A_289, %dma_start3A_290, %dma_start3A_291] : memref<4x16x512xi32, #tpu.memory_space<vmem>> -> memref<1x16x512xi32, #tpu.memory_space<vmem>>
        %dma_start3A_293 = tpu.memref_squeeze %dma_start3A_292 : memref<1x16x512xi32, #tpu.memory_space<vmem>> -> memref<16x512xi32, #tpu.memory_space<vmem>>
        %dma_start3A_294 = tpu.memref_slice %arg6[%mul3A_288] : memref<512xi32, #tpu.memory_space<vmem>> -> memref<16xi32, #tpu.memory_space<vmem>>
        %dma_start3A_295 = arith.constant 0 : i32
        %dma_start3A_296 = arith.constant 0 : i32
        %dma_start3A_297 = tpu.memref_slice %arg2[%dma_start3A_295, %dma_start3A_296] : memref<1024x512xi32, #tpu.memory_space<hbm>> -> memref<1024x512xi32, #tpu.memory_space<hbm>>
        tpu.enqueue_indirect_dma source(%dma_start3A_297 : memref<1024x512xi32, #tpu.memory_space<hbm>>) target(%dma_start3A_293 : memref<16x512xi32, #tpu.memory_space<vmem>>) offsets(%dma_start3A_294 : memref<16xi32, #tpu.memory_space<vmem>>) semaphore(%arg11 : memref<!tpu.dma_semaphore, #tpu.memory_space<semaphore_mem>>)
        %mul3A_298 = arith.constant 16 : i32
        %mul3A_299 = arith.muli %sub3A_286, %mul3A_298 : i32
        %add3A_300 = arith.addi %mul3A_2, %mul3A_299 : i32
        %dma_start3A_301 = arith.constant 1 : i32
        %dma_start3A_302 = arith.constant 0 : i32
        %dma_start3A_303 = arith.constant 0 : i32
        %dma_start3A_304 = tpu.memref_slice %arg8[%dma_start3A_301, %dma_start3A_302, %dma_start3A_303] : memref<4x16x1024xf32, #tpu.memory_space<vmem>> -> memref<1x16x1024xf32, #tpu.memory_space<vmem>>
        %dma_start3A_305 = tpu.memref_squeeze %dma_start3A_304 : memref<1x16x1024xf32, #tpu.memory_space<vmem>> -> memref<16x1024xf32, #tpu.memory_space<vmem>>
        %dma_start3A_306 = arith.constant 0 : i32
        %dma_start3A_307 = tpu.memref_slice %arg3[%add3A_300, %dma_start3A_306] : memref<16384x1024xf32, #tpu.memory_space<hbm>> -> memref<16x1024xf32, #tpu.memory_space<hbm>>
        %dma_start3A_308 = arith.constant 0 : i32
        %dma_start3A_309 = arith.constant 0 : i32
        %dma_start3A_310 = tpu.memref_slice %arg8[%dma_start3A_301, %dma_start3A_308, %dma_start3A_309] : memref<4x16x1024xf32, #tpu.memory_space<vmem>> -> memref<1x16x1024xf32, #tpu.memory_space<vmem>>
        %dma_start3A_311 = tpu.memref_squeeze %dma_start3A_310 : memref<1x16x1024xf32, #tpu.memory_space<vmem>> -> memref<16x1024xf32, #tpu.memory_space<vmem>>
        %dma_start3A_312 = arith.constant 0 : i32
        %dma_start3A_313 = tpu.memref_slice %arg3[%add3A_300, %dma_start3A_312] : memref<16384x1024xf32, #tpu.memory_space<hbm>> -> memref<16x1024xf32, #tpu.memory_space<hbm>>
        tpu.enqueue_dma source(%dma_start3A_313 : memref<16x1024xf32, #tpu.memory_space<hbm>>) target(%dma_start3A_311 : memref<16x1024xf32, #tpu.memory_space<vmem>>) target_semaphore(%arg15 : memref<!tpu.dma_semaphore, #tpu.memory_space<semaphore_mem>>)
      } else {
      }
      %mul3A_204 = arith.constant 16 : i32
      %mul3A_205 = arith.muli %add3A_194, %mul3A_204 : i32
      %dma_wait3A_206 = arith.constant 2 : i32
      %dma_wait3A_207 = arith.constant 0 : i32
      %dma_wait3A_208 = arith.constant 0 : i32
      %dma_wait3A_209 = tpu.memref_slice %arg7[%dma_wait3A_206, %dma_wait3A_207, %dma_wait3A_208] : memref<4x16x512xi32, #tpu.memory_space<vmem>> -> memref<1x16x512xi32, #tpu.memory_space<vmem>>
      %dma_wait3A_210 = tpu.memref_squeeze %dma_wait3A_209 : memref<1x16x512xi32, #tpu.memory_space<vmem>> -> memref<16x512xi32, #tpu.memory_space<vmem>>
      %dma_wait3A_211 = tpu.memref_slice %arg6[%mul3A_205] : memref<512xi32, #tpu.memory_space<vmem>> -> memref<16xi32, #tpu.memory_space<vmem>>
      %dma_wait3A_212 = arith.constant 0 : i32
      %dma_wait3A_213 = arith.constant 0 : i32
      %dma_wait3A_214 = tpu.memref_slice %arg2[%dma_wait3A_212, %dma_wait3A_213] : memref<1024x512xi32, #tpu.memory_space<hbm>> -> memref<1024x512xi32, #tpu.memory_space<hbm>>
      tpu.wait_indirect_dma semaphore(%arg12 : memref<!tpu.dma_semaphore, #tpu.memory_space<semaphore_mem>>) src(%dma_wait3A_214 : memref<1024x512xi32, #tpu.memory_space<hbm>>) dst(%dma_wait3A_210 : memref<16x512xi32, #tpu.memory_space<vmem>>)
      %mul3A_215 = arith.constant 16 : i32
      %mul3A_216 = arith.muli %add3A_194, %mul3A_215 : i32
      %add3A_217 = arith.addi %mul3A_2, %mul3A_216 : i32
      %dma_wait3A_218 = arith.constant 2 : i32
      %dma_wait3A_219 = arith.constant 0 : i32
      %dma_wait3A_220 = arith.constant 0 : i32
      %dma_wait3A_221 = tpu.memref_slice %arg8[%dma_wait3A_218, %dma_wait3A_219, %dma_wait3A_220] : memref<4x16x1024xf32, #tpu.memory_space<vmem>> -> memref<1x16x1024xf32, #tpu.memory_space<vmem>>
      %dma_wait3A_222 = tpu.memref_squeeze %dma_wait3A_221 : memref<1x16x1024xf32, #tpu.memory_space<vmem>> -> memref<16x1024xf32, #tpu.memory_space<vmem>>
      %dma_wait3A_223 = arith.constant 0 : i32
      %dma_wait3A_224 = tpu.memref_slice %arg3[%add3A_217, %dma_wait3A_223] : memref<16384x1024xf32, #tpu.memory_space<hbm>> -> memref<16x1024xf32, #tpu.memory_space<hbm>>
      %dma_wait3A_225 = arith.constant 0 : i32
      %dma_wait3A_226 = arith.constant 0 : i32
      %dma_wait3A_227 = tpu.memref_slice %arg8[%dma_wait3A_218, %dma_wait3A_225, %dma_wait3A_226] : memref<4x16x1024xf32, #tpu.memory_space<vmem>> -> memref<1x16x1024xf32, #tpu.memory_space<vmem>>
      %dma_wait3A_228 = tpu.memref_squeeze %dma_wait3A_227 : memref<1x16x1024xf32, #tpu.memory_space<vmem>> -> memref<16x1024xf32, #tpu.memory_space<vmem>>
      %dma_wait3A_229 = arith.constant 0 : i32
      %dma_wait3A_230 = tpu.memref_slice %arg3[%add3A_217, %dma_wait3A_229] : memref<16384x1024xf32, #tpu.memory_space<hbm>> -> memref<16x1024xf32, #tpu.memory_space<hbm>>
      tpu.wait_dma2 semaphore(%arg16 : memref<!tpu.dma_semaphore, #tpu.memory_space<semaphore_mem>>) src(%dma_wait3A_230 : memref<16x1024xf32, #tpu.memory_space<hbm>>) dst(%dma_wait3A_228 : memref<16x1024xf32, #tpu.memory_space<vmem>>)
      %scan3A_231 = arith.constant 0 : i32
      %scan3A_232 = arith.constant 16 : i32
      %scan3A_233 = arith.addi %scan3A_231, %scan3A_232 : i32
      %scan3A_234 = arith.constant 1 : i32
      %scan3A_235:8 = scf.for %scan3A_283 = %scan3A_231 to %scan3A_233 step %scan3A_234 iter_args(%scan3A_284 = %scan3A_189#0, %scan3A_285 = %scan3A_189#1, %scan3A_286 = %scan3A_189#2, %scan3A_287 = %scan3A_189#3, %scan3A_288 = %scan3A_189#4, %scan3A_289 = %scan3A_189#5, %scan3A_290 = %scan3A_189#6, %scan3A_291 = %scan3A_189#7) -> (vector<16xf32>, vector<16xf32>, vector<16xf32>, vector<16xf32>, vector<16xf32>, vector<16xf32>, vector<16xf32>, vector<16xf32>)  : i32 {
        %get3A = arith.constant 2 : i32
        %get3A_292 = arith.index_cast %get3A : i32 to index
        %get3A_293 = arith.index_cast %scan3A_283 : i32 to index
        %get3A_294 = arith.constant 0 : index
        %get3A_295 = tpu.vector_load %arg7[%get3A_292, %get3A_293, %get3A_294] {strides = array<i32>} : memref<4x16x512xi32, #tpu.memory_space<vmem>>, vector<1x1x16xi32>,
        %get3A_296 = vector.shape_cast %get3A_295 : vector<1x1x16xi32> to vector<16xi32>
        %mul3A_297 = arith.constant 65536 : i32
        %mul3A_298 = vector.broadcast %mul3A_297 : i32 to vector<16xi32>
        %mul3A_299 = arith.muli %get3A_296, %mul3A_298 : vector<16xi32>
        %bitcast_convert_type3A = tpu.bitcast %mul3A_299 : vector<16xi32> -> vector<16xf32>
        %and3A = arith.andi %get3A_296, %broadcast_in_dim3A_3 : vector<16xi32>
        %bitcast_convert_type3A_300 = tpu.bitcast %and3A : vector<16xi32> -> vector<16xf32>
        %get3A_301 = arith.constant 2 : i32
        %get3A_302 = arith.index_cast %get3A_301 : i32 to index
        %get3A_303 = arith.index_cast %scan3A_283 : i32 to index
        %get3A_304 = arith.constant 0 : index
        %get3A_305 = tpu.vector_load %arg8[%get3A_302, %get3A_303, %get3A_304] {strides = array<i32>} : memref<4x16x1024xf32, #tpu.memory_space<vmem>>, vector<1x1x16xf32>,
        %get3A_306 = vector.shape_cast %get3A_305 : vector<1x1x16xf32> to vector<16xf32>
        %get3A_307 = arith.constant 2 : i32
        %get3A_308 = arith.index_cast %get3A_307 : i32 to index
        %get3A_309 = arith.index_cast %scan3A_283 : i32 to index
        %get3A_310 = arith.constant 512 : index
        %get3A_311 = tpu.vector_load %arg8[%get3A_308, %get3A_309, %get3A_310] {strides = array<i32>} : memref<4x16x1024xf32, #tpu.memory_space<vmem>>, vector<1x1x16xf32>,
        %get3A_312 = vector.shape_cast %get3A_311 : vector<1x1x16xf32> to vector<16xf32>
        %mul3A_313 = arith.mulf %bitcast_convert_type3A, %get3A_306 : vector<16xf32>
        %add3A_314 = arith.addf %scan3A_284, %mul3A_313 : vector<16xf32>
        %mul3A_315 = arith.mulf %bitcast_convert_type3A_300, %get3A_312 : vector<16xf32>
        %add3A_316 = arith.addf %scan3A_285, %mul3A_315 : vector<16xf32>
        %get3A_317 = arith.constant 2 : i32
        %get3A_318 = arith.index_cast %get3A_317 : i32 to index
        %get3A_319 = arith.index_cast %scan3A_283 : i32 to index
        %get3A_320 = arith.constant 16 : index
        %get3A_321 = tpu.vector_load %arg7[%get3A_318, %get3A_319, %get3A_320] {strides = array<i32>} : memref<4x16x512xi32, #tpu.memory_space<vmem>>, vector<1x1x16xi32>,
        %get3A_322 = vector.shape_cast %get3A_321 : vector<1x1x16xi32> to vector<16xi32>
        %mul3A_323 = arith.constant 65536 : i32
        %mul3A_324 = vector.broadcast %mul3A_323 : i32 to vector<16xi32>
        %mul3A_325 = arith.muli %get3A_322, %mul3A_324 : vector<16xi32>
        %bitcast_convert_type3A_326 = tpu.bitcast %mul3A_325 : vector<16xi32> -> vector<16xf32>
        %and3A_327 = arith.andi %get3A_322, %broadcast_in_dim3A_3 : vector<16xi32>
        %bitcast_convert_type3A_328 = tpu.bitcast %and3A_327 : vector<16xi32> -> vector<16xf32>
        %get3A_329 = arith.constant 2 : i32
        %get3A_330 = arith.index_cast %get3A_329 : i32 to index
        %get3A_331 = arith.index_cast %scan3A_283 : i32 to index
        %get3A_332 = arith.constant 16 : index
        %get3A_333 = tpu.vector_load %arg8[%get3A_330, %get3A_331, %get3A_332] {strides = array<i32>} : memref<4x16x1024xf32, #tpu.memory_space<vmem>>, vector<1x1x16xf32>,
        %get3A_334 = vector.shape_cast %get3A_333 : vector<1x1x16xf32> to vector<16xf32>
        %get3A_335 = arith.constant 2 : i32
        %get3A_336 = arith.index_cast %get3A_335 : i32 to index
        %get3A_337 = arith.index_cast %scan3A_283 : i32 to index
        %get3A_338 = arith.constant 528 : index
        %get3A_339 = tpu.vector_load %arg8[%get3A_336, %get3A_337, %get3A_338] {strides = array<i32>} : memref<4x16x1024xf32, #tpu.memory_space<vmem>>, vector<1x1x16xf32>,
        %get3A_340 = vector.shape_cast %get3A_339 : vector<1x1x16xf32> to vector<16xf32>
        %mul3A_341 = arith.mulf %bitcast_convert_type3A_326, %get3A_334 : vector<16xf32>
        %add3A_342 = arith.addf %scan3A_286, %mul3A_341 : vector<16xf32>
        %mul3A_343 = arith.mulf %bitcast_convert_type3A_328, %get3A_340 : vector<16xf32>
        %add3A_344 = arith.addf %scan3A_287, %mul3A_343 : vector<16xf32>
        %get3A_345 = arith.constant 2 : i32
        %get3A_346 = arith.index_cast %get3A_345 : i32 to index
        %get3A_347 = arith.index_cast %scan3A_283 : i32 to index
        %get3A_348 = arith.constant 32 : index
        %get3A_349 = tpu.vector_load %arg7[%get3A_346, %get3A_347, %get3A_348] {strides = array<i32>} : memref<4x16x512xi32, #tpu.memory_space<vmem>>, vector<1x1x16xi32>,
        %get3A_350 = vector.shape_cast %get3A_349 : vector<1x1x16xi32> to vector<16xi32>
        %mul3A_351 = arith.constant 65536 : i32
        %mul3A_352 = vector.broadcast %mul3A_351 : i32 to vector<16xi32>
        %mul3A_353 = arith.muli %get3A_350, %mul3A_352 : vector<16xi32>
        %bitcast_convert_type3A_354 = tpu.bitcast %mul3A_353 : vector<16xi32> -> vector<16xf32>
        %and3A_355 = arith.andi %get3A_350, %broadcast_in_dim3A_3 : vector<16xi32>
        %bitcast_convert_type3A_356 = tpu.bitcast %and3A_355 : vector<16xi32> -> vector<16xf32>
        %get3A_357 = arith.constant 2 : i32
        %get3A_358 = arith.index_cast %get3A_357 : i32 to index
        %get3A_359 = arith.index_cast %scan3A_283 : i32 to index
        %get3A_360 = arith.constant 32 : index
        %get3A_361 = tpu.vector_load %arg8[%get3A_358, %get3A_359, %get3A_360] {strides = array<i32>} : memref<4x16x1024xf32, #tpu.memory_space<vmem>>, vector<1x1x16xf32>,
        %get3A_362 = vector.shape_cast %get3A_361 : vector<1x1x16xf32> to vector<16xf32>
        %get3A_363 = arith.constant 2 : i32
        %get3A_364 = arith.index_cast %get3A_363 : i32 to index
        %get3A_365 = arith.index_cast %scan3A_283 : i32 to index
        %get3A_366 = arith.constant 544 : index
        %get3A_367 = tpu.vector_load %arg8[%get3A_364, %get3A_365, %get3A_366] {strides = array<i32>} : memref<4x16x1024xf32, #tpu.memory_space<vmem>>, vector<1x1x16xf32>,
        %get3A_368 = vector.shape_cast %get3A_367 : vector<1x1x16xf32> to vector<16xf32>
        %mul3A_369 = arith.mulf %bitcast_convert_type3A_354, %get3A_362 : vector<16xf32>
        %add3A_370 = arith.addf %scan3A_288, %mul3A_369 : vector<16xf32>
        %mul3A_371 = arith.mulf %bitcast_convert_type3A_356, %get3A_368 : vector<16xf32>
        %add3A_372 = arith.addf %scan3A_289, %mul3A_371 : vector<16xf32>
        %get3A_373 = arith.constant 2 : i32
        %get3A_374 = arith.index_cast %get3A_373 : i32 to index
        %get3A_375 = arith.index_cast %scan3A_283 : i32 to index
        %get3A_376 = arith.constant 48 : index
        %get3A_377 = tpu.vector_load %arg7[%get3A_374, %get3A_375, %get3A_376] {strides = array<i32>} : memref<4x16x512xi32, #tpu.memory_space<vmem>>, vector<1x1x16xi32>,
        %get3A_378 = vector.shape_cast %get3A_377 : vector<1x1x16xi32> to vector<16xi32>
        %mul3A_379 = arith.constant 65536 : i32
        %mul3A_380 = vector.broadcast %mul3A_379 : i32 to vector<16xi32>
        %mul3A_381 = arith.muli %get3A_378, %mul3A_380 : vector<16xi32>
        %bitcast_convert_type3A_382 = tpu.bitcast %mul3A_381 : vector<16xi32> -> vector<16xf32>
        %and3A_383 = arith.andi %get3A_378, %broadcast_in_dim3A_3 : vector<16xi32>
        %bitcast_convert_type3A_384 = tpu.bitcast %and3A_383 : vector<16xi32> -> vector<16xf32>
        %get3A_385 = arith.constant 2 : i32
        %get3A_386 = arith.index_cast %get3A_385 : i32 to index
        %get3A_387 = arith.index_cast %scan3A_283 : i32 to index
        %get3A_388 = arith.constant 48 : index
        %get3A_389 = tpu.vector_load %arg8[%get3A_386, %get3A_387, %get3A_388] {strides = array<i32>} : memref<4x16x1024xf32, #tpu.memory_space<vmem>>, vector<1x1x16xf32>,
        %get3A_390 = vector.shape_cast %get3A_389 : vector<1x1x16xf32> to vector<16xf32>
        %get3A_391 = arith.constant 2 : i32
        %get3A_392 = arith.index_cast %get3A_391 : i32 to index
        %get3A_393 = arith.index_cast %scan3A_283 : i32 to index
        %get3A_394 = arith.constant 560 : index
        %get3A_395 = tpu.vector_load %arg8[%get3A_392, %get3A_393, %get3A_394] {strides = array<i32>} : memref<4x16x1024xf32, #tpu.memory_space<vmem>>, vector<1x1x16xf32>,
        %get3A_396 = vector.shape_cast %get3A_395 : vector<1x1x16xf32> to vector<16xf32>
        %mul3A_397 = arith.mulf %bitcast_convert_type3A_382, %get3A_390 : vector<16xf32>
        %add3A_398 = arith.addf %scan3A_290, %mul3A_397 : vector<16xf32>
        %mul3A_399 = arith.mulf %bitcast_convert_type3A_384, %get3A_396 : vector<16xf32>
        %add3A_400 = arith.addf %scan3A_291, %mul3A_399 : vector<16xf32>
        %get3A_401 = arith.constant 2 : i32
        %get3A_402 = arith.index_cast %get3A_401 : i32 to index
        %get3A_403 = arith.index_cast %scan3A_283 : i32 to index
        %get3A_404 = arith.constant 64 : index
        %get3A_405 = tpu.vector_load %arg7[%get3A_402, %get3A_403, %get3A_404] {strides = array<i32>} : memref<4x16x512xi32, #tpu.memory_space<vmem>>, vector<1x1x16xi32>,
        %get3A_406 = vector.shape_cast %get3A_405 : vector<1x1x16xi32> to vector<16xi32>
        %mul3A_407 = arith.constant 65536 : i32
        %mul3A_408 = vector.broadcast %mul3A_407 : i32 to vector<16xi32>
        %mul3A_409 = arith.muli %get3A_406, %mul3A_408 : vector<16xi32>
        %bitcast_convert_type3A_410 = tpu.bitcast %mul3A_409 : vector<16xi32> -> vector<16xf32>
        %and3A_411 = arith.andi %get3A_406, %broadcast_in_dim3A_3 : vector<16xi32>
        %bitcast_convert_type3A_412 = tpu.bitcast %and3A_411 : vector<16xi32> -> vector<16xf32>
        %get3A_413 = arith.constant 2 : i32
        %get3A_414 = arith.index_cast %get3A_413 : i32 to index
        %get3A_415 = arith.index_cast %scan3A_283 : i32 to index
        %get3A_416 = arith.constant 64 : index
        %get3A_417 = tpu.vector_load %arg8[%get3A_414, %get3A_415, %get3A_416] {strides = array<i32>} : memref<4x16x1024xf32, #tpu.memory_space<vmem>>, vector<1x1x16xf32>,
        %get3A_418 = vector.shape_cast %get3A_417 : vector<1x1x16xf32> to vector<16xf32>
        %get3A_419 = arith.constant 2 : i32
        %get3A_420 = arith.index_cast %get3A_419 : i32 to index
        %get3A_421 = arith.index_cast %scan3A_283 : i32 to index
        %get3A_422 = arith.constant 576 : index
        %get3A_423 = tpu.vector_load %arg8[%get3A_420, %get3A_421, %get3A_422] {strides = array<i32>} : memref<4x16x1024xf32, #tpu.memory_space<vmem>>, vector<1x1x16xf32>,
        %get3A_424 = vector.shape_cast %get3A_423 : vector<1x1x16xf32> to vector<16xf32>
        %mul3A_425 = arith.mulf %bitcast_convert_type3A_410, %get3A_418 : vector<16xf32>
        %add3A_426 = arith.addf %add3A_314, %mul3A_425 : vector<16xf32>
        %mul3A_427 = arith.mulf %bitcast_convert_type3A_412, %get3A_424 : vector<16xf32>
        %add3A_428 = arith.addf %add3A_316, %mul3A_427 : vector<16xf32>
        %get3A_429 = arith.constant 2 : i32
        %get3A_430 = arith.index_cast %get3A_429 : i32 to index
        %get3A_431 = arith.index_cast %scan3A_283 : i32 to index
        %get3A_432 = arith.constant 80 : index
        %get3A_433 = tpu.vector_load %arg7[%get3A_430, %get3A_431, %get3A_432] {strides = array<i32>} : memref<4x16x512xi32, #tpu.memory_space<vmem>>, vector<1x1x16xi32>,
        %get3A_434 = vector.shape_cast %get3A_433 : vector<1x1x16xi32> to vector<16xi32>
        %mul3A_435 = arith.constant 65536 : i32
        %mul3A_436 = vector.broadcast %mul3A_435 : i32 to vector<16xi32>
        %mul3A_437 = arith.muli %get3A_434, %mul3A_436 : vector<16xi32>
        %bitcast_convert_type3A_438 = tpu.bitcast %mul3A_437 : vector<16xi32> -> vector<16xf32>
        %and3A_439 = arith.andi %get3A_434, %broadcast_in_dim3A_3 : vector<16xi32>
        %bitcast_convert_type3A_440 = tpu.bitcast %and3A_439 : vector<16xi32> -> vector<16xf32>
        %get3A_441 = arith.constant 2 : i32
        %get3A_442 = arith.index_cast %get3A_441 : i32 to index
        %get3A_443 = arith.index_cast %scan3A_283 : i32 to index
        %get3A_444 = arith.constant 80 : index
        %get3A_445 = tpu.vector_load %arg8[%get3A_442, %get3A_443, %get3A_444] {strides = array<i32>} : memref<4x16x1024xf32, #tpu.memory_space<vmem>>, vector<1x1x16xf32>,
        %get3A_446 = vector.shape_cast %get3A_445 : vector<1x1x16xf32> to vector<16xf32>
        %get3A_447 = arith.constant 2 : i32
        %get3A_448 = arith.index_cast %get3A_447 : i32 to index
        %get3A_449 = arith.index_cast %scan3A_283 : i32 to index
        %get3A_450 = arith.constant 592 : index
        %get3A_451 = tpu.vector_load %arg8[%get3A_448, %get3A_449, %get3A_450] {strides = array<i32>} : memref<4x16x1024xf32, #tpu.memory_space<vmem>>, vector<1x1x16xf32>,
        %get3A_452 = vector.shape_cast %get3A_451 : vector<1x1x16xf32> to vector<16xf32>
        %mul3A_453 = arith.mulf %bitcast_convert_type3A_438, %get3A_446 : vector<16xf32>
        %add3A_454 = arith.addf %add3A_342, %mul3A_453 : vector<16xf32>
        %mul3A_455 = arith.mulf %bitcast_convert_type3A_440, %get3A_452 : vector<16xf32>
        %add3A_456 = arith.addf %add3A_344, %mul3A_455 : vector<16xf32>
        %get3A_457 = arith.constant 2 : i32
        %get3A_458 = arith.index_cast %get3A_457 : i32 to index
        %get3A_459 = arith.index_cast %scan3A_283 : i32 to index
        %get3A_460 = arith.constant 96 : index
        %get3A_461 = tpu.vector_load %arg7[%get3A_458, %get3A_459, %get3A_460] {strides = array<i32>} : memref<4x16x512xi32, #tpu.memory_space<vmem>>, vector<1x1x16xi32>,
        %get3A_462 = vector.shape_cast %get3A_461 : vector<1x1x16xi32> to vector<16xi32>
        %mul3A_463 = arith.constant 65536 : i32
        %mul3A_464 = vector.broadcast %mul3A_463 : i32 to vector<16xi32>
        %mul3A_465 = arith.muli %get3A_462, %mul3A_464 : vector<16xi32>
        %bitcast_convert_type3A_466 = tpu.bitcast %mul3A_465 : vector<16xi32> -> vector<16xf32>
        %and3A_467 = arith.andi %get3A_462, %broadcast_in_dim3A_3 : vector<16xi32>
        %bitcast_convert_type3A_468 = tpu.bitcast %and3A_467 : vector<16xi32> -> vector<16xf32>
        %get3A_469 = arith.constant 2 : i32
        %get3A_470 = arith.index_cast %get3A_469 : i32 to index
        %get3A_471 = arith.index_cast %scan3A_283 : i32 to index
        %get3A_472 = arith.constant 96 : index
        %get3A_473 = tpu.vector_load %arg8[%get3A_470, %get3A_471, %get3A_472] {strides = array<i32>} : memref<4x16x1024xf32, #tpu.memory_space<vmem>>, vector<1x1x16xf32>,
        %get3A_474 = vector.shape_cast %get3A_473 : vector<1x1x16xf32> to vector<16xf32>
        %get3A_475 = arith.constant 2 : i32
        %get3A_476 = arith.index_cast %get3A_475 : i32 to index
        %get3A_477 = arith.index_cast %scan3A_283 : i32 to index
        %get3A_478 = arith.constant 608 : index
        %get3A_479 = tpu.vector_load %arg8[%get3A_476, %get3A_477, %get3A_478] {strides = array<i32>} : memref<4x16x1024xf32, #tpu.memory_space<vmem>>, vector<1x1x16xf32>,
        %get3A_480 = vector.shape_cast %get3A_479 : vector<1x1x16xf32> to vector<16xf32>
        %mul3A_481 = arith.mulf %bitcast_convert_type3A_466, %get3A_474 : vector<16xf32>
        %add3A_482 = arith.addf %add3A_370, %mul3A_481 : vector<16xf32>
        %mul3A_483 = arith.mulf %bitcast_convert_type3A_468, %get3A_480 : vector<16xf32>
        %add3A_484 = arith.addf %add3A_372, %mul3A_483 : vector<16xf32>
        %get3A_485 = arith.constant 2 : i32
        %get3A_486 = arith.index_cast %get3A_485 : i32 to index
        %get3A_487 = arith.index_cast %scan3A_283 : i32 to index
        %get3A_488 = arith.constant 112 : index
        %get3A_489 = tpu.vector_load %arg7[%get3A_486, %get3A_487, %get3A_488] {strides = array<i32>} : memref<4x16x512xi32, #tpu.memory_space<vmem>>, vector<1x1x16xi32>,
        %get3A_490 = vector.shape_cast %get3A_489 : vector<1x1x16xi32> to vector<16xi32>
        %mul3A_491 = arith.constant 65536 : i32
        %mul3A_492 = vector.broadcast %mul3A_491 : i32 to vector<16xi32>
        %mul3A_493 = arith.muli %get3A_490, %mul3A_492 : vector<16xi32>
        %bitcast_convert_type3A_494 = tpu.bitcast %mul3A_493 : vector<16xi32> -> vector<16xf32>
        %and3A_495 = arith.andi %get3A_490, %broadcast_in_dim3A_3 : vector<16xi32>
        %bitcast_convert_type3A_496 = tpu.bitcast %and3A_495 : vector<16xi32> -> vector<16xf32>
        %get3A_497 = arith.constant 2 : i32
        %get3A_498 = arith.index_cast %get3A_497 : i32 to index
        %get3A_499 = arith.index_cast %scan3A_283 : i32 to index
        %get3A_500 = arith.constant 112 : index
        %get3A_501 = tpu.vector_load %arg8[%get3A_498, %get3A_499, %get3A_500] {strides = array<i32>} : memref<4x16x1024xf32, #tpu.memory_space<vmem>>, vector<1x1x16xf32>,
        %get3A_502 = vector.shape_cast %get3A_501 : vector<1x1x16xf32> to vector<16xf32>
        %get3A_503 = arith.constant 2 : i32
        %get3A_504 = arith.index_cast %get3A_503 : i32 to index
        %get3A_505 = arith.index_cast %scan3A_283 : i32 to index
        %get3A_506 = arith.constant 624 : index
        %get3A_507 = tpu.vector_load %arg8[%get3A_504, %get3A_505, %get3A_506] {strides = array<i32>} : memref<4x16x1024xf32, #tpu.memory_space<vmem>>, vector<1x1x16xf32>,
        %get3A_508 = vector.shape_cast %get3A_507 : vector<1x1x16xf32> to vector<16xf32>
        %mul3A_509 = arith.mulf %bitcast_convert_type3A_494, %get3A_502 : vector<16xf32>
        %add3A_510 = arith.addf %add3A_398, %mul3A_509 : vector<16xf32>
        %mul3A_511 = arith.mulf %bitcast_convert_type3A_496, %get3A_508 : vector<16xf32>
        %add3A_512 = arith.addf %add3A_400, %mul3A_511 : vector<16xf32>
        %get3A_513 = arith.constant 2 : i32
        %get3A_514 = arith.index_cast %get3A_513 : i32 to index
        %get3A_515 = arith.index_cast %scan3A_283 : i32 to index
        %get3A_516 = arith.constant 128 : index
        %get3A_517 = tpu.vector_load %arg7[%get3A_514, %get3A_515, %get3A_516] {strides = array<i32>} : memref<4x16x512xi32, #tpu.memory_space<vmem>>, vector<1x1x16xi32>,
        %get3A_518 = vector.shape_cast %get3A_517 : vector<1x1x16xi32> to vector<16xi32>
        %mul3A_519 = arith.constant 65536 : i32
        %mul3A_520 = vector.broadcast %mul3A_519 : i32 to vector<16xi32>
        %mul3A_521 = arith.muli %get3A_518, %mul3A_520 : vector<16xi32>
        %bitcast_convert_type3A_522 = tpu.bitcast %mul3A_521 : vector<16xi32> -> vector<16xf32>
        %and3A_523 = arith.andi %get3A_518, %broadcast_in_dim3A_3 : vector<16xi32>
        %bitcast_convert_type3A_524 = tpu.bitcast %and3A_523 : vector<16xi32> -> vector<16xf32>
        %get3A_525 = arith.constant 2 : i32
        %get3A_526 = arith.index_cast %get3A_525 : i32 to index
        %get3A_527 = arith.index_cast %scan3A_283 : i32 to index
        %get3A_528 = arith.constant 128 : index
        %get3A_529 = tpu.vector_load %arg8[%get3A_526, %get3A_527, %get3A_528] {strides = array<i32>} : memref<4x16x1024xf32, #tpu.memory_space<vmem>>, vector<1x1x16xf32>,
        %get3A_530 = vector.shape_cast %get3A_529 : vector<1x1x16xf32> to vector<16xf32>
        %get3A_531 = arith.constant 2 : i32
        %get3A_532 = arith.index_cast %get3A_531 : i32 to index
        %get3A_533 = arith.index_cast %scan3A_283 : i32 to index
        %get3A_534 = arith.constant 640 : index
        %get3A_535 = tpu.vector_load %arg8[%get3A_532, %get3A_533, %get3A_534] {strides = array<i32>} : memref<4x16x1024xf32, #tpu.memory_space<vmem>>, vector<1x1x16xf32>,
        %get3A_536 = vector.shape_cast %get3A_535 : vector<1x1x16xf32> to vector<16xf32>
        %mul3A_537 = arith.mulf %bitcast_convert_type3A_522, %get3A_530 : vector<16xf32>
        %add3A_538 = arith.addf %add3A_426, %mul3A_537 : vector<16xf32>
        %mul3A_539 = arith.mulf %bitcast_convert_type3A_524, %get3A_536 : vector<16xf32>
        %add3A_540 = arith.addf %add3A_428, %mul3A_539 : vector<16xf32>
        %get3A_541 = arith.constant 2 : i32
        %get3A_542 = arith.index_cast %get3A_541 : i32 to index
        %get3A_543 = arith.index_cast %scan3A_283 : i32 to index
        %get3A_544 = arith.constant 144 : index
        %get3A_545 = tpu.vector_load %arg7[%get3A_542, %get3A_543, %get3A_544] {strides = array<i32>} : memref<4x16x512xi32, #tpu.memory_space<vmem>>, vector<1x1x16xi32>,
        %get3A_546 = vector.shape_cast %get3A_545 : vector<1x1x16xi32> to vector<16xi32>
        %mul3A_547 = arith.constant 65536 : i32
        %mul3A_548 = vector.broadcast %mul3A_547 : i32 to vector<16xi32>
        %mul3A_549 = arith.muli %get3A_546, %mul3A_548 : vector<16xi32>
        %bitcast_convert_type3A_550 = tpu.bitcast %mul3A_549 : vector<16xi32> -> vector<16xf32>
        %and3A_551 = arith.andi %get3A_546, %broadcast_in_dim3A_3 : vector<16xi32>
        %bitcast_convert_type3A_552 = tpu.bitcast %and3A_551 : vector<16xi32> -> vector<16xf32>
        %get3A_553 = arith.constant 2 : i32
        %get3A_554 = arith.index_cast %get3A_553 : i32 to index
        %get3A_555 = arith.index_cast %scan3A_283 : i32 to index
        %get3A_556 = arith.constant 144 : index
        %get3A_557 = tpu.vector_load %arg8[%get3A_554, %get3A_555, %get3A_556] {strides = array<i32>} : memref<4x16x1024xf32, #tpu.memory_space<vmem>>, vector<1x1x16xf32>,
        %get3A_558 = vector.shape_cast %get3A_557 : vector<1x1x16xf32> to vector<16xf32>
        %get3A_559 = arith.constant 2 : i32
        %get3A_560 = arith.index_cast %get3A_559 : i32 to index
        %get3A_561 = arith.index_cast %scan3A_283 : i32 to index
        %get3A_562 = arith.constant 656 : index
        %get3A_563 = tpu.vector_load %arg8[%get3A_560, %get3A_561, %get3A_562] {strides = array<i32>} : memref<4x16x1024xf32, #tpu.memory_space<vmem>>, vector<1x1x16xf32>,
        %get3A_564 = vector.shape_cast %get3A_563 : vector<1x1x16xf32> to vector<16xf32>
        %mul3A_565 = arith.mulf %bitcast_convert_type3A_550, %get3A_558 : vector<16xf32>
        %add3A_566 = arith.addf %add3A_454, %mul3A_565 : vector<16xf32>
        %mul3A_567 = arith.mulf %bitcast_convert_type3A_552, %get3A_564 : vector<16xf32>
        %add3A_568 = arith.addf %add3A_456, %mul3A_567 : vector<16xf32>
        %get3A_569 = arith.constant 2 : i32
        %get3A_570 = arith.index_cast %get3A_569 : i32 to index
        %get3A_571 = arith.index_cast %scan3A_283 : i32 to index
        %get3A_572 = arith.constant 160 : index
        %get3A_573 = tpu.vector_load %arg7[%get3A_570, %get3A_571, %get3A_572] {strides = array<i32>} : memref<4x16x512xi32, #tpu.memory_space<vmem>>, vector<1x1x16xi32>,
        %get3A_574 = vector.shape_cast %get3A_573 : vector<1x1x16xi32> to vector<16xi32>
        %mul3A_575 = arith.constant 65536 : i32
        %mul3A_576 = vector.broadcast %mul3A_575 : i32 to vector<16xi32>
        %mul3A_577 = arith.muli %get3A_574, %mul3A_576 : vector<16xi32>
        %bitcast_convert_type3A_578 = tpu.bitcast %mul3A_577 : vector<16xi32> -> vector<16xf32>
        %and3A_579 = arith.andi %get3A_574, %broadcast_in_dim3A_3 : vector<16xi32>
        %bitcast_convert_type3A_580 = tpu.bitcast %and3A_579 : vector<16xi32> -> vector<16xf32>
        %get3A_581 = arith.constant 2 : i32
        %get3A_582 = arith.index_cast %get3A_581 : i32 to index
        %get3A_583 = arith.index_cast %scan3A_283 : i32 to index
        %get3A_584 = arith.constant 160 : index
        %get3A_585 = tpu.vector_load %arg8[%get3A_582, %get3A_583, %get3A_584] {strides = array<i32>} : memref<4x16x1024xf32, #tpu.memory_space<vmem>>, vector<1x1x16xf32>,
        %get3A_586 = vector.shape_cast %get3A_585 : vector<1x1x16xf32> to vector<16xf32>
        %get3A_587 = arith.constant 2 : i32
        %get3A_588 = arith.index_cast %get3A_587 : i32 to index
        %get3A_589 = arith.index_cast %scan3A_283 : i32 to index
        %get3A_590 = arith.constant 672 : index
        %get3A_591 = tpu.vector_load %arg8[%get3A_588, %get3A_589, %get3A_590] {strides = array<i32>} : memref<4x16x1024xf32, #tpu.memory_space<vmem>>, vector<1x1x16xf32>,
        %get3A_592 = vector.shape_cast %get3A_591 : vector<1x1x16xf32> to vector<16xf32>
        %mul3A_593 = arith.mulf %bitcast_convert_type3A_578, %get3A_586 : vector<16xf32>
        %add3A_594 = arith.addf %add3A_482, %mul3A_593 : vector<16xf32>
        %mul3A_595 = arith.mulf %bitcast_convert_type3A_580, %get3A_592 : vector<16xf32>
        %add3A_596 = arith.addf %add3A_484, %mul3A_595 : vector<16xf32>
        %get3A_597 = arith.constant 2 : i32
        %get3A_598 = arith.index_cast %get3A_597 : i32 to index
        %get3A_599 = arith.index_cast %scan3A_283 : i32 to index
        %get3A_600 = arith.constant 176 : index
        %get3A_601 = tpu.vector_load %arg7[%get3A_598, %get3A_599, %get3A_600] {strides = array<i32>} : memref<4x16x512xi32, #tpu.memory_space<vmem>>, vector<1x1x16xi32>,
        %get3A_602 = vector.shape_cast %get3A_601 : vector<1x1x16xi32> to vector<16xi32>
        %mul3A_603 = arith.constant 65536 : i32
        %mul3A_604 = vector.broadcast %mul3A_603 : i32 to vector<16xi32>
        %mul3A_605 = arith.muli %get3A_602, %mul3A_604 : vector<16xi32>
        %bitcast_convert_type3A_606 = tpu.bitcast %mul3A_605 : vector<16xi32> -> vector<16xf32>
        %and3A_607 = arith.andi %get3A_602, %broadcast_in_dim3A_3 : vector<16xi32>
        %bitcast_convert_type3A_608 = tpu.bitcast %and3A_607 : vector<16xi32> -> vector<16xf32>
        %get3A_609 = arith.constant 2 : i32
        %get3A_610 = arith.index_cast %get3A_609 : i32 to index
        %get3A_611 = arith.index_cast %scan3A_283 : i32 to index
        %get3A_612 = arith.constant 176 : index
        %get3A_613 = tpu.vector_load %arg8[%get3A_610, %get3A_611, %get3A_612] {strides = array<i32>} : memref<4x16x1024xf32, #tpu.memory_space<vmem>>, vector<1x1x16xf32>,
        %get3A_614 = vector.shape_cast %get3A_613 : vector<1x1x16xf32> to vector<16xf32>
        %get3A_615 = arith.constant 2 : i32
        %get3A_616 = arith.index_cast %get3A_615 : i32 to index
        %get3A_617 = arith.index_cast %scan3A_283 : i32 to index
        %get3A_618 = arith.constant 688 : index
        %get3A_619 = tpu.vector_load %arg8[%get3A_616, %get3A_617, %get3A_618] {strides = array<i32>} : memref<4x16x1024xf32, #tpu.memory_space<vmem>>, vector<1x1x16xf32>,
        %get3A_620 = vector.shape_cast %get3A_619 : vector<1x1x16xf32> to vector<16xf32>
        %mul3A_621 = arith.mulf %bitcast_convert_type3A_606, %get3A_614 : vector<16xf32>
        %add3A_622 = arith.addf %add3A_510, %mul3A_621 : vector<16xf32>
        %mul3A_623 = arith.mulf %bitcast_convert_type3A_608, %get3A_620 : vector<16xf32>
        %add3A_624 = arith.addf %add3A_512, %mul3A_623 : vector<16xf32>
        %get3A_625 = arith.constant 2 : i32
        %get3A_626 = arith.index_cast %get3A_625 : i32 to index
        %get3A_627 = arith.index_cast %scan3A_283 : i32 to index
        %get3A_628 = arith.constant 192 : index
        %get3A_629 = tpu.vector_load %arg7[%get3A_626, %get3A_627, %get3A_628] {strides = array<i32>} : memref<4x16x512xi32, #tpu.memory_space<vmem>>, vector<1x1x16xi32>,
        %get3A_630 = vector.shape_cast %get3A_629 : vector<1x1x16xi32> to vector<16xi32>
        %mul3A_631 = arith.constant 65536 : i32
        %mul3A_632 = vector.broadcast %mul3A_631 : i32 to vector<16xi32>
        %mul3A_633 = arith.muli %get3A_630, %mul3A_632 : vector<16xi32>
        %bitcast_convert_type3A_634 = tpu.bitcast %mul3A_633 : vector<16xi32> -> vector<16xf32>
        %and3A_635 = arith.andi %get3A_630, %broadcast_in_dim3A_3 : vector<16xi32>
        %bitcast_convert_type3A_636 = tpu.bitcast %and3A_635 : vector<16xi32> -> vector<16xf32>
        %get3A_637 = arith.constant 2 : i32
        %get3A_638 = arith.index_cast %get3A_637 : i32 to index
        %get3A_639 = arith.index_cast %scan3A_283 : i32 to index
        %get3A_640 = arith.constant 192 : index
        %get3A_641 = tpu.vector_load %arg8[%get3A_638, %get3A_639, %get3A_640] {strides = array<i32>} : memref<4x16x1024xf32, #tpu.memory_space<vmem>>, vector<1x1x16xf32>,
        %get3A_642 = vector.shape_cast %get3A_641 : vector<1x1x16xf32> to vector<16xf32>
        %get3A_643 = arith.constant 2 : i32
        %get3A_644 = arith.index_cast %get3A_643 : i32 to index
        %get3A_645 = arith.index_cast %scan3A_283 : i32 to index
        %get3A_646 = arith.constant 704 : index
        %get3A_647 = tpu.vector_load %arg8[%get3A_644, %get3A_645, %get3A_646] {strides = array<i32>} : memref<4x16x1024xf32, #tpu.memory_space<vmem>>, vector<1x1x16xf32>,
        %get3A_648 = vector.shape_cast %get3A_647 : vector<1x1x16xf32> to vector<16xf32>
        %mul3A_649 = arith.mulf %bitcast_convert_type3A_634, %get3A_642 : vector<16xf32>
        %add3A_650 = arith.addf %add3A_538, %mul3A_649 : vector<16xf32>
        %mul3A_651 = arith.mulf %bitcast_convert_type3A_636, %get3A_648 : vector<16xf32>
        %add3A_652 = arith.addf %add3A_540, %mul3A_651 : vector<16xf32>
        %get3A_653 = arith.constant 2 : i32
        %get3A_654 = arith.index_cast %get3A_653 : i32 to index
        %get3A_655 = arith.index_cast %scan3A_283 : i32 to index
        %get3A_656 = arith.constant 208 : index
        %get3A_657 = tpu.vector_load %arg7[%get3A_654, %get3A_655, %get3A_656] {strides = array<i32>} : memref<4x16x512xi32, #tpu.memory_space<vmem>>, vector<1x1x16xi32>,
        %get3A_658 = vector.shape_cast %get3A_657 : vector<1x1x16xi32> to vector<16xi32>
        %mul3A_659 = arith.constant 65536 : i32
        %mul3A_660 = vector.broadcast %mul3A_659 : i32 to vector<16xi32>
        %mul3A_661 = arith.muli %get3A_658, %mul3A_660 : vector<16xi32>
        %bitcast_convert_type3A_662 = tpu.bitcast %mul3A_661 : vector<16xi32> -> vector<16xf32>
        %and3A_663 = arith.andi %get3A_658, %broadcast_in_dim3A_3 : vector<16xi32>
        %bitcast_convert_type3A_664 = tpu.bitcast %and3A_663 : vector<16xi32> -> vector<16xf32>
        %get3A_665 = arith.constant 2 : i32
        %get3A_666 = arith.index_cast %get3A_665 : i32 to index
        %get3A_667 = arith.index_cast %scan3A_283 : i32 to index
        %get3A_668 = arith.constant 208 : index
        %get3A_669 = tpu.vector_load %arg8[%get3A_666, %get3A_667, %get3A_668] {strides = array<i32>} : memref<4x16x1024xf32, #tpu.memory_space<vmem>>, vector<1x1x16xf32>,
        %get3A_670 = vector.shape_cast %get3A_669 : vector<1x1x16xf32> to vector<16xf32>
        %get3A_671 = arith.constant 2 : i32
        %get3A_672 = arith.index_cast %get3A_671 : i32 to index
        %get3A_673 = arith.index_cast %scan3A_283 : i32 to index
        %get3A_674 = arith.constant 720 : index
        %get3A_675 = tpu.vector_load %arg8[%get3A_672, %get3A_673, %get3A_674] {strides = array<i32>} : memref<4x16x1024xf32, #tpu.memory_space<vmem>>, vector<1x1x16xf32>,
        %get3A_676 = vector.shape_cast %get3A_675 : vector<1x1x16xf32> to vector<16xf32>
        %mul3A_677 = arith.mulf %bitcast_convert_type3A_662, %get3A_670 : vector<16xf32>
        %add3A_678 = arith.addf %add3A_566, %mul3A_677 : vector<16xf32>
        %mul3A_679 = arith.mulf %bitcast_convert_type3A_664, %get3A_676 : vector<16xf32>
        %add3A_680 = arith.addf %add3A_568, %mul3A_679 : vector<16xf32>
        %get3A_681 = arith.constant 2 : i32
        %get3A_682 = arith.index_cast %get3A_681 : i32 to index
        %get3A_683 = arith.index_cast %scan3A_283 : i32 to index
        %get3A_684 = arith.constant 224 : index
        %get3A_685 = tpu.vector_load %arg7[%get3A_682, %get3A_683, %get3A_684] {strides = array<i32>} : memref<4x16x512xi32, #tpu.memory_space<vmem>>, vector<1x1x16xi32>,
        %get3A_686 = vector.shape_cast %get3A_685 : vector<1x1x16xi32> to vector<16xi32>
        %mul3A_687 = arith.constant 65536 : i32
        %mul3A_688 = vector.broadcast %mul3A_687 : i32 to vector<16xi32>
        %mul3A_689 = arith.muli %get3A_686, %mul3A_688 : vector<16xi32>
        %bitcast_convert_type3A_690 = tpu.bitcast %mul3A_689 : vector<16xi32> -> vector<16xf32>
        %and3A_691 = arith.andi %get3A_686, %broadcast_in_dim3A_3 : vector<16xi32>
        %bitcast_convert_type3A_692 = tpu.bitcast %and3A_691 : vector<16xi32> -> vector<16xf32>
        %get3A_693 = arith.constant 2 : i32
        %get3A_694 = arith.index_cast %get3A_693 : i32 to index
        %get3A_695 = arith.index_cast %scan3A_283 : i32 to index
        %get3A_696 = arith.constant 224 : index
        %get3A_697 = tpu.vector_load %arg8[%get3A_694, %get3A_695, %get3A_696] {strides = array<i32>} : memref<4x16x1024xf32, #tpu.memory_space<vmem>>, vector<1x1x16xf32>,
        %get3A_698 = vector.shape_cast %get3A_697 : vector<1x1x16xf32> to vector<16xf32>
        %get3A_699 = arith.constant 2 : i32
        %get3A_700 = arith.index_cast %get3A_699 : i32 to index
        %get3A_701 = arith.index_cast %scan3A_283 : i32 to index
        %get3A_702 = arith.constant 736 : index
        %get3A_703 = tpu.vector_load %arg8[%get3A_700, %get3A_701, %get3A_702] {strides = array<i32>} : memref<4x16x1024xf32, #tpu.memory_space<vmem>>, vector<1x1x16xf32>,
        %get3A_704 = vector.shape_cast %get3A_703 : vector<1x1x16xf32> to vector<16xf32>
        %mul3A_705 = arith.mulf %bitcast_convert_type3A_690, %get3A_698 : vector<16xf32>
        %add3A_706 = arith.addf %add3A_594, %mul3A_705 : vector<16xf32>
        %mul3A_707 = arith.mulf %bitcast_convert_type3A_692, %get3A_704 : vector<16xf32>
        %add3A_708 = arith.addf %add3A_596, %mul3A_707 : vector<16xf32>
        %get3A_709 = arith.constant 2 : i32
        %get3A_710 = arith.index_cast %get3A_709 : i32 to index
        %get3A_711 = arith.index_cast %scan3A_283 : i32 to index
        %get3A_712 = arith.constant 240 : index
        %get3A_713 = tpu.vector_load %arg7[%get3A_710, %get3A_711, %get3A_712] {strides = array<i32>} : memref<4x16x512xi32, #tpu.memory_space<vmem>>, vector<1x1x16xi32>,
        %get3A_714 = vector.shape_cast %get3A_713 : vector<1x1x16xi32> to vector<16xi32>
        %mul3A_715 = arith.constant 65536 : i32
        %mul3A_716 = vector.broadcast %mul3A_715 : i32 to vector<16xi32>
        %mul3A_717 = arith.muli %get3A_714, %mul3A_716 : vector<16xi32>
        %bitcast_convert_type3A_718 = tpu.bitcast %mul3A_717 : vector<16xi32> -> vector<16xf32>
        %and3A_719 = arith.andi %get3A_714, %broadcast_in_dim3A_3 : vector<16xi32>
        %bitcast_convert_type3A_720 = tpu.bitcast %and3A_719 : vector<16xi32> -> vector<16xf32>
        %get3A_721 = arith.constant 2 : i32
        %get3A_722 = arith.index_cast %get3A_721 : i32 to index
        %get3A_723 = arith.index_cast %scan3A_283 : i32 to index
        %get3A_724 = arith.constant 240 : index
        %get3A_725 = tpu.vector_load %arg8[%get3A_722, %get3A_723, %get3A_724] {strides = array<i32>} : memref<4x16x1024xf32, #tpu.memory_space<vmem>>, vector<1x1x16xf32>,
        %get3A_726 = vector.shape_cast %get3A_725 : vector<1x1x16xf32> to vector<16xf32>
        %get3A_727 = arith.constant 2 : i32
        %get3A_728 = arith.index_cast %get3A_727 : i32 to index
        %get3A_729 = arith.index_cast %scan3A_283 : i32 to index
        %get3A_730 = arith.constant 752 : index
        %get3A_731 = tpu.vector_load %arg8[%get3A_728, %get3A_729, %get3A_730] {strides = array<i32>} : memref<4x16x1024xf32, #tpu.memory_space<vmem>>, vector<1x1x16xf32>,
        %get3A_732 = vector.shape_cast %get3A_731 : vector<1x1x16xf32> to vector<16xf32>
        %mul3A_733 = arith.mulf %bitcast_convert_type3A_718, %get3A_726 : vector<16xf32>
        %add3A_734 = arith.addf %add3A_622, %mul3A_733 : vector<16xf32>
        %mul3A_735 = arith.mulf %bitcast_convert_type3A_720, %get3A_732 : vector<16xf32>
        %add3A_736 = arith.addf %add3A_624, %mul3A_735 : vector<16xf32>
        %get3A_737 = arith.constant 2 : i32
        %get3A_738 = arith.index_cast %get3A_737 : i32 to index
        %get3A_739 = arith.index_cast %scan3A_283 : i32 to index
        %get3A_740 = arith.constant 256 : index
        %get3A_741 = tpu.vector_load %arg7[%get3A_738, %get3A_739, %get3A_740] {strides = array<i32>} : memref<4x16x512xi32, #tpu.memory_space<vmem>>, vector<1x1x16xi32>,
        %get3A_742 = vector.shape_cast %get3A_741 : vector<1x1x16xi32> to vector<16xi32>
        %mul3A_743 = arith.constant 65536 : i32
        %mul3A_744 = vector.broadcast %mul3A_743 : i32 to vector<16xi32>
        %mul3A_745 = arith.muli %get3A_742, %mul3A_744 : vector<16xi32>
        %bitcast_convert_type3A_746 = tpu.bitcast %mul3A_745 : vector<16xi32> -> vector<16xf32>
        %and3A_747 = arith.andi %get3A_742, %broadcast_in_dim3A_3 : vector<16xi32>
        %bitcast_convert_type3A_748 = tpu.bitcast %and3A_747 : vector<16xi32> -> vector<16xf32>
        %get3A_749 = arith.constant 2 : i32
        %get3A_750 = arith.index_cast %get3A_749 : i32 to index
        %get3A_751 = arith.index_cast %scan3A_283 : i32 to index
        %get3A_752 = arith.constant 256 : index
        %get3A_753 = tpu.vector_load %arg8[%get3A_750, %get3A_751, %get3A_752] {strides = array<i32>} : memref<4x16x1024xf32, #tpu.memory_space<vmem>>, vector<1x1x16xf32>,
        %get3A_754 = vector.shape_cast %get3A_753 : vector<1x1x16xf32> to vector<16xf32>
        %get3A_755 = arith.constant 2 : i32
        %get3A_756 = arith.index_cast %get3A_755 : i32 to index
        %get3A_757 = arith.index_cast %scan3A_283 : i32 to index
        %get3A_758 = arith.constant 768 : index
        %get3A_759 = tpu.vector_load %arg8[%get3A_756, %get3A_757, %get3A_758] {strides = array<i32>} : memref<4x16x1024xf32, #tpu.memory_space<vmem>>, vector<1x1x16xf32>,
        %get3A_760 = vector.shape_cast %get3A_759 : vector<1x1x16xf32> to vector<16xf32>
        %mul3A_761 = arith.mulf %bitcast_convert_type3A_746, %get3A_754 : vector<16xf32>
        %add3A_762 = arith.addf %add3A_650, %mul3A_761 : vector<16xf32>
        %mul3A_763 = arith.mulf %bitcast_convert_type3A_748, %get3A_760 : vector<16xf32>
        %add3A_764 = arith.addf %add3A_652, %mul3A_763 : vector<16xf32>
        %get3A_765 = arith.constant 2 : i32
        %get3A_766 = arith.index_cast %get3A_765 : i32 to index
        %get3A_767 = arith.index_cast %scan3A_283 : i32 to index
        %get3A_768 = arith.constant 272 : index
        %get3A_769 = tpu.vector_load %arg7[%get3A_766, %get3A_767, %get3A_768] {strides = array<i32>} : memref<4x16x512xi32, #tpu.memory_space<vmem>>, vector<1x1x16xi32>,
        %get3A_770 = vector.shape_cast %get3A_769 : vector<1x1x16xi32> to vector<16xi32>
        %mul3A_771 = arith.constant 65536 : i32
        %mul3A_772 = vector.broadcast %mul3A_771 : i32 to vector<16xi32>
        %mul3A_773 = arith.muli %get3A_770, %mul3A_772 : vector<16xi32>
        %bitcast_convert_type3A_774 = tpu.bitcast %mul3A_773 : vector<16xi32> -> vector<16xf32>
        %and3A_775 = arith.andi %get3A_770, %broadcast_in_dim3A_3 : vector<16xi32>
        %bitcast_convert_type3A_776 = tpu.bitcast %and3A_775 : vector<16xi32> -> vector<16xf32>
        %get3A_777 = arith.constant 2 : i32
        %get3A_778 = arith.index_cast %get3A_777 : i32 to index
        %get3A_779 = arith.index_cast %scan3A_283 : i32 to index
        %get3A_780 = arith.constant 272 : index
        %get3A_781 = tpu.vector_load %arg8[%get3A_778, %get3A_779, %get3A_780] {strides = array<i32>} : memref<4x16x1024xf32, #tpu.memory_space<vmem>>, vector<1x1x16xf32>,
        %get3A_782 = vector.shape_cast %get3A_781 : vector<1x1x16xf32> to vector<16xf32>
        %get3A_783 = arith.constant 2 : i32
        %get3A_784 = arith.index_cast %get3A_783 : i32 to index
        %get3A_785 = arith.index_cast %scan3A_283 : i32 to index
        %get3A_786 = arith.constant 784 : index
        %get3A_787 = tpu.vector_load %arg8[%get3A_784, %get3A_785, %get3A_786] {strides = array<i32>} : memref<4x16x1024xf32, #tpu.memory_space<vmem>>, vector<1x1x16xf32>,
        %get3A_788 = vector.shape_cast %get3A_787 : vector<1x1x16xf32> to vector<16xf32>
        %mul3A_789 = arith.mulf %bitcast_convert_type3A_774, %get3A_782 : vector<16xf32>
        %add3A_790 = arith.addf %add3A_678, %mul3A_789 : vector<16xf32>
        %mul3A_791 = arith.mulf %bitcast_convert_type3A_776, %get3A_788 : vector<16xf32>
        %add3A_792 = arith.addf %add3A_680, %mul3A_791 : vector<16xf32>
        %get3A_793 = arith.constant 2 : i32
        %get3A_794 = arith.index_cast %get3A_793 : i32 to index
        %get3A_795 = arith.index_cast %scan3A_283 : i32 to index
        %get3A_796 = arith.constant 288 : index
        %get3A_797 = tpu.vector_load %arg7[%get3A_794, %get3A_795, %get3A_796] {strides = array<i32>} : memref<4x16x512xi32, #tpu.memory_space<vmem>>, vector<1x1x16xi32>,
        %get3A_798 = vector.shape_cast %get3A_797 : vector<1x1x16xi32> to vector<16xi32>
        %mul3A_799 = arith.constant 65536 : i32
        %mul3A_800 = vector.broadcast %mul3A_799 : i32 to vector<16xi32>
        %mul3A_801 = arith.muli %get3A_798, %mul3A_800 : vector<16xi32>
        %bitcast_convert_type3A_802 = tpu.bitcast %mul3A_801 : vector<16xi32> -> vector<16xf32>
        %and3A_803 = arith.andi %get3A_798, %broadcast_in_dim3A_3 : vector<16xi32>
        %bitcast_convert_type3A_804 = tpu.bitcast %and3A_803 : vector<16xi32> -> vector<16xf32>
        %get3A_805 = arith.constant 2 : i32
        %get3A_806 = arith.index_cast %get3A_805 : i32 to index
        %get3A_807 = arith.index_cast %scan3A_283 : i32 to index
        %get3A_808 = arith.constant 288 : index
        %get3A_809 = tpu.vector_load %arg8[%get3A_806, %get3A_807, %get3A_808] {strides = array<i32>} : memref<4x16x1024xf32, #tpu.memory_space<vmem>>, vector<1x1x16xf32>,
        %get3A_810 = vector.shape_cast %get3A_809 : vector<1x1x16xf32> to vector<16xf32>
        %get3A_811 = arith.constant 2 : i32
        %get3A_812 = arith.index_cast %get3A_811 : i32 to index
        %get3A_813 = arith.index_cast %scan3A_283 : i32 to index
        %get3A_814 = arith.constant 800 : index
        %get3A_815 = tpu.vector_load %arg8[%get3A_812, %get3A_813, %get3A_814] {strides = array<i32>} : memref<4x16x1024xf32, #tpu.memory_space<vmem>>, vector<1x1x16xf32>,
        %get3A_816 = vector.shape_cast %get3A_815 : vector<1x1x16xf32> to vector<16xf32>
        %mul3A_817 = arith.mulf %bitcast_convert_type3A_802, %get3A_810 : vector<16xf32>
        %add3A_818 = arith.addf %add3A_706, %mul3A_817 : vector<16xf32>
        %mul3A_819 = arith.mulf %bitcast_convert_type3A_804, %get3A_816 : vector<16xf32>
        %add3A_820 = arith.addf %add3A_708, %mul3A_819 : vector<16xf32>
        %get3A_821 = arith.constant 2 : i32
        %get3A_822 = arith.index_cast %get3A_821 : i32 to index
        %get3A_823 = arith.index_cast %scan3A_283 : i32 to index
        %get3A_824 = arith.constant 304 : index
        %get3A_825 = tpu.vector_load %arg7[%get3A_822, %get3A_823, %get3A_824] {strides = array<i32>} : memref<4x16x512xi32, #tpu.memory_space<vmem>>, vector<1x1x16xi32>,
        %get3A_826 = vector.shape_cast %get3A_825 : vector<1x1x16xi32> to vector<16xi32>
        %mul3A_827 = arith.constant 65536 : i32
        %mul3A_828 = vector.broadcast %mul3A_827 : i32 to vector<16xi32>
        %mul3A_829 = arith.muli %get3A_826, %mul3A_828 : vector<16xi32>
        %bitcast_convert_type3A_830 = tpu.bitcast %mul3A_829 : vector<16xi32> -> vector<16xf32>
        %and3A_831 = arith.andi %get3A_826, %broadcast_in_dim3A_3 : vector<16xi32>
        %bitcast_convert_type3A_832 = tpu.bitcast %and3A_831 : vector<16xi32> -> vector<16xf32>
        %get3A_833 = arith.constant 2 : i32
        %get3A_834 = arith.index_cast %get3A_833 : i32 to index
        %get3A_835 = arith.index_cast %scan3A_283 : i32 to index
        %get3A_836 = arith.constant 304 : index
        %get3A_837 = tpu.vector_load %arg8[%get3A_834, %get3A_835, %get3A_836] {strides = array<i32>} : memref<4x16x1024xf32, #tpu.memory_space<vmem>>, vector<1x1x16xf32>,
        %get3A_838 = vector.shape_cast %get3A_837 : vector<1x1x16xf32> to vector<16xf32>
        %get3A_839 = arith.constant 2 : i32
        %get3A_840 = arith.index_cast %get3A_839 : i32 to index
        %get3A_841 = arith.index_cast %scan3A_283 : i32 to index
        %get3A_842 = arith.constant 816 : index
        %get3A_843 = tpu.vector_load %arg8[%get3A_840, %get3A_841, %get3A_842] {strides = array<i32>} : memref<4x16x1024xf32, #tpu.memory_space<vmem>>, vector<1x1x16xf32>,
        %get3A_844 = vector.shape_cast %get3A_843 : vector<1x1x16xf32> to vector<16xf32>
        %mul3A_845 = arith.mulf %bitcast_convert_type3A_830, %get3A_838 : vector<16xf32>
        %add3A_846 = arith.addf %add3A_734, %mul3A_845 : vector<16xf32>
        %mul3A_847 = arith.mulf %bitcast_convert_type3A_832, %get3A_844 : vector<16xf32>
        %add3A_848 = arith.addf %add3A_736, %mul3A_847 : vector<16xf32>
        %get3A_849 = arith.constant 2 : i32
        %get3A_850 = arith.index_cast %get3A_849 : i32 to index
        %get3A_851 = arith.index_cast %scan3A_283 : i32 to index
        %get3A_852 = arith.constant 320 : index
        %get3A_853 = tpu.vector_load %arg7[%get3A_850, %get3A_851, %get3A_852] {strides = array<i32>} : memref<4x16x512xi32, #tpu.memory_space<vmem>>, vector<1x1x16xi32>,
        %get3A_854 = vector.shape_cast %get3A_853 : vector<1x1x16xi32> to vector<16xi32>
        %mul3A_855 = arith.constant 65536 : i32
        %mul3A_856 = vector.broadcast %mul3A_855 : i32 to vector<16xi32>
        %mul3A_857 = arith.muli %get3A_854, %mul3A_856 : vector<16xi32>
        %bitcast_convert_type3A_858 = tpu.bitcast %mul3A_857 : vector<16xi32> -> vector<16xf32>
        %and3A_859 = arith.andi %get3A_854, %broadcast_in_dim3A_3 : vector<16xi32>
        %bitcast_convert_type3A_860 = tpu.bitcast %and3A_859 : vector<16xi32> -> vector<16xf32>
        %get3A_861 = arith.constant 2 : i32
        %get3A_862 = arith.index_cast %get3A_861 : i32 to index
        %get3A_863 = arith.index_cast %scan3A_283 : i32 to index
        %get3A_864 = arith.constant 320 : index
        %get3A_865 = tpu.vector_load %arg8[%get3A_862, %get3A_863, %get3A_864] {strides = array<i32>} : memref<4x16x1024xf32, #tpu.memory_space<vmem>>, vector<1x1x16xf32>,
        %get3A_866 = vector.shape_cast %get3A_865 : vector<1x1x16xf32> to vector<16xf32>
        %get3A_867 = arith.constant 2 : i32
        %get3A_868 = arith.index_cast %get3A_867 : i32 to index
        %get3A_869 = arith.index_cast %scan3A_283 : i32 to index
        %get3A_870 = arith.constant 832 : index
        %get3A_871 = tpu.vector_load %arg8[%get3A_868, %get3A_869, %get3A_870] {strides = array<i32>} : memref<4x16x1024xf32, #tpu.memory_space<vmem>>, vector<1x1x16xf32>,
        %get3A_872 = vector.shape_cast %get3A_871 : vector<1x1x16xf32> to vector<16xf32>
        %mul3A_873 = arith.mulf %bitcast_convert_type3A_858, %get3A_866 : vector<16xf32>
        %add3A_874 = arith.addf %add3A_762, %mul3A_873 : vector<16xf32>
        %mul3A_875 = arith.mulf %bitcast_convert_type3A_860, %get3A_872 : vector<16xf32>
        %add3A_876 = arith.addf %add3A_764, %mul3A_875 : vector<16xf32>
        %get3A_877 = arith.constant 2 : i32
        %get3A_878 = arith.index_cast %get3A_877 : i32 to index
        %get3A_879 = arith.index_cast %scan3A_283 : i32 to index
        %get3A_880 = arith.constant 336 : index
        %get3A_881 = tpu.vector_load %arg7[%get3A_878, %get3A_879, %get3A_880] {strides = array<i32>} : memref<4x16x512xi32, #tpu.memory_space<vmem>>, vector<1x1x16xi32>,
        %get3A_882 = vector.shape_cast %get3A_881 : vector<1x1x16xi32> to vector<16xi32>
        %mul3A_883 = arith.constant 65536 : i32
        %mul3A_884 = vector.broadcast %mul3A_883 : i32 to vector<16xi32>
        %mul3A_885 = arith.muli %get3A_882, %mul3A_884 : vector<16xi32>
        %bitcast_convert_type3A_886 = tpu.bitcast %mul3A_885 : vector<16xi32> -> vector<16xf32>
        %and3A_887 = arith.andi %get3A_882, %broadcast_in_dim3A_3 : vector<16xi32>
        %bitcast_convert_type3A_888 = tpu.bitcast %and3A_887 : vector<16xi32> -> vector<16xf32>
        %get3A_889 = arith.constant 2 : i32
        %get3A_890 = arith.index_cast %get3A_889 : i32 to index
        %get3A_891 = arith.index_cast %scan3A_283 : i32 to index
        %get3A_892 = arith.constant 336 : index
        %get3A_893 = tpu.vector_load %arg8[%get3A_890, %get3A_891, %get3A_892] {strides = array<i32>} : memref<4x16x1024xf32, #tpu.memory_space<vmem>>, vector<1x1x16xf32>,
        %get3A_894 = vector.shape_cast %get3A_893 : vector<1x1x16xf32> to vector<16xf32>
        %get3A_895 = arith.constant 2 : i32
        %get3A_896 = arith.index_cast %get3A_895 : i32 to index
        %get3A_897 = arith.index_cast %scan3A_283 : i32 to index
        %get3A_898 = arith.constant 848 : index
        %get3A_899 = tpu.vector_load %arg8[%get3A_896, %get3A_897, %get3A_898] {strides = array<i32>} : memref<4x16x1024xf32, #tpu.memory_space<vmem>>, vector<1x1x16xf32>,
        %get3A_900 = vector.shape_cast %get3A_899 : vector<1x1x16xf32> to vector<16xf32>
        %mul3A_901 = arith.mulf %bitcast_convert_type3A_886, %get3A_894 : vector<16xf32>
        %add3A_902 = arith.addf %add3A_790, %mul3A_901 : vector<16xf32>
        %mul3A_903 = arith.mulf %bitcast_convert_type3A_888, %get3A_900 : vector<16xf32>
        %add3A_904 = arith.addf %add3A_792, %mul3A_903 : vector<16xf32>
        %get3A_905 = arith.constant 2 : i32
        %get3A_906 = arith.index_cast %get3A_905 : i32 to index
        %get3A_907 = arith.index_cast %scan3A_283 : i32 to index
        %get3A_908 = arith.constant 352 : index
        %get3A_909 = tpu.vector_load %arg7[%get3A_906, %get3A_907, %get3A_908] {strides = array<i32>} : memref<4x16x512xi32, #tpu.memory_space<vmem>>, vector<1x1x16xi32>,
        %get3A_910 = vector.shape_cast %get3A_909 : vector<1x1x16xi32> to vector<16xi32>
        %mul3A_911 = arith.constant 65536 : i32
        %mul3A_912 = vector.broadcast %mul3A_911 : i32 to vector<16xi32>
        %mul3A_913 = arith.muli %get3A_910, %mul3A_912 : vector<16xi32>
        %bitcast_convert_type3A_914 = tpu.bitcast %mul3A_913 : vector<16xi32> -> vector<16xf32>
        %and3A_915 = arith.andi %get3A_910, %broadcast_in_dim3A_3 : vector<16xi32>
        %bitcast_convert_type3A_916 = tpu.bitcast %and3A_915 : vector<16xi32> -> vector<16xf32>
        %get3A_917 = arith.constant 2 : i32
        %get3A_918 = arith.index_cast %get3A_917 : i32 to index
        %get3A_919 = arith.index_cast %scan3A_283 : i32 to index
        %get3A_920 = arith.constant 352 : index
        %get3A_921 = tpu.vector_load %arg8[%get3A_918, %get3A_919, %get3A_920] {strides = array<i32>} : memref<4x16x1024xf32, #tpu.memory_space<vmem>>, vector<1x1x16xf32>,
        %get3A_922 = vector.shape_cast %get3A_921 : vector<1x1x16xf32> to vector<16xf32>
        %get3A_923 = arith.constant 2 : i32
        %get3A_924 = arith.index_cast %get3A_923 : i32 to index
        %get3A_925 = arith.index_cast %scan3A_283 : i32 to index
        %get3A_926 = arith.constant 864 : index
        %get3A_927 = tpu.vector_load %arg8[%get3A_924, %get3A_925, %get3A_926] {strides = array<i32>} : memref<4x16x1024xf32, #tpu.memory_space<vmem>>, vector<1x1x16xf32>,
        %get3A_928 = vector.shape_cast %get3A_927 : vector<1x1x16xf32> to vector<16xf32>
        %mul3A_929 = arith.mulf %bitcast_convert_type3A_914, %get3A_922 : vector<16xf32>
        %add3A_930 = arith.addf %add3A_818, %mul3A_929 : vector<16xf32>
        %mul3A_931 = arith.mulf %bitcast_convert_type3A_916, %get3A_928 : vector<16xf32>
        %add3A_932 = arith.addf %add3A_820, %mul3A_931 : vector<16xf32>
        %get3A_933 = arith.constant 2 : i32
        %get3A_934 = arith.index_cast %get3A_933 : i32 to index
        %get3A_935 = arith.index_cast %scan3A_283 : i32 to index
        %get3A_936 = arith.constant 368 : index
        %get3A_937 = tpu.vector_load %arg7[%get3A_934, %get3A_935, %get3A_936] {strides = array<i32>} : memref<4x16x512xi32, #tpu.memory_space<vmem>>, vector<1x1x16xi32>,
        %get3A_938 = vector.shape_cast %get3A_937 : vector<1x1x16xi32> to vector<16xi32>
        %mul3A_939 = arith.constant 65536 : i32
        %mul3A_940 = vector.broadcast %mul3A_939 : i32 to vector<16xi32>
        %mul3A_941 = arith.muli %get3A_938, %mul3A_940 : vector<16xi32>
        %bitcast_convert_type3A_942 = tpu.bitcast %mul3A_941 : vector<16xi32> -> vector<16xf32>
        %and3A_943 = arith.andi %get3A_938, %broadcast_in_dim3A_3 : vector<16xi32>
        %bitcast_convert_type3A_944 = tpu.bitcast %and3A_943 : vector<16xi32> -> vector<16xf32>
        %get3A_945 = arith.constant 2 : i32
        %get3A_946 = arith.index_cast %get3A_945 : i32 to index
        %get3A_947 = arith.index_cast %scan3A_283 : i32 to index
        %get3A_948 = arith.constant 368 : index
        %get3A_949 = tpu.vector_load %arg8[%get3A_946, %get3A_947, %get3A_948] {strides = array<i32>} : memref<4x16x1024xf32, #tpu.memory_space<vmem>>, vector<1x1x16xf32>,
        %get3A_950 = vector.shape_cast %get3A_949 : vector<1x1x16xf32> to vector<16xf32>
        %get3A_951 = arith.constant 2 : i32
        %get3A_952 = arith.index_cast %get3A_951 : i32 to index
        %get3A_953 = arith.index_cast %scan3A_283 : i32 to index
        %get3A_954 = arith.constant 880 : index
        %get3A_955 = tpu.vector_load %arg8[%get3A_952, %get3A_953, %get3A_954] {strides = array<i32>} : memref<4x16x1024xf32, #tpu.memory_space<vmem>>, vector<1x1x16xf32>,
        %get3A_956 = vector.shape_cast %get3A_955 : vector<1x1x16xf32> to vector<16xf32>
        %mul3A_957 = arith.mulf %bitcast_convert_type3A_942, %get3A_950 : vector<16xf32>
        %add3A_958 = arith.addf %add3A_846, %mul3A_957 : vector<16xf32>
        %mul3A_959 = arith.mulf %bitcast_convert_type3A_944, %get3A_956 : vector<16xf32>
        %add3A_960 = arith.addf %add3A_848, %mul3A_959 : vector<16xf32>
        %get3A_961 = arith.constant 2 : i32
        %get3A_962 = arith.index_cast %get3A_961 : i32 to index
        %get3A_963 = arith.index_cast %scan3A_283 : i32 to index
        %get3A_964 = arith.constant 384 : index
        %get3A_965 = tpu.vector_load %arg7[%get3A_962, %get3A_963, %get3A_964] {strides = array<i32>} : memref<4x16x512xi32, #tpu.memory_space<vmem>>, vector<1x1x16xi32>,
        %get3A_966 = vector.shape_cast %get3A_965 : vector<1x1x16xi32> to vector<16xi32>
        %mul3A_967 = arith.constant 65536 : i32
        %mul3A_968 = vector.broadcast %mul3A_967 : i32 to vector<16xi32>
        %mul3A_969 = arith.muli %get3A_966, %mul3A_968 : vector<16xi32>
        %bitcast_convert_type3A_970 = tpu.bitcast %mul3A_969 : vector<16xi32> -> vector<16xf32>
        %and3A_971 = arith.andi %get3A_966, %broadcast_in_dim3A_3 : vector<16xi32>
        %bitcast_convert_type3A_972 = tpu.bitcast %and3A_971 : vector<16xi32> -> vector<16xf32>
        %get3A_973 = arith.constant 2 : i32
        %get3A_974 = arith.index_cast %get3A_973 : i32 to index
        %get3A_975 = arith.index_cast %scan3A_283 : i32 to index
        %get3A_976 = arith.constant 384 : index
        %get3A_977 = tpu.vector_load %arg8[%get3A_974, %get3A_975, %get3A_976] {strides = array<i32>} : memref<4x16x1024xf32, #tpu.memory_space<vmem>>, vector<1x1x16xf32>,
        %get3A_978 = vector.shape_cast %get3A_977 : vector<1x1x16xf32> to vector<16xf32>
        %get3A_979 = arith.constant 2 : i32
        %get3A_980 = arith.index_cast %get3A_979 : i32 to index
        %get3A_981 = arith.index_cast %scan3A_283 : i32 to index
        %get3A_982 = arith.constant 896 : index
        %get3A_983 = tpu.vector_load %arg8[%get3A_980, %get3A_981, %get3A_982] {strides = array<i32>} : memref<4x16x1024xf32, #tpu.memory_space<vmem>>, vector<1x1x16xf32>,
        %get3A_984 = vector.shape_cast %get3A_983 : vector<1x1x16xf32> to vector<16xf32>
        %mul3A_985 = arith.mulf %bitcast_convert_type3A_970, %get3A_978 : vector<16xf32>
        %add3A_986 = arith.addf %add3A_874, %mul3A_985 : vector<16xf32>
        %mul3A_987 = arith.mulf %bitcast_convert_type3A_972, %get3A_984 : vector<16xf32>
        %add3A_988 = arith.addf %add3A_876, %mul3A_987 : vector<16xf32>
        %get3A_989 = arith.constant 2 : i32
        %get3A_990 = arith.index_cast %get3A_989 : i32 to index
        %get3A_991 = arith.index_cast %scan3A_283 : i32 to index
        %get3A_992 = arith.constant 400 : index
        %get3A_993 = tpu.vector_load %arg7[%get3A_990, %get3A_991, %get3A_992] {strides = array<i32>} : memref<4x16x512xi32, #tpu.memory_space<vmem>>, vector<1x1x16xi32>,
        %get3A_994 = vector.shape_cast %get3A_993 : vector<1x1x16xi32> to vector<16xi32>
        %mul3A_995 = arith.constant 65536 : i32
        %mul3A_996 = vector.broadcast %mul3A_995 : i32 to vector<16xi32>
        %mul3A_997 = arith.muli %get3A_994, %mul3A_996 : vector<16xi32>
        %bitcast_convert_type3A_998 = tpu.bitcast %mul3A_997 : vector<16xi32> -> vector<16xf32>
        %and3A_999 = arith.andi %get3A_994, %broadcast_in_dim3A_3 : vector<16xi32>
        %bitcast_convert_type3A_1000 = tpu.bitcast %and3A_999 : vector<16xi32> -> vector<16xf32>
        %get3A_1001 = arith.constant 2 : i32
        %get3A_1002 = arith.index_cast %get3A_1001 : i32 to index
        %get3A_1003 = arith.index_cast %scan3A_283 : i32 to index
        %get3A_1004 = arith.constant 400 : index
        %get3A_1005 = tpu.vector_load %arg8[%get3A_1002, %get3A_1003, %get3A_1004] {strides = array<i32>} : memref<4x16x1024xf32, #tpu.memory_space<vmem>>, vector<1x1x16xf32>,
        %get3A_1006 = vector.shape_cast %get3A_1005 : vector<1x1x16xf32> to vector<16xf32>
        %get3A_1007 = arith.constant 2 : i32
        %get3A_1008 = arith.index_cast %get3A_1007 : i32 to index
        %get3A_1009 = arith.index_cast %scan3A_283 : i32 to index
        %get3A_1010 = arith.constant 912 : index
        %get3A_1011 = tpu.vector_load %arg8[%get3A_1008, %get3A_1009, %get3A_1010] {strides = array<i32>} : memref<4x16x1024xf32, #tpu.memory_space<vmem>>, vector<1x1x16xf32>,
        %get3A_1012 = vector.shape_cast %get3A_1011 : vector<1x1x16xf32> to vector<16xf32>
        %mul3A_1013 = arith.mulf %bitcast_convert_type3A_998, %get3A_1006 : vector<16xf32>
        %add3A_1014 = arith.addf %add3A_902, %mul3A_1013 : vector<16xf32>
        %mul3A_1015 = arith.mulf %bitcast_convert_type3A_1000, %get3A_1012 : vector<16xf32>
        %add3A_1016 = arith.addf %add3A_904, %mul3A_1015 : vector<16xf32>
        %get3A_1017 = arith.constant 2 : i32
        %get3A_1018 = arith.index_cast %get3A_1017 : i32 to index
        %get3A_1019 = arith.index_cast %scan3A_283 : i32 to index
        %get3A_1020 = arith.constant 416 : index
        %get3A_1021 = tpu.vector_load %arg7[%get3A_1018, %get3A_1019, %get3A_1020] {strides = array<i32>} : memref<4x16x512xi32, #tpu.memory_space<vmem>>, vector<1x1x16xi32>,
        %get3A_1022 = vector.shape_cast %get3A_1021 : vector<1x1x16xi32> to vector<16xi32>
        %mul3A_1023 = arith.constant 65536 : i32
        %mul3A_1024 = vector.broadcast %mul3A_1023 : i32 to vector<16xi32>
        %mul3A_1025 = arith.muli %get3A_1022, %mul3A_1024 : vector<16xi32>
        %bitcast_convert_type3A_1026 = tpu.bitcast %mul3A_1025 : vector<16xi32> -> vector<16xf32>
        %and3A_1027 = arith.andi %get3A_1022, %broadcast_in_dim3A_3 : vector<16xi32>
        %bitcast_convert_type3A_1028 = tpu.bitcast %and3A_1027 : vector<16xi32> -> vector<16xf32>
        %get3A_1029 = arith.constant 2 : i32
        %get3A_1030 = arith.index_cast %get3A_1029 : i32 to index
        %get3A_1031 = arith.index_cast %scan3A_283 : i32 to index
        %get3A_1032 = arith.constant 416 : index
        %get3A_1033 = tpu.vector_load %arg8[%get3A_1030, %get3A_1031, %get3A_1032] {strides = array<i32>} : memref<4x16x1024xf32, #tpu.memory_space<vmem>>, vector<1x1x16xf32>,
        %get3A_1034 = vector.shape_cast %get3A_1033 : vector<1x1x16xf32> to vector<16xf32>
        %get3A_1035 = arith.constant 2 : i32
        %get3A_1036 = arith.index_cast %get3A_1035 : i32 to index
        %get3A_1037 = arith.index_cast %scan3A_283 : i32 to index
        %get3A_1038 = arith.constant 928 : index
        %get3A_1039 = tpu.vector_load %arg8[%get3A_1036, %get3A_1037, %get3A_1038] {strides = array<i32>} : memref<4x16x1024xf32, #tpu.memory_space<vmem>>, vector<1x1x16xf32>,
        %get3A_1040 = vector.shape_cast %get3A_1039 : vector<1x1x16xf32> to vector<16xf32>
        %mul3A_1041 = arith.mulf %bitcast_convert_type3A_1026, %get3A_1034 : vector<16xf32>
        %add3A_1042 = arith.addf %add3A_930, %mul3A_1041 : vector<16xf32>
        %mul3A_1043 = arith.mulf %bitcast_convert_type3A_1028, %get3A_1040 : vector<16xf32>
        %add3A_1044 = arith.addf %add3A_932, %mul3A_1043 : vector<16xf32>
        %get3A_1045 = arith.constant 2 : i32
        %get3A_1046 = arith.index_cast %get3A_1045 : i32 to index
        %get3A_1047 = arith.index_cast %scan3A_283 : i32 to index
        %get3A_1048 = arith.constant 432 : index
        %get3A_1049 = tpu.vector_load %arg7[%get3A_1046, %get3A_1047, %get3A_1048] {strides = array<i32>} : memref<4x16x512xi32, #tpu.memory_space<vmem>>, vector<1x1x16xi32>,
        %get3A_1050 = vector.shape_cast %get3A_1049 : vector<1x1x16xi32> to vector<16xi32>
        %mul3A_1051 = arith.constant 65536 : i32
        %mul3A_1052 = vector.broadcast %mul3A_1051 : i32 to vector<16xi32>
        %mul3A_1053 = arith.muli %get3A_1050, %mul3A_1052 : vector<16xi32>
        %bitcast_convert_type3A_1054 = tpu.bitcast %mul3A_1053 : vector<16xi32> -> vector<16xf32>
        %and3A_1055 = arith.andi %get3A_1050, %broadcast_in_dim3A_3 : vector<16xi32>
        %bitcast_convert_type3A_1056 = tpu.bitcast %and3A_1055 : vector<16xi32> -> vector<16xf32>
        %get3A_1057 = arith.constant 2 : i32
        %get3A_1058 = arith.index_cast %get3A_1057 : i32 to index
        %get3A_1059 = arith.index_cast %scan3A_283 : i32 to index
        %get3A_1060 = arith.constant 432 : index
        %get3A_1061 = tpu.vector_load %arg8[%get3A_1058, %get3A_1059, %get3A_1060] {strides = array<i32>} : memref<4x16x1024xf32, #tpu.memory_space<vmem>>, vector<1x1x16xf32>,
        %get3A_1062 = vector.shape_cast %get3A_1061 : vector<1x1x16xf32> to vector<16xf32>
        %get3A_1063 = arith.constant 2 : i32
        %get3A_1064 = arith.index_cast %get3A_1063 : i32 to index
        %get3A_1065 = arith.index_cast %scan3A_283 : i32 to index
        %get3A_1066 = arith.constant 944 : index
        %get3A_1067 = tpu.vector_load %arg8[%get3A_1064, %get3A_1065, %get3A_1066] {strides = array<i32>} : memref<4x16x1024xf32, #tpu.memory_space<vmem>>, vector<1x1x16xf32>,
        %get3A_1068 = vector.shape_cast %get3A_1067 : vector<1x1x16xf32> to vector<16xf32>
        %mul3A_1069 = arith.mulf %bitcast_convert_type3A_1054, %get3A_1062 : vector<16xf32>
        %add3A_1070 = arith.addf %add3A_958, %mul3A_1069 : vector<16xf32>
        %mul3A_1071 = arith.mulf %bitcast_convert_type3A_1056, %get3A_1068 : vector<16xf32>
        %add3A_1072 = arith.addf %add3A_960, %mul3A_1071 : vector<16xf32>
        %get3A_1073 = arith.constant 2 : i32
        %get3A_1074 = arith.index_cast %get3A_1073 : i32 to index
        %get3A_1075 = arith.index_cast %scan3A_283 : i32 to index
        %get3A_1076 = arith.constant 448 : index
        %get3A_1077 = tpu.vector_load %arg7[%get3A_1074, %get3A_1075, %get3A_1076] {strides = array<i32>} : memref<4x16x512xi32, #tpu.memory_space<vmem>>, vector<1x1x16xi32>,
        %get3A_1078 = vector.shape_cast %get3A_1077 : vector<1x1x16xi32> to vector<16xi32>
        %mul3A_1079 = arith.constant 65536 : i32
        %mul3A_1080 = vector.broadcast %mul3A_1079 : i32 to vector<16xi32>
        %mul3A_1081 = arith.muli %get3A_1078, %mul3A_1080 : vector<16xi32>
        %bitcast_convert_type3A_1082 = tpu.bitcast %mul3A_1081 : vector<16xi32> -> vector<16xf32>
        %and3A_1083 = arith.andi %get3A_1078, %broadcast_in_dim3A_3 : vector<16xi32>
        %bitcast_convert_type3A_1084 = tpu.bitcast %and3A_1083 : vector<16xi32> -> vector<16xf32>
        %get3A_1085 = arith.constant 2 : i32
        %get3A_1086 = arith.index_cast %get3A_1085 : i32 to index
        %get3A_1087 = arith.index_cast %scan3A_283 : i32 to index
        %get3A_1088 = arith.constant 448 : index
        %get3A_1089 = tpu.vector_load %arg8[%get3A_1086, %get3A_1087, %get3A_1088] {strides = array<i32>} : memref<4x16x1024xf32, #tpu.memory_space<vmem>>, vector<1x1x16xf32>,
        %get3A_1090 = vector.shape_cast %get3A_1089 : vector<1x1x16xf32> to vector<16xf32>
        %get3A_1091 = arith.constant 2 : i32
        %get3A_1092 = arith.index_cast %get3A_1091 : i32 to index
        %get3A_1093 = arith.index_cast %scan3A_283 : i32 to index
        %get3A_1094 = arith.constant 960 : index
        %get3A_1095 = tpu.vector_load %arg8[%get3A_1092, %get3A_1093, %get3A_1094] {strides = array<i32>} : memref<4x16x1024xf32, #tpu.memory_space<vmem>>, vector<1x1x16xf32>,
        %get3A_1096 = vector.shape_cast %get3A_1095 : vector<1x1x16xf32> to vector<16xf32>
        %mul3A_1097 = arith.mulf %bitcast_convert_type3A_1082, %get3A_1090 : vector<16xf32>
        %add3A_1098 = arith.addf %add3A_986, %mul3A_1097 : vector<16xf32>
        %mul3A_1099 = arith.mulf %bitcast_convert_type3A_1084, %get3A_1096 : vector<16xf32>
        %add3A_1100 = arith.addf %add3A_988, %mul3A_1099 : vector<16xf32>
        %get3A_1101 = arith.constant 2 : i32
        %get3A_1102 = arith.index_cast %get3A_1101 : i32 to index
        %get3A_1103 = arith.index_cast %scan3A_283 : i32 to index
        %get3A_1104 = arith.constant 464 : index
        %get3A_1105 = tpu.vector_load %arg7[%get3A_1102, %get3A_1103, %get3A_1104] {strides = array<i32>} : memref<4x16x512xi32, #tpu.memory_space<vmem>>, vector<1x1x16xi32>,
        %get3A_1106 = vector.shape_cast %get3A_1105 : vector<1x1x16xi32> to vector<16xi32>
        %mul3A_1107 = arith.constant 65536 : i32
        %mul3A_1108 = vector.broadcast %mul3A_1107 : i32 to vector<16xi32>
        %mul3A_1109 = arith.muli %get3A_1106, %mul3A_1108 : vector<16xi32>
        %bitcast_convert_type3A_1110 = tpu.bitcast %mul3A_1109 : vector<16xi32> -> vector<16xf32>
        %and3A_1111 = arith.andi %get3A_1106, %broadcast_in_dim3A_3 : vector<16xi32>
        %bitcast_convert_type3A_1112 = tpu.bitcast %and3A_1111 : vector<16xi32> -> vector<16xf32>
        %get3A_1113 = arith.constant 2 : i32
        %get3A_1114 = arith.index_cast %get3A_1113 : i32 to index
        %get3A_1115 = arith.index_cast %scan3A_283 : i32 to index
        %get3A_1116 = arith.constant 464 : index
        %get3A_1117 = tpu.vector_load %arg8[%get3A_1114, %get3A_1115, %get3A_1116] {strides = array<i32>} : memref<4x16x1024xf32, #tpu.memory_space<vmem>>, vector<1x1x16xf32>,
        %get3A_1118 = vector.shape_cast %get3A_1117 : vector<1x1x16xf32> to vector<16xf32>
        %get3A_1119 = arith.constant 2 : i32
        %get3A_1120 = arith.index_cast %get3A_1119 : i32 to index
        %get3A_1121 = arith.index_cast %scan3A_283 : i32 to index
        %get3A_1122 = arith.constant 976 : index
        %get3A_1123 = tpu.vector_load %arg8[%get3A_1120, %get3A_1121, %get3A_1122] {strides = array<i32>} : memref<4x16x1024xf32, #tpu.memory_space<vmem>>, vector<1x1x16xf32>,
        %get3A_1124 = vector.shape_cast %get3A_1123 : vector<1x1x16xf32> to vector<16xf32>
        %mul3A_1125 = arith.mulf %bitcast_convert_type3A_1110, %get3A_1118 : vector<16xf32>
        %add3A_1126 = arith.addf %add3A_1014, %mul3A_1125 : vector<16xf32>
        %mul3A_1127 = arith.mulf %bitcast_convert_type3A_1112, %get3A_1124 : vector<16xf32>
        %add3A_1128 = arith.addf %add3A_1016, %mul3A_1127 : vector<16xf32>
        %get3A_1129 = arith.constant 2 : i32
        %get3A_1130 = arith.index_cast %get3A_1129 : i32 to index
        %get3A_1131 = arith.index_cast %scan3A_283 : i32 to index
        %get3A_1132 = arith.constant 480 : index
        %get3A_1133 = tpu.vector_load %arg7[%get3A_1130, %get3A_1131, %get3A_1132] {strides = array<i32>} : memref<4x16x512xi32, #tpu.memory_space<vmem>>, vector<1x1x16xi32>,
        %get3A_1134 = vector.shape_cast %get3A_1133 : vector<1x1x16xi32> to vector<16xi32>
        %mul3A_1135 = arith.constant 65536 : i32
        %mul3A_1136 = vector.broadcast %mul3A_1135 : i32 to vector<16xi32>
        %mul3A_1137 = arith.muli %get3A_1134, %mul3A_1136 : vector<16xi32>
        %bitcast_convert_type3A_1138 = tpu.bitcast %mul3A_1137 : vector<16xi32> -> vector<16xf32>
        %and3A_1139 = arith.andi %get3A_1134, %broadcast_in_dim3A_3 : vector<16xi32>
        %bitcast_convert_type3A_1140 = tpu.bitcast %and3A_1139 : vector<16xi32> -> vector<16xf32>
        %get3A_1141 = arith.constant 2 : i32
        %get3A_1142 = arith.index_cast %get3A_1141 : i32 to index
        %get3A_1143 = arith.index_cast %scan3A_283 : i32 to index
        %get3A_1144 = arith.constant 480 : index
        %get3A_1145 = tpu.vector_load %arg8[%get3A_1142, %get3A_1143, %get3A_1144] {strides = array<i32>} : memref<4x16x1024xf32, #tpu.memory_space<vmem>>, vector<1x1x16xf32>,
        %get3A_1146 = vector.shape_cast %get3A_1145 : vector<1x1x16xf32> to vector<16xf32>
        %get3A_1147 = arith.constant 2 : i32
        %get3A_1148 = arith.index_cast %get3A_1147 : i32 to index
        %get3A_1149 = arith.index_cast %scan3A_283 : i32 to index
        %get3A_1150 = arith.constant 992 : index
        %get3A_1151 = tpu.vector_load %arg8[%get3A_1148, %get3A_1149, %get3A_1150] {strides = array<i32>} : memref<4x16x1024xf32, #tpu.memory_space<vmem>>, vector<1x1x16xf32>,
        %get3A_1152 = vector.shape_cast %get3A_1151 : vector<1x1x16xf32> to vector<16xf32>
        %mul3A_1153 = arith.mulf %bitcast_convert_type3A_1138, %get3A_1146 : vector<16xf32>
        %add3A_1154 = arith.addf %add3A_1042, %mul3A_1153 : vector<16xf32>
        %mul3A_1155 = arith.mulf %bitcast_convert_type3A_1140, %get3A_1152 : vector<16xf32>
        %add3A_1156 = arith.addf %add3A_1044, %mul3A_1155 : vector<16xf32>
        %get3A_1157 = arith.constant 2 : i32
        %get3A_1158 = arith.index_cast %get3A_1157 : i32 to index
        %get3A_1159 = arith.index_cast %scan3A_283 : i32 to index
        %get3A_1160 = arith.constant 496 : index
        %get3A_1161 = tpu.vector_load %arg7[%get3A_1158, %get3A_1159, %get3A_1160] {strides = array<i32>} : memref<4x16x512xi32, #tpu.memory_space<vmem>>, vector<1x1x16xi32>,
        %get3A_1162 = vector.shape_cast %get3A_1161 : vector<1x1x16xi32> to vector<16xi32>
        %mul3A_1163 = arith.constant 65536 : i32
        %mul3A_1164 = vector.broadcast %mul3A_1163 : i32 to vector<16xi32>
        %mul3A_1165 = arith.muli %get3A_1162, %mul3A_1164 : vector<16xi32>
        %bitcast_convert_type3A_1166 = tpu.bitcast %mul3A_1165 : vector<16xi32> -> vector<16xf32>
        %and3A_1167 = arith.andi %get3A_1162, %broadcast_in_dim3A_3 : vector<16xi32>
        %bitcast_convert_type3A_1168 = tpu.bitcast %and3A_1167 : vector<16xi32> -> vector<16xf32>
        %get3A_1169 = arith.constant 2 : i32
        %get3A_1170 = arith.index_cast %get3A_1169 : i32 to index
        %get3A_1171 = arith.index_cast %scan3A_283 : i32 to index
        %get3A_1172 = arith.constant 496 : index
        %get3A_1173 = tpu.vector_load %arg8[%get3A_1170, %get3A_1171, %get3A_1172] {strides = array<i32>} : memref<4x16x1024xf32, #tpu.memory_space<vmem>>, vector<1x1x16xf32>,
        %get3A_1174 = vector.shape_cast %get3A_1173 : vector<1x1x16xf32> to vector<16xf32>
        %get3A_1175 = arith.constant 2 : i32
        %get3A_1176 = arith.index_cast %get3A_1175 : i32 to index
        %get3A_1177 = arith.index_cast %scan3A_283 : i32 to index
        %get3A_1178 = arith.constant 1008 : index
        %get3A_1179 = tpu.vector_load %arg8[%get3A_1176, %get3A_1177, %get3A_1178] {strides = array<i32>} : memref<4x16x1024xf32, #tpu.memory_space<vmem>>, vector<1x1x16xf32>,
        %get3A_1180 = vector.shape_cast %get3A_1179 : vector<1x1x16xf32> to vector<16xf32>
        %mul3A_1181 = arith.mulf %bitcast_convert_type3A_1166, %get3A_1174 : vector<16xf32>
        %add3A_1182 = arith.addf %add3A_1070, %mul3A_1181 : vector<16xf32>
        %mul3A_1183 = arith.mulf %bitcast_convert_type3A_1168, %get3A_1180 : vector<16xf32>
        %add3A_1184 = arith.addf %add3A_1072, %mul3A_1183 : vector<16xf32>
        scf.yield %add3A_1098, %add3A_1100, %add3A_1126, %add3A_1128, %add3A_1154, %add3A_1156, %add3A_1182, %add3A_1184 : vector<16xf32>, vector<16xf32>, vector<16xf32>, vector<16xf32>, vector<16xf32>, vector<16xf32>, vector<16xf32>, vector<16xf32>
      }
      %scan3A_236 = arith.constant 16 : i32
      %mul3A_237 = arith.constant 4 : i32
      %mul3A_238 = arith.muli %scan3A_95, %mul3A_237 : i32
      %add3A_239 = arith.constant 3 : i32
      %add3A_240 = arith.addi %mul3A_238, %add3A_239 : i32
      %add3A_241 = arith.constant 4 : i32
      %add3A_242 = arith.addi %add3A_240, %add3A_241 : i32
      %sub3A_243 = arith.constant 1 : i32
      %sub3A_244 = arith.subi %add3A_242, %sub3A_243 : i32
      %lt3A_245 = arith.constant 32 : i32
      %lt3A_246 = arith.cmpi slt, %sub3A_244, %lt3A_245 : i32
      %convert_element_type3A_247 = arith.extui %lt3A_246 : i1 to i32
      %cond3A_248 = arith.constant 0 : i32
      %cond3A_249 = arith.cmpi ne, %convert_element_type3A_247, %cond3A_248 : i32
      scf.if %cond3A_249 {
        %add3A_283 = arith.constant 4 : i32
        %add3A_284 = arith.addi %add3A_240, %add3A_283 : i32
        %sub3A_285 = arith.constant 1 : i32
        %sub3A_286 = arith.subi %add3A_284, %sub3A_285 : i32
        %mul3A_287 = arith.constant 16 : i32
        %mul3A_288 = arith.muli %sub3A_286, %mul3A_287 : i32
        %dma_start3A_289 = arith.constant 2 : i32
        %dma_start3A_290 = arith.constant 0 : i32
        %dma_start3A_291 = arith.constant 0 : i32
        %dma_start3A_292 = tpu.memref_slice %arg7[%dma_start3A_289, %dma_start3A_290, %dma_start3A_291] : memref<4x16x512xi32, #tpu.memory_space<vmem>> -> memref<1x16x512xi32, #tpu.memory_space<vmem>>
        %dma_start3A_293 = tpu.memref_squeeze %dma_start3A_292 : memref<1x16x512xi32, #tpu.memory_space<vmem>> -> memref<16x512xi32, #tpu.memory_space<vmem>>
        %dma_start3A_294 = tpu.memref_slice %arg6[%mul3A_288] : memref<512xi32, #tpu.memory_space<vmem>> -> memref<16xi32, #tpu.memory_space<vmem>>
        %dma_start3A_295 = arith.constant 0 : i32
        %dma_start3A_296 = arith.constant 0 : i32
        %dma_start3A_297 = tpu.memref_slice %arg2[%dma_start3A_295, %dma_start3A_296] : memref<1024x512xi32, #tpu.memory_space<hbm>> -> memref<1024x512xi32, #tpu.memory_space<hbm>>
        tpu.enqueue_indirect_dma source(%dma_start3A_297 : memref<1024x512xi32, #tpu.memory_space<hbm>>) target(%dma_start3A_293 : memref<16x512xi32, #tpu.memory_space<vmem>>) offsets(%dma_start3A_294 : memref<16xi32, #tpu.memory_space<vmem>>) semaphore(%arg12 : memref<!tpu.dma_semaphore, #tpu.memory_space<semaphore_mem>>)
        %mul3A_298 = arith.constant 16 : i32
        %mul3A_299 = arith.muli %sub3A_286, %mul3A_298 : i32
        %add3A_300 = arith.addi %mul3A_2, %mul3A_299 : i32
        %dma_start3A_301 = arith.constant 2 : i32
        %dma_start3A_302 = arith.constant 0 : i32
        %dma_start3A_303 = arith.constant 0 : i32
        %dma_start3A_304 = tpu.memref_slice %arg8[%dma_start3A_301, %dma_start3A_302, %dma_start3A_303] : memref<4x16x1024xf32, #tpu.memory_space<vmem>> -> memref<1x16x1024xf32, #tpu.memory_space<vmem>>
        %dma_start3A_305 = tpu.memref_squeeze %dma_start3A_304 : memref<1x16x1024xf32, #tpu.memory_space<vmem>> -> memref<16x1024xf32, #tpu.memory_space<vmem>>
        %dma_start3A_306 = arith.constant 0 : i32
        %dma_start3A_307 = tpu.memref_slice %arg3[%add3A_300, %dma_start3A_306] : memref<16384x1024xf32, #tpu.memory_space<hbm>> -> memref<16x1024xf32, #tpu.memory_space<hbm>>
        %dma_start3A_308 = arith.constant 0 : i32
        %dma_start3A_309 = arith.constant 0 : i32
        %dma_start3A_310 = tpu.memref_slice %arg8[%dma_start3A_301, %dma_start3A_308, %dma_start3A_309] : memref<4x16x1024xf32, #tpu.memory_space<vmem>> -> memref<1x16x1024xf32, #tpu.memory_space<vmem>>
        %dma_start3A_311 = tpu.memref_squeeze %dma_start3A_310 : memref<1x16x1024xf32, #tpu.memory_space<vmem>> -> memref<16x1024xf32, #tpu.memory_space<vmem>>
        %dma_start3A_312 = arith.constant 0 : i32
        %dma_start3A_313 = tpu.memref_slice %arg3[%add3A_300, %dma_start3A_312] : memref<16384x1024xf32, #tpu.memory_space<hbm>> -> memref<16x1024xf32, #tpu.memory_space<hbm>>
        tpu.enqueue_dma source(%dma_start3A_313 : memref<16x1024xf32, #tpu.memory_space<hbm>>) target(%dma_start3A_311 : memref<16x1024xf32, #tpu.memory_space<vmem>>) target_semaphore(%arg16 : memref<!tpu.dma_semaphore, #tpu.memory_space<semaphore_mem>>)
      } else {
      }
      %mul3A_250 = arith.constant 16 : i32
      %mul3A_251 = arith.muli %add3A_240, %mul3A_250 : i32
      %dma_wait3A_252 = arith.constant 3 : i32
      %dma_wait3A_253 = arith.constant 0 : i32
      %dma_wait3A_254 = arith.constant 0 : i32
      %dma_wait3A_255 = tpu.memref_slice %arg7[%dma_wait3A_252, %dma_wait3A_253, %dma_wait3A_254] : memref<4x16x512xi32, #tpu.memory_space<vmem>> -> memref<1x16x512xi32, #tpu.memory_space<vmem>>
      %dma_wait3A_256 = tpu.memref_squeeze %dma_wait3A_255 : memref<1x16x512xi32, #tpu.memory_space<vmem>> -> memref<16x512xi32, #tpu.memory_space<vmem>>
      %dma_wait3A_257 = tpu.memref_slice %arg6[%mul3A_251] : memref<512xi32, #tpu.memory_space<vmem>> -> memref<16xi32, #tpu.memory_space<vmem>>
      %dma_wait3A_258 = arith.constant 0 : i32
      %dma_wait3A_259 = arith.constant 0 : i32
      %dma_wait3A_260 = tpu.memref_slice %arg2[%dma_wait3A_258, %dma_wait3A_259] : memref<1024x512xi32, #tpu.memory_space<hbm>> -> memref<1024x512xi32, #tpu.memory_space<hbm>>
      tpu.wait_indirect_dma semaphore(%arg13 : memref<!tpu.dma_semaphore, #tpu.memory_space<semaphore_mem>>) src(%dma_wait3A_260 : memref<1024x512xi32, #tpu.memory_space<hbm>>) dst(%dma_wait3A_256 : memref<16x512xi32, #tpu.memory_space<vmem>>)
      %mul3A_261 = arith.constant 16 : i32
      %mul3A_262 = arith.muli %add3A_240, %mul3A_261 : i32
      %add3A_263 = arith.addi %mul3A_2, %mul3A_262 : i32
      %dma_wait3A_264 = arith.constant 3 : i32
      %dma_wait3A_265 = arith.constant 0 : i32
      %dma_wait3A_266 = arith.constant 0 : i32
      %dma_wait3A_267 = tpu.memref_slice %arg8[%dma_wait3A_264, %dma_wait3A_265, %dma_wait3A_266] : memref<4x16x1024xf32, #tpu.memory_space<vmem>> -> memref<1x16x1024xf32, #tpu.memory_space<vmem>>
      %dma_wait3A_268 = tpu.memref_squeeze %dma_wait3A_267 : memref<1x16x1024xf32, #tpu.memory_space<vmem>> -> memref<16x1024xf32, #tpu.memory_space<vmem>>
      %dma_wait3A_269 = arith.constant 0 : i32
      %dma_wait3A_270 = tpu.memref_slice %arg3[%add3A_263, %dma_wait3A_269] : memref<16384x1024xf32, #tpu.memory_space<hbm>> -> memref<16x1024xf32, #tpu.memory_space<hbm>>
      %dma_wait3A_271 = arith.constant 0 : i32
      %dma_wait3A_272 = arith.constant 0 : i32
      %dma_wait3A_273 = tpu.memref_slice %arg8[%dma_wait3A_264, %dma_wait3A_271, %dma_wait3A_272] : memref<4x16x1024xf32, #tpu.memory_space<vmem>> -> memref<1x16x1024xf32, #tpu.memory_space<vmem>>
      %dma_wait3A_274 = tpu.memref_squeeze %dma_wait3A_273 : memref<1x16x1024xf32, #tpu.memory_space<vmem>> -> memref<16x1024xf32, #tpu.memory_space<vmem>>
      %dma_wait3A_275 = arith.constant 0 : i32
      %dma_wait3A_276 = tpu.memref_slice %arg3[%add3A_263, %dma_wait3A_275] : memref<16384x1024xf32, #tpu.memory_space<hbm>> -> memref<16x1024xf32, #tpu.memory_space<hbm>>
      tpu.wait_dma2 semaphore(%arg17 : memref<!tpu.dma_semaphore, #tpu.memory_space<semaphore_mem>>) src(%dma_wait3A_276 : memref<16x1024xf32, #tpu.memory_space<hbm>>) dst(%dma_wait3A_274 : memref<16x1024xf32, #tpu.memory_space<vmem>>)
      %scan3A_277 = arith.constant 0 : i32
      %scan3A_278 = arith.constant 16 : i32
      %scan3A_279 = arith.addi %scan3A_277, %scan3A_278 : i32
      %scan3A_280 = arith.constant 1 : i32
      %scan3A_281:8 = scf.for %scan3A_283 = %scan3A_277 to %scan3A_279 step %scan3A_280 iter_args(%scan3A_284 = %scan3A_235#0, %scan3A_285 = %scan3A_235#1, %scan3A_286 = %scan3A_235#2, %scan3A_287 = %scan3A_235#3, %scan3A_288 = %scan3A_235#4, %scan3A_289 = %scan3A_235#5, %scan3A_290 = %scan3A_235#6, %scan3A_291 = %scan3A_235#7) -> (vector<16xf32>, vector<16xf32>, vector<16xf32>, vector<16xf32>, vector<16xf32>, vector<16xf32>, vector<16xf32>, vector<16xf32>)  : i32 {
        %get3A = arith.constant 3 : i32
        %get3A_292 = arith.index_cast %get3A : i32 to index
        %get3A_293 = arith.index_cast %scan3A_283 : i32 to index
        %get3A_294 = arith.constant 0 : index
        %get3A_295 = tpu.vector_load %arg7[%get3A_292, %get3A_293, %get3A_294] {strides = array<i32>} : memref<4x16x512xi32, #tpu.memory_space<vmem>>, vector<1x1x16xi32>,
        %get3A_296 = vector.shape_cast %get3A_295 : vector<1x1x16xi32> to vector<16xi32>
        %mul3A_297 = arith.constant 65536 : i32
        %mul3A_298 = vector.broadcast %mul3A_297 : i32 to vector<16xi32>
        %mul3A_299 = arith.muli %get3A_296, %mul3A_298 : vector<16xi32>
        %bitcast_convert_type3A = tpu.bitcast %mul3A_299 : vector<16xi32> -> vector<16xf32>
        %and3A = arith.andi %get3A_296, %broadcast_in_dim3A_3 : vector<16xi32>
        %bitcast_convert_type3A_300 = tpu.bitcast %and3A : vector<16xi32> -> vector<16xf32>
        %get3A_301 = arith.constant 3 : i32
        %get3A_302 = arith.index_cast %get3A_301 : i32 to index
        %get3A_303 = arith.index_cast %scan3A_283 : i32 to index
        %get3A_304 = arith.constant 0 : index
        %get3A_305 = tpu.vector_load %arg8[%get3A_302, %get3A_303, %get3A_304] {strides = array<i32>} : memref<4x16x1024xf32, #tpu.memory_space<vmem>>, vector<1x1x16xf32>,
        %get3A_306 = vector.shape_cast %get3A_305 : vector<1x1x16xf32> to vector<16xf32>
        %get3A_307 = arith.constant 3 : i32
        %get3A_308 = arith.index_cast %get3A_307 : i32 to index
        %get3A_309 = arith.index_cast %scan3A_283 : i32 to index
        %get3A_310 = arith.constant 512 : index
        %get3A_311 = tpu.vector_load %arg8[%get3A_308, %get3A_309, %get3A_310] {strides = array<i32>} : memref<4x16x1024xf32, #tpu.memory_space<vmem>>, vector<1x1x16xf32>,
        %get3A_312 = vector.shape_cast %get3A_311 : vector<1x1x16xf32> to vector<16xf32>
        %mul3A_313 = arith.mulf %bitcast_convert_type3A, %get3A_306 : vector<16xf32>
        %add3A_314 = arith.addf %scan3A_284, %mul3A_313 : vector<16xf32>
        %mul3A_315 = arith.mulf %bitcast_convert_type3A_300, %get3A_312 : vector<16xf32>
        %add3A_316 = arith.addf %scan3A_285, %mul3A_315 : vector<16xf32>
        %get3A_317 = arith.constant 3 : i32
        %get3A_318 = arith.index_cast %get3A_317 : i32 to index
        %get3A_319 = arith.index_cast %scan3A_283 : i32 to index
        %get3A_320 = arith.constant 16 : index
        %get3A_321 = tpu.vector_load %arg7[%get3A_318, %get3A_319, %get3A_320] {strides = array<i32>} : memref<4x16x512xi32, #tpu.memory_space<vmem>>, vector<1x1x16xi32>,
        %get3A_322 = vector.shape_cast %get3A_321 : vector<1x1x16xi32> to vector<16xi32>
        %mul3A_323 = arith.constant 65536 : i32
        %mul3A_324 = vector.broadcast %mul3A_323 : i32 to vector<16xi32>
        %mul3A_325 = arith.muli %get3A_322, %mul3A_324 : vector<16xi32>
        %bitcast_convert_type3A_326 = tpu.bitcast %mul3A_325 : vector<16xi32> -> vector<16xf32>
        %and3A_327 = arith.andi %get3A_322, %broadcast_in_dim3A_3 : vector<16xi32>
        %bitcast_convert_type3A_328 = tpu.bitcast %and3A_327 : vector<16xi32> -> vector<16xf32>
        %get3A_329 = arith.constant 3 : i32
        %get3A_330 = arith.index_cast %get3A_329 : i32 to index
        %get3A_331 = arith.index_cast %scan3A_283 : i32 to index
        %get3A_332 = arith.constant 16 : index
        %get3A_333 = tpu.vector_load %arg8[%get3A_330, %get3A_331, %get3A_332] {strides = array<i32>} : memref<4x16x1024xf32, #tpu.memory_space<vmem>>, vector<1x1x16xf32>,
        %get3A_334 = vector.shape_cast %get3A_333 : vector<1x1x16xf32> to vector<16xf32>
        %get3A_335 = arith.constant 3 : i32
        %get3A_336 = arith.index_cast %get3A_335 : i32 to index
        %get3A_337 = arith.index_cast %scan3A_283 : i32 to index
        %get3A_338 = arith.constant 528 : index
        %get3A_339 = tpu.vector_load %arg8[%get3A_336, %get3A_337, %get3A_338] {strides = array<i32>} : memref<4x16x1024xf32, #tpu.memory_space<vmem>>, vector<1x1x16xf32>,
        %get3A_340 = vector.shape_cast %get3A_339 : vector<1x1x16xf32> to vector<16xf32>
        %mul3A_341 = arith.mulf %bitcast_convert_type3A_326, %get3A_334 : vector<16xf32>
        %add3A_342 = arith.addf %scan3A_286, %mul3A_341 : vector<16xf32>
        %mul3A_343 = arith.mulf %bitcast_convert_type3A_328, %get3A_340 : vector<16xf32>
        %add3A_344 = arith.addf %scan3A_287, %mul3A_343 : vector<16xf32>
        %get3A_345 = arith.constant 3 : i32
        %get3A_346 = arith.index_cast %get3A_345 : i32 to index
        %get3A_347 = arith.index_cast %scan3A_283 : i32 to index
        %get3A_348 = arith.constant 32 : index
        %get3A_349 = tpu.vector_load %arg7[%get3A_346, %get3A_347, %get3A_348] {strides = array<i32>} : memref<4x16x512xi32, #tpu.memory_space<vmem>>, vector<1x1x16xi32>,
        %get3A_350 = vector.shape_cast %get3A_349 : vector<1x1x16xi32> to vector<16xi32>
        %mul3A_351 = arith.constant 65536 : i32
        %mul3A_352 = vector.broadcast %mul3A_351 : i32 to vector<16xi32>
        %mul3A_353 = arith.muli %get3A_350, %mul3A_352 : vector<16xi32>
        %bitcast_convert_type3A_354 = tpu.bitcast %mul3A_353 : vector<16xi32> -> vector<16xf32>
        %and3A_355 = arith.andi %get3A_350, %broadcast_in_dim3A_3 : vector<16xi32>
        %bitcast_convert_type3A_356 = tpu.bitcast %and3A_355 : vector<16xi32> -> vector<16xf32>
        %get3A_357 = arith.constant 3 : i32
        %get3A_358 = arith.index_cast %get3A_357 : i32 to index
        %get3A_359 = arith.index_cast %scan3A_283 : i32 to index
        %get3A_360 = arith.constant 32 : index
        %get3A_361 = tpu.vector_load %arg8[%get3A_358, %get3A_359, %get3A_360] {strides = array<i32>} : memref<4x16x1024xf32, #tpu.memory_space<vmem>>, vector<1x1x16xf32>,
        %get3A_362 = vector.shape_cast %get3A_361 : vector<1x1x16xf32> to vector<16xf32>
        %get3A_363 = arith.constant 3 : i32
        %get3A_364 = arith.index_cast %get3A_363 : i32 to index
        %get3A_365 = arith.index_cast %scan3A_283 : i32 to index
        %get3A_366 = arith.constant 544 : index
        %get3A_367 = tpu.vector_load %arg8[%get3A_364, %get3A_365, %get3A_366] {strides = array<i32>} : memref<4x16x1024xf32, #tpu.memory_space<vmem>>, vector<1x1x16xf32>,
        %get3A_368 = vector.shape_cast %get3A_367 : vector<1x1x16xf32> to vector<16xf32>
        %mul3A_369 = arith.mulf %bitcast_convert_type3A_354, %get3A_362 : vector<16xf32>
        %add3A_370 = arith.addf %scan3A_288, %mul3A_369 : vector<16xf32>
        %mul3A_371 = arith.mulf %bitcast_convert_type3A_356, %get3A_368 : vector<16xf32>
        %add3A_372 = arith.addf %scan3A_289, %mul3A_371 : vector<16xf32>
        %get3A_373 = arith.constant 3 : i32
        %get3A_374 = arith.index_cast %get3A_373 : i32 to index
        %get3A_375 = arith.index_cast %scan3A_283 : i32 to index
        %get3A_376 = arith.constant 48 : index
        %get3A_377 = tpu.vector_load %arg7[%get3A_374, %get3A_375, %get3A_376] {strides = array<i32>} : memref<4x16x512xi32, #tpu.memory_space<vmem>>, vector<1x1x16xi32>,
        %get3A_378 = vector.shape_cast %get3A_377 : vector<1x1x16xi32> to vector<16xi32>
        %mul3A_379 = arith.constant 65536 : i32
        %mul3A_380 = vector.broadcast %mul3A_379 : i32 to vector<16xi32>
        %mul3A_381 = arith.muli %get3A_378, %mul3A_380 : vector<16xi32>
        %bitcast_convert_type3A_382 = tpu.bitcast %mul3A_381 : vector<16xi32> -> vector<16xf32>
        %and3A_383 = arith.andi %get3A_378, %broadcast_in_dim3A_3 : vector<16xi32>
        %bitcast_convert_type3A_384 = tpu.bitcast %and3A_383 : vector<16xi32> -> vector<16xf32>
        %get3A_385 = arith.constant 3 : i32
        %get3A_386 = arith.index_cast %get3A_385 : i32 to index
        %get3A_387 = arith.index_cast %scan3A_283 : i32 to index
        %get3A_388 = arith.constant 48 : index
        %get3A_389 = tpu.vector_load %arg8[%get3A_386, %get3A_387, %get3A_388] {strides = array<i32>} : memref<4x16x1024xf32, #tpu.memory_space<vmem>>, vector<1x1x16xf32>,
        %get3A_390 = vector.shape_cast %get3A_389 : vector<1x1x16xf32> to vector<16xf32>
        %get3A_391 = arith.constant 3 : i32
        %get3A_392 = arith.index_cast %get3A_391 : i32 to index
        %get3A_393 = arith.index_cast %scan3A_283 : i32 to index
        %get3A_394 = arith.constant 560 : index
        %get3A_395 = tpu.vector_load %arg8[%get3A_392, %get3A_393, %get3A_394] {strides = array<i32>} : memref<4x16x1024xf32, #tpu.memory_space<vmem>>, vector<1x1x16xf32>,
        %get3A_396 = vector.shape_cast %get3A_395 : vector<1x1x16xf32> to vector<16xf32>
        %mul3A_397 = arith.mulf %bitcast_convert_type3A_382, %get3A_390 : vector<16xf32>
        %add3A_398 = arith.addf %scan3A_290, %mul3A_397 : vector<16xf32>
        %mul3A_399 = arith.mulf %bitcast_convert_type3A_384, %get3A_396 : vector<16xf32>
        %add3A_400 = arith.addf %scan3A_291, %mul3A_399 : vector<16xf32>
        %get3A_401 = arith.constant 3 : i32
        %get3A_402 = arith.index_cast %get3A_401 : i32 to index
        %get3A_403 = arith.index_cast %scan3A_283 : i32 to index
        %get3A_404 = arith.constant 64 : index
        %get3A_405 = tpu.vector_load %arg7[%get3A_402, %get3A_403, %get3A_404] {strides = array<i32>} : memref<4x16x512xi32, #tpu.memory_space<vmem>>, vector<1x1x16xi32>,
        %get3A_406 = vector.shape_cast %get3A_405 : vector<1x1x16xi32> to vector<16xi32>
        %mul3A_407 = arith.constant 65536 : i32
        %mul3A_408 = vector.broadcast %mul3A_407 : i32 to vector<16xi32>
        %mul3A_409 = arith.muli %get3A_406, %mul3A_408 : vector<16xi32>
        %bitcast_convert_type3A_410 = tpu.bitcast %mul3A_409 : vector<16xi32> -> vector<16xf32>
        %and3A_411 = arith.andi %get3A_406, %broadcast_in_dim3A_3 : vector<16xi32>
        %bitcast_convert_type3A_412 = tpu.bitcast %and3A_411 : vector<16xi32> -> vector<16xf32>
        %get3A_413 = arith.constant 3 : i32
        %get3A_414 = arith.index_cast %get3A_413 : i32 to index
        %get3A_415 = arith.index_cast %scan3A_283 : i32 to index
        %get3A_416 = arith.constant 64 : index
        %get3A_417 = tpu.vector_load %arg8[%get3A_414, %get3A_415, %get3A_416] {strides = array<i32>} : memref<4x16x1024xf32, #tpu.memory_space<vmem>>, vector<1x1x16xf32>,
        %get3A_418 = vector.shape_cast %get3A_417 : vector<1x1x16xf32> to vector<16xf32>
        %get3A_419 = arith.constant 3 : i32
        %get3A_420 = arith.index_cast %get3A_419 : i32 to index
        %get3A_421 = arith.index_cast %scan3A_283 : i32 to index
        %get3A_422 = arith.constant 576 : index
        %get3A_423 = tpu.vector_load %arg8[%get3A_420, %get3A_421, %get3A_422] {strides = array<i32>} : memref<4x16x1024xf32, #tpu.memory_space<vmem>>, vector<1x1x16xf32>,
        %get3A_424 = vector.shape_cast %get3A_423 : vector<1x1x16xf32> to vector<16xf32>
        %mul3A_425 = arith.mulf %bitcast_convert_type3A_410, %get3A_418 : vector<16xf32>
        %add3A_426 = arith.addf %add3A_314, %mul3A_425 : vector<16xf32>
        %mul3A_427 = arith.mulf %bitcast_convert_type3A_412, %get3A_424 : vector<16xf32>
        %add3A_428 = arith.addf %add3A_316, %mul3A_427 : vector<16xf32>
        %get3A_429 = arith.constant 3 : i32
        %get3A_430 = arith.index_cast %get3A_429 : i32 to index
        %get3A_431 = arith.index_cast %scan3A_283 : i32 to index
        %get3A_432 = arith.constant 80 : index
        %get3A_433 = tpu.vector_load %arg7[%get3A_430, %get3A_431, %get3A_432] {strides = array<i32>} : memref<4x16x512xi32, #tpu.memory_space<vmem>>, vector<1x1x16xi32>,
        %get3A_434 = vector.shape_cast %get3A_433 : vector<1x1x16xi32> to vector<16xi32>
        %mul3A_435 = arith.constant 65536 : i32
        %mul3A_436 = vector.broadcast %mul3A_435 : i32 to vector<16xi32>
        %mul3A_437 = arith.muli %get3A_434, %mul3A_436 : vector<16xi32>
        %bitcast_convert_type3A_438 = tpu.bitcast %mul3A_437 : vector<16xi32> -> vector<16xf32>
        %and3A_439 = arith.andi %get3A_434, %broadcast_in_dim3A_3 : vector<16xi32>
        %bitcast_convert_type3A_440 = tpu.bitcast %and3A_439 : vector<16xi32> -> vector<16xf32>
        %get3A_441 = arith.constant 3 : i32
        %get3A_442 = arith.index_cast %get3A_441 : i32 to index
        %get3A_443 = arith.index_cast %scan3A_283 : i32 to index
        %get3A_444 = arith.constant 80 : index
        %get3A_445 = tpu.vector_load %arg8[%get3A_442, %get3A_443, %get3A_444] {strides = array<i32>} : memref<4x16x1024xf32, #tpu.memory_space<vmem>>, vector<1x1x16xf32>,
        %get3A_446 = vector.shape_cast %get3A_445 : vector<1x1x16xf32> to vector<16xf32>
        %get3A_447 = arith.constant 3 : i32
        %get3A_448 = arith.index_cast %get3A_447 : i32 to index
        %get3A_449 = arith.index_cast %scan3A_283 : i32 to index
        %get3A_450 = arith.constant 592 : index
        %get3A_451 = tpu.vector_load %arg8[%get3A_448, %get3A_449, %get3A_450] {strides = array<i32>} : memref<4x16x1024xf32, #tpu.memory_space<vmem>>, vector<1x1x16xf32>,
        %get3A_452 = vector.shape_cast %get3A_451 : vector<1x1x16xf32> to vector<16xf32>
        %mul3A_453 = arith.mulf %bitcast_convert_type3A_438, %get3A_446 : vector<16xf32>
        %add3A_454 = arith.addf %add3A_342, %mul3A_453 : vector<16xf32>
        %mul3A_455 = arith.mulf %bitcast_convert_type3A_440, %get3A_452 : vector<16xf32>
        %add3A_456 = arith.addf %add3A_344, %mul3A_455 : vector<16xf32>
        %get3A_457 = arith.constant 3 : i32
        %get3A_458 = arith.index_cast %get3A_457 : i32 to index
        %get3A_459 = arith.index_cast %scan3A_283 : i32 to index
        %get3A_460 = arith.constant 96 : index
        %get3A_461 = tpu.vector_load %arg7[%get3A_458, %get3A_459, %get3A_460] {strides = array<i32>} : memref<4x16x512xi32, #tpu.memory_space<vmem>>, vector<1x1x16xi32>,
        %get3A_462 = vector.shape_cast %get3A_461 : vector<1x1x16xi32> to vector<16xi32>
        %mul3A_463 = arith.constant 65536 : i32
        %mul3A_464 = vector.broadcast %mul3A_463 : i32 to vector<16xi32>
        %mul3A_465 = arith.muli %get3A_462, %mul3A_464 : vector<16xi32>
        %bitcast_convert_type3A_466 = tpu.bitcast %mul3A_465 : vector<16xi32> -> vector<16xf32>
        %and3A_467 = arith.andi %get3A_462, %broadcast_in_dim3A_3 : vector<16xi32>
        %bitcast_convert_type3A_468 = tpu.bitcast %and3A_467 : vector<16xi32> -> vector<16xf32>
        %get3A_469 = arith.constant 3 : i32
        %get3A_470 = arith.index_cast %get3A_469 : i32 to index
        %get3A_471 = arith.index_cast %scan3A_283 : i32 to index
        %get3A_472 = arith.constant 96 : index
        %get3A_473 = tpu.vector_load %arg8[%get3A_470, %get3A_471, %get3A_472] {strides = array<i32>} : memref<4x16x1024xf32, #tpu.memory_space<vmem>>, vector<1x1x16xf32>,
        %get3A_474 = vector.shape_cast %get3A_473 : vector<1x1x16xf32> to vector<16xf32>
        %get3A_475 = arith.constant 3 : i32
        %get3A_476 = arith.index_cast %get3A_475 : i32 to index
        %get3A_477 = arith.index_cast %scan3A_283 : i32 to index
        %get3A_478 = arith.constant 608 : index
        %get3A_479 = tpu.vector_load %arg8[%get3A_476, %get3A_477, %get3A_478] {strides = array<i32>} : memref<4x16x1024xf32, #tpu.memory_space<vmem>>, vector<1x1x16xf32>,
        %get3A_480 = vector.shape_cast %get3A_479 : vector<1x1x16xf32> to vector<16xf32>
        %mul3A_481 = arith.mulf %bitcast_convert_type3A_466, %get3A_474 : vector<16xf32>
        %add3A_482 = arith.addf %add3A_370, %mul3A_481 : vector<16xf32>
        %mul3A_483 = arith.mulf %bitcast_convert_type3A_468, %get3A_480 : vector<16xf32>
        %add3A_484 = arith.addf %add3A_372, %mul3A_483 : vector<16xf32>
        %get3A_485 = arith.constant 3 : i32
        %get3A_486 = arith.index_cast %get3A_485 : i32 to index
        %get3A_487 = arith.index_cast %scan3A_283 : i32 to index
        %get3A_488 = arith.constant 112 : index
        %get3A_489 = tpu.vector_load %arg7[%get3A_486, %get3A_487, %get3A_488] {strides = array<i32>} : memref<4x16x512xi32, #tpu.memory_space<vmem>>, vector<1x1x16xi32>,
        %get3A_490 = vector.shape_cast %get3A_489 : vector<1x1x16xi32> to vector<16xi32>
        %mul3A_491 = arith.constant 65536 : i32
        %mul3A_492 = vector.broadcast %mul3A_491 : i32 to vector<16xi32>
        %mul3A_493 = arith.muli %get3A_490, %mul3A_492 : vector<16xi32>
        %bitcast_convert_type3A_494 = tpu.bitcast %mul3A_493 : vector<16xi32> -> vector<16xf32>
        %and3A_495 = arith.andi %get3A_490, %broadcast_in_dim3A_3 : vector<16xi32>
        %bitcast_convert_type3A_496 = tpu.bitcast %and3A_495 : vector<16xi32> -> vector<16xf32>
        %get3A_497 = arith.constant 3 : i32
        %get3A_498 = arith.index_cast %get3A_497 : i32 to index
        %get3A_499 = arith.index_cast %scan3A_283 : i32 to index
        %get3A_500 = arith.constant 112 : index
        %get3A_501 = tpu.vector_load %arg8[%get3A_498, %get3A_499, %get3A_500] {strides = array<i32>} : memref<4x16x1024xf32, #tpu.memory_space<vmem>>, vector<1x1x16xf32>,
        %get3A_502 = vector.shape_cast %get3A_501 : vector<1x1x16xf32> to vector<16xf32>
        %get3A_503 = arith.constant 3 : i32
        %get3A_504 = arith.index_cast %get3A_503 : i32 to index
        %get3A_505 = arith.index_cast %scan3A_283 : i32 to index
        %get3A_506 = arith.constant 624 : index
        %get3A_507 = tpu.vector_load %arg8[%get3A_504, %get3A_505, %get3A_506] {strides = array<i32>} : memref<4x16x1024xf32, #tpu.memory_space<vmem>>, vector<1x1x16xf32>,
        %get3A_508 = vector.shape_cast %get3A_507 : vector<1x1x16xf32> to vector<16xf32>
        %mul3A_509 = arith.mulf %bitcast_convert_type3A_494, %get3A_502 : vector<16xf32>
        %add3A_510 = arith.addf %add3A_398, %mul3A_509 : vector<16xf32>
        %mul3A_511 = arith.mulf %bitcast_convert_type3A_496, %get3A_508 : vector<16xf32>
        %add3A_512 = arith.addf %add3A_400, %mul3A_511 : vector<16xf32>
        %get3A_513 = arith.constant 3 : i32
        %get3A_514 = arith.index_cast %get3A_513 : i32 to index
        %get3A_515 = arith.index_cast %scan3A_283 : i32 to index
        %get3A_516 = arith.constant 128 : index
        %get3A_517 = tpu.vector_load %arg7[%get3A_514, %get3A_515, %get3A_516] {strides = array<i32>} : memref<4x16x512xi32, #tpu.memory_space<vmem>>, vector<1x1x16xi32>,
        %get3A_518 = vector.shape_cast %get3A_517 : vector<1x1x16xi32> to vector<16xi32>
        %mul3A_519 = arith.constant 65536 : i32
        %mul3A_520 = vector.broadcast %mul3A_519 : i32 to vector<16xi32>
        %mul3A_521 = arith.muli %get3A_518, %mul3A_520 : vector<16xi32>
        %bitcast_convert_type3A_522 = tpu.bitcast %mul3A_521 : vector<16xi32> -> vector<16xf32>
        %and3A_523 = arith.andi %get3A_518, %broadcast_in_dim3A_3 : vector<16xi32>
        %bitcast_convert_type3A_524 = tpu.bitcast %and3A_523 : vector<16xi32> -> vector<16xf32>
        %get3A_525 = arith.constant 3 : i32
        %get3A_526 = arith.index_cast %get3A_525 : i32 to index
        %get3A_527 = arith.index_cast %scan3A_283 : i32 to index
        %get3A_528 = arith.constant 128 : index
        %get3A_529 = tpu.vector_load %arg8[%get3A_526, %get3A_527, %get3A_528] {strides = array<i32>} : memref<4x16x1024xf32, #tpu.memory_space<vmem>>, vector<1x1x16xf32>,
        %get3A_530 = vector.shape_cast %get3A_529 : vector<1x1x16xf32> to vector<16xf32>
        %get3A_531 = arith.constant 3 : i32
        %get3A_532 = arith.index_cast %get3A_531 : i32 to index
        %get3A_533 = arith.index_cast %scan3A_283 : i32 to index
        %get3A_534 = arith.constant 640 : index
        %get3A_535 = tpu.vector_load %arg8[%get3A_532, %get3A_533, %get3A_534] {strides = array<i32>} : memref<4x16x1024xf32, #tpu.memory_space<vmem>>, vector<1x1x16xf32>,
        %get3A_536 = vector.shape_cast %get3A_535 : vector<1x1x16xf32> to vector<16xf32>
        %mul3A_537 = arith.mulf %bitcast_convert_type3A_522, %get3A_530 : vector<16xf32>
        %add3A_538 = arith.addf %add3A_426, %mul3A_537 : vector<16xf32>
        %mul3A_539 = arith.mulf %bitcast_convert_type3A_524, %get3A_536 : vector<16xf32>
        %add3A_540 = arith.addf %add3A_428, %mul3A_539 : vector<16xf32>
        %get3A_541 = arith.constant 3 : i32
        %get3A_542 = arith.index_cast %get3A_541 : i32 to index
        %get3A_543 = arith.index_cast %scan3A_283 : i32 to index
        %get3A_544 = arith.constant 144 : index
        %get3A_545 = tpu.vector_load %arg7[%get3A_542, %get3A_543, %get3A_544] {strides = array<i32>} : memref<4x16x512xi32, #tpu.memory_space<vmem>>, vector<1x1x16xi32>,
        %get3A_546 = vector.shape_cast %get3A_545 : vector<1x1x16xi32> to vector<16xi32>
        %mul3A_547 = arith.constant 65536 : i32
        %mul3A_548 = vector.broadcast %mul3A_547 : i32 to vector<16xi32>
        %mul3A_549 = arith.muli %get3A_546, %mul3A_548 : vector<16xi32>
        %bitcast_convert_type3A_550 = tpu.bitcast %mul3A_549 : vector<16xi32> -> vector<16xf32>
        %and3A_551 = arith.andi %get3A_546, %broadcast_in_dim3A_3 : vector<16xi32>
        %bitcast_convert_type3A_552 = tpu.bitcast %and3A_551 : vector<16xi32> -> vector<16xf32>
        %get3A_553 = arith.constant 3 : i32
        %get3A_554 = arith.index_cast %get3A_553 : i32 to index
        %get3A_555 = arith.index_cast %scan3A_283 : i32 to index
        %get3A_556 = arith.constant 144 : index
        %get3A_557 = tpu.vector_load %arg8[%get3A_554, %get3A_555, %get3A_556] {strides = array<i32>} : memref<4x16x1024xf32, #tpu.memory_space<vmem>>, vector<1x1x16xf32>,
        %get3A_558 = vector.shape_cast %get3A_557 : vector<1x1x16xf32> to vector<16xf32>
        %get3A_559 = arith.constant 3 : i32
        %get3A_560 = arith.index_cast %get3A_559 : i32 to index
        %get3A_561 = arith.index_cast %scan3A_283 : i32 to index
        %get3A_562 = arith.constant 656 : index
        %get3A_563 = tpu.vector_load %arg8[%get3A_560, %get3A_561, %get3A_562] {strides = array<i32>} : memref<4x16x1024xf32, #tpu.memory_space<vmem>>, vector<1x1x16xf32>,
        %get3A_564 = vector.shape_cast %get3A_563 : vector<1x1x16xf32> to vector<16xf32>
        %mul3A_565 = arith.mulf %bitcast_convert_type3A_550, %get3A_558 : vector<16xf32>
        %add3A_566 = arith.addf %add3A_454, %mul3A_565 : vector<16xf32>
        %mul3A_567 = arith.mulf %bitcast_convert_type3A_552, %get3A_564 : vector<16xf32>
        %add3A_568 = arith.addf %add3A_456, %mul3A_567 : vector<16xf32>
        %get3A_569 = arith.constant 3 : i32
        %get3A_570 = arith.index_cast %get3A_569 : i32 to index
        %get3A_571 = arith.index_cast %scan3A_283 : i32 to index
        %get3A_572 = arith.constant 160 : index
        %get3A_573 = tpu.vector_load %arg7[%get3A_570, %get3A_571, %get3A_572] {strides = array<i32>} : memref<4x16x512xi32, #tpu.memory_space<vmem>>, vector<1x1x16xi32>,
        %get3A_574 = vector.shape_cast %get3A_573 : vector<1x1x16xi32> to vector<16xi32>
        %mul3A_575 = arith.constant 65536 : i32
        %mul3A_576 = vector.broadcast %mul3A_575 : i32 to vector<16xi32>
        %mul3A_577 = arith.muli %get3A_574, %mul3A_576 : vector<16xi32>
        %bitcast_convert_type3A_578 = tpu.bitcast %mul3A_577 : vector<16xi32> -> vector<16xf32>
        %and3A_579 = arith.andi %get3A_574, %broadcast_in_dim3A_3 : vector<16xi32>
        %bitcast_convert_type3A_580 = tpu.bitcast %and3A_579 : vector<16xi32> -> vector<16xf32>
        %get3A_581 = arith.constant 3 : i32
        %get3A_582 = arith.index_cast %get3A_581 : i32 to index
        %get3A_583 = arith.index_cast %scan3A_283 : i32 to index
        %get3A_584 = arith.constant 160 : index
        %get3A_585 = tpu.vector_load %arg8[%get3A_582, %get3A_583, %get3A_584] {strides = array<i32>} : memref<4x16x1024xf32, #tpu.memory_space<vmem>>, vector<1x1x16xf32>,
        %get3A_586 = vector.shape_cast %get3A_585 : vector<1x1x16xf32> to vector<16xf32>
        %get3A_587 = arith.constant 3 : i32
        %get3A_588 = arith.index_cast %get3A_587 : i32 to index
        %get3A_589 = arith.index_cast %scan3A_283 : i32 to index
        %get3A_590 = arith.constant 672 : index
        %get3A_591 = tpu.vector_load %arg8[%get3A_588, %get3A_589, %get3A_590] {strides = array<i32>} : memref<4x16x1024xf32, #tpu.memory_space<vmem>>, vector<1x1x16xf32>,
        %get3A_592 = vector.shape_cast %get3A_591 : vector<1x1x16xf32> to vector<16xf32>
        %mul3A_593 = arith.mulf %bitcast_convert_type3A_578, %get3A_586 : vector<16xf32>
        %add3A_594 = arith.addf %add3A_482, %mul3A_593 : vector<16xf32>
        %mul3A_595 = arith.mulf %bitcast_convert_type3A_580, %get3A_592 : vector<16xf32>
        %add3A_596 = arith.addf %add3A_484, %mul3A_595 : vector<16xf32>
        %get3A_597 = arith.constant 3 : i32
        %get3A_598 = arith.index_cast %get3A_597 : i32 to index
        %get3A_599 = arith.index_cast %scan3A_283 : i32 to index
        %get3A_600 = arith.constant 176 : index
        %get3A_601 = tpu.vector_load %arg7[%get3A_598, %get3A_599, %get3A_600] {strides = array<i32>} : memref<4x16x512xi32, #tpu.memory_space<vmem>>, vector<1x1x16xi32>,
        %get3A_602 = vector.shape_cast %get3A_601 : vector<1x1x16xi32> to vector<16xi32>
        %mul3A_603 = arith.constant 65536 : i32
        %mul3A_604 = vector.broadcast %mul3A_603 : i32 to vector<16xi32>
        %mul3A_605 = arith.muli %get3A_602, %mul3A_604 : vector<16xi32>
        %bitcast_convert_type3A_606 = tpu.bitcast %mul3A_605 : vector<16xi32> -> vector<16xf32>
        %and3A_607 = arith.andi %get3A_602, %broadcast_in_dim3A_3 : vector<16xi32>
        %bitcast_convert_type3A_608 = tpu.bitcast %and3A_607 : vector<16xi32> -> vector<16xf32>
        %get3A_609 = arith.constant 3 : i32
        %get3A_610 = arith.index_cast %get3A_609 : i32 to index
        %get3A_611 = arith.index_cast %scan3A_283 : i32 to index
        %get3A_612 = arith.constant 176 : index
        %get3A_613 = tpu.vector_load %arg8[%get3A_610, %get3A_611, %get3A_612] {strides = array<i32>} : memref<4x16x1024xf32, #tpu.memory_space<vmem>>, vector<1x1x16xf32>,
        %get3A_614 = vector.shape_cast %get3A_613 : vector<1x1x16xf32> to vector<16xf32>
        %get3A_615 = arith.constant 3 : i32
        %get3A_616 = arith.index_cast %get3A_615 : i32 to index
        %get3A_617 = arith.index_cast %scan3A_283 : i32 to index
        %get3A_618 = arith.constant 688 : index
        %get3A_619 = tpu.vector_load %arg8[%get3A_616, %get3A_617, %get3A_618] {strides = array<i32>} : memref<4x16x1024xf32, #tpu.memory_space<vmem>>, vector<1x1x16xf32>,
        %get3A_620 = vector.shape_cast %get3A_619 : vector<1x1x16xf32> to vector<16xf32>
        %mul3A_621 = arith.mulf %bitcast_convert_type3A_606, %get3A_614 : vector<16xf32>
        %add3A_622 = arith.addf %add3A_510, %mul3A_621 : vector<16xf32>
        %mul3A_623 = arith.mulf %bitcast_convert_type3A_608, %get3A_620 : vector<16xf32>
        %add3A_624 = arith.addf %add3A_512, %mul3A_623 : vector<16xf32>
        %get3A_625 = arith.constant 3 : i32
        %get3A_626 = arith.index_cast %get3A_625 : i32 to index
        %get3A_627 = arith.index_cast %scan3A_283 : i32 to index
        %get3A_628 = arith.constant 192 : index
        %get3A_629 = tpu.vector_load %arg7[%get3A_626, %get3A_627, %get3A_628] {strides = array<i32>} : memref<4x16x512xi32, #tpu.memory_space<vmem>>, vector<1x1x16xi32>,
        %get3A_630 = vector.shape_cast %get3A_629 : vector<1x1x16xi32> to vector<16xi32>
        %mul3A_631 = arith.constant 65536 : i32
        %mul3A_632 = vector.broadcast %mul3A_631 : i32 to vector<16xi32>
        %mul3A_633 = arith.muli %get3A_630, %mul3A_632 : vector<16xi32>
        %bitcast_convert_type3A_634 = tpu.bitcast %mul3A_633 : vector<16xi32> -> vector<16xf32>
        %and3A_635 = arith.andi %get3A_630, %broadcast_in_dim3A_3 : vector<16xi32>
        %bitcast_convert_type3A_636 = tpu.bitcast %and3A_635 : vector<16xi32> -> vector<16xf32>
        %get3A_637 = arith.constant 3 : i32
        %get3A_638 = arith.index_cast %get3A_637 : i32 to index
        %get3A_639 = arith.index_cast %scan3A_283 : i32 to index
        %get3A_640 = arith.constant 192 : index
        %get3A_641 = tpu.vector_load %arg8[%get3A_638, %get3A_639, %get3A_640] {strides = array<i32>} : memref<4x16x1024xf32, #tpu.memory_space<vmem>>, vector<1x1x16xf32>,
        %get3A_642 = vector.shape_cast %get3A_641 : vector<1x1x16xf32> to vector<16xf32>
        %get3A_643 = arith.constant 3 : i32
        %get3A_644 = arith.index_cast %get3A_643 : i32 to index
        %get3A_645 = arith.index_cast %scan3A_283 : i32 to index
        %get3A_646 = arith.constant 704 : index
        %get3A_647 = tpu.vector_load %arg8[%get3A_644, %get3A_645, %get3A_646] {strides = array<i32>} : memref<4x16x1024xf32, #tpu.memory_space<vmem>>, vector<1x1x16xf32>,
        %get3A_648 = vector.shape_cast %get3A_647 : vector<1x1x16xf32> to vector<16xf32>
        %mul3A_649 = arith.mulf %bitcast_convert_type3A_634, %get3A_642 : vector<16xf32>
        %add3A_650 = arith.addf %add3A_538, %mul3A_649 : vector<16xf32>
        %mul3A_651 = arith.mulf %bitcast_convert_type3A_636, %get3A_648 : vector<16xf32>
        %add3A_652 = arith.addf %add3A_540, %mul3A_651 : vector<16xf32>
        %get3A_653 = arith.constant 3 : i32
        %get3A_654 = arith.index_cast %get3A_653 : i32 to index
        %get3A_655 = arith.index_cast %scan3A_283 : i32 to index
        %get3A_656 = arith.constant 208 : index
        %get3A_657 = tpu.vector_load %arg7[%get3A_654, %get3A_655, %get3A_656] {strides = array<i32>} : memref<4x16x512xi32, #tpu.memory_space<vmem>>, vector<1x1x16xi32>,
        %get3A_658 = vector.shape_cast %get3A_657 : vector<1x1x16xi32> to vector<16xi32>
        %mul3A_659 = arith.constant 65536 : i32
        %mul3A_660 = vector.broadcast %mul3A_659 : i32 to vector<16xi32>
        %mul3A_661 = arith.muli %get3A_658, %mul3A_660 : vector<16xi32>
        %bitcast_convert_type3A_662 = tpu.bitcast %mul3A_661 : vector<16xi32> -> vector<16xf32>
        %and3A_663 = arith.andi %get3A_658, %broadcast_in_dim3A_3 : vector<16xi32>
        %bitcast_convert_type3A_664 = tpu.bitcast %and3A_663 : vector<16xi32> -> vector<16xf32>
        %get3A_665 = arith.constant 3 : i32
        %get3A_666 = arith.index_cast %get3A_665 : i32 to index
        %get3A_667 = arith.index_cast %scan3A_283 : i32 to index
        %get3A_668 = arith.constant 208 : index
        %get3A_669 = tpu.vector_load %arg8[%get3A_666, %get3A_667, %get3A_668] {strides = array<i32>} : memref<4x16x1024xf32, #tpu.memory_space<vmem>>, vector<1x1x16xf32>,
        %get3A_670 = vector.shape_cast %get3A_669 : vector<1x1x16xf32> to vector<16xf32>
        %get3A_671 = arith.constant 3 : i32
        %get3A_672 = arith.index_cast %get3A_671 : i32 to index
        %get3A_673 = arith.index_cast %scan3A_283 : i32 to index
        %get3A_674 = arith.constant 720 : index
        %get3A_675 = tpu.vector_load %arg8[%get3A_672, %get3A_673, %get3A_674] {strides = array<i32>} : memref<4x16x1024xf32, #tpu.memory_space<vmem>>, vector<1x1x16xf32>,
        %get3A_676 = vector.shape_cast %get3A_675 : vector<1x1x16xf32> to vector<16xf32>
        %mul3A_677 = arith.mulf %bitcast_convert_type3A_662, %get3A_670 : vector<16xf32>
        %add3A_678 = arith.addf %add3A_566, %mul3A_677 : vector<16xf32>
        %mul3A_679 = arith.mulf %bitcast_convert_type3A_664, %get3A_676 : vector<16xf32>
        %add3A_680 = arith.addf %add3A_568, %mul3A_679 : vector<16xf32>
        %get3A_681 = arith.constant 3 : i32
        %get3A_682 = arith.index_cast %get3A_681 : i32 to index
        %get3A_683 = arith.index_cast %scan3A_283 : i32 to index
        %get3A_684 = arith.constant 224 : index
        %get3A_685 = tpu.vector_load %arg7[%get3A_682, %get3A_683, %get3A_684] {strides = array<i32>} : memref<4x16x512xi32, #tpu.memory_space<vmem>>, vector<1x1x16xi32>,
        %get3A_686 = vector.shape_cast %get3A_685 : vector<1x1x16xi32> to vector<16xi32>
        %mul3A_687 = arith.constant 65536 : i32
        %mul3A_688 = vector.broadcast %mul3A_687 : i32 to vector<16xi32>
        %mul3A_689 = arith.muli %get3A_686, %mul3A_688 : vector<16xi32>
        %bitcast_convert_type3A_690 = tpu.bitcast %mul3A_689 : vector<16xi32> -> vector<16xf32>
        %and3A_691 = arith.andi %get3A_686, %broadcast_in_dim3A_3 : vector<16xi32>
        %bitcast_convert_type3A_692 = tpu.bitcast %and3A_691 : vector<16xi32> -> vector<16xf32>
        %get3A_693 = arith.constant 3 : i32
        %get3A_694 = arith.index_cast %get3A_693 : i32 to index
        %get3A_695 = arith.index_cast %scan3A_283 : i32 to index
        %get3A_696 = arith.constant 224 : index
        %get3A_697 = tpu.vector_load %arg8[%get3A_694, %get3A_695, %get3A_696] {strides = array<i32>} : memref<4x16x1024xf32, #tpu.memory_space<vmem>>, vector<1x1x16xf32>,
        %get3A_698 = vector.shape_cast %get3A_697 : vector<1x1x16xf32> to vector<16xf32>
        %get3A_699 = arith.constant 3 : i32
        %get3A_700 = arith.index_cast %get3A_699 : i32 to index
        %get3A_701 = arith.index_cast %scan3A_283 : i32 to index
        %get3A_702 = arith.constant 736 : index
        %get3A_703 = tpu.vector_load %arg8[%get3A_700, %get3A_701, %get3A_702] {strides = array<i32>} : memref<4x16x1024xf32, #tpu.memory_space<vmem>>, vector<1x1x16xf32>,
        %get3A_704 = vector.shape_cast %get3A_703 : vector<1x1x16xf32> to vector<16xf32>
        %mul3A_705 = arith.mulf %bitcast_convert_type3A_690, %get3A_698 : vector<16xf32>
        %add3A_706 = arith.addf %add3A_594, %mul3A_705 : vector<16xf32>
        %mul3A_707 = arith.mulf %bitcast_convert_type3A_692, %get3A_704 : vector<16xf32>
        %add3A_708 = arith.addf %add3A_596, %mul3A_707 : vector<16xf32>
        %get3A_709 = arith.constant 3 : i32
        %get3A_710 = arith.index_cast %get3A_709 : i32 to index
        %get3A_711 = arith.index_cast %scan3A_283 : i32 to index
        %get3A_712 = arith.constant 240 : index
        %get3A_713 = tpu.vector_load %arg7[%get3A_710, %get3A_711, %get3A_712] {strides = array<i32>} : memref<4x16x512xi32, #tpu.memory_space<vmem>>, vector<1x1x16xi32>,
        %get3A_714 = vector.shape_cast %get3A_713 : vector<1x1x16xi32> to vector<16xi32>
        %mul3A_715 = arith.constant 65536 : i32
        %mul3A_716 = vector.broadcast %mul3A_715 : i32 to vector<16xi32>
        %mul3A_717 = arith.muli %get3A_714, %mul3A_716 : vector<16xi32>
        %bitcast_convert_type3A_718 = tpu.bitcast %mul3A_717 : vector<16xi32> -> vector<16xf32>
        %and3A_719 = arith.andi %get3A_714, %broadcast_in_dim3A_3 : vector<16xi32>
        %bitcast_convert_type3A_720 = tpu.bitcast %and3A_719 : vector<16xi32> -> vector<16xf32>
        %get3A_721 = arith.constant 3 : i32
        %get3A_722 = arith.index_cast %get3A_721 : i32 to index
        %get3A_723 = arith.index_cast %scan3A_283 : i32 to index
        %get3A_724 = arith.constant 240 : index
        %get3A_725 = tpu.vector_load %arg8[%get3A_722, %get3A_723, %get3A_724] {strides = array<i32>} : memref<4x16x1024xf32, #tpu.memory_space<vmem>>, vector<1x1x16xf32>,
        %get3A_726 = vector.shape_cast %get3A_725 : vector<1x1x16xf32> to vector<16xf32>
        %get3A_727 = arith.constant 3 : i32
        %get3A_728 = arith.index_cast %get3A_727 : i32 to index
        %get3A_729 = arith.index_cast %scan3A_283 : i32 to index
        %get3A_730 = arith.constant 752 : index
        %get3A_731 = tpu.vector_load %arg8[%get3A_728, %get3A_729, %get3A_730] {strides = array<i32>} : memref<4x16x1024xf32, #tpu.memory_space<vmem>>, vector<1x1x16xf32>,
        %get3A_732 = vector.shape_cast %get3A_731 : vector<1x1x16xf32> to vector<16xf32>
        %mul3A_733 = arith.mulf %bitcast_convert_type3A_718, %get3A_726 : vector<16xf32>
        %add3A_734 = arith.addf %add3A_622, %mul3A_733 : vector<16xf32>
        %mul3A_735 = arith.mulf %bitcast_convert_type3A_720, %get3A_732 : vector<16xf32>
        %add3A_736 = arith.addf %add3A_624, %mul3A_735 : vector<16xf32>
        %get3A_737 = arith.constant 3 : i32
        %get3A_738 = arith.index_cast %get3A_737 : i32 to index
        %get3A_739 = arith.index_cast %scan3A_283 : i32 to index
        %get3A_740 = arith.constant 256 : index
        %get3A_741 = tpu.vector_load %arg7[%get3A_738, %get3A_739, %get3A_740] {strides = array<i32>} : memref<4x16x512xi32, #tpu.memory_space<vmem>>, vector<1x1x16xi32>,
        %get3A_742 = vector.shape_cast %get3A_741 : vector<1x1x16xi32> to vector<16xi32>
        %mul3A_743 = arith.constant 65536 : i32
        %mul3A_744 = vector.broadcast %mul3A_743 : i32 to vector<16xi32>
        %mul3A_745 = arith.muli %get3A_742, %mul3A_744 : vector<16xi32>
        %bitcast_convert_type3A_746 = tpu.bitcast %mul3A_745 : vector<16xi32> -> vector<16xf32>
        %and3A_747 = arith.andi %get3A_742, %broadcast_in_dim3A_3 : vector<16xi32>
        %bitcast_convert_type3A_748 = tpu.bitcast %and3A_747 : vector<16xi32> -> vector<16xf32>
        %get3A_749 = arith.constant 3 : i32
        %get3A_750 = arith.index_cast %get3A_749 : i32 to index
        %get3A_751 = arith.index_cast %scan3A_283 : i32 to index
        %get3A_752 = arith.constant 256 : index
        %get3A_753 = tpu.vector_load %arg8[%get3A_750, %get3A_751, %get3A_752] {strides = array<i32>} : memref<4x16x1024xf32, #tpu.memory_space<vmem>>, vector<1x1x16xf32>,
        %get3A_754 = vector.shape_cast %get3A_753 : vector<1x1x16xf32> to vector<16xf32>
        %get3A_755 = arith.constant 3 : i32
        %get3A_756 = arith.index_cast %get3A_755 : i32 to index
        %get3A_757 = arith.index_cast %scan3A_283 : i32 to index
        %get3A_758 = arith.constant 768 : index
        %get3A_759 = tpu.vector_load %arg8[%get3A_756, %get3A_757, %get3A_758] {strides = array<i32>} : memref<4x16x1024xf32, #tpu.memory_space<vmem>>, vector<1x1x16xf32>,
        %get3A_760 = vector.shape_cast %get3A_759 : vector<1x1x16xf32> to vector<16xf32>
        %mul3A_761 = arith.mulf %bitcast_convert_type3A_746, %get3A_754 : vector<16xf32>
        %add3A_762 = arith.addf %add3A_650, %mul3A_761 : vector<16xf32>
        %mul3A_763 = arith.mulf %bitcast_convert_type3A_748, %get3A_760 : vector<16xf32>
        %add3A_764 = arith.addf %add3A_652, %mul3A_763 : vector<16xf32>
        %get3A_765 = arith.constant 3 : i32
        %get3A_766 = arith.index_cast %get3A_765 : i32 to index
        %get3A_767 = arith.index_cast %scan3A_283 : i32 to index
        %get3A_768 = arith.constant 272 : index
        %get3A_769 = tpu.vector_load %arg7[%get3A_766, %get3A_767, %get3A_768] {strides = array<i32>} : memref<4x16x512xi32, #tpu.memory_space<vmem>>, vector<1x1x16xi32>,
        %get3A_770 = vector.shape_cast %get3A_769 : vector<1x1x16xi32> to vector<16xi32>
        %mul3A_771 = arith.constant 65536 : i32
        %mul3A_772 = vector.broadcast %mul3A_771 : i32 to vector<16xi32>
        %mul3A_773 = arith.muli %get3A_770, %mul3A_772 : vector<16xi32>
        %bitcast_convert_type3A_774 = tpu.bitcast %mul3A_773 : vector<16xi32> -> vector<16xf32>
        %and3A_775 = arith.andi %get3A_770, %broadcast_in_dim3A_3 : vector<16xi32>
        %bitcast_convert_type3A_776 = tpu.bitcast %and3A_775 : vector<16xi32> -> vector<16xf32>
        %get3A_777 = arith.constant 3 : i32
        %get3A_778 = arith.index_cast %get3A_777 : i32 to index
        %get3A_779 = arith.index_cast %scan3A_283 : i32 to index
        %get3A_780 = arith.constant 272 : index
        %get3A_781 = tpu.vector_load %arg8[%get3A_778, %get3A_779, %get3A_780] {strides = array<i32>} : memref<4x16x1024xf32, #tpu.memory_space<vmem>>, vector<1x1x16xf32>,
        %get3A_782 = vector.shape_cast %get3A_781 : vector<1x1x16xf32> to vector<16xf32>
        %get3A_783 = arith.constant 3 : i32
        %get3A_784 = arith.index_cast %get3A_783 : i32 to index
        %get3A_785 = arith.index_cast %scan3A_283 : i32 to index
        %get3A_786 = arith.constant 784 : index
        %get3A_787 = tpu.vector_load %arg8[%get3A_784, %get3A_785, %get3A_786] {strides = array<i32>} : memref<4x16x1024xf32, #tpu.memory_space<vmem>>, vector<1x1x16xf32>,
        %get3A_788 = vector.shape_cast %get3A_787 : vector<1x1x16xf32> to vector<16xf32>
        %mul3A_789 = arith.mulf %bitcast_convert_type3A_774, %get3A_782 : vector<16xf32>
        %add3A_790 = arith.addf %add3A_678, %mul3A_789 : vector<16xf32>
        %mul3A_791 = arith.mulf %bitcast_convert_type3A_776, %get3A_788 : vector<16xf32>
        %add3A_792 = arith.addf %add3A_680, %mul3A_791 : vector<16xf32>
        %get3A_793 = arith.constant 3 : i32
        %get3A_794 = arith.index_cast %get3A_793 : i32 to index
        %get3A_795 = arith.index_cast %scan3A_283 : i32 to index
        %get3A_796 = arith.constant 288 : index
        %get3A_797 = tpu.vector_load %arg7[%get3A_794, %get3A_795, %get3A_796] {strides = array<i32>} : memref<4x16x512xi32, #tpu.memory_space<vmem>>, vector<1x1x16xi32>,
        %get3A_798 = vector.shape_cast %get3A_797 : vector<1x1x16xi32> to vector<16xi32>
        %mul3A_799 = arith.constant 65536 : i32
        %mul3A_800 = vector.broadcast %mul3A_799 : i32 to vector<16xi32>
        %mul3A_801 = arith.muli %get3A_798, %mul3A_800 : vector<16xi32>
        %bitcast_convert_type3A_802 = tpu.bitcast %mul3A_801 : vector<16xi32> -> vector<16xf32>
        %and3A_803 = arith.andi %get3A_798, %broadcast_in_dim3A_3 : vector<16xi32>
        %bitcast_convert_type3A_804 = tpu.bitcast %and3A_803 : vector<16xi32> -> vector<16xf32>
        %get3A_805 = arith.constant 3 : i32
        %get3A_806 = arith.index_cast %get3A_805 : i32 to index
        %get3A_807 = arith.index_cast %scan3A_283 : i32 to index
        %get3A_808 = arith.constant 288 : index
        %get3A_809 = tpu.vector_load %arg8[%get3A_806, %get3A_807, %get3A_808] {strides = array<i32>} : memref<4x16x1024xf32, #tpu.memory_space<vmem>>, vector<1x1x16xf32>,
        %get3A_810 = vector.shape_cast %get3A_809 : vector<1x1x16xf32> to vector<16xf32>
        %get3A_811 = arith.constant 3 : i32
        %get3A_812 = arith.index_cast %get3A_811 : i32 to index
        %get3A_813 = arith.index_cast %scan3A_283 : i32 to index
        %get3A_814 = arith.constant 800 : index
        %get3A_815 = tpu.vector_load %arg8[%get3A_812, %get3A_813, %get3A_814] {strides = array<i32>} : memref<4x16x1024xf32, #tpu.memory_space<vmem>>, vector<1x1x16xf32>,
        %get3A_816 = vector.shape_cast %get3A_815 : vector<1x1x16xf32> to vector<16xf32>
        %mul3A_817 = arith.mulf %bitcast_convert_type3A_802, %get3A_810 : vector<16xf32>
        %add3A_818 = arith.addf %add3A_706, %mul3A_817 : vector<16xf32>
        %mul3A_819 = arith.mulf %bitcast_convert_type3A_804, %get3A_816 : vector<16xf32>
        %add3A_820 = arith.addf %add3A_708, %mul3A_819 : vector<16xf32>
        %get3A_821 = arith.constant 3 : i32
        %get3A_822 = arith.index_cast %get3A_821 : i32 to index
        %get3A_823 = arith.index_cast %scan3A_283 : i32 to index
        %get3A_824 = arith.constant 304 : index
        %get3A_825 = tpu.vector_load %arg7[%get3A_822, %get3A_823, %get3A_824] {strides = array<i32>} : memref<4x16x512xi32, #tpu.memory_space<vmem>>, vector<1x1x16xi32>,
        %get3A_826 = vector.shape_cast %get3A_825 : vector<1x1x16xi32> to vector<16xi32>
        %mul3A_827 = arith.constant 65536 : i32
        %mul3A_828 = vector.broadcast %mul3A_827 : i32 to vector<16xi32>
        %mul3A_829 = arith.muli %get3A_826, %mul3A_828 : vector<16xi32>
        %bitcast_convert_type3A_830 = tpu.bitcast %mul3A_829 : vector<16xi32> -> vector<16xf32>
        %and3A_831 = arith.andi %get3A_826, %broadcast_in_dim3A_3 : vector<16xi32>
        %bitcast_convert_type3A_832 = tpu.bitcast %and3A_831 : vector<16xi32> -> vector<16xf32>
        %get3A_833 = arith.constant 3 : i32
        %get3A_834 = arith.index_cast %get3A_833 : i32 to index
        %get3A_835 = arith.index_cast %scan3A_283 : i32 to index
        %get3A_836 = arith.constant 304 : index
        %get3A_837 = tpu.vector_load %arg8[%get3A_834, %get3A_835, %get3A_836] {strides = array<i32>} : memref<4x16x1024xf32, #tpu.memory_space<vmem>>, vector<1x1x16xf32>,
        %get3A_838 = vector.shape_cast %get3A_837 : vector<1x1x16xf32> to vector<16xf32>
        %get3A_839 = arith.constant 3 : i32
        %get3A_840 = arith.index_cast %get3A_839 : i32 to index
        %get3A_841 = arith.index_cast %scan3A_283 : i32 to index
        %get3A_842 = arith.constant 816 : index
        %get3A_843 = tpu.vector_load %arg8[%get3A_840, %get3A_841, %get3A_842] {strides = array<i32>} : memref<4x16x1024xf32, #tpu.memory_space<vmem>>, vector<1x1x16xf32>,
        %get3A_844 = vector.shape_cast %get3A_843 : vector<1x1x16xf32> to vector<16xf32>
        %mul3A_845 = arith.mulf %bitcast_convert_type3A_830, %get3A_838 : vector<16xf32>
        %add3A_846 = arith.addf %add3A_734, %mul3A_845 : vector<16xf32>
        %mul3A_847 = arith.mulf %bitcast_convert_type3A_832, %get3A_844 : vector<16xf32>
        %add3A_848 = arith.addf %add3A_736, %mul3A_847 : vector<16xf32>
        %get3A_849 = arith.constant 3 : i32
        %get3A_850 = arith.index_cast %get3A_849 : i32 to index
        %get3A_851 = arith.index_cast %scan3A_283 : i32 to index
        %get3A_852 = arith.constant 320 : index
        %get3A_853 = tpu.vector_load %arg7[%get3A_850, %get3A_851, %get3A_852] {strides = array<i32>} : memref<4x16x512xi32, #tpu.memory_space<vmem>>, vector<1x1x16xi32>,
        %get3A_854 = vector.shape_cast %get3A_853 : vector<1x1x16xi32> to vector<16xi32>
        %mul3A_855 = arith.constant 65536 : i32
        %mul3A_856 = vector.broadcast %mul3A_855 : i32 to vector<16xi32>
        %mul3A_857 = arith.muli %get3A_854, %mul3A_856 : vector<16xi32>
        %bitcast_convert_type3A_858 = tpu.bitcast %mul3A_857 : vector<16xi32> -> vector<16xf32>
        %and3A_859 = arith.andi %get3A_854, %broadcast_in_dim3A_3 : vector<16xi32>
        %bitcast_convert_type3A_860 = tpu.bitcast %and3A_859 : vector<16xi32> -> vector<16xf32>
        %get3A_861 = arith.constant 3 : i32
        %get3A_862 = arith.index_cast %get3A_861 : i32 to index
        %get3A_863 = arith.index_cast %scan3A_283 : i32 to index
        %get3A_864 = arith.constant 320 : index
        %get3A_865 = tpu.vector_load %arg8[%get3A_862, %get3A_863, %get3A_864] {strides = array<i32>} : memref<4x16x1024xf32, #tpu.memory_space<vmem>>, vector<1x1x16xf32>,
        %get3A_866 = vector.shape_cast %get3A_865 : vector<1x1x16xf32> to vector<16xf32>
        %get3A_867 = arith.constant 3 : i32
        %get3A_868 = arith.index_cast %get3A_867 : i32 to index
        %get3A_869 = arith.index_cast %scan3A_283 : i32 to index
        %get3A_870 = arith.constant 832 : index
        %get3A_871 = tpu.vector_load %arg8[%get3A_868, %get3A_869, %get3A_870] {strides = array<i32>} : memref<4x16x1024xf32, #tpu.memory_space<vmem>>, vector<1x1x16xf32>,
        %get3A_872 = vector.shape_cast %get3A_871 : vector<1x1x16xf32> to vector<16xf32>
        %mul3A_873 = arith.mulf %bitcast_convert_type3A_858, %get3A_866 : vector<16xf32>
        %add3A_874 = arith.addf %add3A_762, %mul3A_873 : vector<16xf32>
        %mul3A_875 = arith.mulf %bitcast_convert_type3A_860, %get3A_872 : vector<16xf32>
        %add3A_876 = arith.addf %add3A_764, %mul3A_875 : vector<16xf32>
        %get3A_877 = arith.constant 3 : i32
        %get3A_878 = arith.index_cast %get3A_877 : i32 to index
        %get3A_879 = arith.index_cast %scan3A_283 : i32 to index
        %get3A_880 = arith.constant 336 : index
        %get3A_881 = tpu.vector_load %arg7[%get3A_878, %get3A_879, %get3A_880] {strides = array<i32>} : memref<4x16x512xi32, #tpu.memory_space<vmem>>, vector<1x1x16xi32>,
        %get3A_882 = vector.shape_cast %get3A_881 : vector<1x1x16xi32> to vector<16xi32>
        %mul3A_883 = arith.constant 65536 : i32
        %mul3A_884 = vector.broadcast %mul3A_883 : i32 to vector<16xi32>
        %mul3A_885 = arith.muli %get3A_882, %mul3A_884 : vector<16xi32>
        %bitcast_convert_type3A_886 = tpu.bitcast %mul3A_885 : vector<16xi32> -> vector<16xf32>
        %and3A_887 = arith.andi %get3A_882, %broadcast_in_dim3A_3 : vector<16xi32>
        %bitcast_convert_type3A_888 = tpu.bitcast %and3A_887 : vector<16xi32> -> vector<16xf32>
        %get3A_889 = arith.constant 3 : i32
        %get3A_890 = arith.index_cast %get3A_889 : i32 to index
        %get3A_891 = arith.index_cast %scan3A_283 : i32 to index
        %get3A_892 = arith.constant 336 : index
        %get3A_893 = tpu.vector_load %arg8[%get3A_890, %get3A_891, %get3A_892] {strides = array<i32>} : memref<4x16x1024xf32, #tpu.memory_space<vmem>>, vector<1x1x16xf32>,
        %get3A_894 = vector.shape_cast %get3A_893 : vector<1x1x16xf32> to vector<16xf32>
        %get3A_895 = arith.constant 3 : i32
        %get3A_896 = arith.index_cast %get3A_895 : i32 to index
        %get3A_897 = arith.index_cast %scan3A_283 : i32 to index
        %get3A_898 = arith.constant 848 : index
        %get3A_899 = tpu.vector_load %arg8[%get3A_896, %get3A_897, %get3A_898] {strides = array<i32>} : memref<4x16x1024xf32, #tpu.memory_space<vmem>>, vector<1x1x16xf32>,
        %get3A_900 = vector.shape_cast %get3A_899 : vector<1x1x16xf32> to vector<16xf32>
        %mul3A_901 = arith.mulf %bitcast_convert_type3A_886, %get3A_894 : vector<16xf32>
        %add3A_902 = arith.addf %add3A_790, %mul3A_901 : vector<16xf32>
        %mul3A_903 = arith.mulf %bitcast_convert_type3A_888, %get3A_900 : vector<16xf32>
        %add3A_904 = arith.addf %add3A_792, %mul3A_903 : vector<16xf32>
        %get3A_905 = arith.constant 3 : i32
        %get3A_906 = arith.index_cast %get3A_905 : i32 to index
        %get3A_907 = arith.index_cast %scan3A_283 : i32 to index
        %get3A_908 = arith.constant 352 : index
        %get3A_909 = tpu.vector_load %arg7[%get3A_906, %get3A_907, %get3A_908] {strides = array<i32>} : memref<4x16x512xi32, #tpu.memory_space<vmem>>, vector<1x1x16xi32>,
        %get3A_910 = vector.shape_cast %get3A_909 : vector<1x1x16xi32> to vector<16xi32>
        %mul3A_911 = arith.constant 65536 : i32
        %mul3A_912 = vector.broadcast %mul3A_911 : i32 to vector<16xi32>
        %mul3A_913 = arith.muli %get3A_910, %mul3A_912 : vector<16xi32>
        %bitcast_convert_type3A_914 = tpu.bitcast %mul3A_913 : vector<16xi32> -> vector<16xf32>
        %and3A_915 = arith.andi %get3A_910, %broadcast_in_dim3A_3 : vector<16xi32>
        %bitcast_convert_type3A_916 = tpu.bitcast %and3A_915 : vector<16xi32> -> vector<16xf32>
        %get3A_917 = arith.constant 3 : i32
        %get3A_918 = arith.index_cast %get3A_917 : i32 to index
        %get3A_919 = arith.index_cast %scan3A_283 : i32 to index
        %get3A_920 = arith.constant 352 : index
        %get3A_921 = tpu.vector_load %arg8[%get3A_918, %get3A_919, %get3A_920] {strides = array<i32>} : memref<4x16x1024xf32, #tpu.memory_space<vmem>>, vector<1x1x16xf32>,
        %get3A_922 = vector.shape_cast %get3A_921 : vector<1x1x16xf32> to vector<16xf32>
        %get3A_923 = arith.constant 3 : i32
        %get3A_924 = arith.index_cast %get3A_923 : i32 to index
        %get3A_925 = arith.index_cast %scan3A_283 : i32 to index
        %get3A_926 = arith.constant 864 : index
        %get3A_927 = tpu.vector_load %arg8[%get3A_924, %get3A_925, %get3A_926] {strides = array<i32>} : memref<4x16x1024xf32, #tpu.memory_space<vmem>>, vector<1x1x16xf32>,
        %get3A_928 = vector.shape_cast %get3A_927 : vector<1x1x16xf32> to vector<16xf32>
        %mul3A_929 = arith.mulf %bitcast_convert_type3A_914, %get3A_922 : vector<16xf32>
        %add3A_930 = arith.addf %add3A_818, %mul3A_929 : vector<16xf32>
        %mul3A_931 = arith.mulf %bitcast_convert_type3A_916, %get3A_928 : vector<16xf32>
        %add3A_932 = arith.addf %add3A_820, %mul3A_931 : vector<16xf32>
        %get3A_933 = arith.constant 3 : i32
        %get3A_934 = arith.index_cast %get3A_933 : i32 to index
        %get3A_935 = arith.index_cast %scan3A_283 : i32 to index
        %get3A_936 = arith.constant 368 : index
        %get3A_937 = tpu.vector_load %arg7[%get3A_934, %get3A_935, %get3A_936] {strides = array<i32>} : memref<4x16x512xi32, #tpu.memory_space<vmem>>, vector<1x1x16xi32>,
        %get3A_938 = vector.shape_cast %get3A_937 : vector<1x1x16xi32> to vector<16xi32>
        %mul3A_939 = arith.constant 65536 : i32
        %mul3A_940 = vector.broadcast %mul3A_939 : i32 to vector<16xi32>
        %mul3A_941 = arith.muli %get3A_938, %mul3A_940 : vector<16xi32>
        %bitcast_convert_type3A_942 = tpu.bitcast %mul3A_941 : vector<16xi32> -> vector<16xf32>
        %and3A_943 = arith.andi %get3A_938, %broadcast_in_dim3A_3 : vector<16xi32>
        %bitcast_convert_type3A_944 = tpu.bitcast %and3A_943 : vector<16xi32> -> vector<16xf32>
        %get3A_945 = arith.constant 3 : i32
        %get3A_946 = arith.index_cast %get3A_945 : i32 to index
        %get3A_947 = arith.index_cast %scan3A_283 : i32 to index
        %get3A_948 = arith.constant 368 : index
        %get3A_949 = tpu.vector_load %arg8[%get3A_946, %get3A_947, %get3A_948] {strides = array<i32>} : memref<4x16x1024xf32, #tpu.memory_space<vmem>>, vector<1x1x16xf32>,
        %get3A_950 = vector.shape_cast %get3A_949 : vector<1x1x16xf32> to vector<16xf32>
        %get3A_951 = arith.constant 3 : i32
        %get3A_952 = arith.index_cast %get3A_951 : i32 to index
        %get3A_953 = arith.index_cast %scan3A_283 : i32 to index
        %get3A_954 = arith.constant 880 : index
        %get3A_955 = tpu.vector_load %arg8[%get3A_952, %get3A_953, %get3A_954] {strides = array<i32>} : memref<4x16x1024xf32, #tpu.memory_space<vmem>>, vector<1x1x16xf32>,
        %get3A_956 = vector.shape_cast %get3A_955 : vector<1x1x16xf32> to vector<16xf32>
        %mul3A_957 = arith.mulf %bitcast_convert_type3A_942, %get3A_950 : vector<16xf32>
        %add3A_958 = arith.addf %add3A_846, %mul3A_957 : vector<16xf32>
        %mul3A_959 = arith.mulf %bitcast_convert_type3A_944, %get3A_956 : vector<16xf32>
        %add3A_960 = arith.addf %add3A_848, %mul3A_959 : vector<16xf32>
        %get3A_961 = arith.constant 3 : i32
        %get3A_962 = arith.index_cast %get3A_961 : i32 to index
        %get3A_963 = arith.index_cast %scan3A_283 : i32 to index
        %get3A_964 = arith.constant 384 : index
        %get3A_965 = tpu.vector_load %arg7[%get3A_962, %get3A_963, %get3A_964] {strides = array<i32>} : memref<4x16x512xi32, #tpu.memory_space<vmem>>, vector<1x1x16xi32>,
        %get3A_966 = vector.shape_cast %get3A_965 : vector<1x1x16xi32> to vector<16xi32>
        %mul3A_967 = arith.constant 65536 : i32
        %mul3A_968 = vector.broadcast %mul3A_967 : i32 to vector<16xi32>
        %mul3A_969 = arith.muli %get3A_966, %mul3A_968 : vector<16xi32>
        %bitcast_convert_type3A_970 = tpu.bitcast %mul3A_969 : vector<16xi32> -> vector<16xf32>
        %and3A_971 = arith.andi %get3A_966, %broadcast_in_dim3A_3 : vector<16xi32>
        %bitcast_convert_type3A_972 = tpu.bitcast %and3A_971 : vector<16xi32> -> vector<16xf32>
        %get3A_973 = arith.constant 3 : i32
        %get3A_974 = arith.index_cast %get3A_973 : i32 to index
        %get3A_975 = arith.index_cast %scan3A_283 : i32 to index
        %get3A_976 = arith.constant 384 : index
        %get3A_977 = tpu.vector_load %arg8[%get3A_974, %get3A_975, %get3A_976] {strides = array<i32>} : memref<4x16x1024xf32, #tpu.memory_space<vmem>>, vector<1x1x16xf32>,
        %get3A_978 = vector.shape_cast %get3A_977 : vector<1x1x16xf32> to vector<16xf32>
        %get3A_979 = arith.constant 3 : i32
        %get3A_980 = arith.index_cast %get3A_979 : i32 to index
        %get3A_981 = arith.index_cast %scan3A_283 : i32 to index
        %get3A_982 = arith.constant 896 : index
        %get3A_983 = tpu.vector_load %arg8[%get3A_980, %get3A_981, %get3A_982] {strides = array<i32>} : memref<4x16x1024xf32, #tpu.memory_space<vmem>>, vector<1x1x16xf32>,
        %get3A_984 = vector.shape_cast %get3A_983 : vector<1x1x16xf32> to vector<16xf32>
        %mul3A_985 = arith.mulf %bitcast_convert_type3A_970, %get3A_978 : vector<16xf32>
        %add3A_986 = arith.addf %add3A_874, %mul3A_985 : vector<16xf32>
        %mul3A_987 = arith.mulf %bitcast_convert_type3A_972, %get3A_984 : vector<16xf32>
        %add3A_988 = arith.addf %add3A_876, %mul3A_987 : vector<16xf32>
        %get3A_989 = arith.constant 3 : i32
        %get3A_990 = arith.index_cast %get3A_989 : i32 to index
        %get3A_991 = arith.index_cast %scan3A_283 : i32 to index
        %get3A_992 = arith.constant 400 : index
        %get3A_993 = tpu.vector_load %arg7[%get3A_990, %get3A_991, %get3A_992] {strides = array<i32>} : memref<4x16x512xi32, #tpu.memory_space<vmem>>, vector<1x1x16xi32>,
        %get3A_994 = vector.shape_cast %get3A_993 : vector<1x1x16xi32> to vector<16xi32>
        %mul3A_995 = arith.constant 65536 : i32
        %mul3A_996 = vector.broadcast %mul3A_995 : i32 to vector<16xi32>
        %mul3A_997 = arith.muli %get3A_994, %mul3A_996 : vector<16xi32>
        %bitcast_convert_type3A_998 = tpu.bitcast %mul3A_997 : vector<16xi32> -> vector<16xf32>
        %and3A_999 = arith.andi %get3A_994, %broadcast_in_dim3A_3 : vector<16xi32>
        %bitcast_convert_type3A_1000 = tpu.bitcast %and3A_999 : vector<16xi32> -> vector<16xf32>
        %get3A_1001 = arith.constant 3 : i32
        %get3A_1002 = arith.index_cast %get3A_1001 : i32 to index
        %get3A_1003 = arith.index_cast %scan3A_283 : i32 to index
        %get3A_1004 = arith.constant 400 : index
        %get3A_1005 = tpu.vector_load %arg8[%get3A_1002, %get3A_1003, %get3A_1004] {strides = array<i32>} : memref<4x16x1024xf32, #tpu.memory_space<vmem>>, vector<1x1x16xf32>,
        %get3A_1006 = vector.shape_cast %get3A_1005 : vector<1x1x16xf32> to vector<16xf32>
        %get3A_1007 = arith.constant 3 : i32
        %get3A_1008 = arith.index_cast %get3A_1007 : i32 to index
        %get3A_1009 = arith.index_cast %scan3A_283 : i32 to index
        %get3A_1010 = arith.constant 912 : index
        %get3A_1011 = tpu.vector_load %arg8[%get3A_1008, %get3A_1009, %get3A_1010] {strides = array<i32>} : memref<4x16x1024xf32, #tpu.memory_space<vmem>>, vector<1x1x16xf32>,
        %get3A_1012 = vector.shape_cast %get3A_1011 : vector<1x1x16xf32> to vector<16xf32>
        %mul3A_1013 = arith.mulf %bitcast_convert_type3A_998, %get3A_1006 : vector<16xf32>
        %add3A_1014 = arith.addf %add3A_902, %mul3A_1013 : vector<16xf32>
        %mul3A_1015 = arith.mulf %bitcast_convert_type3A_1000, %get3A_1012 : vector<16xf32>
        %add3A_1016 = arith.addf %add3A_904, %mul3A_1015 : vector<16xf32>
        %get3A_1017 = arith.constant 3 : i32
        %get3A_1018 = arith.index_cast %get3A_1017 : i32 to index
        %get3A_1019 = arith.index_cast %scan3A_283 : i32 to index
        %get3A_1020 = arith.constant 416 : index
        %get3A_1021 = tpu.vector_load %arg7[%get3A_1018, %get3A_1019, %get3A_1020] {strides = array<i32>} : memref<4x16x512xi32, #tpu.memory_space<vmem>>, vector<1x1x16xi32>,
        %get3A_1022 = vector.shape_cast %get3A_1021 : vector<1x1x16xi32> to vector<16xi32>
        %mul3A_1023 = arith.constant 65536 : i32
        %mul3A_1024 = vector.broadcast %mul3A_1023 : i32 to vector<16xi32>
        %mul3A_1025 = arith.muli %get3A_1022, %mul3A_1024 : vector<16xi32>
        %bitcast_convert_type3A_1026 = tpu.bitcast %mul3A_1025 : vector<16xi32> -> vector<16xf32>
        %and3A_1027 = arith.andi %get3A_1022, %broadcast_in_dim3A_3 : vector<16xi32>
        %bitcast_convert_type3A_1028 = tpu.bitcast %and3A_1027 : vector<16xi32> -> vector<16xf32>
        %get3A_1029 = arith.constant 3 : i32
        %get3A_1030 = arith.index_cast %get3A_1029 : i32 to index
        %get3A_1031 = arith.index_cast %scan3A_283 : i32 to index
        %get3A_1032 = arith.constant 416 : index
        %get3A_1033 = tpu.vector_load %arg8[%get3A_1030, %get3A_1031, %get3A_1032] {strides = array<i32>} : memref<4x16x1024xf32, #tpu.memory_space<vmem>>, vector<1x1x16xf32>,
        %get3A_1034 = vector.shape_cast %get3A_1033 : vector<1x1x16xf32> to vector<16xf32>
        %get3A_1035 = arith.constant 3 : i32
        %get3A_1036 = arith.index_cast %get3A_1035 : i32 to index
        %get3A_1037 = arith.index_cast %scan3A_283 : i32 to index
        %get3A_1038 = arith.constant 928 : index
        %get3A_1039 = tpu.vector_load %arg8[%get3A_1036, %get3A_1037, %get3A_1038] {strides = array<i32>} : memref<4x16x1024xf32, #tpu.memory_space<vmem>>, vector<1x1x16xf32>,
        %get3A_1040 = vector.shape_cast %get3A_1039 : vector<1x1x16xf32> to vector<16xf32>
        %mul3A_1041 = arith.mulf %bitcast_convert_type3A_1026, %get3A_1034 : vector<16xf32>
        %add3A_1042 = arith.addf %add3A_930, %mul3A_1041 : vector<16xf32>
        %mul3A_1043 = arith.mulf %bitcast_convert_type3A_1028, %get3A_1040 : vector<16xf32>
        %add3A_1044 = arith.addf %add3A_932, %mul3A_1043 : vector<16xf32>
        %get3A_1045 = arith.constant 3 : i32
        %get3A_1046 = arith.index_cast %get3A_1045 : i32 to index
        %get3A_1047 = arith.index_cast %scan3A_283 : i32 to index
        %get3A_1048 = arith.constant 432 : index
        %get3A_1049 = tpu.vector_load %arg7[%get3A_1046, %get3A_1047, %get3A_1048] {strides = array<i32>} : memref<4x16x512xi32, #tpu.memory_space<vmem>>, vector<1x1x16xi32>,
        %get3A_1050 = vector.shape_cast %get3A_1049 : vector<1x1x16xi32> to vector<16xi32>
        %mul3A_1051 = arith.constant 65536 : i32
        %mul3A_1052 = vector.broadcast %mul3A_1051 : i32 to vector<16xi32>
        %mul3A_1053 = arith.muli %get3A_1050, %mul3A_1052 : vector<16xi32>
        %bitcast_convert_type3A_1054 = tpu.bitcast %mul3A_1053 : vector<16xi32> -> vector<16xf32>
        %and3A_1055 = arith.andi %get3A_1050, %broadcast_in_dim3A_3 : vector<16xi32>
        %bitcast_convert_type3A_1056 = tpu.bitcast %and3A_1055 : vector<16xi32> -> vector<16xf32>
        %get3A_1057 = arith.constant 3 : i32
        %get3A_1058 = arith.index_cast %get3A_1057 : i32 to index
        %get3A_1059 = arith.index_cast %scan3A_283 : i32 to index
        %get3A_1060 = arith.constant 432 : index
        %get3A_1061 = tpu.vector_load %arg8[%get3A_1058, %get3A_1059, %get3A_1060] {strides = array<i32>} : memref<4x16x1024xf32, #tpu.memory_space<vmem>>, vector<1x1x16xf32>,
        %get3A_1062 = vector.shape_cast %get3A_1061 : vector<1x1x16xf32> to vector<16xf32>
        %get3A_1063 = arith.constant 3 : i32
        %get3A_1064 = arith.index_cast %get3A_1063 : i32 to index
        %get3A_1065 = arith.index_cast %scan3A_283 : i32 to index
        %get3A_1066 = arith.constant 944 : index
        %get3A_1067 = tpu.vector_load %arg8[%get3A_1064, %get3A_1065, %get3A_1066] {strides = array<i32>} : memref<4x16x1024xf32, #tpu.memory_space<vmem>>, vector<1x1x16xf32>,
        %get3A_1068 = vector.shape_cast %get3A_1067 : vector<1x1x16xf32> to vector<16xf32>
        %mul3A_1069 = arith.mulf %bitcast_convert_type3A_1054, %get3A_1062 : vector<16xf32>
        %add3A_1070 = arith.addf %add3A_958, %mul3A_1069 : vector<16xf32>
        %mul3A_1071 = arith.mulf %bitcast_convert_type3A_1056, %get3A_1068 : vector<16xf32>
        %add3A_1072 = arith.addf %add3A_960, %mul3A_1071 : vector<16xf32>
        %get3A_1073 = arith.constant 3 : i32
        %get3A_1074 = arith.index_cast %get3A_1073 : i32 to index
        %get3A_1075 = arith.index_cast %scan3A_283 : i32 to index
        %get3A_1076 = arith.constant 448 : index
        %get3A_1077 = tpu.vector_load %arg7[%get3A_1074, %get3A_1075, %get3A_1076] {strides = array<i32>} : memref<4x16x512xi32, #tpu.memory_space<vmem>>, vector<1x1x16xi32>,
        %get3A_1078 = vector.shape_cast %get3A_1077 : vector<1x1x16xi32> to vector<16xi32>
        %mul3A_1079 = arith.constant 65536 : i32
        %mul3A_1080 = vector.broadcast %mul3A_1079 : i32 to vector<16xi32>
        %mul3A_1081 = arith.muli %get3A_1078, %mul3A_1080 : vector<16xi32>
        %bitcast_convert_type3A_1082 = tpu.bitcast %mul3A_1081 : vector<16xi32> -> vector<16xf32>
        %and3A_1083 = arith.andi %get3A_1078, %broadcast_in_dim3A_3 : vector<16xi32>
        %bitcast_convert_type3A_1084 = tpu.bitcast %and3A_1083 : vector<16xi32> -> vector<16xf32>
        %get3A_1085 = arith.constant 3 : i32
        %get3A_1086 = arith.index_cast %get3A_1085 : i32 to index
        %get3A_1087 = arith.index_cast %scan3A_283 : i32 to index
        %get3A_1088 = arith.constant 448 : index
        %get3A_1089 = tpu.vector_load %arg8[%get3A_1086, %get3A_1087, %get3A_1088] {strides = array<i32>} : memref<4x16x1024xf32, #tpu.memory_space<vmem>>, vector<1x1x16xf32>,
        %get3A_1090 = vector.shape_cast %get3A_1089 : vector<1x1x16xf32> to vector<16xf32>
        %get3A_1091 = arith.constant 3 : i32
        %get3A_1092 = arith.index_cast %get3A_1091 : i32 to index
        %get3A_1093 = arith.index_cast %scan3A_283 : i32 to index
        %get3A_1094 = arith.constant 960 : index
        %get3A_1095 = tpu.vector_load %arg8[%get3A_1092, %get3A_1093, %get3A_1094] {strides = array<i32>} : memref<4x16x1024xf32, #tpu.memory_space<vmem>>, vector<1x1x16xf32>,
        %get3A_1096 = vector.shape_cast %get3A_1095 : vector<1x1x16xf32> to vector<16xf32>
        %mul3A_1097 = arith.mulf %bitcast_convert_type3A_1082, %get3A_1090 : vector<16xf32>
        %add3A_1098 = arith.addf %add3A_986, %mul3A_1097 : vector<16xf32>
        %mul3A_1099 = arith.mulf %bitcast_convert_type3A_1084, %get3A_1096 : vector<16xf32>
        %add3A_1100 = arith.addf %add3A_988, %mul3A_1099 : vector<16xf32>
        %get3A_1101 = arith.constant 3 : i32
        %get3A_1102 = arith.index_cast %get3A_1101 : i32 to index
        %get3A_1103 = arith.index_cast %scan3A_283 : i32 to index
        %get3A_1104 = arith.constant 464 : index
        %get3A_1105 = tpu.vector_load %arg7[%get3A_1102, %get3A_1103, %get3A_1104] {strides = array<i32>} : memref<4x16x512xi32, #tpu.memory_space<vmem>>, vector<1x1x16xi32>,
        %get3A_1106 = vector.shape_cast %get3A_1105 : vector<1x1x16xi32> to vector<16xi32>
        %mul3A_1107 = arith.constant 65536 : i32
        %mul3A_1108 = vector.broadcast %mul3A_1107 : i32 to vector<16xi32>
        %mul3A_1109 = arith.muli %get3A_1106, %mul3A_1108 : vector<16xi32>
        %bitcast_convert_type3A_1110 = tpu.bitcast %mul3A_1109 : vector<16xi32> -> vector<16xf32>
        %and3A_1111 = arith.andi %get3A_1106, %broadcast_in_dim3A_3 : vector<16xi32>
        %bitcast_convert_type3A_1112 = tpu.bitcast %and3A_1111 : vector<16xi32> -> vector<16xf32>
        %get3A_1113 = arith.constant 3 : i32
        %get3A_1114 = arith.index_cast %get3A_1113 : i32 to index
        %get3A_1115 = arith.index_cast %scan3A_283 : i32 to index
        %get3A_1116 = arith.constant 464 : index
        %get3A_1117 = tpu.vector_load %arg8[%get3A_1114, %get3A_1115, %get3A_1116] {strides = array<i32>} : memref<4x16x1024xf32, #tpu.memory_space<vmem>>, vector<1x1x16xf32>,
        %get3A_1118 = vector.shape_cast %get3A_1117 : vector<1x1x16xf32> to vector<16xf32>
        %get3A_1119 = arith.constant 3 : i32
        %get3A_1120 = arith.index_cast %get3A_1119 : i32 to index
        %get3A_1121 = arith.index_cast %scan3A_283 : i32 to index
        %get3A_1122 = arith.constant 976 : index
        %get3A_1123 = tpu.vector_load %arg8[%get3A_1120, %get3A_1121, %get3A_1122] {strides = array<i32>} : memref<4x16x1024xf32, #tpu.memory_space<vmem>>, vector<1x1x16xf32>,
        %get3A_1124 = vector.shape_cast %get3A_1123 : vector<1x1x16xf32> to vector<16xf32>
        %mul3A_1125 = arith.mulf %bitcast_convert_type3A_1110, %get3A_1118 : vector<16xf32>
        %add3A_1126 = arith.addf %add3A_1014, %mul3A_1125 : vector<16xf32>
        %mul3A_1127 = arith.mulf %bitcast_convert_type3A_1112, %get3A_1124 : vector<16xf32>
        %add3A_1128 = arith.addf %add3A_1016, %mul3A_1127 : vector<16xf32>
        %get3A_1129 = arith.constant 3 : i32
        %get3A_1130 = arith.index_cast %get3A_1129 : i32 to index
        %get3A_1131 = arith.index_cast %scan3A_283 : i32 to index
        %get3A_1132 = arith.constant 480 : index
        %get3A_1133 = tpu.vector_load %arg7[%get3A_1130, %get3A_1131, %get3A_1132] {strides = array<i32>} : memref<4x16x512xi32, #tpu.memory_space<vmem>>, vector<1x1x16xi32>,
        %get3A_1134 = vector.shape_cast %get3A_1133 : vector<1x1x16xi32> to vector<16xi32>
        %mul3A_1135 = arith.constant 65536 : i32
        %mul3A_1136 = vector.broadcast %mul3A_1135 : i32 to vector<16xi32>
        %mul3A_1137 = arith.muli %get3A_1134, %mul3A_1136 : vector<16xi32>
        %bitcast_convert_type3A_1138 = tpu.bitcast %mul3A_1137 : vector<16xi32> -> vector<16xf32>
        %and3A_1139 = arith.andi %get3A_1134, %broadcast_in_dim3A_3 : vector<16xi32>
        %bitcast_convert_type3A_1140 = tpu.bitcast %and3A_1139 : vector<16xi32> -> vector<16xf32>
        %get3A_1141 = arith.constant 3 : i32
        %get3A_1142 = arith.index_cast %get3A_1141 : i32 to index
        %get3A_1143 = arith.index_cast %scan3A_283 : i32 to index
        %get3A_1144 = arith.constant 480 : index
        %get3A_1145 = tpu.vector_load %arg8[%get3A_1142, %get3A_1143, %get3A_1144] {strides = array<i32>} : memref<4x16x1024xf32, #tpu.memory_space<vmem>>, vector<1x1x16xf32>,
        %get3A_1146 = vector.shape_cast %get3A_1145 : vector<1x1x16xf32> to vector<16xf32>
        %get3A_1147 = arith.constant 3 : i32
        %get3A_1148 = arith.index_cast %get3A_1147 : i32 to index
        %get3A_1149 = arith.index_cast %scan3A_283 : i32 to index
        %get3A_1150 = arith.constant 992 : index
        %get3A_1151 = tpu.vector_load %arg8[%get3A_1148, %get3A_1149, %get3A_1150] {strides = array<i32>} : memref<4x16x1024xf32, #tpu.memory_space<vmem>>, vector<1x1x16xf32>,
        %get3A_1152 = vector.shape_cast %get3A_1151 : vector<1x1x16xf32> to vector<16xf32>
        %mul3A_1153 = arith.mulf %bitcast_convert_type3A_1138, %get3A_1146 : vector<16xf32>
        %add3A_1154 = arith.addf %add3A_1042, %mul3A_1153 : vector<16xf32>
        %mul3A_1155 = arith.mulf %bitcast_convert_type3A_1140, %get3A_1152 : vector<16xf32>
        %add3A_1156 = arith.addf %add3A_1044, %mul3A_1155 : vector<16xf32>
        %get3A_1157 = arith.constant 3 : i32
        %get3A_1158 = arith.index_cast %get3A_1157 : i32 to index
        %get3A_1159 = arith.index_cast %scan3A_283 : i32 to index
        %get3A_1160 = arith.constant 496 : index
        %get3A_1161 = tpu.vector_load %arg7[%get3A_1158, %get3A_1159, %get3A_1160] {strides = array<i32>} : memref<4x16x512xi32, #tpu.memory_space<vmem>>, vector<1x1x16xi32>,
        %get3A_1162 = vector.shape_cast %get3A_1161 : vector<1x1x16xi32> to vector<16xi32>
        %mul3A_1163 = arith.constant 65536 : i32
        %mul3A_1164 = vector.broadcast %mul3A_1163 : i32 to vector<16xi32>
        %mul3A_1165 = arith.muli %get3A_1162, %mul3A_1164 : vector<16xi32>
        %bitcast_convert_type3A_1166 = tpu.bitcast %mul3A_1165 : vector<16xi32> -> vector<16xf32>
        %and3A_1167 = arith.andi %get3A_1162, %broadcast_in_dim3A_3 : vector<16xi32>
        %bitcast_convert_type3A_1168 = tpu.bitcast %and3A_1167 : vector<16xi32> -> vector<16xf32>
        %get3A_1169 = arith.constant 3 : i32
        %get3A_1170 = arith.index_cast %get3A_1169 : i32 to index
        %get3A_1171 = arith.index_cast %scan3A_283 : i32 to index
        %get3A_1172 = arith.constant 496 : index
        %get3A_1173 = tpu.vector_load %arg8[%get3A_1170, %get3A_1171, %get3A_1172] {strides = array<i32>} : memref<4x16x1024xf32, #tpu.memory_space<vmem>>, vector<1x1x16xf32>,
        %get3A_1174 = vector.shape_cast %get3A_1173 : vector<1x1x16xf32> to vector<16xf32>
        %get3A_1175 = arith.constant 3 : i32
        %get3A_1176 = arith.index_cast %get3A_1175 : i32 to index
        %get3A_1177 = arith.index_cast %scan3A_283 : i32 to index
        %get3A_1178 = arith.constant 1008 : index
        %get3A_1179 = tpu.vector_load %arg8[%get3A_1176, %get3A_1177, %get3A_1178] {strides = array<i32>} : memref<4x16x1024xf32, #tpu.memory_space<vmem>>, vector<1x1x16xf32>,
        %get3A_1180 = vector.shape_cast %get3A_1179 : vector<1x1x16xf32> to vector<16xf32>
        %mul3A_1181 = arith.mulf %bitcast_convert_type3A_1166, %get3A_1174 : vector<16xf32>
        %add3A_1182 = arith.addf %add3A_1070, %mul3A_1181 : vector<16xf32>
        %mul3A_1183 = arith.mulf %bitcast_convert_type3A_1168, %get3A_1180 : vector<16xf32>
        %add3A_1184 = arith.addf %add3A_1072, %mul3A_1183 : vector<16xf32>
        scf.yield %add3A_1098, %add3A_1100, %add3A_1126, %add3A_1128, %add3A_1154, %add3A_1156, %add3A_1182, %add3A_1184 : vector<16xf32>, vector<16xf32>, vector<16xf32>, vector<16xf32>, vector<16xf32>, vector<16xf32>, vector<16xf32>, vector<16xf32>
      }
      %scan3A_282 = arith.constant 16 : i32
      scf.yield %scan3A_281#0, %scan3A_281#1, %scan3A_281#2, %scan3A_281#3, %scan3A_281#4, %scan3A_281#5, %scan3A_281#6, %scan3A_281#7 : vector<16xf32>, vector<16xf32>, vector<16xf32>, vector<16xf32>, vector<16xf32>, vector<16xf32>, vector<16xf32>, vector<16xf32>
    }
    %scan3A_84 = arith.constant 8 : i32
    %add3A_85 = arith.addf %scan3A_83#0, %scan3A_83#1 : vector<16xf32>
    %add3A_86 = arith.addf %add3A_85, %scan3A_83#2 : vector<16xf32>
    %add3A_87 = arith.addf %add3A_86, %scan3A_83#3 : vector<16xf32>
    %add3A_88 = arith.addf %add3A_87, %scan3A_83#4 : vector<16xf32>
    %add3A_89 = arith.addf %add3A_88, %scan3A_83#5 : vector<16xf32>
    %add3A_90 = arith.addf %add3A_89, %scan3A_83#6 : vector<16xf32>
    %add3A_91 = arith.addf %add3A_90, %scan3A_83#7 : vector<16xf32>
    %swap3A = arith.constant 0 : index
    %swap3A_92 = tpu.vector_load %arg9[%swap3A] {strides = array<i32>} : memref<16xf32, #tpu.memory_space<vmem>>, vector<16xf32>,
    %swap3A_93 = vector.shape_cast %swap3A_92 : vector<16xf32> to vector<16xf32>
    %swap3A_94 = vector.shape_cast %add3A_91 : vector<16xf32> to vector<16xf32>
    tpu.vector_store %arg9[%swap3A], %swap3A_94 {strides = array<i32>} : memref<16xf32, #tpu.memory_space<vmem>>, vector<16xf32>,
    "tpu.region"() ({
      %run_scoped3A = tpu.sem_alloc : memref<!tpu.dma_semaphore, #tpu.memory_space<semaphore_mem>>
      %dma_start3A_95 = arith.constant 0 : i32
      %dma_start3A_96 = tpu.memref_slice %arg5[%add3A, %dma_start3A_95] : memref<32x16xf32, #tpu.memory_space<hbm>> -> memref<1x16xf32, #tpu.memory_space<hbm>>
      %dma_start3A_97 = tpu.memref_squeeze %dma_start3A_96 : memref<1x16xf32, #tpu.memory_space<hbm>> -> memref<16xf32, #tpu.memory_space<hbm>>
      %dma_start3A_98 = arith.constant 0 : i32
      %dma_start3A_99 = tpu.memref_slice %arg5[%add3A, %dma_start3A_98] : memref<32x16xf32, #tpu.memory_space<hbm>> -> memref<1x16xf32, #tpu.memory_space<hbm>>
      %dma_start3A_100 = tpu.memref_squeeze %dma_start3A_99 : memref<1x16xf32, #tpu.memory_space<hbm>> -> memref<16xf32, #tpu.memory_space<hbm>>
      tpu.enqueue_dma source(%arg9 : memref<16xf32, #tpu.memory_space<vmem>>) target(%dma_start3A_100 : memref<16xf32, #tpu.memory_space<hbm>>) target_semaphore(%run_scoped3A : memref<!tpu.dma_semaphore, #tpu.memory_space<semaphore_mem>>)
      %dma_wait3A = arith.constant 0 : i32
      %dma_wait3A_101 = tpu.memref_slice %arg5[%add3A, %dma_wait3A] : memref<32x16xf32, #tpu.memory_space<hbm>> -> memref<1x16xf32, #tpu.memory_space<hbm>>
      %dma_wait3A_102 = tpu.memref_squeeze %dma_wait3A_101 : memref<1x16xf32, #tpu.memory_space<hbm>> -> memref<16xf32, #tpu.memory_space<hbm>>
      %dma_wait3A_103 = arith.constant 0 : i32
      %dma_wait3A_104 = tpu.memref_slice %arg5[%add3A, %dma_wait3A_103] : memref<32x16xf32, #tpu.memory_space<hbm>> -> memref<1x16xf32, #tpu.memory_space<hbm>>
      %dma_wait3A_105 = tpu.memref_squeeze %dma_wait3A_104 : memref<1x16xf32, #tpu.memory_space<hbm>> -> memref<16xf32, #tpu.memory_space<hbm>>
      tpu.wait_dma2 semaphore(%run_scoped3A : memref<!tpu.dma_semaphore, #tpu.memory_space<semaphore_mem>>) src(%arg9 : memref<16xf32, #tpu.memory_space<vmem>>) dst(%dma_wait3A_105 : memref<16xf32, #tpu.memory_space<hbm>>)
      tpu.yield
    }) : () -> ()
    return
  }
}

module attributes {stable_mosaic.version = 14 : i64} {
  func.func @_softmax_pack_body(%arg0: i32, %arg1: memref<128x1024xf32, #tpu.memory_space<vmem>>, %arg2: memref<128x512xi32, #tpu.memory_space<vmem>>) attributes {dimension_semantics = [#tpu.dimension_semantics<arbitrary>], iteration_bounds = array<i64: 8>, scalar_prefetch = 0 : i64, scratch_operands = 0 : i64, tpu.core_type = #tpu.core_type<tc>, window_params = [{transform_indices = @transform_0, window_bounds = array<i64: 128, 1024>}, {transform_indices = @transform_1, window_bounds = array<i64: 128, 512>}]} {
    %get3A = arith.constant 0 : index
    %get3A_0 = arith.constant 0 : index
    %get3A_1 = vector.load %arg1[%get3A, %get3A_0] : memref<128x1024xf32, #tpu.memory_space<vmem>>, vector<128x1024xf32>
    %reduce_max3A = arith.constant dense<0xFF800000> : vector<128xf32>
    %reduce_max3A_2 = vector.multi_reduction <maximumf>, %get3A_1, %reduce_max3A [1] : vector<128x1024xf32> to vector<128xf32>
    %broadcast_in_dim3A = vector.shape_cast %reduce_max3A_2 : vector<128xf32> to vector<128x1xf32>
    %sub3A = vector.broadcast %broadcast_in_dim3A : vector<128x1xf32> to vector<128x1024xf32>
    %sub3A_3 = arith.subf %get3A_1, %sub3A : vector<128x1024xf32>
    %exp3A = math.exp %sub3A_3 : vector<128x1024xf32>
    %reduce_sum3A = arith.constant dense<0.000000e+00> : vector<128xf32>
    %reduce_sum3A_4 = vector.multi_reduction <add>, %exp3A, %reduce_sum3A [1] : vector<128x1024xf32> to vector<128xf32>
    %broadcast_in_dim3A_5 = vector.shape_cast %reduce_sum3A_4 : vector<128xf32> to vector<128x1xf32>
    %div3A = vector.broadcast %broadcast_in_dim3A_5 : vector<128x1xf32> to vector<128x1024xf32>
    %div3A_6 = arith.divf %exp3A, %div3A : vector<128x1024xf32>
    %bitcast_convert_type3A = tpu.bitcast %div3A_6 : vector<128x1024xf32> -> vector<128x1024xi32>
    %slice3A = vector.extract_strided_slice %bitcast_convert_type3A {offsets = [0, 0], sizes = [128, 512], strides = [1, 1]} : vector<128x1024xi32> to vector<128x512xi32>
    %add3A = arith.constant 32768 : i32
    %add3A_7 = vector.broadcast %add3A : i32 to vector<128x512xi32>
    %add3A_8 = arith.addi %slice3A, %add3A_7 : vector<128x512xi32>
    %shift_right_logical3A = arith.constant 16 : i32
    %shift_right_logical3A_9 = vector.broadcast %shift_right_logical3A : i32 to vector<128x512xi32>
    %shift_right_logical3A_10 = arith.shrui %add3A_8, %shift_right_logical3A_9 : vector<128x512xi32>
    %slice3A_11 = vector.extract_strided_slice %bitcast_convert_type3A {offsets = [0, 512], sizes = [128, 512], strides = [1, 1]} : vector<128x1024xi32> to vector<128x512xi32>
    %add3A_12 = arith.constant 32768 : i32
    %add3A_13 = vector.broadcast %add3A_12 : i32 to vector<128x512xi32>
    %add3A_14 = arith.addi %slice3A_11, %add3A_13 : vector<128x512xi32>
    %and3A = arith.constant -65536 : i32
    %and3A_15 = vector.broadcast %and3A : i32 to vector<128x512xi32>
    %and3A_16 = arith.andi %add3A_14, %and3A_15 : vector<128x512xi32>
    %or3A = arith.ori %and3A_16, %shift_right_logical3A_10 : vector<128x512xi32>
    %bitcast_convert_type3A_17 = tpu.bitcast %or3A : vector<128x512xi32> -> vector<128x512xi32>
    %swap3A = arith.constant 0 : index
    %swap3A_18 = arith.constant 0 : index
    %swap3A_19 = vector.load %arg2[%swap3A, %swap3A_18] : memref<128x512xi32, #tpu.memory_space<vmem>>, vector<128x512xi32>
    tpu.vector_store %arg2[%swap3A, %swap3A_18], %bitcast_convert_type3A_17 {strides = array<i32>} : memref<128x512xi32, #tpu.memory_space<vmem>>, vector<128x512xi32>,
    return
  }
  func.func @transform_0(%arg0: i32) -> (i32, i32) {
    %c0_i32 = arith.constant 0 : i32
    %c0_i32_0 = arith.constant 0 : i32
    return %arg0, %c0_i32 : i32, i32
  }
  func.func @transform_1(%arg0: i32) -> (i32, i32) {
    %c0_i32 = arith.constant 0 : i32
    %c0_i32_0 = arith.constant 0 : i32
    return %arg0, %c0_i32 : i32, i32
  }
}

</mosaic_0001>

<sc_bundles>
// kernel: kernel.4.cloned.1.call-start
scs
__scs_entry_jumppad:
0x0: {  	(pc) =	sbr.rel $0x88, $3  }
0x1: {  	(tag) =	ssettag $0x0;
	lr =	simm.s32 $0x1  }
0x2: {  	[smem:$0x3F9E] =	sst lr;
	_ =	strace $0xD0000000  }
0x3: {  	_ = 	snop  }
0x4: {  	_ = 	snop  }
0x5: {  	_ = 	snop  }
0x6: {  	_ = 	snop  }
0x7: {  	_ = 	snop  }
__scs_overlays_trampoline_lowered:
0x8: {  	[smem:$0x3FAD] =	sst s0  }
0x9: {  	[smem:$0x3FAE] =	sst s1  }
0xa: {  	[smem:$0x3FAF] =	sst s2  }
0xb: {  	[smem:$0x3FB0] =	sst s3  }
0xc: {  	[smem:$0x3FB1] =	sst s4  }
0xd: {  	[smem:$0x3FB2] =	sst s5  }
0xe: {  	[smem:$0x3FB3] =	sst s6  }
0xf: {  	[smem:$0x3FB4] =	sst s7  }
0x10: {  	[smem:$0x3FB5] =	sst s8  }
0x11: {  	[smem:$0x3FB6] =	sst s9;
	s0 =	simm.s32 @!p0 $0x0  }
0x12: {  	s1 =	sld [smem:$0x3F9C];
	s0 =	simm.s32 @p0 $0x1  }
0x13: {  	[smem:$0x3FB7] =	sst s0;
	s0 =	simm.s32 @!p1 $0x0  }
0x14: {  	s2 =	sld [smem:$0x3F9B];
	s0 =	simm.s32 @p1 $0x1  }
0x15: {  	[smem:$0x3FB8] =	sst s0;
	s0 =	simm.s32 @!p2 $0x0  }
0x16: {  	s3 =	sld [smem:$0x3FDB];
	s0 =	simm.s32 @p2 $0x1  }
0x17: {  	s4 =	simm.s32 $0x1BF5;
	[smem:$0x3FBA] =	sst s0  }
0x18: {  	s0 =	sld [smem:$0x3F9D];
	_ =	swait.ge [sflag:s4], $0x0  }
0x19: {  	s7 =	sld [smem:$0x3F9E]  }
0x1a: {  	s8 =	sadd.s32 $0xFFFFE003, lr  }
0x1b: {  	s9 =	sadd.s32 $0xFFFFFEF7, lr;
	s5 =	simm.s32 $0xFFFFFFFF;
	p2 =	slt.u32 s8, $0xFFFFF086  }
0x1c: {  	p1 =	slt.u32 s9, $0xF7A;
	s5 =	simm.s32 @!p2 $0x0  }
0x1d: {  	s5 =	simm.s32 @p1 $0x1;
	p0 =	seq.s32 s7, s2  }
0x1e: {  	s7 =	smul.u32 @!p0 $0xF7A, s2;
	p2 =	seq.s32 @!p0 s5, $0x0  }
0x1f: {  	s9 =	smul.u32 $0xF7A, s1;
	s8 =	simm.s32 @!p0 $0x1BF5;
	p2 =	por !p2, p0  }
0x20: {  	[sflag:s8] =	ssyncset.s32 @!p0 $0xFFFFF086;
	s6 =	sadd.s32 @!p0 s3, s7;
	s7 =	simm.s32 @!p0 $0x108  }
0x21: {  	s3 =	sadd.s32 s3, s9;
	s6 =	sadd.s32 @!p0 $0x88, s6;
	s7 =	simm.s32 @p2 $0x1082  }
0x22: {  	[simem:s7], [sflag:s8] =	dma.local @!p0 [hbm:s6], $0xF7A  }
0x23: {  	s9 =	sor.u32 $0xD0000000, s2;
	s6 =	simm.s32 $0x108;
	_ =	swait.ge @!p0 [sflag:s8], $0x0  }
0x24: {  	s3 =	sadd.s32 $0x88, s3;
	s6 =	simm.s32 @!p1 $0x1082;
	[sflag:s4] =	ssyncset.s32 $0xFFFFF086  }
0x25: {  	[simem:s6], [sflag:s4] =	dma.local [hbm:s3], $0xF7A  }
0x26: {  	[smem:$0x3F9E] =	sst s1;
	(tag) =	ssettag s2;
	_ =	strace s9  }
0x27: {  	s1 =	sld [smem:$0x3FAE]  }
0x28: {  	s2 =	sld [smem:$0x3FAF]  }
0x29: {  	s4 =	sld [smem:$0x3FB1]  }
0x2a: {  	p0 =	seq.s32 s5, $0x0;
	s5 =	sld [smem:$0x3FB2]  }
0x2b: {  	s6 =	sld [smem:$0x3FB3]  }
0x2c: {  	s7 =	sld [smem:$0x3FB4]  }
0x2d: {  	s3 =	simm.s32 $0x108;
	s8 =	sld [smem:$0x3FB5]  }
0x2e: {  	s3 =	simm.s32 @!p0 $0x1082;
	s9 =	sld [smem:$0x3FB6]  }
0x2f: {  	lr =	sadd.s32 s0, s3;
	s0 =	sld [smem:$0x3FAD]  }
0x30: {  	s3 =	sld [smem:$0x3FB0]  }
0x31: {  	[smem:$0x3FB9] =	sst s10  }
0x32: {  	s10 =	sld [smem:$0x3FB7];
	_ =	sdelay $0x3  }
0x33: {  	p0 =	seq.s32 s10, $0x1;
	s10 =	sld [smem:$0x3FB9];
	_ =	sdelay $0x3  }
0x34: {  	[smem:$0x3FB9] =	sst s10  }
0x35: {  	s10 =	sld [smem:$0x3FB8];
	_ =	sdelay $0x3  }
0x36: {  	p1 =	seq.s32 s10, $0x1;
	s10 =	sld [smem:$0x3FB9];
	_ =	sdelay $0x3  }
0x37: {  	[smem:$0x3FB9] =	sst s10  }
0x38: {  	s10 =	sld [smem:$0x3FBA]  }
0x39: {  	_ = 	snop;
	(pc) =	sbr.ind lr, $3  }
0x3a: {  	_ = 	snop  }
0x3b: {  	_ = 	snop  }
0x3c: {  	p2 =	seq.s32 s10, $0x1;
	s10 =	sld [smem:$0x3FB9]  }
0x3d: {  	_ =	shalt  }
0x3e: {  	_ =	shalt  }
0x3f: {  	_ =	shalt  }
0x40: {  	_ =	shalt  }
0x41: {  	_ =	shalt  }
0x42: {  	_ =	shalt  }
0x43: {  	_ =	shalt  }
0x44: {  	_ =	shalt  }
0x45: {  	_ =	shalt  }
0x46: {  	_ =	shalt  }
0x47: {  	_ =	shalt  }
0x48: {  	_ =	shalt  }
0x49: {  	_ =	shalt  }
0x4a: {  	_ =	shalt  }
0x4b: {  	_ =	shalt  }
0x4c: {  	_ =	shalt  }
0x4d: {  	_ =	shalt  }
0x4e: {  	_ =	shalt  }
0x4f: {  	_ =	shalt  }
0x50: {  	_ =	shalt  }
0x51: {  	_ =	shalt  }
0x52: {  	_ =	shalt  }
0x53: {  	_ =	shalt  }
0x54: {  	_ =	shalt  }
0x55: {  	_ =	shalt  }
0x56: {  	_ =	shalt  }
0x57: {  	_ =	shalt  }
0x58: {  	_ =	shalt  }
0x59: {  	_ =	shalt  }
0x5a: {  	_ =	shalt  }
0x5b: {  	_ =	shalt  }
0x5c: {  	_ =	shalt  }
0x5d: {  	_ =	shalt  }
0x5e: {  	_ =	shalt  }
0x5f: {  	_ =	shalt  }
0x60: {  	_ =	shalt  }
0x61: {  	_ =	shalt  }
0x62: {  	_ =	shalt  }
0x63: {  	_ =	shalt  }
0x64: {  	_ =	shalt  }
0x65: {  	_ =	shalt  }
0x66: {  	_ =	shalt  }
0x67: {  	_ =	shalt  }
0x68: {  	_ =	shalt  }
0x69: {  	_ =	shalt  }
0x6a: {  	_ =	shalt  }
0x6b: {  	_ =	shalt  }
0x6c: {  	_ =	shalt  }
0x6d: {  	_ =	shalt  }
0x6e: {  	_ =	shalt  }
0x6f: {  	_ =	shalt  }
0x70: {  	_ =	shalt  }
0x71: {  	_ =	shalt  }
0x72: {  	_ =	shalt  }
0x73: {  	_ =	shalt  }
0x74: {  	_ =	shalt  }
0x75: {  	_ =	shalt  }
0x76: {  	_ =	shalt  }
0x77: {  	_ =	shalt  }
0x78: {  	_ =	shalt  }
0x79: {  	_ =	shalt  }
0x7a: {  	_ =	shalt  }
0x7b: {  	_ =	shalt  }
0x7c: {  	_ =	shalt  }
0x7d: {  	_ =	shalt  }
0x7e: {  	_ =	shalt  }
0x7f: {  	_ =	shalt  }
0x80: {  	_ =	shalt  }
0x81: {  	_ =	shalt  }
0x82: {  	_ =	shalt  }
0x83: {  	_ =	shalt  }
0x84: {  	_ =	shalt  }
0x85: {  	_ =	shalt  }
0x86: {  	_ =	shalt  }
0x87: {  	_ =	shalt  }
.Lfunc_end0:
.L_simem_size_0:
called_computation_lowered:
.L_overlay_start_0:
0x88: {  	s2 =	sld [smem:$0x3FD9]  }
0x89: {  	s3 =	sld [smem:$0x3FFE];
	_ =	sdelay $0x1  }
0x8a: {  	s1 =	srdreg.scid  }
0x8b: {  	s0 =	sand.u32 $0x1, s1  }
0x8c: {  	s17 =	sshll.u32 s0, $0xA;
	s2 =	sadd.s32 s3, s2  }
0x8d: {  	s2 =	sadd.s32 s2, s17  }
0x8e: {  	[smem:$0x3FC5] =	sst s2  }
0x8f: {  	_ = 	snop  }
0x90: {  	s2 =	sld [smem:$0x3FC8];
	(tm) =	ssettm $0x1  }
0x91: {  	s18 =	sld [smem:$0x3FFB];
	_ =	sdelay $0x3  }
0x92: {  	_ =	strace s18  }
0x93: {  	s3 =	sld [smem:$0x3FFC];
	_ =	sdelay $0x3  }
0x94: {  	_ =	strace s3  }
0x95: {  	s3 =	sld [smem:$0x3FFD];
	_ =	sdelay $0x3  }
0x96: {  	_ =	strace s3  }
0x97: {  	_ =	strace $0x8FFFFFFF  }
0x98: {  	s19 =	sld [smem:$0x3FDB];
	_ =	sdelay $0x1  }
0x99: {  	s4 =	simm.s32 $_scs_section_size  }
0x9a: {  	s5 =	simm.s32 $_size__tile_overlayer_lowered;
	s6 =	simm.s32 $_tile_overlayer_lowered  }
0x9b: {  	s22 =	simm.s32 $0x1BFF;
	s21 =	sshll.u32 s6, $0x1;
	s3 =	sadd.s32 s4, s19  }
0x9c: {  	s7 =	simm.s32 $0x0;
	s20 =	sshll.u32 s5, $0x1;
	s5 =	sadd.s32 s21, s3  }
0x9d: {  	[timem:s7], [sflag:s22] =	dma.local [hbm:s5], s20  }
0x9e: {  	_ =	swait.ge [sflag:s22], s20  }
0x9f: {  	s4 =	ssub.s32 $0x0, s20;
	[sflag:s22] =	ssyncset.done $0x0  }
0xa0: {  	[sflag:s22] =	ssyncadd.s32 s4;
	_ =	sdelay $0x1  }
0xa1: {  	s23 =	simm.s32 $0x1B8B  }
0xa2: {  	_ =	swait.ge [sflag:s23], $0x1  }
0xa3: {  	[sflag:s23] =	ssyncset.done $0x0  }
0xa4: {  	s25 =	simm.s32 $0x1B8E;
	s24 =	sld [smem:$0x3FFE];
	[sflag:s23] =	ssyncadd.s32 $0xFFFFFFFF  }
0xa5: {  	s26 =	simm.s32 $execute0_lowered;
	[smem:$0x3FD2] =	sst s25  }
0xa6: {  	s5 =	sshll.u32 s26, $0x1;
	_ =	strace $0x80000046;
	[dreg:$0x1] =	wrdreg $0xFFFFFFFF  }
0xa7: {  	s28 =	simm.s32 $_size_execute0_lowered;
	s3 =	sadd.s32 s3, s5;
	[dreg:$0x0] =	wrdreg $0x0  }
0xa8: {  	s5 =	sshll.u32 s28, $0x1;
	[dreg:$0x2] =	wrdreg s3  }
0xa9: {  	[dreg:$0x3] =	wrdreg s5  }
0xaa: {  	[dreg:$0x4] =	wrdreg $0xC0  }
0xab: {  	_ =	task [dreg:s7], $0x5FFFF  }
0xac: {  	[dreg:$0x1] =	wrdreg $0xFFFFFFFF  }
0xad: {  	[dreg:$0x0] =	wrdreg $0x60  }
0xae: {  	[dreg:$0x2] =	wrdreg s24  }
0xaf: {  	[dreg:$0x3] =	wrdreg s2  }
0xb0: {  	[dreg:$0x4] =	wrdreg $0x9  }
0xb1: {  	_ =	task.clear_ibuf [dreg:s7], $0x5FFFF;
	_ =	strace $0x90000046  }
0xb2: {  	s29 =	simm.s32 $0x9;
	_ =	strace $0x80000048  }
0xb3: {  	_ =	swait.ge [sflag:s29], $0x1  }
0xb4: {  	[sflag:s29] =	ssyncadd.s32 $0xFFFFFFFF  }
0xb5: {  	_ =	strace $0x90000048  }
0xb6: {  	_ =	sfence  }
0xb7: {  	s30 =	sld [smem:$0x0];
	_ =	sdelay $0x2  }
0xb8: {  	s31 =	sshll.u32 s1, $0xD;
	s1 =	sshrl.u32 s1, $0x2  }
0xb9: {  	s3 =	sand.u32 $0x4000, s31;
	s1 =	sadd.s32 s1, s30  }
0xba: {  	s0 =	sor.u32 s3, s0;
	s1 =	sshll.u32 s1, $0x11  }
0xbb: {  	s0 =	sor.u32 s1, s0  }
0xbc: {  	s0 =	sadd.s32 $0x8F2B, s0  }
0xbd: {  	[sflag:s0] =	ssyncadd.remote.s32 $0x1  }
0xbe: {  	_ =	sfence.sel $0xFFFF  }
0xbf: {  	[dreg:$0x0] =	wrdreg $0xFFFFFFFF;
	(pc) =	sbr.abs _section_cstart, $3  }
0xc0: {  	[dreg:$0x1] =	wrdreg $0xFFFFFFFF  }
0xc1: {  	_ =	task.clear_ibuf [dreg:s7], $0x2FFFF;
	_ =	strace $0x9FFFFFFF  }
0xc2: {  	(tm) =	ssettm $0x7FFFFFFF  }
0xc3: {  	_ =	shalt  }
tec
execute0_lowered:
.L_overlay_start_1:
0x0: {  	(tag) =	ssettag $0x1  }
0x1: {  	s0 =	rddreg [dreg:$0x0]  }
0x2: {  	s2 =	rddreg [dreg:$0x1]  }
0x3: {  	s3 =	simm.s32 $0x0;
	s1 =	srdreg.scid;
	s4 =	stileid.u32  }
0x4: {  	s13 =	simm.s32 $0x9;
	s30 =	simm.s32 $0x6200;
	s31 =	simm.s32 $0x6A00  }
0x5: {  	s14 =	simm.s32 $0x14200;
	s15 =	simm.s32 $0x1;
	s16 =	simm.s32 $0x5  }
0x6: {  	s17 =	simm.s32 $0x2;
	s18 =	simm.s32 $0x6;
	s19 =	simm.s32 $0x3  }
0x7: {  	s20 =	simm.s32 $0x7;
	s21 =	simm.s32 $0x4;
	s22 =	simm.s32 $0x8  }
0x8: {  	[smem:$0x7FF] =	sst s3;
	s1 =	sand.u32 $0x1, s1;
	s4 =	sshll.u32 s4, $0x1  }
0x9: {  	_ =	strace $0x80000047;
	s5 =	sor.u32 s1, s4;
	s4 =	sadd.s32 $0xC00, s0  }
0xa: {  	s1 =	ssub.s32 $0x2, s1;
	s6 =	sshll.u32 s5, $0x6;
	s7 =	sshll.u32 s5, $0x4  }
0xb: {  	s8 =	sshrl.u32 s1, $0x1;
	s24 =	sshll.u32 s5, $0x10;
	s6 =	sadd.s32 s6, s0  }
0xc: {  	s9 =	sadd.s32 s7, s0;
	s7 =	sadd.s32 s2, s24;
	s6 =	sadd.s32 $0x400, s6  }
0xd: {  	v0 =	vlaneseq.u32;
	s5 =	sshll.u32 s5, $0x9;
	s25 =	sadd.s32 $0x800, s7;
	[dreg:$0x3] =	wrdreg s6  }
0xe: {  	v1 =	vand.u32 $0x7, v0;
	v63 =	vshrl.u32 v0, $0x3;
	s1 =	ssub.s32 s1, s8;
	s26 =	sadd.s32 $0x1000, s7;
	[dreg:$0x4] =	wrdreg s25  }
0xf: {  	v0 =	vor.u32 $0x8, v0;
	[tilespmem:$0x1FFD0] =	vst v1;
	v1 =	vmul.u32 $0x8, v63;
	s8 =	sadd.s32 $0xD00, s0;
	s28 =	sadd.s32 $0x10C00, s9;
	[dreg:$0x5] =	wrdreg s26  }
0x10: {  	[tilespmem:$0x1FFF0] =	vst v0;
	s0 =	simm.s32 $0x7200;
	s29 =	smax.u32 s1, $0x1;
	[dreg:$0x6] =	wrdreg s28  }
0x11: {  	vm0 =	vmmov $0xffff;
	[tilespmem:$0x1FFE0] =	vst v1;
	s24 =	simm.s32 $0x0;
	s1 =	simm.s32 $0x7A00;
	[dreg:$0x7] =	wrdreg s29  }
.LBB2_1:
0x12: {  	s6 =	rddreg [dreg:$0x3]  }
0x13: {  	[tilespmem:s3], [sflag:$0x9] =	stream.linear.gather [hbm4b:s6+s3], $0x200, $0x38;
	[tilespmem:$0x18280] =	vst v63  }
0x14: {  	_ =	swait.ge [sflag:s13], $0x200  }
0x15: {  	[sflag:s13] =	ssyncset.done $0x0  }
0x16: {  	[sflag:s13] =	ssyncadd.s32 $0xFFFFFE00  }
0x17: {  	v0 =	vld [tilespmem:$0x0];
	_ =	sdelay $0x2  }
0x18: {  	v2 =	vld [tilespmem:$0x1FFD0];
	_ =	sdelay $0x1  }
0x19: {  	v3 =	vld [tilespmem:$0x1FFE0];
	v1 =	vshll.u32 v0, $0x2  }
0x1a: {  	v0 =	vand.u32 $0x7, v0;
	v1 =	vand.u32 $0xFFFFFFE0, v1  }
0x1b: {  	v4 =	vld [tilespmem:$0x1FFF0];
	v0 =	vor.u32 v0, v1  }
0x1c: {  	v1 =	vperm.xlane v0, v2;
	_ =	sdelay $0x1  }
0x1d: {  	v1 =	vadd.s32 v3, v1;
	_ =	sdelay $0x1  }
0x1e: {  	v0 =	vperm.xlane v0, v4;
	_ =	sdelay $0x1  }
0x1f: {  	s11 =	simm.s32 $0x200;
	v0 =	vadd.s32 v3, v0  }
0x20: {  	[tilespmem:s11], [sflag:$0x1] =	stream.indirect_vreg.gather [hbm4b:s4+s3], $0x80, v1, vm0, $0xb8;
	[tilespmem:$0x18280] =	vst v63  }
0x21: {  	s12 =	simm.s32 $0xA00  }
0x22: {  	[tilespmem:s12], [sflag:$0x1] =	stream.indirect_vreg.gather [hbm4b:s8+s3], $0x80, v1, vm0, $0xb8;
	[tilespmem:$0x18280] =	vst v63  }
0x23: {  	s23 =	simm.s32 $0x1200  }
0x24: {  	[tilespmem:s23], [sflag:$0x1] =	stream.indirect_vreg.gather [hbm4b:s4+s3], $0x80, v0, vm0, $0xb8;
	[tilespmem:$0x18280] =	vst v63  }
0x25: {  	s25 =	simm.s32 $0x1A00  }
0x26: {  	[tilespmem:s25], [sflag:$0x1] =	stream.indirect_vreg.gather [hbm4b:s8+s3], $0x80, v0, vm0, $0xb8;
	[tilespmem:$0x18280] =	vst v63  }
0x27: {  	s26 =	simm.s32 $0x8200  }
0x28: {  	[tilespmem:s26], [sflag:$0x5] =	stream.linear.gather [hbm4b:s7+s3], $0x4000, $0x38;
	[tilespmem:$0x18280] =	vst v63  }
0x29: {  	v0 =	vld [tilespmem:$0x10];
	_ =	sdelay $0x4  }
0x2a: {  	v1 =	vshll.u32 v0, $0x2  }
0x2b: {  	v0 =	vand.u32 $0x7, v0;
	v1 =	vand.u32 $0xFFFFFFE0, v1  }
0x2c: {  	v0 =	vor.u32 v0, v1  }
0x2d: {  	v1 =	vperm.xlane v0, v2;
	_ =	sdelay $0x1  }
0x2e: {  	v1 =	vadd.s32 v3, v1;
	_ =	sdelay $0x1  }
0x2f: {  	v0 =	vperm.xlane v0, v4;
	_ =	sdelay $0x1  }
0x30: {  	s28 =	simm.s32 $0x2200;
	v0 =	vadd.s32 v3, v0  }
0x31: {  	[tilespmem:s28], [sflag:$0x2] =	stream.indirect_vreg.gather [hbm4b:s4+s3], $0x80, v1, vm0, $0xb8;
	[tilespmem:$0x18280] =	vst v63  }
0x32: {  	s29 =	simm.s32 $0x2A00  }
0x33: {  	[tilespmem:s29], [sflag:$0x2] =	stream.indirect_vreg.gather [hbm4b:s8+s3], $0x80, v1, vm0, $0xb8;
	[tilespmem:$0x18280] =	vst v63  }
0x34: {  	s9 =	simm.s32 $0x3200  }
0x35: {  	[tilespmem:s9], [sflag:$0x2] =	stream.indirect_vreg.gather [hbm4b:s4+s3], $0x80, v0, vm0, $0xb8;
	[tilespmem:$0x18280] =	vst v63  }
0x36: {  	s10 =	simm.s32 $0x3A00  }
0x37: {  	[tilespmem:s10], [sflag:$0x2] =	stream.indirect_vreg.gather [hbm4b:s8+s3], $0x80, v0, vm0, $0xb8;
	[tilespmem:$0x18280] =	vst v63  }
0x38: {  	s11 =	rddreg [dreg:$0x4];
	s9 =	simm.s32 $0xC200  }
0x39: {  	[tilespmem:s9], [sflag:$0x6] =	stream.linear.gather [hbm4b:s11+s3], $0x4000, $0x38;
	[tilespmem:$0x18280] =	vst v63  }
0x3a: {  	v0 =	vld [tilespmem:$0x20];
	_ =	sdelay $0x4  }
0x3b: {  	v1 =	vshll.u32 v0, $0x2  }
0x3c: {  	v0 =	vand.u32 $0x7, v0;
	v1 =	vand.u32 $0xFFFFFFE0, v1  }
0x3d: {  	v0 =	vor.u32 v0, v1  }
0x3e: {  	v1 =	vperm.xlane v0, v2;
	_ =	sdelay $0x1  }
0x3f: {  	v1 =	vadd.s32 v3, v1;
	_ =	sdelay $0x1  }
0x40: {  	v0 =	vperm.xlane v0, v4;
	_ =	sdelay $0x1  }
0x41: {  	s12 =	simm.s32 $0x4200;
	v0 =	vadd.s32 v3, v0  }
0x42: {  	[tilespmem:s12], [sflag:$0x3] =	stream.indirect_vreg.gather [hbm4b:s4+s3], $0x80, v1, vm0, $0xb8;
	[tilespmem:$0x18280] =	vst v63  }
0x43: {  	s23 =	simm.s32 $0x4A00  }
0x44: {  	[tilespmem:s23], [sflag:$0x3] =	stream.indirect_vreg.gather [hbm4b:s8+s3], $0x80, v1, vm0, $0xb8;
	[tilespmem:$0x18280] =	vst v63  }
0x45: {  	s25 =	simm.s32 $0x5200  }
0x46: {  	[tilespmem:s25], [sflag:$0x3] =	stream.indirect_vreg.gather [hbm4b:s4+s3], $0x80, v0, vm0, $0xb8;
	[tilespmem:$0x18280] =	vst v63  }
0x47: {  	s26 =	simm.s32 $0x5A00  }
0x48: {  	v51 =	vimm.f32 $0.0e+00;
	v6 =	vimm.f32 $0.0e+00;
	[tilespmem:s26], [sflag:$0x3] =	stream.indirect_vreg.gather [hbm4b:s8+s3], $0x80, v0, vm0, $0xb8;
	[tilespmem:$0x18280] =	vst v63  }
0x49: {  	v7 =	vimm.f32 $0.0e+00;
	v5 =	vimm.f32 $0.0e+00;
	v23 =	vimm.f32 $0.0e+00;
	s28 =	rddreg [dreg:$0x5];
	s29 =	simm.s32 $0x10200;
	s25 =	simm.s32 $0x0  }
0x4a: {  	v33 =	vimm.f32 $0.0e+00;
	v24 =	vimm.f32 $0.0e+00;
	v1 =	vimm.f32 $0.0e+00;
	[tilespmem:s29], [sflag:$0x7] =	stream.linear.gather [hbm4b:s28+s3], $0x4000, $0x38;
	[tilespmem:$0x18280] =	vst v63  }
.LBB2_2:
0x4b: {  	s26 =	sshll.u32 s25, $0x6  }
0x4c: {  	v0 =	vld [tilespmem:s26+$0x30];
	_ =	sdelay $0x4  }
0x4d: {  	[tilespmem:$0x1FE30] =	vst v1;
	v1 =	vshll.u32 v0, $0x2  }
0x4e: {  	v0 =	vand.u32 $0x7, v0;
	v1 =	vand.u32 $0xFFFFFFE0, v1  }
0x4f: {  	v0 =	vor.u32 v0, v1;
	v1 =	vld [tilespmem:$0x1FFD0];
	_ =	sdelay $0x1  }
0x50: {  	v2 =	vld [tilespmem:$0x1FFE0];
	_ =	sdelay $0x1  }
0x51: {  	v3 =	vld [tilespmem:$0x1FFF0]  }
0x52: {  	v1 =	vperm.xlane v0, v1;
	_ =	sdelay $0x1  }
0x53: {  	v1 =	vadd.s32 v2, v1;
	_ =	sdelay $0x1  }
0x54: {  	v0 =	vperm.xlane v0, v3;
	_ =	sdelay $0x1  }
0x55: {  	s29 =	simm.s32 $0x0;
	v0 =	vadd.s32 v2, v0  }
0x56: {  	[tilespmem:s30], [sflag:$0x4] =	stream.indirect_vreg.gather [hbm4b:s4+s29], $0x80, v1, vm0, $0xb8;
	[tilespmem:$0x18280] =	vst v63  }
0x57: {  	s6 =	sor.u32 $0x30, s26  }
0x58: {  	[tilespmem:s31], [sflag:$0x4] =	stream.indirect_vreg.gather [hbm4b:s8+s29], $0x80, v1, vm0, $0xb8;
	[tilespmem:$0x18280] =	vst v63  }
0x59: {  	[tilespmem:$0x1FF70] =	vst v24;
	s6 =	sadd.s32 s5, s6  }
0x5a: {  	[tilespmem:s0], [sflag:$0x4] =	stream.indirect_vreg.gather [hbm4b:s4+s29], $0x80, v0, vm0, $0xb8;
	[tilespmem:$0x18280] =	vst v63  }
0x5b: {  	[tilespmem:$0x1FFA0] =	vst v23;
	s6 =	sshll.u32 s6, $0x7  }
0x5c: {  	[tilespmem:s1], [sflag:$0x4] =	stream.indirect_vreg.gather [hbm4b:s8+s29], $0x80, v0, vm0, $0xb8;
	[tilespmem:$0x18280] =	vst v63  }
0x5d: {  	[tilespmem:$0x1FE20] =	vst v7;
	s6 =	sadd.s32 s2, s6  }
0x5e: {  	[tilespmem:s14], [sflag:$0x8] =	stream.linear.gather [hbm4b:s6+s29], $0x4000, $0x38;
	[tilespmem:$0x18280] =	vst v63  }
0x5f: {  	_ =	swait.ge [sflag:s15], $0x2000  }
0x60: {  	[sflag:s15] =	ssyncset.done $0x0  }
0x61: {  	[sflag:s15] =	ssyncadd.s32 $0xFFFFE000  }
0x62: {  	s12 =	simm.s32 $0x0;
	_ =	swait.ge [sflag:s16], $0x4000  }
0x63: {  	s9 =	sand.u32 $0x380, s29;
	s6 =	sand.u32 $0x3FFFE000, s12;
	[sflag:s16] =	ssyncset.done $0x0  }
0x64: {  	s28 =	sor.u32 s9, s6;
	[sflag:s16] =	ssyncadd.s32 $0xFFFFC000  }
0x65: {  	v0 =	vld [tilespmem:s28+$0x8E40]  }
0x66: {  	v1 =	vld [tilespmem:s28+$0x9E40]  }
0x67: {  	v16 =	vld [tilespmem:s28+$0x8E50]  }
0x68: {  	s23 =	simm.s32 $0x0;
	v11 =	vld [tilespmem:s28+$0x9E50]  }
0x69: {  	s6 =	sand.u32 $0x3FFFF000, s23;
	v12 =	vld [tilespmem:s28+$0x8E60]  }
0x6a: {  	s6 =	sor.u32 s9, s6;
	v13 =	vld [tilespmem:s28+$0x9E60]  }
0x6b: {  	v7 =	vld [tilespmem:s6+$0xE40]  }
0x6c: {  	v8 =	vld [tilespmem:s6+$0xE50]  }
0x6d: {  	v9 =	vld [tilespmem:s6+$0xE60]  }
0x6e: {  	v10 =	vld [tilespmem:s6+$0xE70]  }
0x6f: {  	v14 =	vld [tilespmem:s28+$0x8E00]  }
0x70: {  	v15 =	vld [tilespmem:s28+$0x9E00]  }
0x71: {  	v17 =	vld [tilespmem:s28+$0x8E10]  }
0x72: {  	v18 =	vld [tilespmem:s28+$0x9E10]  }
0x73: {  	v19 =	vld [tilespmem:s28+$0x8E20]  }
0x74: {  	v35 =	vld [tilespmem:s28+$0x9E20]  }
0x75: {  	v20 =	vld [tilespmem:s6+$0xE00]  }
0x76: {  	v21 =	vld [tilespmem:s6+$0xE10]  }
0x77: {  	v22 =	vld [tilespmem:s6+$0xE20]  }
0x78: {  	v23 =	vld [tilespmem:s6+$0xE30]  }
0x79: {  	v27 =	vld [tilespmem:s28+$0x8A40]  }
0x7a: {  	v28 =	vld [tilespmem:s28+$0x9A40]  }
0x7b: {  	v36 =	vld [tilespmem:s28+$0x8A50]  }
0x7c: {  	v44 =	vld [tilespmem:s28+$0x9A50]  }
0x7d: {  	v45 =	vld [tilespmem:s28+$0x8A60]  }
0x7e: {  	v52 =	vld [tilespmem:s28+$0x9A60]  }
0x7f: {  	v24 =	vld [tilespmem:s6+$0xA40]  }
0x80: {  	v29 =	vld [tilespmem:s6+$0xA50]  }
0x81: {  	v30 =	vld [tilespmem:s6+$0xA60]  }
0x82: {  	v31 =	vld [tilespmem:s6+$0xA70]  }
0x83: {  	v43 =	vld [tilespmem:s28+$0x8A00]  }
0x84: {  	v46 =	vld [tilespmem:s28+$0x9A00]  }
0x85: {  	v3 =	vld [tilespmem:s28+$0x8A10]  }
0x86: {  	v2 =	vld [tilespmem:s28+$0x9A10]  }
0x87: {  	v32 =	vld [tilespmem:s6+$0xA00]  }
0x88: {  	v39 =	vld [tilespmem:s6+$0xA10]  }
0x89: {  	v40 =	vld [tilespmem:s6+$0xA20]  }
0x8a: {  	v47 =	vld [tilespmem:s6+$0xA30]  }
0x8b: {  	v53 =	vld [tilespmem:s28+$0x8640]  }
0x8c: {  	v55 =	vld [tilespmem:s6+$0x640]  }
0x8d: {  	[tilespmem:$0x1FF40] =	vst v2;
	v2 =	vld [tilespmem:s28+$0x8A20];
	v41 =	vshll.u32 v7, $0x10  }
0x8e: {  	v58 =	vld [tilespmem:s6+$0x650];
	v48 =	vshll.u32 v8, $0x10;
	v0 =	vmul.f32 v41, v0  }
0x8f: {  	v62 =	vld [tilespmem:s6+$0x660];
	v4 =	vmul.f32 v48, v16  }
0x90: {  	v37 =	vld [tilespmem:s6+$0x670];
	v42 =	vand.u32 $0xFFFF0000, v7;
	v49 =	vand.u32 $0xFFFF0000, v8;
	v50 =	vshll.u32 v9, $0x10;
	[tilespmem:$0x1FE80] =	vst v0  }
0x91: {  	v34 =	vld [tilespmem:s6+$0x610];
	v56 =	vshll.u32 v20, $0x10;
	v25 =	vshll.u32 v29, $0x10;
	[tilespmem:$0x1FEA0] =	vst v4;
	v4 =	vmul.f32 v49, v11  }
0x92: {  	v26 =	vand.u32 $0xFFFF0000, v29;
	v1 =	vmul.f32 v42, v1;
	v29 =	vmul.f32 v56, v14;
	[tilespmem:$0x1FF50] =	vst v2;
	v2 =	vld [tilespmem:s28+$0x9A20]  }
0x93: {  	v56 =	vld [tilespmem:s6+$0x240];
	v41 =	vmul.f32 v26, v44;
	v26 =	vshll.u32 v55, $0x10;
	[tilespmem:$0x1FEB0] =	vst v4;
	v4 =	vshll.u32 v31, $0x10  }
0x94: {  	v14 =	vmul.f32 v26, v53;
	v26 =	vld [tilespmem:s28+$0x9210];
	[tilespmem:$0x1FEC0] =	vst v4;
	v4 =	vmul.f32 v50, v12  }
0x95: {  	v54 =	vand.u32 $0xFFFF0000, v9;
	v59 =	vand.u32 $0xFFFF0000, v21;
	v48 =	vshll.u32 v32, $0x10;
	v0 =	vld [tilespmem:s6+$0x600];
	[tilespmem:$0x1FE90] =	vst v1  }
0x96: {  	v49 =	vand.u32 $0xFFFF0000, v32;
	v32 =	vmul.f32 v59, v18;
	v59 =	vld [tilespmem:s28+$0x8600];
	[tilespmem:$0x1FED0] =	vst v4;
	v4 =	vmul.f32 v54, v13  }
0x97: {  	v60 =	vshll.u32 v22, $0x10;
	v1 =	vshll.u32 v30, $0x10;
	v18 =	vld [tilespmem:s28+$0x9600];
	[tilespmem:$0x1FF60] =	vst v2  }
0x98: {  	v38 =	vand.u32 $0xFFFF0000, v24;
	v8 =	vmul.f32 v1, v45;
	v1 =	vld [tilespmem:s6+$0x200];
	v2 =	vshll.u32 v10, $0x10;
	[tilespmem:$0x1FEE0] =	vst v4  }
0x99: {  	v16 =	vand.u32 $0xFFFF0000, v39;
	v45 =	vld [tilespmem:s28+$0x9200];
	v50 =	vshll.u32 v39, $0x10;
	v4 =	vand.u32 $0xFFFF0000, v31;
	[tilespmem:$0x1FE40] =	vst v2  }
0x9a: {  	v39 =	vmul.f32 v38, v28;
	v38 =	vld [tilespmem:s28+$0x8250];
	v2 =	vand.u32 $0xFFFF0000, v10;
	[tilespmem:$0x1FEF0] =	vst v4;
	v4 =	vmul.f32 v60, v19  }
0x9b: {  	v57 =	vshll.u32 v21, $0x10;
	v61 =	vand.u32 $0xFFFF0000, v22;
	v50 =	vmul.f32 v50, v3;
	v3 =	vld [tilespmem:$0x1FF40];
	[tilespmem:$0x1FE50] =	vst v2  }
0x9c: {  	v11 =	vand.u32 $0xFFFF0000, v58;
	v54 =	vld [tilespmem:s28+$0x9640];
	v2 =	vshll.u32 v23, $0x10;
	[tilespmem:$0x1FF00] =	vst v4;
	v4 =	vmul.f32 v61, v35  }
0x9d: {  	v12 =	vshll.u32 v58, $0x10;
	v13 =	vmul.f32 v57, v17;
	v58 =	vshll.u32 v0, $0x10;
	v57 =	vld [tilespmem:s6+$0x260];
	[tilespmem:$0x1FE60] =	vst v2  }
0x9e: {  	v44 =	vmul.f32 v58, v59;
	v59 =	vld [tilespmem:s28+$0x8610];
	[tilespmem:$0x1FF10] =	vst v4;
	v4 =	vshll.u32 v47, $0x10  }
0x9f: {  	v10 =	vld [tilespmem:s6+$0x620];
	v2 =	vand.u32 $0xFFFF0000, v23;
	[tilespmem:$0x1FF20] =	vst v4;
	v4 =	vand.u32 $0xFFFF0000, v47;
	v47 =	vmul.f32 v48, v43  }
0xa0: {  	[tilespmem:$0x1FE70] =	vst v2;
	v2 =	vand.u32 $0xFFFF0000, v30;
	v48 =	vmul.f32 v49, v46;
	v49 =	vmul.f32 v16, v3;
	v3 =	vld [tilespmem:$0x1FF50]  }
0xa1: {  	v7 =	vmul.f32 v2, v52;
	v2 =	vld [tilespmem:s28+$0x8200]  }
0xa2: {  	v43 =	vld [tilespmem:s6+$0x210]  }
0xa3: {  	v63 =	vshll.u32 v24, $0x10;
	v17 =	vshll.u32 v40, $0x10;
	[tilespmem:$0x1FF30] =	vst v4;
	v4 =	vmul.f32 v25, v36;
	v25 =	vld [tilespmem:s28+$0x9240]  }
0xa4: {  	v0 =	vand.u32 $0xFFFF0000, v0;
	v19 =	vand.u32 $0xFFFF0000, v40;
	v40 =	vmul.f32 v63, v27;
	v36 =	vld [tilespmem:s6+$0x250]  }
0xa5: {  	v20 =	vand.u32 $0xFFFF0000, v20;
	v27 =	vmul.f32 v17, v3;
	v17 =	vmul.f32 v0, v18;
	v0 =	vld [tilespmem:$0x1FF70]  }
0xa6: {  	v55 =	vand.u32 $0xFFFF0000, v55;
	v28 =	vand.u32 $0xFFFF0000, v62;
	v63 =	vld [tilespmem:s28+$0x8240];
	v61 =	vshll.u32 v1, $0x10  }
0xa7: {  	v1 =	vand.u32 $0xFFFF0000, v1;
	v30 =	vmul.f32 v20, v15;
	v15 =	vmul.f32 v55, v54;
	v46 =	vld [tilespmem:s28+$0x8210]  }
0xa8: {  	v60 =	vand.u32 $0xFFFF0000, v56;
	v1 =	vmul.f32 v1, v45;
	v2 =	vmul.f32 v61, v2;
	v3 =	vld [tilespmem:$0x1FF60]  }
0xa9: {  	v42 =	vand.u32 $0xFFFF0000, v43;
	v52 =	vmul.f32 v60, v25;
	v25 =	vshll.u32 v43, $0x10;
	v43 =	vld [tilespmem:s28+$0x9250]  }
0xaa: {  	v58 =	vshll.u32 v36, $0x10;
	v60 =	vld [tilespmem:s6+$0x270];
	v2 =	vadd.f32 v2, v0;
	v0 =	vshll.u32 v37, $0x10  }
0xab: {  	v1 =	vadd.f32 v1, v33;
	v33 =	vmul.f32 v58, v38;
	v38 =	vld [tilespmem:s6+$0x230];
	[tilespmem:$0x1FF80] =	vst v0;
	v0 =	vand.u32 $0xFFFF0000, v37  }
0xac: {  	v16 =	vshll.u32 v62, $0x10;
	v22 =	vshll.u32 v10, $0x10;
	v35 =	vmul.f32 v42, v26;
	[tilespmem:$0x1FF90] =	vst v0;
	v0 =	vld [tilespmem:$0x1FFA0]  }
0xad: {  	v18 =	vld [tilespmem:s28+$0x9610];
	v36 =	vand.u32 $0xFFFF0000, v36;
	v42 =	vshll.u32 v34, $0x10;
	v46 =	vmul.f32 v25, v46  }
0xae: {  	v1 =	vadd.f32 v52, v1;
	v9 =	vmul.f32 v19, v3;
	v3 =	vshll.u32 v56, $0x10;
	v56 =	vld [tilespmem:s6+$0x630]  }
0xaf: {  	v52 =	vshll.u32 v57, $0x10;
	v3 =	vmul.f32 v3, v63;
	v36 =	vmul.f32 v36, v43;
	v43 =	vld [tilespmem:s28+$0x8650]  }
0xb0: {  	v19 =	vadd.f32 v35, v5;
	v35 =	vld [tilespmem:s6+$0x220];
	v63 =	vmul.f32 v42, v59;
	v45 =	vshll.u32 v60, $0x10  }
0xb1: {  	v55 =	vand.u32 $0xFFFF0000, v38;
	v2 =	vadd.f32 v3, v2;
	v53 =	vadd.f32 v46, v0  }
0xb2: {  	v58 =	vld [tilespmem:s28+$0x9650];
	v36 =	vadd.f32 v36, v19;
	v19 =	vadd.f32 v17, v1;
	v0 =	vand.u32 $0xFFFF0000, v34  }
0xb3: {  	v3 =	vshll.u32 v56, $0x10;
	v62 =	vadd.f32 v33, v53;
	v33 =	vmul.f32 v0, v18;
	v18 =	vld [tilespmem:s28+$0x8660]  }
0xb4: {  	v37 =	vld [tilespmem:s28+$0x8260];
	[tilespmem:$0x1FFB0] =	vst v3;
	v3 =	vand.u32 $0xFFFF0000, v56;
	v61 =	vmul.f32 v12, v43;
	v34 =	vadd.f32 v44, v2  }
0xb5: {  	v56 =	vand.u32 $0xFFFF0000, v35;
	v44 =	vand.u32 $0xFFFF0000, v60;
	v2 =	vld [tilespmem:s28+$0x9620];
	v60 =	vadd.f32 v15, v19  }
0xb6: {  	v53 =	vand.u32 $0xFFFF0000, v57;
	v0 =	vld [tilespmem:s28+$0x9660];
	v57 =	vshll.u32 v35, $0x10;
	v35 =	vadd.f32 v14, v34  }
0xb7: {  	v46 =	vand.u32 $0xFFFF0000, v10;
	v63 =	vadd.f32 v63, v62;
	v62 =	vld [tilespmem:s28+$0x8620];
	v1 =	vadd.f32 v33, v36  }
0xb8: {  	s23 =	simm.s32 $0x1;
	v26 =	vmovc v6;
	[tilespmem:$0x1FFC0] =	vst v3;
	v36 =	vmul.f32 v11, v58;
	v58 =	vshll.u32 v38, $0x10;
	v38 =	vld [tilespmem:s28+$0x9260];
	v54 =	vmul.f32 v16, v18  }
.LBB2_3:
0xb9: {  	v35 =	vadd.f32 v47, v35  }
0xba: {  	v3 =	vld [tilespmem:$0x1FE80]  }
0xbb: {  	v35 =	vadd.f32 v40, v35;
	_ =	sdelay $0x1  }
0xbc: {  	v29 =	vadd.f32 v29, v35;
	_ =	sdelay $0x1  }
0xbd: {  	v3 =	vadd.f32 v3, v29  }
0xbe: {  	v42 =	vadd.f32 v48, v60  }
0xbf: {  	[tilespmem:$0x1FDE0] =	vst v3;
	v3 =	vld [tilespmem:$0x1FE90]  }
0xc0: {  	v17 =	vadd.f32 v39, v42;
	_ =	sdelay $0x1  }
0xc1: {  	v30 =	vadd.f32 v30, v17  }
0xc2: {  	v61 =	vadd.f32 v61, v63  }
0xc3: {  	v3 =	vadd.f32 v3, v30  }
0xc4: {  	v43 =	vmul.f32 v22, v62;
	v62 =	vadd.f32 v50, v61  }
0xc5: {  	[tilespmem:$0x1FDF0] =	vst v3;
	v3 =	vld [tilespmem:$0x1FEA0]  }
0xc6: {  	v34 =	vadd.f32 v4, v62;
	_ =	sdelay $0x1  }
0xc7: {  	v31 =	vadd.f32 v13, v34  }
0xc8: {  	v1 =	vadd.f32 v36, v1  }
0xc9: {  	v59 =	vld [tilespmem:s28+$0x8220];
	v3 =	vadd.f32 v3, v31  }
0xca: {  	v19 =	vld [tilespmem:s28+$0x8270];
	v1 =	vadd.f32 v49, v1  }
0xcb: {  	[tilespmem:$0x1FE00] =	vst v3;
	v3 =	vld [tilespmem:$0x1FEB0]  }
0xcc: {  	v23 =	vld [tilespmem:s28+$0x9670];
	v1 =	vadd.f32 v41, v1  }
0xcd: {  	v24 =	vld [tilespmem:s28+$0x8A30]  }
0xce: {  	v60 =	vld [tilespmem:s28+$0x8230];
	v1 =	vadd.f32 v32, v1  }
0xcf: {  	v36 =	vld [tilespmem:s28+$0x9220]  }
0xd0: {  	v1 =	vadd.f32 v3, v1;
	v3 =	vld [tilespmem:$0x1FE30]  }
0xd1: {  	v10 =	vld [tilespmem:$0x1FFB0]  }
0xd2: {  	v25 =	vld [tilespmem:s28+$0x8E30];
	v16 =	vmul.f32 v52, v37  }
0xd3: {  	v63 =	vld [tilespmem:s28+$0x9230];
	v52 =	vmul.f32 v57, v59;
	v57 =	vmul.f32 v58, v60  }
0xd4: {  	v15 =	vld [tilespmem:s28+$0x9E70];
	v18 =	vmul.f32 v53, v38  }
0xd5: {  	v42 =	vld [tilespmem:s28+$0x9270];
	v6 =	vmul.f32 v45, v19;
	v53 =	vmul.f32 v56, v36;
	v4 =	vadd.f32 v57, v3  }
0xd6: {  	v58 =	vld [tilespmem:s28+$0x9630]  }
0xd7: {  	v5 =	vadd.f32 v53, v26;
	v4 =	vadd.f32 v6, v4;
	v6 =	vld [tilespmem:$0x1FFC0]  }
0xd8: {  	v22 =	vld [tilespmem:s28+$0x8670];
	v21 =	vmul.f32 v55, v63  }
0xd9: {  	v2 =	vmul.f32 v46, v2;
	v56 =	vld [tilespmem:s28+$0x8630];
	v5 =	vadd.f32 v18, v5  }
0xda: {  	v18 =	vld [tilespmem:s28+$0x9E30];
	v3 =	vadd.f32 v21, v51;
	v21 =	vmul.f32 v44, v42  }
0xdb: {  	v0 =	vmul.f32 v28, v0;
	v2 =	vadd.f32 v2, v5;
	v5 =	vld [tilespmem:$0x1FF80]  }
0xdc: {  	v30 =	vld [tilespmem:s28+$0x9A30];
	v3 =	vadd.f32 v21, v3;
	v6 =	vmul.f32 v6, v58  }
0xdd: {  	v0 =	vadd.f32 v0, v2;
	v2 =	vld [tilespmem:$0x1FF20]  }
0xde: {  	v29 =	vmul.f32 v10, v56;
	v3 =	vadd.f32 v6, v3;
	v6 =	vld [tilespmem:$0x1FF90]  }
0xdf: {  	v0 =	vadd.f32 v9, v0;
	v9 =	vld [tilespmem:$0x1FEC0]  }
0xe0: {  	v5 =	vmul.f32 v5, v22;
	v22 =	vld [tilespmem:s28+$0x9A70];
	v4 =	vadd.f32 v29, v4  }
0xe1: {  	v21 =	vld [tilespmem:s28+$0x8A70]  }
0xe2: {  	v2 =	vmul.f32 v2, v24;
	[tilespmem:$0x1FE10] =	vst v1;
	v1 =	vld [tilespmem:$0x1FE20];
	v4 =	vadd.f32 v5, v4  }
0xe3: {  	s6 =	sshll.u32 s23, $0xA;
	s29 =	sadd.s32 $0x80, s29;
	v5 =	vld [tilespmem:$0x1FF30];
	v6 =	vmul.f32 v6, v23  }
0xe4: {  	s9 =	sand.u32 $0x380, s29;
	s6 =	sand.u32 $0x3FFFE000, s6;
	v2 =	vadd.f32 v2, v4;
	v4 =	vld [tilespmem:$0x1FEF0]  }
0xe5: {  	v3 =	vadd.f32 v6, v3;
	v6 =	vld [tilespmem:s28+$0x8E70];
	s28 =	sor.u32 s9, s6  }
0xe6: {  	v11 =	vmul.f32 v9, v21;
	v9 =	vld [tilespmem:s28+$0x8E40]  }
0xe7: {  	v0 =	vadd.f32 v7, v0;
	v7 =	vld [tilespmem:s28+$0x8E50]  }
0xe8: {  	v38 =	vld [tilespmem:s28+$0x8E60]  }
0xe9: {  	v37 =	vld [tilespmem:s28+$0x9E60]  }
0xea: {  	v29 =	vld [tilespmem:s28+$0x8E00]  }
0xeb: {  	v5 =	vmul.f32 v5, v30;
	v30 =	vld [tilespmem:s28+$0x9E00]  }
0xec: {  	v1 =	vadd.f32 v52, v1;
	v35 =	vld [tilespmem:s28+$0x8E10]  }
0xed: {  	v32 =	vld [tilespmem:s28+$0x9E10]  }
0xee: {  	v1 =	vadd.f32 v16, v1;
	[tilespmem:$0x1FDA0] =	vst v7;
	v7 =	vld [tilespmem:s28+$0x9E50]  }
0xef: {  	v36 =	vld [tilespmem:s28+$0x8E20]  }
0xf0: {  	v1 =	vadd.f32 v43, v1;
	v39 =	vld [tilespmem:s28+$0x9E20]  }
0xf1: {  	v40 =	vld [tilespmem:s28+$0x8A40]  }
0xf2: {  	v1 =	vadd.f32 v54, v1;
	v21 =	vld [tilespmem:s28+$0x9A40]  }
0xf3: {  	v4 =	vmul.f32 v4, v22;
	v3 =	vadd.f32 v5, v3;
	[tilespmem:$0x1FDB0] =	vst v7;
	v7 =	vld [tilespmem:$0x1FF00]  }
0xf4: {  	v1 =	vadd.f32 v27, v1;
	v41 =	vld [tilespmem:s28+$0x8A50]  }
0xf5: {  	v3 =	vadd.f32 v4, v3;
	v4 =	vld [tilespmem:$0x1FE70]  }
0xf6: {  	v1 =	vadd.f32 v8, v1;
	v44 =	vld [tilespmem:s28+$0x9A50]  }
0xf7: {  	v27 =	vld [tilespmem:s28+$0x8A60]  }
0xf8: {  	v1 =	vadd.f32 v7, v1;
	v7 =	vld [tilespmem:$0x1FF10]  }
0xf9: {  	v47 =	vld [tilespmem:s28+$0x9A60]  }
0xfa: {  	v48 =	vld [tilespmem:s28+$0x8A00];
	v4 =	vmul.f32 v4, v18  }
0xfb: {  	v19 =	vld [tilespmem:s28+$0x9A00]  }
0xfc: {  	v3 =	vadd.f32 v4, v3;
	v4 =	vld [tilespmem:$0x1FE50]  }
0xfd: {  	v0 =	vadd.f32 v7, v0;
	v7 =	vld [tilespmem:$0x1FE40]  }
0xfe: {  	v49 =	vld [tilespmem:s28+$0x8A10]  }
0xff: {  	v56 =	vld [tilespmem:s28+$0x9A10]  }
0x100: {  	v54 =	vld [tilespmem:s28+$0x8A20]  }
0x101: {  	v5 =	vld [tilespmem:s28+$0x9E40]  }
0x102: {  	v8 =	vmul.f32 v7, v6;
	v7 =	vmul.f32 v4, v15;
	v4 =	vld [tilespmem:$0x1FED0]  }
0x103: {  	v55 =	vld [tilespmem:s28+$0x9A20]  }
0x104: {  	v57 =	vld [tilespmem:s28+$0x8640]  }
0x105: {  	s12 =	sshll.u32 s23, $0x9;
	v43 =	vld [tilespmem:s28+$0x8600]  }
0x106: {  	s6 =	sand.u32 $0x3FFFF000, s12;
	v23 =	vld [tilespmem:s28+$0x9600]  }
0x107: {  	s6 =	sor.u32 s9, s6;
	[tilespmem:$0x1FD90] =	vst v5;
	v5 =	vld [tilespmem:$0x1FE60];
	v1 =	vadd.f32 v4, v1  }
0x108: {  	v10 =	vld [tilespmem:s6+$0xE70]  }
0x109: {  	[tilespmem:$0x1FE20] =	vst v1;
	v1 =	vld [tilespmem:$0x1FEE0]  }
0x10a: {  	v2 =	vadd.f32 v11, v2;
	v11 =	vld [tilespmem:s6+$0xE00]  }
0x10b: {  	v12 =	vld [tilespmem:s6+$0xE10]  }
0x10c: {  	v13 =	vld [tilespmem:s6+$0xE20];
	v5 =	vmul.f32 v5, v25  }
0x10d: {  	v14 =	vld [tilespmem:s6+$0xE30]  }
0x10e: {  	v22 =	vld [tilespmem:s6+$0xA60];
	v2 =	vadd.f32 v5, v2;
	v0 =	vadd.f32 v1, v0  }
0x10f: {  	v24 =	vld [tilespmem:s6+$0xA70]  }
0x110: {  	v26 =	vld [tilespmem:s6+$0xA10];
	[tilespmem:$0x1FDC0] =	vst v0;
	v0 =	vadd.f32 v8, v2  }
0x111: {  	v31 =	vld [tilespmem:s6+$0xA20]  }
0x112: {  	v33 =	vld [tilespmem:s6+$0xA30];
	[tilespmem:$0x1FE30] =	vst v0;
	v0 =	vadd.f32 v7, v3  }
0x113: {  	v34 =	vld [tilespmem:s6+$0x640]  }
0x114: {  	v59 =	vld [tilespmem:s6+$0x650];
	[tilespmem:$0x1FDD0] =	vst v0;
	v0 =	vshll.u32 v10, $0x10  }
0x115: {  	v46 =	vld [tilespmem:s6+$0x600];
	v62 =	vshll.u32 v11, $0x10;
	v63 =	vand.u32 $0xFFFF0000, v11;
	[tilespmem:$0x1FE40] =	vst v0;
	v0 =	vand.u32 $0xFFFF0000, v10  }
0x116: {  	v5 =	vshll.u32 v13, $0x10;
	v6 =	vand.u32 $0xFFFF0000, v13;
	v13 =	vld [tilespmem:s6+$0x670];
	[tilespmem:$0x1FE50] =	vst v0;
	v0 =	vshll.u32 v14, $0x10  }
0x117: {  	v4 =	vand.u32 $0xFFFF0000, v12;
	v3 =	vshll.u32 v12, $0x10;
	v12 =	vld [tilespmem:s6+$0x660];
	[tilespmem:$0x1FE60] =	vst v0;
	v0 =	vand.u32 $0xFFFF0000, v14  }
0x118: {  	v11 =	vshll.u32 v22, $0x10;
	v14 =	vand.u32 $0xFFFF0000, v22;
	v22 =	vld [tilespmem:s6+$0x610];
	[tilespmem:$0x1FE70] =	vst v0;
	v0 =	vshll.u32 v24, $0x10  }
0x119: {  	[tilespmem:$0x1FEC0] =	vst v0;
	v0 =	vand.u32 $0xFFFF0000, v24;
	v24 =	vld [tilespmem:s6+$0x620]  }
0x11a: {  	v51 =	vld [tilespmem:s6+$0x630]  }
0x11b: {  	[tilespmem:$0x1FD80] =	vst v9;
	v9 =	vld [tilespmem:s6+$0xE40];
	v61 =	vshll.u32 v59, $0x10;
	v20 =	vand.u32 $0xFFFF0000, v46  }
0x11c: {  	v60 =	vand.u32 $0xFFFF0000, v59;
	v20 =	vmul.f32 v20, v23;
	v23 =	vld [tilespmem:s28+$0x8610];
	v16 =	vshll.u32 v13, $0x10  }
0x11d: {  	v18 =	vld [tilespmem:s6+$0xA50];
	v59 =	vshll.u32 v12, $0x10;
	v28 =	vand.u32 $0xFFFF0000, v12;
	v12 =	vshll.u32 v46, $0x10  }
0x11e: {  	v25 =	vld [tilespmem:s6+$0xA00];
	[tilespmem:$0x1FF80] =	vst v16;
	v16 =	vshll.u32 v22, $0x10;
	v17 =	vand.u32 $0xFFFF0000, v22;
	v22 =	vshll.u32 v24, $0x10  }
0x11f: {  	v15 =	vld [tilespmem:s6+$0xA40];
	v46 =	vand.u32 $0xFFFF0000, v24;
	v24 =	vshll.u32 v51, $0x10;
	v51 =	vand.u32 $0xFFFF0000, v51  }
0x120: {  	v13 =	vand.u32 $0xFFFF0000, v13;
	[tilespmem:$0x1FFC0] =	vst v51;
	v51 =	vld [tilespmem:$0x1FD80]  }
0x121: {  	[tilespmem:$0x1FF90] =	vst v13;
	v13 =	vld [tilespmem:s6+$0x250]  }
0x122: {  	v32 =	vmul.f32 v4, v32;
	v4 =	vmul.f32 v5, v36;
	v5 =	vld [tilespmem:s6+$0x210]  }
0x123: {  	v8 =	vld [tilespmem:s6+$0xE60]  }
0x124: {  	v42 =	vshll.u32 v9, $0x10;
	v36 =	vld [tilespmem:s6+$0x230]  }
0x125: {  	v42 =	vmul.f32 v42, v51;
	v51 =	vld [tilespmem:$0x1FD90]  }
0x126: {  	[tilespmem:$0x1FF00] =	vst v4;
	v4 =	vmul.f32 v6, v39;
	v6 =	vld [tilespmem:s28+$0x9200]  }
0x127: {  	v30 =	vmul.f32 v63, v30;
	v1 =	vld [tilespmem:s28+$0x9640]  }
0x128: {  	v45 =	vand.u32 $0xFFFF0000, v9;
	v9 =	vshll.u32 v18, $0x10;
	v7 =	vld [tilespmem:s6+$0xE50];
	v58 =	vand.u32 $0xFFFF0000, v8  }
0x129: {  	[tilespmem:$0x1FF10] =	vst v4;
	v4 =	vmul.f32 v9, v41;
	v37 =	vmul.f32 v58, v37;
	v58 =	vld [tilespmem:s6+$0x200]  }
0x12a: {  	v63 =	vshll.u32 v5, $0x10;
	v10 =	vand.u32 $0xFFFF0000, v18;
	[tilespmem:$0x1FE80] =	vst v42;
	v42 =	vmul.f32 v45, v51;
	v45 =	vld [tilespmem:$0x1FDA0]  }
0x12b: {  	v53 =	vshll.u32 v8, $0x10;
	v8 =	vand.u32 $0xFFFF0000, v15;
	v41 =	vmul.f32 v10, v44;
	v10 =	vld [tilespmem:s6+$0x220]  }
0x12c: {  	v2 =	vshll.u32 v31, $0x10;
	v38 =	vmul.f32 v53, v38;
	v39 =	vmul.f32 v8, v21;
	v21 =	vld [tilespmem:s28+$0x9210]  }
0x12d: {  	v8 =	vmul.f32 v11, v27;
	v27 =	vmul.f32 v2, v54;
	v2 =	vand.u32 $0xFFFF0000, v5;
	v5 =	vld [tilespmem:s28+$0x8250]  }
0x12e: {  	v54 =	vld [tilespmem:s28+$0x8660];
	v50 =	vshll.u32 v7, $0x10;
	[tilespmem:$0x1FED0] =	vst v38  }
0x12f: {  	v29 =	vmul.f32 v62, v29;
	[tilespmem:$0x1FEE0] =	vst v37;
	v45 =	vmul.f32 v50, v45;
	v50 =	vld [tilespmem:$0x1FDB0]  }
0x130: {  	v62 =	vand.u32 $0xFFFF0000, v13;
	v31 =	vand.u32 $0xFFFF0000, v31;
	v37 =	vld [tilespmem:s28+$0x9240];
	[tilespmem:$0x1FEF0] =	vst v0;
	v0 =	vshll.u32 v33, $0x10  }
0x131: {  	v38 =	vshll.u32 v13, $0x10;
	v13 =	vmul.f32 v3, v35;
	v3 =	vld [tilespmem:s28+$0x8200];
	[tilespmem:$0x1FF20] =	vst v0;
	v0 =	vand.u32 $0xFFFF0000, v33  }
0x132: {  	v9 =	vmul.f32 v31, v55;
	[tilespmem:$0x1FF30] =	vst v0;
	v0 =	vld [tilespmem:s6+$0x240]  }
0x133: {  	v55 =	vand.u32 $0xFFFF0000, v36;
	v18 =	vand.u32 $0xFFFF0000, v25;
	v52 =	vand.u32 $0xFFFF0000, v7;
	[tilespmem:$0x1FFB0] =	vst v24;
	v24 =	vld [tilespmem:s6+$0x260]  }
0x134: {  	v7 =	vshll.u32 v15, $0x10;
	v15 =	vshll.u32 v25, $0x10;
	[tilespmem:$0x1FEA0] =	vst v45;
	v45 =	vmul.f32 v52, v50;
	v50 =	vld [tilespmem:s6+$0x270]  }
0x135: {  	v25 =	vshll.u32 v26, $0x10;
	v40 =	vmul.f32 v7, v40;
	v7 =	vmul.f32 v14, v47;
	v14 =	vld [tilespmem:s28+$0x8210]  }
0x136: {  	v26 =	vand.u32 $0xFFFF0000, v26;
	v47 =	vmul.f32 v15, v48;
	v12 =	vmul.f32 v12, v43;
	[tilespmem:$0x1FE90] =	vst v42;
	v42 =	vld [tilespmem:s28+$0x8240]  }
0x137: {  	v35 =	vld [tilespmem:s28+$0x9650];
	v33 =	vshll.u32 v34, $0x10;
	v34 =	vand.u32 $0xFFFF0000, v34;
	v11 =	vshll.u32 v58, $0x10  }
0x138: {  	v43 =	vld [tilespmem:$0x1FE10];
	v53 =	vand.u32 $0xFFFF0000, v24;
	v51 =	vshll.u32 v0, $0x10;
	v52 =	vshll.u32 v24, $0x10  }
0x139: {  	v24 =	vmul.f32 v33, v57;
	v57 =	vshll.u32 v10, $0x10;
	v33 =	vld [tilespmem:$0x1FDE0];
	[tilespmem:$0x1FEB0] =	vst v45;
	v45 =	vshll.u32 v50, $0x10  }
0x13a: {  	v44 =	vand.u32 $0xFFFF0000, v50;
	v50 =	vmul.f32 v25, v49;
	v25 =	vmul.f32 v34, v1;
	v34 =	vld [tilespmem:$0x1FDF0]  }
0x13b: {  	v49 =	vmul.f32 v26, v56;
	v56 =	vand.u32 $0xFFFF0000, v10;
	v10 =	vmul.f32 v51, v42;
	v42 =	vld [tilespmem:$0x1FE00]  }
0x13c: {  	v48 =	vmul.f32 v18, v19;
	v15 =	vand.u32 $0xFFFF0000, v58;
	v3 =	vmul.f32 v11, v3;
	v1 =	vld [tilespmem:s28+$0x9250]  }
0x13d: {  	v58 =	vshll.u32 v36, $0x10;
	v5 =	vmul.f32 v38, v5;
	v38 =	vld [tilespmem:s28+$0x9260];
	v6 =	vmul.f32 v15, v6  }
0x13e: {  	v11 =	vld [tilespmem:s28+$0x9610];
	v14 =	vmul.f32 v63, v14;
	v0 =	vand.u32 $0xFFFF0000, v0;
	v3 =	vadd.f32 v3, v33  }
0x13f: {  	v2 =	vmul.f32 v2, v21;
	v15 =	vld [tilespmem:s28+$0x8650];
	v0 =	vmul.f32 v0, v37;
	v6 =	vadd.f32 v6, v34  }
0x140: {  	p0 =	sne.s32 s23, $0xF;
	v54 =	vmul.f32 v59, v54;
	v37 =	vld [tilespmem:s28+$0x8260];
	v3 =	vadd.f32 v10, v3;
	v14 =	vadd.f32 v14, v42  }
.Ltmp0:
0x141: {  	v2 =	vadd.f32 v2, v43;
	v26 =	vld [tilespmem:$0x1FDC0];
	v1 =	vmul.f32 v62, v1;
	v6 =	vadd.f32 v0, v6;
	(pc) =	sbr.rel @p0 .LBB2_3-.Ltmp0, $4  }
0x142: {  	v51 =	vld [tilespmem:$0x1FDD0];
	v10 =	vmul.f32 v16, v23;
	v3 =	vadd.f32 v12, v3;
	v5 =	vadd.f32 v5, v14  }
0x143: {  	v11 =	vmul.f32 v17, v11;
	v62 =	vld [tilespmem:s28+$0x8620];
	v1 =	vadd.f32 v1, v2;
	v6 =	vadd.f32 v20, v6  }
0x144: {  	v36 =	vmul.f32 v60, v35;
	v35 =	vadd.f32 v24, v3;
	v0 =	vld [tilespmem:s28+$0x9660];
	v63 =	vadd.f32 v10, v5  }
0x145: {  	s23 =	sadd.s32 $0x1, s23;
	v61 =	vmul.f32 v61, v15;
	v2 =	vld [tilespmem:s28+$0x9620];
	v1 =	vadd.f32 v11, v1;
	v60 =	vadd.f32 v25, v6  }
0x146: {  	v3 =	vld [tilespmem:s28+$0x8220]  }
0x147: {  	v5 =	vld [tilespmem:s28+$0x9220]  }
0x148: {  	v6 =	vld [tilespmem:s28+$0x8230];
	p0 =	seq.s32 s25, $0x7  }
0x149: {  	v11 =	vld @!p0 [tilespmem:s26+$0x40]  }
0x14a: {  	v10 =	vld [tilespmem:s28+$0x9230]  }
0x14b: {  	v12 =	vld [tilespmem:s28+$0x8270]  }
0x14c: {  	v14 =	vld [tilespmem:s28+$0x9270]  }
0x14d: {  	v15 =	vld [tilespmem:s28+$0x8630]  }
0x14e: {  	v16 =	vld [tilespmem:s28+$0x9630];
	v18 =	vshll.u32 @!p0 v11, $0x2  }
0x14f: {  	v17 =	vld [tilespmem:s28+$0x8670];
	v20 =	vlaneseq.u32 @!p0;
	v11 =	vand.u32 @!p0 $0x7, v11;
	v18 =	vand.u32 @!p0 $0xFFFFFFE0, v18  }
0x150: {  	v19 =	vld [tilespmem:s28+$0x9670];
	v21 =	vand.u32 @!p0 $0x7, v20;
	v23 =	vshrl.u32 @!p0 v20, $0x3;
	v11 =	vor.u32 @!p0 v11, v18  }
0x151: {  	v24 =	vld [tilespmem:s28+$0x9A30];
	v23 =	vmul.u32 @!p0 $0x8, v23;
	v21 =	vperm.xlane @!p0 v11, v21  }
0x152: {  	v25 =	vld [tilespmem:s28+$0x8A70]  }
0x153: {  	v43 =	vld [tilespmem:s28+$0x9A70];
	v21 =	vadd.s32 @!p0 v23, v21  }
0x154: {  	v31 =	vld [tilespmem:s28+$0x8E30];
	v20 =	vor.u32 @!p0 $0x8, v20  }
0x155: {  	v33 =	vld [tilespmem:s28+$0x8E70];
	v11 =	vperm.xlane @!p0 v11, v20  }
0x156: {  	v59 =	vld [tilespmem:s28+$0x9E70]  }
0x157: {  	vm1 =	vmmov @!p0 $0xffff;
	s6 =	simm.s32 @!p0 $0x0;
	s9 =	simm.s32 @!p0 $0x200;
	v18 =	vld [tilespmem:s28+$0x8A30];
	v11 =	vadd.s32 @!p0 v23, v11  }
0x158: {  	v20 =	vld [tilespmem:s28+$0x9E30];
	[tilespmem:s9], [sflag:$0x1] =	stream.indirect_vreg.gather @!p0 [hbm4b:s4+s6], $0x80, v21, vm1, $0xb8  }
0x159: {  	s9 =	simm.s32 @!p0 $0xA00  }
0x15a: {  	[tilespmem:s9], [sflag:$0x1] =	stream.indirect_vreg.gather @!p0 [hbm4b:s8+s6], $0x80, v21, vm1, $0xb8;
	[tilespmem:$0x18280] =	vst v63  }
0x15b: {  	s9 =	simm.s32 @!p0 $0x1200  }
0x15c: {  	[tilespmem:s9], [sflag:$0x1] =	stream.indirect_vreg.gather @!p0 [hbm4b:s4+s6], $0x80, v11, vm1, $0xb8;
	[tilespmem:$0x18280] =	vst v63  }
0x15d: {  	s9 =	simm.s32 @!p0 $0x1A00  }
0x15e: {  	[tilespmem:s9], [sflag:$0x1] =	stream.indirect_vreg.gather @!p0 [hbm4b:s8+s6], $0x80, v11, vm1, $0xb8;
	[tilespmem:$0x18280] =	vst v63  }
0x15f: {  	s9 =	sadd.s32 @!p0 $0x40, s26  }
0x160: {  	s9 =	sadd.s32 @!p0 s5, s9  }
0x161: {  	s9 =	sshll.u32 @!p0 s9, $0x7  }
0x162: {  	s10 =	simm.s32 @!p0 $0x8200;
	[tilespmem:$0x1FAC0] =	vst v33;
	s9 =	sadd.s32 @!p0 s2, s9  }
0x163: {  	[tilespmem:s10], [sflag:$0x5] =	stream.linear.gather @!p0 [hbm4b:s9+s6], $0x4000, $0x38;
	[tilespmem:$0x18280] =	vst v63  }
0x164: {  	_ =	swait.ge [sflag:s17], $0x2000  }
0x165: {  	[sflag:s17] =	ssyncset.done $0x0  }
0x166: {  	v1 =	vadd.f32 v36, v1;
	v0 =	vmul.f32 v28, v0;
	[sflag:s17] =	ssyncadd.s32 $0xFFFFE000  }
0x167: {  	v28 =	vadd.f32 v47, v35;
	v47 =	vmul.f32 v22, v62;
	v22 =	vadd.f32 v48, v60;
	_ =	swait.ge [sflag:s18], $0x4000  }
0x168: {  	v1 =	vadd.f32 v49, v1;
	v36 =	vld [tilespmem:$0x1FFC0]  }
0x169: {  	v22 =	vadd.f32 v39, v22;
	v39 =	vld [tilespmem:$0x1FEC0]  }
0x16a: {  	v1 =	vadd.f32 v41, v1;
	v41 =	vld [tilespmem:$0x1FEF0]  }
0x16b: {  	v3 =	vmul.f32 v57, v3;
	v57 =	vld [tilespmem:$0x1FE70]  }
0x16c: {  	v6 =	vmul.f32 v58, v6;
	s28 =	simm.s32 $0x0;
	v58 =	vld [tilespmem:$0x1FF00]  }
0x16d: {  	s9 =	simm.s32 $0x0;
	s10 =	sand.u32 $0x380, s28;
	[sflag:s18] =	ssyncset.done $0x0;
	v60 =	vld [tilespmem:$0x1FF10]  }
0x16e: {  	s6 =	sor.u32 s10, s9;
	v62 =	vld [tilespmem:$0x1FE50];
	[sflag:s18] =	ssyncadd.s32 $0xFFFFC000  }
0x16f: {  	v33 =	vld [tilespmem:s6+$0xCA40]  }
0x170: {  	s11 =	simm.s32 $0x0;
	v34 =	vld [tilespmem:s6+$0xDA40]  }
0x171: {  	s9 =	sor.u32 s10, s11;
	v42 =	vld [tilespmem:s6+$0xCA50]  }
0x172: {  	v11 =	vld [tilespmem:s9+$0x2A40]  }
0x173: {  	v23 =	vld [tilespmem:s9+$0x2A50]  }
0x174: {  	v21 =	vld [tilespmem:s6+$0xCA00]  }
0x175: {  	v48 =	vld [tilespmem:s6+$0xDA10]  }
0x176: {  	v49 =	vld [tilespmem:s6+$0xCA20]  }
0x177: {  	v5 =	vmul.f32 v56, v5;
	v56 =	vld [tilespmem:s9+$0x2A20]  }
0x178: {  	v2 =	vmul.f32 v46, v2;
	v46 =	vld [tilespmem:s6+$0xC210];
	[tilespmem:$0x1FB10] =	vst v33  }
0x179: {  	[tilespmem:$0x1FB20] =	vst v34;
	v33 =	vld [tilespmem:s6+$0xDA50]  }
0x17a: {  	v34 =	vld [tilespmem:s6+$0xCA60];
	[tilespmem:$0x1FC00] =	vst v21;
	v21 =	vadd.f32 v61, v63  }
0x17b: {  	[tilespmem:$0x1FB40] =	vst v42;
	v42 =	vld [tilespmem:s6+$0xDA60]  }
0x17c: {  	v63 =	vmul.f32 v45, v12;
	v12 =	vld [tilespmem:$0x1FE30];
	v21 =	vadd.f32 v50, v21  }
0x17d: {  	v61 =	vld [tilespmem:$0x1FE40]  }
0x17e: {  	[tilespmem:$0x1FC30] =	vst v48;
	v48 =	vld [tilespmem:s9+$0x2230];
	v4 =	vadd.f32 v4, v21  }
0x17f: {  	v45 =	vld [tilespmem:s6+$0xD210]  }
0x180: {  	v50 =	vmul.f32 v52, v37;
	v4 =	vadd.f32 v13, v4;
	v13 =	vld [tilespmem:s6+$0xDA30]  }
0x181: {  	v52 =	vmul.f32 v53, v38;
	v53 =	vmul.f32 v55, v10;
	v55 =	vld [tilespmem:$0x1FEB0]  }
0x182: {  	v37 =	vld [tilespmem:$0x1FF90]  }
0x183: {  	v21 =	vld [tilespmem:s6+$0xDA20]  }
0x184: {  	v38 =	vld [tilespmem:$0x1FF30];
	[tilespmem:$0x1FB60] =	vst v33  }
0x185: {  	[tilespmem:$0x1FC90] =	vst v13;
	v13 =	vld [tilespmem:$0x1FE80]  }
0x186: {  	v28 =	vadd.f32 v40, v28;
	[tilespmem:$0x1FB80] =	vst v34;
	v33 =	vld [tilespmem:s6+$0xCA70]  }
0x187: {  	[tilespmem:$0x1FBA0] =	vst v42;
	v34 =	vld [tilespmem:s6+$0xDA70]  }
0x188: {  	v42 =	vld [tilespmem:s6+$0xDA00];
	[tilespmem:$0x1FC60] =	vst v21;
	v21 =	vadd.f32 v29, v28  }
0x189: {  	v1 =	vadd.f32 v32, v1;
	v6 =	vadd.f32 v6, v12;
	v12 =	vld [tilespmem:s9+$0x2A30]  }
0x18a: {  	v13 =	vadd.f32 v13, v21;
	v21 =	vld [tilespmem:$0x1FE90]  }
0x18b: {  	v40 =	vadd.f32 v55, v1;
	v1 =	vld [tilespmem:$0x1FE20]  }
0x18c: {  	v29 =	vld [tilespmem:s6+$0xCA30]  }
0x18d: {  	v28 =	vadd.f32 v30, v22;
	v30 =	vld [tilespmem:s6+$0xD260]  }
0x18e: {  	[tilespmem:$0x1FBC0] =	vst v33;
	v33 =	vld [tilespmem:s9+$0x2A60]  }
0x18f: {  	[tilespmem:$0x1FBE0] =	vst v34;
	v34 =	vld [tilespmem:s9+$0x2A70];
	v21 =	vadd.f32 v21, v28  }
0x190: {  	[tilespmem:$0x1FC10] =	vst v42;
	v42 =	vld [tilespmem:s6+$0xCA10]  }
0x191: {  	[tilespmem:$0x1FD50] =	vst v21;
	v21 =	vld [tilespmem:$0x1FEA0]  }
0x192: {  	v1 =	vadd.f32 v3, v1;
	v3 =	vadd.f32 v5, v26;
	v26 =	vld [tilespmem:s6+$0xD240]  }
0x193: {  	v5 =	vadd.f32 v63, v6;
	v6 =	vmul.f32 v36, v16;
	v16 =	vld [tilespmem:s6+$0xD250]  }
0x194: {  	v63 =	vld [tilespmem:$0x1FED0];
	v1 =	vadd.f32 v50, v1  }
0x195: {  	v3 =	vadd.f32 v52, v3;
	v52 =	vld [tilespmem:s6+$0xC200]  }
0x196: {  	v1 =	vadd.f32 v47, v1;
	v32 =	vadd.f32 v21, v4;
	v21 =	vld [tilespmem:s6+$0xC240]  }
0x197: {  	[tilespmem:$0x1FC20] =	vst v42;
	v42 =	vld [tilespmem:$0x1FE60]  }
0x198: {  	v2 =	vadd.f32 v2, v3;
	v3 =	vld [tilespmem:$0x1FF80];
	v1 =	vadd.f32 v54, v1  }
0x199: {  	v47 =	vld [tilespmem:s6+$0xD200]  }
0x19a: {  	[tilespmem:$0x1FCC0] =	vst v26;
	v26 =	vld [tilespmem:s6+$0xC260];
	v1 =	vadd.f32 v27, v1  }
0x19b: {  	[tilespmem:$0x1FCB0] =	vst v21;
	v21 =	vld [tilespmem:$0x1FFB0]  }
0x19c: {  	s12 =	simm.s32 $0x0;
	[tilespmem:$0x1FD40] =	vst v13;
	v13 =	vld [tilespmem:s9+$0x2A00];
	v1 =	vadd.f32 v8, v1  }
0x19d: {  	s23 =	sor.u32 $0x2C00, s12;
	v0 =	vadd.f32 v0, v2;
	v2 =	vld [tilespmem:$0x1FF20]  }
0x19e: {  	v14 =	vmul.f32 v44, v14;
	v54 =	vld [tilespmem:s23+$0x240];
	v1 =	vadd.f32 v58, v1  }
0x19f: {  	v22 =	vand.u32 $0xFFFF0000, v48;
	v50 =	vshll.u32 v48, $0x10;
	v48 =	vld [tilespmem:$0x1FCC0];
	v4 =	vadd.f32 v53, v51  }
0x1a0: {  	v0 =	vadd.f32 v9, v0;
	v8 =	vld [tilespmem:s9+$0x2240];
	v1 =	vadd.f32 v63, v1;
	v15 =	vmul.f32 v21, v15  }
0x1a1: {  	v9 =	vld [tilespmem:s9+$0x2260];
	v4 =	vadd.f32 v14, v4  }
0x1a2: {  	v3 =	vmul.f32 v3, v17;
	v0 =	vadd.f32 v7, v0;
	[tilespmem:$0x1FAD0] =	vst v1;
	v1 =	vld [tilespmem:$0x1FEE0];
	v5 =	vadd.f32 v15, v5  }
0x1a3: {  	v28 =	vld [tilespmem:s9+$0x2A10];
	v4 =	vadd.f32 v6, v4;
	v6 =	vmul.f32 v37, v19  }
0x1a4: {  	v2 =	vmul.f32 v2, v18;
	v0 =	vadd.f32 v60, v0;
	v14 =	vld [tilespmem:s6+$0xC250];
	v3 =	vadd.f32 v3, v5  }
0x1a5: {  	v55 =	vshll.u32 v8, $0x10;
	v58 =	vand.u32 $0xFFFF0000, v8;
	v4 =	vadd.f32 v6, v4;
	v15 =	vld [tilespmem:$0x1FAC0]  }
0x1a6: {  	v8 =	vld [tilespmem:s23+$0x220];
	v6 =	vmul.f32 v39, v25;
	v5 =	vmul.f32 v38, v24;
	v2 =	vadd.f32 v2, v3  }
0x1a7: {  	v53 =	vld [tilespmem:s6+$0xC270];
	v0 =	vadd.f32 v1, v0  }
0x1a8: {  	v1 =	vld [tilespmem:$0x1FB10];
	v3 =	vadd.f32 v5, v4;
	v5 =	vmul.f32 v42, v31;
	v2 =	vadd.f32 v6, v2  }
0x1a9: {  	[tilespmem:$0x1FCD0] =	vst v14;
	v14 =	vld [tilespmem:s6+$0xD270];
	v4 =	vmul.f32 v41, v43  }
0x1aa: {  	v21 =	vld [tilespmem:s6+$0xC220];
	v15 =	vmul.f32 v61, v15;
	v2 =	vadd.f32 v5, v2  }
0x1ab: {  	v43 =	vld [tilespmem:s9+$0x2250];
	v3 =	vadd.f32 v4, v3;
	v4 =	vmul.f32 v57, v20  }
0x1ac: {  	[tilespmem:$0x1FAE0] =	vst v0;
	v0 =	vadd.f32 v15, v2;
	v2 =	vld [tilespmem:s9+$0x2200];
	v15 =	vshll.u32 v11, $0x10  }
0x1ad: {  	s11 =	sor.u32 $0x2400, s12;
	v17 =	vmul.f32 v62, v59;
	v3 =	vadd.f32 v4, v3;
	v42 =	vmul.f32 v15, v1;
	v1 =	vld [tilespmem:$0x1FB20]  }
0x1ae: {  	v51 =	vand.u32 $0xFFFF0000, v56;
	v24 =	vshll.u32 v56, $0x10;
	v56 =	vld [tilespmem:s11+$0x240]  }
0x1af: {  	v31 =	vld [tilespmem:s9+$0x2220];
	[tilespmem:$0x1FAF0] =	vst v0;
	v0 =	vadd.f32 v17, v3  }
0x1b0: {  	v61 =	vld [tilespmem:s23+$0x260];
	v59 =	vshll.u32 v43, $0x10;
	v60 =	vand.u32 $0xFFFF0000, v43  }
0x1b1: {  	[tilespmem:$0x1FB00] =	vst v0;
	v0 =	vand.u32 $0xFFFF0000, v11;
	v43 =	vshll.u32 v2, $0x10;
	v44 =	vand.u32 $0xFFFF0000, v2;
	v2 =	vld [tilespmem:$0x1FBE0]  }
0x1b2: {  	v0 =	vmul.f32 v0, v1;
	v1 =	vld [tilespmem:$0x1FB60]  }
0x1b3: {  	v57 =	vld [tilespmem:s23+$0x250]  }
0x1b4: {  	v62 =	vshll.u32 v9, $0x10;
	v5 =	vld [tilespmem:s9+$0x2270]  }
0x1b5: {  	s12 =	simm.s32 $0x0;
	v19 =	vmul.f32 v62, v26;
	v38 =	vshll.u32 v34, $0x10;
	v34 =	vand.u32 $0xFFFF0000, v34;
	v3 =	vld [tilespmem:s23+$0x270]  }
0x1b6: {  	s29 =	sor.u32 $0x4400, s12;
	v20 =	vand.u32 $0xFFFF0000, v23;
	v62 =	vshll.u32 v61, $0x10;
	[tilespmem:$0x1FB30] =	vst v0;
	v0 =	vld [tilespmem:$0x1FB40];
	v2 =	vmul.f32 v34, v2  }
0x1b7: {  	[tilespmem:$0x1FD00] =	vst v62;
	v62 =	vld [tilespmem:s29+$0x8200];
	v1 =	vmul.f32 v20, v1  }
0x1b8: {  	[tilespmem:$0x1FBF0] =	vst v2;
	v2 =	vld [tilespmem:$0x1FC00]  }
0x1b9: {  	[tilespmem:$0x1FB70] =	vst v1;
	v1 =	vld [tilespmem:$0x1FB80]  }
0x1ba: {  	v18 =	vshll.u32 v23, $0x10;
	v17 =	vld [tilespmem:s9+$0x2210];
	v26 =	vshll.u32 v3, $0x10;
	v3 =	vand.u32 $0xFFFF0000, v3  }
0x1bb: {  	[tilespmem:$0x1FD30] =	vst v3;
	v3 =	vld [tilespmem:$0x1FD40];
	v0 =	vmul.f32 v18, v0  }
0x1bc: {  	[tilespmem:$0x1FC40] =	vst v49;
	v34 =	vld [tilespmem:$0x1FCB0]  }
0x1bd: {  	v27 =	vshll.u32 v33, $0x10;
	v11 =	vshll.u32 v13, $0x10;
	[tilespmem:$0x1FB50] =	vst v0;
	v0 =	vld [tilespmem:s23+$0x200]  }
0x1be: {  	v20 =	vmul.f32 v11, v2;
	v11 =	vld [tilespmem:$0x1FC40];
	v1 =	vmul.f32 v27, v1  }
0x1bf: {  	v2 =	vld [tilespmem:$0x1FC10]  }
0x1c0: {  	[tilespmem:$0x1FB90] =	vst v1;
	v1 =	vld [tilespmem:$0x1FBA0]  }
0x1c1: {  	v63 =	vand.u32 $0xFFFF0000, v9;
	v9 =	vmul.f32 v55, v34;
	v34 =	vld [tilespmem:s11+$0x250]  }
0x1c2: {  	v55 =	vmul.f32 v58, v48;
	v48 =	vld [tilespmem:s6+$0xD220]  }
0x1c3: {  	v13 =	vand.u32 $0xFFFF0000, v13;
	v7 =	vmul.f32 v24, v11;
	v24 =	vld [tilespmem:$0x1FC60]  }
0x1c4: {  	v33 =	vand.u32 $0xFFFF0000, v33;
	v6 =	vshll.u32 v5, $0x10;
	v41 =	vmul.f32 v13, v2;
	v2 =	vld [tilespmem:$0x1FC20]  }
0x1c5: {  	v13 =	vmul.f32 v6, v53;
	v53 =	vld [tilespmem:s29+$0x8240];
	v1 =	vmul.f32 v33, v1  }
0x1c6: {  	v35 =	vshll.u32 v28, $0x10;
	v33 =	vld [tilespmem:$0x1FC90]  }
0x1c7: {  	v30 =	vmul.f32 v63, v30;
	v25 =	vshll.u32 v12, $0x10;
	v11 =	vmul.f32 v43, v52;
	[tilespmem:$0x1FBB0] =	vst v1;
	v1 =	vld [tilespmem:$0x1FBC0]  }
0x1c8: {  	v28 =	vand.u32 $0xFFFF0000, v28;
	v25 =	vmul.f32 v25, v29;
	[tilespmem:$0x1FC50] =	vst v7;
	v7 =	vmul.f32 v51, v24;
	v51 =	vld [tilespmem:$0x1FCD0]  }
0x1c9: {  	v29 =	vand.u32 $0xFFFF0000, v54;
	v63 =	vand.u32 $0xFFFF0000, v56;
	v11 =	vadd.f32 v11, v3;
	v3 =	vld [tilespmem:$0x1FD50]  }
0x1ca: {  	v4 =	vand.u32 $0xFFFF0000, v12;
	v36 =	vshll.u32 v17, $0x10;
	v39 =	vmul.f32 v35, v2;
	v2 =	vld [tilespmem:$0x1FC30]  }
0x1cb: {  	v49 =	vshll.u32 v31, $0x10;
	v36 =	vmul.f32 v36, v46;
	v35 =	vld [tilespmem:s23+$0x230];
	[tilespmem:$0x1FC70] =	vst v7;
	v7 =	vshll.u32 v54, $0x10  }
0x1cc: {  	v54 =	vshll.u32 v57, $0x10;
	v4 =	vmul.f32 v4, v33;
	v33 =	vld [tilespmem:s11+$0x200];
	v1 =	vmul.f32 v38, v1  }
0x1cd: {  	[tilespmem:$0x1FC80] =	vst v25;
	v58 =	vmul.f32 v59, v51;
	v59 =	vand.u32 $0xFFFF0000, v57;
	v57 =	vmul.f32 v60, v16;
	v60 =	vld [tilespmem:s6+$0xD230]  }
0x1ce: {  	v10 =	vand.u32 $0xFFFF0000, v61;
	v5 =	vand.u32 $0xFFFF0000, v5;
	v25 =	vmul.f32 v44, v47;
	[tilespmem:$0x1FCF0] =	vst v59;
	v59 =	vld [tilespmem:s6+$0xC230]  }
0x1cf: {  	v37 =	vand.u32 $0xFFFF0000, v17;
	v36 =	vadd.f32 v36, v32;
	v18 =	vshll.u32 v8, $0x10;
	s6 =	sor.u32 $0x5400, s12;
	[tilespmem:$0x1FBD0] =	vst v1;
	v1 =	vld [tilespmem:s23+$0x210]  }
0x1d0: {  	v44 =	vand.u32 $0xFFFF0000, v0;
	v52 =	vadd.f32 v25, v3;
	v38 =	vmul.f32 v28, v2;
	v24 =	vld [tilespmem:s6+$0x8240]  }
0x1d1: {  	v2 =	vand.u32 $0xFFFF0000, v31;
	v51 =	vmul.f32 v49, v21;
	v21 =	vshll.u32 v56, $0x10;
	v56 =	vld [tilespmem:s11+$0x220]  }
0x1d2: {  	v43 =	vadd.f32 v9, v11;
	v9 =	vshll.u32 v34, $0x10;
	v48 =	vmul.f32 v2, v48;
	v2 =	vld [tilespmem:s11+$0x260]  }
0x1d3: {  	[tilespmem:$0x1FD10] =	vst v10;
	v11 =	vand.u32 $0xFFFF0000, v34;
	v3 =	vand.u32 $0xFFFF0000, v8;
	v55 =	vadd.f32 v55, v52;
	v10 =	vld [tilespmem:s6+$0x8200]  }
0x1d4: {  	v16 =	vmul.f32 v5, v14;
	v46 =	vshll.u32 v1, $0x10;
	v47 =	vand.u32 $0xFFFF0000, v1;
	v1 =	vld [tilespmem:s11+$0x210]  }
0x1d5: {  	[tilespmem:$0x1FD20] =	vst v26;
	v14 =	vshll.u32 v0, $0x10;
	v0 =	vmul.f32 v37, v45;
	v6 =	vmul.f32 v63, v24;
	v24 =	vld [tilespmem:s29+$0x8210]  }
0x1d6: {  	[tilespmem:$0x1FD60] =	vst v3;
	v3 =	vand.u32 $0xFFFF0000, v35;
	v5 =	vmul.f32 v21, v53;
	v26 =	vld [tilespmem:s6+$0x8210];
	v21 =	vshll.u32 v33, $0x10  }
0x1d7: {  	v0 =	vadd.f32 v0, v40;
	v36 =	vadd.f32 v58, v36;
	v37 =	vmul.f32 v21, v62;
	v62 =	vld [tilespmem:s29+$0x8250]  }
0x1d8: {  	v25 =	vand.u32 $0xFFFF0000, v33;
	v21 =	vshll.u32 v35, $0x10;
	v49 =	vmul.f32 v50, v59;
	v59 =	vld [tilespmem:s11+$0x270]  }
0x1d9: {  	[tilespmem:$0x1FCA0] =	vst v4;
	v0 =	vadd.f32 v57, v0;
	v63 =	vmul.f32 v25, v10;
	v10 =	vld [tilespmem:s6+$0x8250];
	v4 =	vshll.u32 v1, $0x10  }
0x1da: {  	s10 =	sor.u32 $0x4C00, s12;
	v57 =	vshll.u32 v56, $0x10;
	v1 =	vand.u32 $0xFFFF0000, v1;
	v8 =	vmul.f32 v4, v24;
	v24 =	vld [tilespmem:s11+$0x230]  }
0x1db: {  	s9 =	sor.u32 $0x5C00, s12;
	v50 =	vmul.f32 v22, v60;
	v53 =	vshll.u32 v2, $0x10;
	v1 =	vmul.f32 v1, v26;
	v26 =	vld [tilespmem:s10+$0x8240]  }
0x1dc: {  	v61 =	vld [tilespmem:s9+$0x8210];
	v52 =	vand.u32 $0xFFFF0000, v2;
	v25 =	vadd.f32 v37, v43;
	v2 =	vadd.f32 v63, v55  }
0x1dd: {  	v60 =	vld [tilespmem:s10+$0x8210];
	v37 =	vmul.f32 v9, v62;
	v55 =	vand.u32 $0xFFFF0000, v56;
	v45 =	vshll.u32 v59, $0x10  }
0x1de: {  	v63 =	vld [tilespmem:s9+$0x8240];
	v43 =	vand.u32 $0xFFFF0000, v59;
	v2 =	vadd.f32 v6, v2;
	v36 =	vadd.f32 v8, v36  }
0x1df: {  	[tilespmem:$0x1FCE0] =	vst v54;
	v62 =	vld [tilespmem:s9+$0x8200];
	v35 =	vadd.f32 v1, v0;
	v1 =	vmul.f32 v11, v10;
	v0 =	vadd.f32 v5, v25  }
0x1e0: {  	[tilespmem:$0x1FD70] =	vst v3;
	s23 =	simm.s32 $0x1;
	v59 =	vld [tilespmem:s10+$0x8200];
	v56 =	vshll.u32 v24, $0x10;
	v54 =	vand.u32 $0xFFFF0000, v24;
	v34 =	vmul.f32 v7, v26  }
.LBB2_5:
0x1e1: {  	v7 =	vld [tilespmem:s10+$0x8250]  }
0x1e2: {  	v40 =	vld [tilespmem:s9+$0x8250]  }
0x1e3: {  	v3 =	vld [tilespmem:$0x1FB30]  }
0x1e4: {  	v9 =	vld [tilespmem:s29+$0x8260]  }
0x1e5: {  	v11 =	vld [tilespmem:s6+$0x8260]  }
0x1e6: {  	v24 =	vld [tilespmem:s29+$0x8220];
	v2 =	vadd.f32 v41, v2  }
0x1e7: {  	v32 =	vld [tilespmem:s6+$0x8220]  }
0x1e8: {  	v2 =	vadd.f32 v3, v2;
	v3 =	vld [tilespmem:$0x1FB50]  }
0x1e9: {  	v58 =	vld [tilespmem:$0x1FD20];
	v36 =	vadd.f32 v37, v36  }
0x1ea: {  	v1 =	vadd.f32 v1, v35;
	v35 =	vld [tilespmem:s29+$0x8230]  }
0x1eb: {  	v37 =	vld [tilespmem:s6+$0x8230];
	v36 =	vadd.f32 v39, v36  }
0x1ec: {  	v0 =	vadd.f32 v20, v0;
	v41 =	vld [tilespmem:s9+$0x8220]  }
0x1ed: {  	v25 =	vadd.f32 v3, v36;
	v3 =	vld [tilespmem:$0x1FB70]  }
0x1ee: {  	v0 =	vadd.f32 v42, v0;
	v42 =	vld [tilespmem:s10+$0x8230];
	v8 =	vmul.f32 v14, v59  }
0x1ef: {  	v33 =	vmul.f32 v29, v63;
	v10 =	vmul.f32 v44, v62;
	v29 =	vld [tilespmem:s9+$0x8260]  }
0x1f0: {  	v1 =	vadd.f32 v38, v1;
	v44 =	vld [tilespmem:$0x1FD10];
	v0 =	vadd.f32 v8, v0  }
0x1f1: {  	v23 =	vmul.f32 v46, v60;
	v46 =	vld [tilespmem:$0x1FC70];
	v2 =	vadd.f32 v10, v2  }
0x1f2: {  	v0 =	vadd.f32 v34, v0;
	v1 =	vadd.f32 v3, v1;
	v3 =	vld [tilespmem:$0x1FCE0]  }
0x1f3: {  	v26 =	vmul.f32 v47, v61;
	v47 =	vld [tilespmem:$0x1FC80]  }
0x1f4: {  	[tilespmem:$0x1FA80] =	vst v0;
	v0 =	vadd.f32 v33, v2;
	v2 =	vld [tilespmem:s29+$0x8270]  }
0x1f5: {  	v60 =	vld [tilespmem:$0x1FD30]  }
0x1f6: {  	v39 =	vmul.f32 v55, v32;
	v55 =	vld [tilespmem:$0x1FBF0]  }
0x1f7: {  	v28 =	vmul.f32 v3, v7;
	v3 =	vld [tilespmem:$0x1FCF0]  }
0x1f8: {  	[tilespmem:$0x1FA90] =	vst v0;
	v0 =	vmul.f32 v52, v11;
	v52 =	vld [tilespmem:$0x1FBB0]  }
0x1f9: {  	v2 =	vmul.f32 v45, v2;
	v45 =	vld [tilespmem:$0x1FC50]  }
0x1fa: {  	v23 =	vadd.f32 v23, v25;
	v1 =	vadd.f32 v26, v1;
	v26 =	vmul.f32 v54, v37;
	v54 =	vld [tilespmem:$0x1FBD0]  }
0x1fb: {  	v7 =	vld [tilespmem:$0x1FD00]  }
0x1fc: {  	s11 =	sshrl.u32 s23, $0x3;
	s28 =	sadd.s32 $0x80, s28;
	v36 =	vmul.f32 v3, v40;
	v3 =	vadd.f32 v28, v23;
	v23 =	vld [tilespmem:s6+$0x8270]  }
0x1fd: {  	s12 =	sand.u32 $0x380, s28;
	s29 =	sshll.u32 s11, $0xD;
	v40 =	vld [tilespmem:s10+$0x8260]  }
0x1fe: {  	v28 =	vmul.f32 v56, v35;
	s6 =	sor.u32 s12, s29;
	v56 =	vld [tilespmem:$0x1FD70]  }
0x1ff: {  	v32 =	vld [tilespmem:s6+$0xCA40]  }
0x200: {  	v27 =	vmul.f32 v53, v9;
	v53 =	vld [tilespmem:s6+$0xCA50]  }
0x201: {  	v6 =	vmul.f32 v57, v24;
	v57 =	vld [tilespmem:s6+$0xDA50]  }
0x202: {  	s11 =	sshll.u32 s11, $0xC;
	v59 =	vld [tilespmem:s6+$0xCA60]  }
0x203: {  	s12 =	sor.u32 s12, s11;
	v34 =	vld [tilespmem:s6+$0xCA70]  }
0x204: {  	v61 =	vld [tilespmem:s12+$0x2A50]  }
0x205: {  	v20 =	vld [tilespmem:s6+$0xCA00]  }
0x206: {  	v38 =	vld [tilespmem:s6+$0xDA00]  }
0x207: {  	v17 =	vmul.f32 v21, v42;
	v21 =	vld [tilespmem:s6+$0xDA10]  }
0x208: {  	v24 =	vld [tilespmem:s12+$0x2A30]  }
0x209: {  	v35 =	vld [tilespmem:s6+$0xC260]  }
0x20a: {  	v37 =	vld [tilespmem:s6+$0xD270]  }
0x20b: {  	v25 =	vld [tilespmem:s12+$0x2240]  }
0x20c: {  	v33 =	vld [tilespmem:s12+$0x2200]  }
0x20d: {  	[tilespmem:$0x1FAA0] =	vst v3;
	v1 =	vadd.f32 v36, v1;
	v3 =	vld [tilespmem:$0x1FAE0]  }
0x20e: {  	v36 =	vld [tilespmem:s6+$0xDA60]  }
0x20f: {  	[tilespmem:$0x1FAB0] =	vst v1;
	v1 =	vld [tilespmem:$0x1FAD0]  }
0x210: {  	v23 =	vmul.f32 v43, v23;
	v43 =	vld [tilespmem:s9+$0x8230]  }
0x211: {  	v14 =	vmul.f32 v7, v40;
	v40 =	vld [tilespmem:s12+$0x2210]  }
0x212: {  	v7 =	vld [tilespmem:s6+$0xC210]  }
0x213: {  	[tilespmem:$0x1FA40] =	vst v53;
	v53 =	vld [tilespmem:s6+$0xDA20]  }
0x214: {  	v5 =	vadd.f32 v48, v3;
	v3 =	vld [tilespmem:$0x1FAF0]  }
0x215: {  	v48 =	vld [tilespmem:$0x1FCA0]  }
0x216: {  	v1 =	vadd.f32 v51, v1;
	v5 =	vadd.f32 v30, v5;
	v30 =	vld [tilespmem:s10+$0x8220]  }
0x217: {  	v51 =	vld [tilespmem:$0x1FB90]  }
0x218: {  	v1 =	vadd.f32 v19, v1;
	v19 =	vld [tilespmem:s6+$0xCA20]  }
0x219: {  	v5 =	vadd.f32 v39, v5;
	v4 =	vadd.f32 v49, v3;
	v3 =	vld [tilespmem:$0x1FB00]  }
0x21a: {  	v49 =	vld [tilespmem:$0x1FD60]  }
0x21b: {  	v0 =	vadd.f32 v0, v5;
	v5 =	vmul.f32 v56, v43;
	v43 =	vld [tilespmem:s6+$0xC240]  }
0x21c: {  	v4 =	vadd.f32 v13, v4;
	v13 =	vld [tilespmem:s10+$0x8270]  }
0x21d: {  	v1 =	vadd.f32 v6, v1;
	v22 =	vmul.f32 v18, v30;
	v18 =	vld [tilespmem:s6+$0xDA70]  }
0x21e: {  	v30 =	vld [tilespmem:s6+$0xC250]  }
0x21f: {  	v1 =	vadd.f32 v27, v1;
	v27 =	vld [tilespmem:s12+$0x2260]  }
0x220: {  	v4 =	vadd.f32 v28, v4;
	v28 =	vld [tilespmem:s12+$0x2270]  }
0x221: {  	v0 =	vadd.f32 v46, v0;
	v3 =	vadd.f32 v50, v3;
	v50 =	vld [tilespmem:s6+$0xDA40]  }
0x222: {  	v1 =	vadd.f32 v45, v1;
	v45 =	vld [tilespmem:s6+$0xCA30]  }
0x223: {  	v0 =	vadd.f32 v52, v0;
	v52 =	vld [tilespmem:s6+$0xDA30]  }
0x224: {  	v6 =	vmul.f32 v49, v41;
	v49 =	vld [tilespmem:s6+$0xD250]  }
0x225: {  	v12 =	vmul.f32 v58, v13;
	v13 =	vld [tilespmem:s12+$0x2A70]  }
0x226: {  	v3 =	vadd.f32 v16, v3;
	v1 =	vadd.f32 v51, v1;
	v16 =	vld [tilespmem:s6+$0xCA10]  }
0x227: {  	v2 =	vadd.f32 v2, v4;
	v51 =	vld [tilespmem:s6+$0xD200]  }
0x228: {  	v1 =	vadd.f32 v22, v1;
	v22 =	vld [tilespmem:s12+$0x2A10]  }
0x229: {  	v2 =	vadd.f32 v47, v2;
	v3 =	vadd.f32 v26, v3;
	v26 =	vld [tilespmem:s12+$0x2250]  }
0x22a: {  	[tilespmem:$0x1FA30] =	vst v50;
	v50 =	vld [tilespmem:s6+$0xC200]  }
0x22b: {  	v2 =	vadd.f32 v54, v2;
	v3 =	vadd.f32 v23, v3;
	v23 =	vld [tilespmem:s9+$0x8270]  }
0x22c: {  	s10 =	sadd.s32 s11, s28;
	v1 =	vadd.f32 v14, v1;
	v14 =	vld [tilespmem:s12+$0x2A00]  }
0x22d: {  	s9 =	sor.u32 $0x2C00, s10;
	v2 =	vadd.f32 v17, v2;
	v17 =	vld [tilespmem:s6+$0xD240]  }
0x22e: {  	v4 =	vmul.f32 v44, v29;
	v0 =	vadd.f32 v6, v0;
	v44 =	vld [tilespmem:s9+$0x270]  }
0x22f: {  	v42 =	vld [tilespmem:s9+$0x200]  }
0x230: {  	v0 =	vadd.f32 v4, v0;
	[tilespmem:$0x1FAD0] =	vst v1;
	v1 =	vld [tilespmem:s12+$0x2A40]  }
0x231: {  	v3 =	vadd.f32 v48, v3;
	v48 =	vld [tilespmem:s6+$0xD260]  }
0x232: {  	[tilespmem:$0x1FAE0] =	vst v0;
	v0 =	vadd.f32 v12, v2;
	v12 =	vld [tilespmem:s12+$0x2A60]  }
0x233: {  	v2 =	vld [tilespmem:s6+$0xD210]  }
0x234: {  	v56 =	vand.u32 $0xFFFF0000, v13;
	v3 =	vadd.f32 v55, v3;
	v55 =	vshll.u32 v13, $0x10;
	v13 =	vld [tilespmem:s9+$0x240]  }
0x235: {  	[tilespmem:$0x1FA50] =	vst v57;
	v11 =	vmul.f32 v60, v23;
	v23 =	vld [tilespmem:s12+$0x2A20]  }
0x236: {  	[tilespmem:$0x1FA60] =	vst v59;
	s10 =	sor.u32 $0x2400, s10;
	v57 =	vshll.u32 v14, $0x10;
	v59 =	vand.u32 $0xFFFF0000, v14;
	v14 =	vld [tilespmem:s9+$0x250]  }
0x237: {  	v4 =	vshll.u32 v24, $0x10;
	v34 =	vmul.f32 v55, v34;
	v55 =	vld [tilespmem:s10+$0x220];
	v31 =	vshll.u32 v44, $0x10  }
0x238: {  	v3 =	vadd.f32 v5, v3;
	v5 =	vand.u32 $0xFFFF0000, v24;
	v24 =	vld [tilespmem:s9+$0x260];
	[tilespmem:$0x1FD20] =	vst v31;
	v31 =	vand.u32 $0xFFFF0000, v44  }
0x239: {  	[tilespmem:$0x1FD30] =	vst v31;
	v31 =	vld [tilespmem:$0x1FA30]  }
0x23a: {  	[tilespmem:$0x1FBD0] =	vst v34;
	v34 =	vld [tilespmem:s10+$0x270]  }
0x23b: {  	v18 =	vmul.f32 v56, v18;
	[tilespmem:$0x1FAF0] =	vst v0;
	v0 =	vadd.f32 v11, v3;
	v11 =	vld [tilespmem:s12+$0x2220]  }
0x23c: {  	v39 =	vshll.u32 v1, $0x10;
	v47 =	vshll.u32 v12, $0x10;
	v54 =	vand.u32 $0xFFFF0000, v12;
	v12 =	vld [tilespmem:s12+$0x2230]  }
0x23d: {  	v1 =	vand.u32 $0xFFFF0000, v1;
	v32 =	vmul.f32 v39, v32;
	v39 =	vld [tilespmem:$0x1FA60]  }
0x23e: {  	v9 =	vshll.u32 v33, $0x10;
	[tilespmem:$0x1FBF0] =	vst v18;
	v1 =	vmul.f32 v1, v31;
	v31 =	vld [tilespmem:$0x1FA40]  }
0x23f: {  	v58 =	vshll.u32 v13, $0x10;
	v29 =	vand.u32 $0xFFFF0000, v13;
	[tilespmem:$0x1FB00] =	vst v0;
	v0 =	vld [tilespmem:s6+$0xC270];
	v13 =	vshll.u32 v14, $0x10  }
0x240: {  	v8 =	vshll.u32 v40, $0x10;
	v36 =	vmul.f32 v54, v36;
	v54 =	vld [tilespmem:s6+$0xD230];
	v14 =	vand.u32 $0xFFFF0000, v14;
	[tilespmem:$0x1FCE0] =	vst v13  }
0x241: {  	v33 =	vand.u32 $0xFFFF0000, v33;
	v40 =	vand.u32 $0xFFFF0000, v40;
	v7 =	vmul.f32 v8, v7;
	v13 =	vld [tilespmem:s9+$0x220];
	[tilespmem:$0x1FCF0] =	vst v14  }
0x242: {  	v46 =	vand.u32 $0xFFFF0000, v61;
	v41 =	vshll.u32 v61, $0x10;
	v14 =	vshll.u32 v24, $0x10;
	[tilespmem:$0x1FBB0] =	vst v36;
	v36 =	vld [tilespmem:s6+$0xD220]  }
0x243: {  	v6 =	vand.u32 $0xFFFF0000, v25;
	[tilespmem:$0x1FD00] =	vst v14;
	v14 =	vand.u32 $0xFFFF0000, v24;
	v24 =	vld [tilespmem:s6+$0xC220];
	v31 =	vmul.f32 v41, v31  }
0x244: {  	v4 =	vmul.f32 v4, v45;
	v61 =	vand.u32 $0xFFFF0000, v22;
	v9 =	vmul.f32 v9, v50;
	[tilespmem:$0x1FA70] =	vst v0;
	v0 =	vld [tilespmem:s9+$0x210]  }
0x245: {  	v60 =	vshll.u32 v22, $0x10;
	v44 =	vand.u32 $0xFFFF0000, v42;
	v15 =	vshll.u32 v12, $0x10;
	[tilespmem:$0x1FB50] =	vst v31;
	v31 =	vld [tilespmem:$0x1FA50]  }
0x246: {  	v12 =	vand.u32 $0xFFFF0000, v12;
	[tilespmem:$0x1FD10] =	vst v14;
	v14 =	vshll.u32 v42, $0x10;
	v42 =	vld [tilespmem:s10+$0x240];
	v39 =	vmul.f32 v47, v39  }
0x247: {  	v22 =	vshll.u32 v26, $0x10;
	v62 =	vshll.u32 v23, $0x10;
	v50 =	vmul.f32 v12, v54;
	v12 =	vld [tilespmem:$0x1FA80];
	[tilespmem:$0x1FB30] =	vst v1  }
0x248: {  	v1 =	vld [tilespmem:s9+$0x230];
	[tilespmem:$0x1FB90] =	vst v39;
	v39 =	vmul.f32 v60, v16;
	v18 =	vshll.u32 v13, $0x10;
	v13 =	vand.u32 $0xFFFF0000, v13  }
0x249: {  	v63 =	vand.u32 $0xFFFF0000, v23;
	v16 =	vmul.f32 v62, v19;
	v62 =	vmul.f32 v5, v52;
	[tilespmem:$0x1FD60] =	vst v13;
	v13 =	vld [tilespmem:s10+$0x200]  }
0x24a: {  	s12 =	sadd.s32 s29, s28;
	v47 =	vand.u32 $0xFFFF0000, v0;
	v31 =	vmul.f32 v46, v31;
	v46 =	vshll.u32 v0, $0x10;
	v0 =	vld [tilespmem:s10+$0x260]  }
0x24b: {  	v3 =	vshll.u32 v25, $0x10;
	v25 =	vshll.u32 v27, $0x10;
	s29 =	sor.u32 $0x4400, s12;
	[tilespmem:$0x1FC50] =	vst v16;
	v16 =	vmul.f32 v63, v53;
	v63 =	vld [tilespmem:s10+$0x210]  }
0x24c: {  	v23 =	vand.u32 $0xFFFF0000, v26;
	v26 =	vand.u32 $0xFFFF0000, v27;
	v27 =	vshll.u32 v28, $0x10;
	[tilespmem:$0x1FCA0] =	vst v62;
	v62 =	vld [tilespmem:s29+$0x8200]  }
0x24d: {  	v28 =	vand.u32 $0xFFFF0000, v28;
	v41 =	vmul.f32 v59, v38;
	v38 =	vmul.f32 v61, v21;
	v61 =	vld [tilespmem:s10+$0x230]  }
0x24e: {  	[tilespmem:$0x1FC70] =	vst v16;
	v16 =	vmul.f32 v28, v37;
	v37 =	vld [tilespmem:s29+$0x8210];
	v9 =	vadd.f32 v9, v12;
	v21 =	vshll.u32 v1, $0x10  }
0x24f: {  	v12 =	vld [tilespmem:$0x1FA90];
	v1 =	vand.u32 $0xFFFF0000, v1;
	v60 =	vand.u32 $0xFFFF0000, v13;
	v53 =	vshll.u32 v0, $0x10  }
0x250: {  	[tilespmem:$0x1FD70] =	vst v1;
	v1 =	vld [tilespmem:s6+$0xC230];
	v52 =	vand.u32 $0xFFFF0000, v0;
	v0 =	vmul.f32 v3, v43;
	v3 =	vmul.f32 v6, v17  }
0x251: {  	v17 =	vmul.f32 v22, v30;
	v22 =	vmul.f32 v23, v49;
	v23 =	vshll.u32 v13, $0x10;
	v13 =	vld [tilespmem:$0x1FA70]  }
0x252: {  	v33 =	vmul.f32 v33, v51;
	v45 =	vshll.u32 v34, $0x10;
	s6 =	sor.u32 $0x5400, s12;
	v43 =	vand.u32 $0xFFFF0000, v34;
	v34 =	vld [tilespmem:s29+$0x8240]  }
0x253: {  	v20 =	vmul.f32 v57, v20;
	v2 =	vmul.f32 v40, v2;
	v57 =	vshll.u32 v55, $0x10;
	v28 =	vld [tilespmem:s6+$0x8240]  }
0x254: {  	v55 =	vand.u32 $0xFFFF0000, v55;
	v10 =	vshll.u32 v11, $0x10;
	v12 =	vadd.f32 v33, v12;
	v33 =	vld [tilespmem:$0x1FAA0]  }
0x255: {  	v11 =	vand.u32 $0xFFFF0000, v11;
	v19 =	vmul.f32 v25, v35;
	v59 =	vshll.u32 v42, $0x10;
	[tilespmem:$0x1FB70] =	vst v31;
	v31 =	vld [tilespmem:s10+$0x250]  }
0x256: {  	[tilespmem:$0x1FC80] =	vst v4;
	v4 =	vand.u32 $0xFFFF0000, v63;
	v13 =	vmul.f32 v27, v13;
	v27 =	vshll.u32 v63, $0x10;
	v63 =	vld [tilespmem:s6+$0x8200]  }
0x257: {  	v51 =	vmul.f32 v10, v24;
	v5 =	vand.u32 $0xFFFF0000, v42;
	v6 =	vmul.f32 v59, v34;
	v34 =	vld [tilespmem:$0x1FAB0]  }
0x258: {  	v56 =	vshll.u32 v61, $0x10;
	v54 =	vand.u32 $0xFFFF0000, v61;
	v49 =	vmul.f32 v15, v1;
	v1 =	vld [tilespmem:s6+$0x8210]  }
0x259: {  	v40 =	vld [tilespmem:s29+$0x8250];
	v5 =	vmul.f32 v5, v28;
	s10 =	sor.u32 $0x4C00, s12;
	v7 =	vadd.f32 v7, v33;
	v30 =	vmul.f32 v26, v48  }
0x25a: {  	v24 =	vld [tilespmem:s10+$0x8240];
	v48 =	vmul.f32 v11, v36;
	v15 =	vmul.f32 v23, v62;
	v42 =	vshll.u32 v31, $0x10  }
0x25b: {  	p1 =	sne.s32 s23, $0xF;
	s9 =	sor.u32 $0x5C00, s12;
	v23 =	vld [tilespmem:s6+$0x8250];
	v31 =	vand.u32 $0xFFFF0000, v31;
	v0 =	vadd.f32 v0, v9;
	v3 =	vadd.f32 v3, v12  }
.Ltmp1:
0x25c: {  	v61 =	vld [tilespmem:s9+$0x8210];
	v7 =	vadd.f32 v17, v7;
	v2 =	vadd.f32 v2, v34;
	v8 =	vmul.f32 v60, v63;
	(pc) =	sbr.rel @p1 .LBB2_5-.Ltmp1, $4  }
0x25d: {  	v62 =	vld [tilespmem:s9+$0x8200];
	v0 =	vadd.f32 v15, v0;
	v1 =	vmul.f32 v4, v1;
	v35 =	vmul.f32 v27, v37  }
0x25e: {  	v59 =	vld [tilespmem:s10+$0x8200];
	v37 =	vmul.f32 v42, v40;
	v2 =	vadd.f32 v22, v2;
	v3 =	vadd.f32 v8, v3  }
0x25f: {  	v0 =	vadd.f32 v6, v0;
	v36 =	vadd.f32 v35, v7;
	v63 =	vld [tilespmem:s9+$0x8240];
	v34 =	vmul.f32 v58, v24  }
0x260: {  	s23 =	sadd.s32 $0x1, s23;
	v42 =	vmovc v32;
	v60 =	vld [tilespmem:s10+$0x8210];
	v35 =	vadd.f32 v1, v2;
	v1 =	vmul.f32 v31, v23;
	v2 =	vadd.f32 v5, v3  }
0x261: {  	v3 =	vld [tilespmem:s10+$0x8250]  }
0x262: {  	v4 =	vld [tilespmem:s9+$0x8250]  }
0x263: {  	v5 =	vld [tilespmem:s29+$0x8260]  }
0x264: {  	v7 =	vld @!p0 [tilespmem:s26+$0x50]  }
0x265: {  	v6 =	vld [tilespmem:s6+$0x8260]  }
0x266: {  	v8 =	vld [tilespmem:s29+$0x8220]  }
0x267: {  	v9 =	vld [tilespmem:s6+$0x8220]  }
0x268: {  	v10 =	vld [tilespmem:s29+$0x8230]  }
0x269: {  	v11 =	vld [tilespmem:s6+$0x8230];
	v15 =	vshll.u32 @!p0 v7, $0x2  }
0x26a: {  	v12 =	vld [tilespmem:s29+$0x8270];
	v22 =	vlaneseq.u32 @!p0;
	v7 =	vand.u32 @!p0 $0x7, v7;
	v15 =	vand.u32 @!p0 $0xFFFFFFE0, v15  }
0x26b: {  	v17 =	vld [tilespmem:s6+$0x8270];
	v23 =	vand.u32 @!p0 $0x7, v22;
	v24 =	vshrl.u32 @!p0 v22, $0x3;
	v7 =	vor.u32 @!p0 v7, v15  }
0x26c: {  	v25 =	vld [tilespmem:s9+$0x8260];
	v24 =	vmul.u32 @!p0 $0x8, v24;
	v23 =	vperm.xlane @!p0 v7, v23  }
0x26d: {  	v26 =	vld [tilespmem:s10+$0x8220];
	v22 =	vor.u32 @!p0 $0x8, v22  }
0x26e: {  	v7 =	vperm.xlane @!p0 v7, v22;
	v22 =	vld [tilespmem:s10+$0x8270];
	v23 =	vadd.s32 @!p0 v24, v23  }
0x26f: {  	v27 =	vld [tilespmem:s9+$0x8220]  }
0x270: {  	v28 =	vld [tilespmem:s10+$0x8230]  }
0x271: {  	v33 =	vld [tilespmem:s9+$0x8230]  }
0x272: {  	s6 =	simm.s32 @!p0 $0x0;
	v15 =	vld [tilespmem:s10+$0x8260];
	s10 =	simm.s32 @!p0 $0x2200;
	v7 =	vadd.s32 @!p0 v24, v7  }
0x273: {  	[tilespmem:$0x1F790] =	vst v22;
	v22 =	vld [tilespmem:s9+$0x8270];
	[tilespmem:s10], [sflag:$0x2] =	stream.indirect_vreg.gather @!p0 [hbm4b:s4+s6], $0x80, v23, vm1, $0xb8  }
0x274: {  	s9 =	simm.s32 @!p0 $0x2A00  }
0x275: {  	[tilespmem:s9], [sflag:$0x2] =	stream.indirect_vreg.gather @!p0 [hbm4b:s8+s6], $0x80, v23, vm1, $0xb8;
	[tilespmem:$0x18280] =	vst v63  }
0x276: {  	s9 =	simm.s32 @!p0 $0x3200  }
0x277: {  	[tilespmem:s9], [sflag:$0x2] =	stream.indirect_vreg.gather @!p0 [hbm4b:s4+s6], $0x80, v7, vm1, $0xb8;
	[tilespmem:$0x18280] =	vst v63  }
0x278: {  	s9 =	simm.s32 @!p0 $0x3A00  }
0x279: {  	[tilespmem:s9], [sflag:$0x2] =	stream.indirect_vreg.gather @!p0 [hbm4b:s8+s6], $0x80, v7, vm1, $0xb8;
	[tilespmem:$0x18280] =	vst v63  }
0x27a: {  	s9 =	sadd.s32 @!p0 $0x50, s26  }
0x27b: {  	s9 =	sadd.s32 @!p0 s5, s9  }
0x27c: {  	s9 =	sshll.u32 @!p0 s9, $0x7  }
0x27d: {  	s10 =	simm.s32 @!p0 $0xC200;
	[tilespmem:$0x1F7A0] =	vst v22;
	s9 =	sadd.s32 @!p0 s2, s9  }
0x27e: {  	[tilespmem:s10], [sflag:$0x6] =	stream.linear.gather @!p0 [hbm4b:s9+s6], $0x4000, $0x38;
	[tilespmem:$0x18280] =	vst v63  }
0x27f: {  	_ =	swait.ge [sflag:s19], $0x2000  }
0x280: {  	[sflag:s19] =	ssyncset.done $0x0  }
0x281: {  	[sflag:s19] =	ssyncadd.s32 $0xFFFFE000  }
0x282: {  	s28 =	simm.s32 $0x0;
	_ =	swait.ge [sflag:s20], $0x4000  }
0x283: {  	s12 =	simm.s32 $0x0;
	s23 =	sand.u32 $0x380, s28;
	[sflag:s20] =	ssyncset.done $0x0  }
0x284: {  	s6 =	sor.u32 s23, s12;
	[sflag:s20] =	ssyncadd.s32 $0xFFFFC000  }
0x285: {  	v40 =	vld [tilespmem:s6+$0x4A30];
	_ =	sdelay $0x1  }
0x286: {  	v20 =	vadd.f32 v20, v0;
	v0 =	vld [tilespmem:s6+$0x4220];
	_ =	sdelay $0x2  }
0x287: {  	[tilespmem:$0x1F810] =	vst v40;
	v40 =	vld [tilespmem:s6+$0x4240];
	_ =	sdelay $0x1  }
0x288: {  	[tilespmem:$0x1F8D0] =	vst v0;
	v0 =	vld [tilespmem:s6+$0x4230];
	_ =	sdelay $0x2  }
0x289: {  	[tilespmem:$0x1F800] =	vst v40;
	v40 =	vld [tilespmem:s6+$0x4250];
	_ =	sdelay $0x1  }
0x28a: {  	[tilespmem:$0x1F900] =	vst v0;
	v0 =	vld [tilespmem:$0x1FB30];
	_ =	sdelay $0x1  }
0x28b: {  	v32 =	vld [tilespmem:s6+$0x4A20]  }
0x28c: {  	v2 =	vadd.f32 v41, v2;
	[tilespmem:$0x1F820] =	vst v40;
	v40 =	vld [tilespmem:s6+$0x4260];
	_ =	sdelay $0x1  }
0x28d: {  	v2 =	vadd.f32 v0, v2;
	v0 =	vld [tilespmem:$0x1FB50]  }
0x28e: {  	v36 =	vadd.f32 v37, v36  }
0x28f: {  	[tilespmem:$0x1F7F0] =	vst v32  }
0x290: {  	v32 =	vmul.f32 v29, v63;
	v63 =	vadd.f32 v39, v36;
	[tilespmem:$0x1F840] =	vst v40;
	v40 =	vld [tilespmem:s6+$0x4270];
	_ =	sdelay $0x1  }
0x291: {  	v1 =	vadd.f32 v1, v35;
	v35 =	vadd.f32 v0, v63;
	v0 =	vld [tilespmem:$0x1FB70];
	_ =	sdelay $0x2  }
0x292: {  	v1 =	vadd.f32 v38, v1;
	[tilespmem:$0x1F860] =	vst v40;
	v40 =	vld [tilespmem:s6+$0x4200];
	_ =	sdelay $0x1  }
0x293: {  	v1 =	vadd.f32 v0, v1;
	v0 =	vld [tilespmem:$0x1FCE0];
	_ =	sdelay $0x2  }
0x294: {  	[tilespmem:$0x1F890] =	vst v40;
	v40 =	vld [tilespmem:s6+$0x4210];
	_ =	sdelay $0x1  }
0x295: {  	v3 =	vmul.f32 v0, v3;
	v0 =	vld [tilespmem:$0x1FCF0]  }
0x296: {  	v14 =	vmul.f32 v14, v59;
	v20 =	vadd.f32 v42, v20;
	_ =	sdelay $0x1  }
0x297: {  	v14 =	vadd.f32 v14, v20;
	[tilespmem:$0x1F8C0] =	vst v40;
	v40 =	vmul.f32 v44, v62  }
0x298: {  	v41 =	vmul.f32 v46, v60  }
0x299: {  	v4 =	vmul.f32 v0, v4;
	v0 =	vadd.f32 v34, v14;
	v2 =	vadd.f32 v40, v2;
	_ =	sdelay $0x1  }
0x29a: {  	v42 =	vmul.f32 v47, v61;
	v20 =	vadd.f32 v41, v35;
	[tilespmem:$0x1F990] =	vst v0;
	v0 =	vadd.f32 v32, v2;
	_ =	sdelay $0x1  }
0x29b: {  	v1 =	vadd.f32 v42, v1;
	[tilespmem:$0x1F9A0] =	vst v0;
	v0 =	vadd.f32 v3, v20;
	_ =	sdelay $0x1  }
0x29c: {  	[tilespmem:$0x1F9E0] =	vst v0;
	v0 =	vadd.f32 v4, v1;
	_ =	sdelay $0x1  }
0x29d: {  	[tilespmem:$0x1F9F0] =	vst v0;
	v0 =	vld [tilespmem:$0x1FAD0];
	_ =	sdelay $0x2  }
0x29e: {  	s10 =	simm.s32 $0x0  }
0x29f: {  	s11 =	sor.u32 $0x4C00, s10  }
0x2a0: {  	v1 =	vadd.f32 v51, v0;
	v0 =	vld [tilespmem:s11+$0x220];
	_ =	sdelay $0x4  }
0x2a1: {  	[tilespmem:$0x1F9B0] =	vst v0;
	v0 =	vld [tilespmem:$0x1FAE0];
	_ =	sdelay $0x4  }
0x2a2: {  	v3 =	vadd.f32 v48, v0;
	v0 =	vld [tilespmem:$0x1FAF0];
	_ =	sdelay $0x3  }
0x2a3: {  	v9 =	vmul.f32 v55, v9;
	v3 =	vadd.f32 v30, v3  }
0x2a4: {  	v2 =	vmul.f32 v52, v6;
	v6 =	vadd.f32 v49, v0;
	v0 =	vld [tilespmem:s11+$0x230]  }
0x2a5: {  	v3 =	vadd.f32 v9, v3;
	_ =	sdelay $0x1  }
0x2a6: {  	v2 =	vadd.f32 v2, v3;
	v3 =	vld [tilespmem:$0x1FD00];
	_ =	sdelay $0x1  }
0x2a7: {  	[tilespmem:$0x1FA00] =	vst v0;
	v0 =	vld [tilespmem:$0x1FB00]  }
0x2a8: {  	v10 =	vmul.f32 v56, v10  }
0x2a9: {  	v4 =	vmul.f32 v57, v8;
	v1 =	vadd.f32 v19, v1;
	v6 =	vadd.f32 v13, v6  }
0x2aa: {  	v3 =	vmul.f32 v3, v15;
	v15 =	vld [tilespmem:$0x1FC80]  }
0x2ab: {  	v1 =	vadd.f32 v4, v1;
	v4 =	vmul.f32 v45, v12;
	v6 =	vadd.f32 v10, v6  }
0x2ac: {  	v8 =	vadd.f32 v50, v0  }
0x2ad: {  	v4 =	vadd.f32 v4, v6  }
0x2ae: {  	v11 =	vmul.f32 v54, v11;
	v8 =	vadd.f32 v16, v8  }
0x2af: {  	v4 =	vadd.f32 v15, v4;
	v15 =	vld [tilespmem:$0x1FCA0]  }
0x2b0: {  	v5 =	vmul.f32 v53, v5;
	v10 =	vmul.f32 v43, v17;
	v8 =	vadd.f32 v11, v8;
	_ =	sdelay $0x1  }
0x2b1: {  	v1 =	vadd.f32 v5, v1;
	v6 =	vld [tilespmem:$0x1FD10];
	v5 =	vadd.f32 v10, v8;
	_ =	sdelay $0x1  }
0x2b2: {  	v5 =	vadd.f32 v15, v5;
	v15 =	vld [tilespmem:$0x1FD60];
	_ =	sdelay $0x2  }
0x2b3: {  	v8 =	vmul.f32 v6, v25;
	v6 =	vld [tilespmem:$0x1FC50];
	_ =	sdelay $0x1  }
0x2b4: {  	v17 =	vmul.f32 v15, v27;
	v15 =	vld [tilespmem:$0x1FB90];
	_ =	sdelay $0x2  }
0x2b5: {  	v1 =	vadd.f32 v6, v1;
	v6 =	vld [tilespmem:$0x1FC70];
	_ =	sdelay $0x1  }
0x2b6: {  	v1 =	vadd.f32 v15, v1;
	v15 =	vld [tilespmem:$0x1FBB0];
	_ =	sdelay $0x2  }
0x2b7: {  	v2 =	vadd.f32 v6, v2;
	_ =	sdelay $0x1  }
0x2b8: {  	v2 =	vadd.f32 v15, v2;
	v15 =	vld [tilespmem:$0x1FBD0]  }
0x2b9: {  	v7 =	vld [tilespmem:s6+$0x4A40]  }
0x2ba: {  	v22 =	vld [tilespmem:s6+$0x4A50]  }
0x2bb: {  	v23 =	vld [tilespmem:s6+$0x4A60]  }
0x2bc: {  	v24 =	vld [tilespmem:s6+$0x4A70]  }
0x2bd: {  	v4 =	vadd.f32 v15, v4;
	v15 =	vld [tilespmem:$0x1FBF0]  }
0x2be: {  	v31 =	vld [tilespmem:s6+$0x4A00]  }
0x2bf: {  	v58 =	vld [tilespmem:s6+$0x4A10]  }
0x2c0: {  	v60 =	vld [tilespmem:s11+$0x250]  }
0x2c1: {  	s12 =	simm.s32 $0x0;
	v47 =	vld [tilespmem:s11+$0x260]  }
0x2c2: {  	s10 =	sor.u32 $0x4400, s10;
	s6 =	sor.u32 s23, s12;
	v5 =	vadd.f32 v15, v5;
	v15 =	vld [tilespmem:$0x1FD70]  }
0x2c3: {  	v42 =	vld [tilespmem:s10+$0x240];
	s6 =	sadd.s32 $0x8200, s6  }
0x2c4: {  	v41 =	vld [tilespmem:s6+$0x9870];
	v6 =	vmul.f32 v18, v26  }
0x2c5: {  	v39 =	vld [tilespmem:s6+$0x9800]  }
0x2c6: {  	v1 =	vadd.f32 v6, v1;
	v6 =	vld [tilespmem:$0x1FD20]  }
0x2c7: {  	v19 =	vmul.f32 v15, v33;
	v15 =	vld [tilespmem:$0x1F790]  }
0x2c8: {  	v54 =	vld [tilespmem:s6+$0x8040]  }
0x2c9: {  	v63 =	vld [tilespmem:s6+$0x9050]  }
0x2ca: {  	v40 =	vld [tilespmem:s6+$0x8800]  }
0x2cb: {  	v19 =	vadd.f32 v19, v5;
	v5 =	vld [tilespmem:$0x1FD30]  }
0x2cc: {  	v2 =	vadd.f32 v17, v2;
	v17 =	vmul.f32 v6, v15;
	v6 =	vld [tilespmem:$0x1F7A0]  }
0x2cd: {  	v44 =	vld [tilespmem:s11+$0x240]  }
0x2ce: {  	v62 =	vld [tilespmem:s11+$0x270]  }
0x2cf: {  	v14 =	vld [tilespmem:s6+$0x8840]  }
0x2d0: {  	v37 =	vshll.u32 v31, $0x10;
	v52 =	vld [tilespmem:s6+$0x9040]  }
0x2d1: {  	v40 =	vmul.f32 v37, v40;
	v37 =	vld [tilespmem:s6+$0x9000];
	v1 =	vadd.f32 v3, v1;
	v25 =	vmul.f32 v5, v6  }
0x2d2: {  	v12 =	vld [tilespmem:s6+$0x9860]  }
0x2d3: {  	v9 =	vld [tilespmem:s6+$0x9850];
	[tilespmem:$0x1F7B0] =	vst v1;
	v1 =	vadd.f32 v8, v2;
	v2 =	vadd.f32 v25, v19  }
0x2d4: {  	v13 =	vld [tilespmem:s6+$0x9840]  }
0x2d5: {  	[tilespmem:$0x1F7E0] =	vst v2;
	v2 =	vld [tilespmem:$0x1F7F0]  }
0x2d6: {  	v0 =	vld [tilespmem:s6+$0x8850]  }
0x2d7: {  	v11 =	vld [tilespmem:s6+$0x8860]  }
0x2d8: {  	v38 =	vshll.u32 v58, $0x10;
	v43 =	vand.u32 $0xFFFF0000, v58;
	v58 =	vld [tilespmem:s6+$0x9020]  }
0x2d9: {  	v10 =	vld [tilespmem:s6+$0x8870]  }
0x2da: {  	v20 =	vmul.f32 v21, v28;
	v45 =	vshll.u32 v2, $0x10;
	v48 =	vand.u32 $0xFFFF0000, v2;
	v2 =	vld [tilespmem:$0x1F800]  }
0x2db: {  	v28 =	vshll.u32 v23, $0x10;
	v27 =	vld [tilespmem:s6+$0x9810];
	v25 =	vshll.u32 v22, $0x10  }
0x2dc: {  	v18 =	vld [tilespmem:s6+$0x9830];
	v4 =	vadd.f32 v20, v4;
	v25 =	vmul.f32 v25, v0;
	v0 =	vmul.f32 v28, v11  }
0x2dd: {  	v29 =	vand.u32 $0xFFFF0000, v23;
	v3 =	vld [tilespmem:$0x1F810];
	[tilespmem:$0x1F7C0] =	vst v1  }
0x2de: {  	v1 =	vadd.f32 v17, v4;
	v17 =	vld [tilespmem:s6+$0x8830];
	[tilespmem:$0x1F870] =	vst v0;
	v0 =	vmul.f32 v29, v12  }
0x2df: {  	v49 =	vshll.u32 v2, $0x10;
	v55 =	vand.u32 $0xFFFF0000, v2;
	v2 =	vld [tilespmem:$0x1F820]  }
0x2e0: {  	[tilespmem:$0x1F880] =	vst v0;
	v0 =	vld [tilespmem:$0x1F890]  }
0x2e1: {  	v30 =	vshll.u32 v24, $0x10;
	v15 =	vld [tilespmem:s6+$0x8820]  }
0x2e2: {  	v8 =	vshll.u32 v7, $0x10;
	v50 =	vshll.u32 v3, $0x10;
	v33 =	vld [tilespmem:s6+$0x8810];
	v22 =	vand.u32 $0xFFFF0000, v22  }
0x2e3: {  	v7 =	vand.u32 $0xFFFF0000, v7;
	v4 =	vld [tilespmem:$0x1F840];
	v16 =	vmul.f32 v22, v9;
	v9 =	vmul.f32 v50, v17  }
0x2e4: {  	[tilespmem:$0x1F7D0] =	vst v1;
	v1 =	vld [tilespmem:s6+$0x9820];
	v56 =	vshll.u32 v2, $0x10;
	v57 =	vand.u32 $0xFFFF0000, v2;
	v2 =	vmul.f32 v8, v14  }
0x2e5: {  	v11 =	vld [tilespmem:s6+$0x8060];
	v35 =	vshll.u32 v0, $0x10;
	v36 =	vand.u32 $0xFFFF0000, v0;
	v0 =	vmul.f32 v30, v10  }
0x2e6: {  	v32 =	vand.u32 $0xFFFF0000, v24;
	v50 =	vld [tilespmem:s6+$0x8020];
	[tilespmem:$0x1F830] =	vst v2;
	v2 =	vmul.f32 v7, v13;
	v7 =	vmul.f32 v45, v15  }
0x2e7: {  	v30 =	vld [tilespmem:s6+$0x9060];
	[tilespmem:$0x1F8A0] =	vst v0;
	v0 =	vmul.f32 v32, v41  }
0x2e8: {  	[tilespmem:$0x1F8E0] =	vst v7;
	v7 =	vld [tilespmem:$0x1F900]  }
0x2e9: {  	[tilespmem:$0x1F8B0] =	vst v0;
	v0 =	vld [tilespmem:$0x1F8C0]  }
0x2ea: {  	[tilespmem:$0x1F850] =	vst v2;
	v2 =	vld [tilespmem:$0x1F860]  }
0x2eb: {  	v31 =	vand.u32 $0xFFFF0000, v31;
	v51 =	vand.u32 $0xFFFF0000, v3;
	v1 =	vmul.f32 v48, v1;
	v32 =	vld [tilespmem:s6+$0x8070]  }
0x2ec: {  	v3 =	vshll.u32 v4, $0x10;
	v41 =	vmul.f32 v31, v39;
	v39 =	vld [tilespmem:s6+$0x8010];
	v8 =	vmul.f32 v38, v33  }
0x2ed: {  	[tilespmem:$0x1F8F0] =	vst v1;
	v33 =	vld [tilespmem:s6+$0x8000];
	v1 =	vshll.u32 v7, $0x10;
	v19 =	vand.u32 $0xFFFF0000, v7;
	v7 =	vmul.f32 v51, v18  }
0x2ee: {  	v3 =	vmul.f32 v3, v11;
	v13 =	vld [tilespmem:s6+$0x8050]  }
0x2ef: {  	v12 =	vshll.u32 v0, $0x10;
	v34 =	vand.u32 $0xFFFF0000, v0;
	v0 =	vld [tilespmem:s6+$0x9070];
	v6 =	vshll.u32 v2, $0x10  }
0x2f0: {  	[tilespmem:$0x1F940] =	vst v3;
	v31 =	vmul.f32 v6, v32;
	v6 =	vld [tilespmem:s6+$0x9030]  }
0x2f1: {  	s23 =	simm.s32 $0x0;
	v3 =	vshll.u32 v47, $0x10;
	v10 =	vshll.u32 v44, $0x10;
	[tilespmem:$0x1F910] =	vst v7;
	v7 =	vmovc v44;
	v44 =	vmul.f32 v49, v54;
	v49 =	vld [tilespmem:s6+$0x9010]  }
0x2f2: {  	[tilespmem:$0x1F950] =	vst v3;
	v3 =	vand.u32 $0xFFFF0000, v47;
	v54 =	vld [tilespmem:s6+$0x8030];
	s6 =	sor.u32 $0x9400, s23  }
0x2f3: {  	[tilespmem:$0x1F960] =	vst v3;
	v23 =	vand.u32 $0xFFFF0000, v7;
	v7 =	vshll.u32 v60, $0x10;
	v3 =	vld [tilespmem:s6+$0x8240]  }
0x2f4: {  	v5 =	vand.u32 $0xFFFF0000, v2;
	[tilespmem:$0x1F920] =	vst v7;
	v7 =	vand.u32 $0xFFFF0000, v60  }
0x2f5: {  	[tilespmem:$0x1F930] =	vst v7;
	v7 =	vmul.f32 v5, v0;
	v5 =	vshll.u32 v62, $0x10  }
0x2f6: {  	[tilespmem:$0x1F970] =	vst v5;
	v5 =	vand.u32 $0xFFFF0000, v62  }
0x2f7: {  	v61 =	vld [tilespmem:s11+$0x200];
	v34 =	vmul.f32 v34, v49;
	v49 =	vmul.f32 v1, v54;
	v1 =	vand.u32 $0xFFFF0000, v42  }
0x2f8: {  	[tilespmem:$0x1F980] =	vst v5;
	v5 =	vmul.f32 v1, v3;
	v3 =	vld [tilespmem:$0x1F990]  }
0x2f9: {  	v53 =	vld [tilespmem:s11+$0x210]  }
0x2fa: {  	s29 =	sor.u32 $0x8400, s23;
	v2 =	vld [tilespmem:$0x1F8D0]  }
0x2fb: {  	v46 =	vld [tilespmem:s29+$0x8240];
	v0 =	vmul.f32 v35, v33  }
0x2fc: {  	v20 =	vld [tilespmem:s10+$0x250]  }
0x2fd: {  	v0 =	vadd.f32 v0, v3;
	v3 =	vld [tilespmem:$0x1F9A0]  }
0x2fe: {  	v59 =	vand.u32 $0xFFFF0000, v4;
	v35 =	vld [tilespmem:s10+$0x200]  }
0x2ff: {  	v4 =	vshll.u32 v2, $0x10;
	v2 =	vand.u32 $0xFFFF0000, v2;
	v33 =	vmul.f32 v36, v37;
	v37 =	vld [tilespmem:s29+$0x8200]  }
0x300: {  	v48 =	vmul.f32 v2, v58;
	v2 =	vshll.u32 v42, $0x10;
	v42 =	vld [tilespmem:$0x1F9B0]  }
0x301: {  	v57 =	vmul.f32 v57, v63;
	v63 =	vld [tilespmem:s10+$0x270]  }
0x302: {  	v33 =	vadd.f32 v33, v3;
	v3 =	vld [tilespmem:$0x1F9E0]  }
0x303: {  	v47 =	vshll.u32 v61, $0x10;
	v38 =	vmul.f32 v43, v27;
	v45 =	vand.u32 $0xFFFF0000, v61;
	v61 =	vld [tilespmem:s10+$0x260]  }
0x304: {  	v43 =	vmul.f32 v12, v39;
	v39 =	vld [tilespmem:s6+$0x8200];
	v51 =	vmul.f32 v4, v50;
	v1 =	vshll.u32 v35, $0x10  }
0x305: {  	v4 =	vmul.f32 v2, v46;
	v2 =	vld [tilespmem:s10+$0x210];
	v58 =	vmul.f32 v1, v37;
	v1 =	vshll.u32 v42, $0x10  }
0x306: {  	v18 =	vshll.u32 v53, $0x10;
	v46 =	vand.u32 $0xFFFF0000, v53;
	v53 =	vld [tilespmem:s29+$0x8210];
	[tilespmem:$0x1F9C0] =	vst v1;
	v1 =	vand.u32 $0xFFFF0000, v42  }
0x307: {  	[tilespmem:$0x1F9D0] =	vst v1;
	v1 =	vand.u32 $0xFFFF0000, v35;
	v35 =	vadd.f32 v43, v3;
	v43 =	vld [tilespmem:$0x1FA00]  }
0x308: {  	v55 =	vmul.f32 v55, v52;
	v30 =	vmul.f32 v59, v30;
	v3 =	vld [tilespmem:$0x1F9F0]  }
0x309: {  	v12 =	vshll.u32 v63, $0x10;
	v52 =	vmul.f32 v56, v13;
	v29 =	vand.u32 $0xFFFF0000, v61;
	v60 =	vld [tilespmem:s29+$0x8250]  }
0x30a: {  	v50 =	vmul.f32 v19, v6;
	v32 =	vshll.u32 v2, $0x10;
	v2 =	vand.u32 $0xFFFF0000, v2;
	v42 =	vld [tilespmem:s6+$0x8210]  }
0x30b: {  	v56 =	vmul.f32 v32, v53;
	v59 =	vmul.f32 v1, v39;
	v36 =	vadd.f32 v44, v0;
	v1 =	vld [tilespmem:s10+$0x220]  }
0x30c: {  	v62 =	vld [tilespmem:s6+$0x8250];
	v37 =	vshll.u32 v20, $0x10;
	v33 =	vadd.f32 v55, v33;
	v0 =	vand.u32 $0xFFFF0000, v43  }
0x30d: {  	v53 =	vshll.u32 v61, $0x10;
	v54 =	vadd.f32 v58, v36;
	v34 =	vadd.f32 v34, v3;
	[tilespmem:$0x1FA20] =	vst v0;
	v0 =	vld [tilespmem:s10+$0x230];
	s10 =	sor.u32 $0x8C00, s23  }
0x30e: {  	s9 =	sor.u32 $0x9C00, s23;
	v39 =	vand.u32 $0xFFFF0000, v20;
	v61 =	vadd.f32 v59, v33;
	v35 =	vadd.f32 v52, v35;
	v58 =	vld [tilespmem:s10+$0x8240]  }
0x30f: {  	v36 =	vld [tilespmem:s9+$0x8200];
	v2 =	vmul.f32 v2, v42;
	v42 =	vand.u32 $0xFFFF0000, v63;
	v57 =	vadd.f32 v57, v34  }
0x310: {  	v55 =	vand.u32 $0xFFFF0000, v1;
	v59 =	vld [tilespmem:s9+$0x8240];
	v61 =	vadd.f32 v5, v61;
	v33 =	vadd.f32 v56, v35  }
0x311: {  	v3 =	vshll.u32 v43, $0x10;
	v34 =	vmul.f32 v37, v60;
	v35 =	vld [tilespmem:s10+$0x8200];
	v60 =	vadd.f32 v2, v57  }
0x312: {  	v63 =	vld [tilespmem:s10+$0x8210];
	v57 =	vshll.u32 v1, $0x10;
	v2 =	vmul.f32 v39, v62;
	v1 =	vadd.f32 v4, v54  }
0x313: {  	[tilespmem:$0x1FA10] =	vst v3;
	s23 =	simm.s32 $0x1;
	v62 =	vld [tilespmem:s9+$0x8210];
	v56 =	vshll.u32 v0, $0x10;
	v54 =	vand.u32 $0xFFFF0000, v0;
	v58 =	vmul.f32 v10, v58  }
.LBB2_7:
0x314: {  	v3 =	vld [tilespmem:$0x1F830];
	_ =	sdelay $0x2  }
0x315: {  	v1 =	vadd.f32 v40, v1;
	_ =	sdelay $0x1  }
0x316: {  	v1 =	vadd.f32 v3, v1;
	v3 =	vld [tilespmem:$0x1F850];
	_ =	sdelay $0x2  }
0x317: {  	v37 =	vadd.f32 v41, v61  }
0x318: {  	v2 =	vadd.f32 v2, v60;
	v60 =	vld [tilespmem:s10+$0x8250]  }
0x319: {  	v59 =	vmul.f32 v23, v59;
	v23 =	vadd.f32 v3, v37;
	v3 =	vld [tilespmem:$0x1F920];
	_ =	sdelay $0x3  }
0x31a: {  	v32 =	vld [tilespmem:s9+$0x8250];
	v0 =	vadd.f32 v34, v33  }
0x31b: {  	v28 =	vmul.f32 v3, v60;
	v3 =	vld [tilespmem:$0x1F930]  }
0x31c: {  	v0 =	vadd.f32 v8, v0;
	_ =	sdelay $0x1  }
0x31d: {  	v24 =	vmul.f32 v18, v63;
	v0 =	vadd.f32 v25, v0;
	_ =	sdelay $0x1  }
0x31e: {  	v2 =	vadd.f32 v38, v2;
	v0 =	vadd.f32 v24, v0;
	v24 =	vmul.f32 v3, v32;
	v3 =	vld [tilespmem:$0x1F7D0]  }
0x31f: {  	v44 =	vld [tilespmem:s29+$0x8260]  }
0x320: {  	v52 =	vld [tilespmem:s29+$0x8220];
	v2 =	vadd.f32 v16, v2;
	v25 =	vmul.f32 v46, v62  }
0x321: {  	v26 =	vld [tilespmem:s6+$0x8220]  }
0x322: {  	v39 =	vld [tilespmem:s29+$0x8230];
	v2 =	vadd.f32 v25, v2  }
0x323: {  	v0 =	vadd.f32 v28, v0;
	v4 =	vadd.f32 v49, v3;
	v3 =	vld [tilespmem:$0x1F7E0]  }
0x324: {  	v6 =	vld [tilespmem:s6+$0x8270]  }
0x325: {  	v15 =	vld [tilespmem:s9+$0x8270];
	[tilespmem:$0x1F750] =	vst v0;
	v0 =	vadd.f32 v24, v2  }
0x326: {  	v10 =	vld [tilespmem:$0x1F970]  }
0x327: {  	v35 =	vmul.f32 v47, v35;
	[tilespmem:$0x1F760] =	vst v0;
	v0 =	vld [tilespmem:$0x1F7B0]  }
0x328: {  	v8 =	vld [tilespmem:$0x1F940];
	v3 =	vadd.f32 v50, v3  }
0x329: {  	v1 =	vadd.f32 v35, v1;
	v24 =	vmul.f32 v55, v26;
	v26 =	vld [tilespmem:s10+$0x8260]  }
0x32a: {  	v36 =	vmul.f32 v45, v36;
	v3 =	vadd.f32 v7, v3;
	v7 =	vld [tilespmem:$0x1F950]  }
0x32b: {  	v47 =	vld [tilespmem:s6+$0x8260];
	v1 =	vadd.f32 v58, v1  }
0x32c: {  	v23 =	vadd.f32 v36, v23;
	v2 =	vld [tilespmem:$0x1F7C0];
	v0 =	vadd.f32 v51, v0  }
0x32d: {  	v25 =	vld [tilespmem:s6+$0x8230]  }
0x32e: {  	s28 =	sadd.s32 $0x80, s28;
	v5 =	vmul.f32 v57, v52;
	s6 =	sshrl.u32 s23, $0x3;
	[tilespmem:$0x1F730] =	vst v1;
	v1 =	vadd.f32 v59, v23;
	v23 =	vld [tilespmem:s29+$0x8270];
	v0 =	vadd.f32 v8, v0  }
0x32f: {  	s11 =	sshll.u32 s6, $0xC;
	s29 =	sand.u32 $0x380, s28;
	v14 =	vmul.f32 v7, v26;
	v7 =	vld [tilespmem:$0x1F8E0]  }
0x330: {  	v27 =	vmul.f32 v53, v44;
	s12 =	sor.u32 s29, s11;
	[tilespmem:$0x1F740] =	vst v1;
	v1 =	vmul.f32 v29, v47;
	v29 =	vld [tilespmem:s9+$0x8260];
	v0 =	vadd.f32 v5, v0  }
0x331: {  	v16 =	vld [tilespmem:s12+$0x4A40];
	v2 =	vadd.f32 v48, v2  }
0x332: {  	v18 =	vld [tilespmem:s12+$0x4A50];
	v0 =	vadd.f32 v27, v0  }
0x333: {  	v11 =	vld [tilespmem:s12+$0x4250];
	v2 =	vadd.f32 v30, v2  }
0x334: {  	v0 =	vadd.f32 v7, v0;
	v7 =	vld [tilespmem:$0x1F8F0]  }
0x335: {  	v19 =	vld [tilespmem:s12+$0x4220];
	v2 =	vadd.f32 v24, v2  }
0x336: {  	v20 =	vld [tilespmem:s12+$0x4230]  }
0x337: {  	v30 =	vld [tilespmem:s10+$0x8220];
	v1 =	vadd.f32 v1, v2  }
0x338: {  	v24 =	vld [tilespmem:s10+$0x8230]  }
0x339: {  	v1 =	vadd.f32 v7, v1;
	v7 =	vld [tilespmem:$0x1F9C0]  }
0x33a: {  	v28 =	vmul.f32 v56, v39;
	v4 =	vadd.f32 v31, v4;
	v8 =	vld [tilespmem:s12+$0x4A60]  }
0x33b: {  	v25 =	vmul.f32 v54, v25;
	v5 =	vmul.f32 v12, v23;
	v23 =	vld [tilespmem:s9+$0x8220]  }
0x33c: {  	v4 =	vadd.f32 v28, v4;
	v2 =	vld [tilespmem:s9+$0x8230]  }
0x33d: {  	v6 =	vmul.f32 v42, v6;
	v12 =	vld [tilespmem:s12+$0x4A00];
	v3 =	vadd.f32 v25, v3  }
0x33e: {  	v4 =	vadd.f32 v5, v4;
	v13 =	vmul.f32 v7, v30;
	v7 =	vld [tilespmem:$0x1F910]  }
0x33f: {  	v3 =	vadd.f32 v6, v3;
	v6 =	vld [tilespmem:s10+$0x8270]  }
0x340: {  	s10 =	sadd.s32 s11, s28;
	v4 =	vadd.f32 v9, v4;
	v9 =	vld [tilespmem:$0x1F8A0]  }
0x341: {  	v5 =	vld [tilespmem:$0x1F960];
	s11 =	sor.u32 $0x4C00, s10  }
0x342: {  	v21 =	vld [tilespmem:s11+$0x240]  }
0x343: {  	v3 =	vadd.f32 v7, v3;
	v7 =	vld [tilespmem:$0x1F9D0]  }
0x344: {  	v22 =	vld [tilespmem:s11+$0x250]  }
0x345: {  	v4 =	vadd.f32 v9, v4;
	v9 =	vld [tilespmem:$0x1F8B0]  }
0x346: {  	v25 =	vld [tilespmem:s11+$0x200]  }
0x347: {  	v28 =	vld [tilespmem:s11+$0x230]  }
0x348: {  	s10 =	sor.u32 $0x4400, s10;
	v17 =	vmul.f32 v7, v23;
	v7 =	vld [tilespmem:$0x1F870]  }
0x349: {  	v59 =	vld [tilespmem:s10+$0x240]  }
0x34a: {  	v3 =	vadd.f32 v9, v3;
	v9 =	vld [tilespmem:$0x1FA20]  }
0x34b: {  	v63 =	vld [tilespmem:s10+$0x250]  }
0x34c: {  	v27 =	vld [tilespmem:s10+$0x270]  }
0x34d: {  	v0 =	vadd.f32 v7, v0;
	v7 =	vld [tilespmem:$0x1F880]  }
0x34e: {  	v47 =	vld [tilespmem:s10+$0x210]  }
0x34f: {  	v5 =	vmul.f32 v5, v29;
	v29 =	vld [tilespmem:s11+$0x210];
	v2 =	vmul.f32 v9, v2  }
0x350: {  	v30 =	vld [tilespmem:s11+$0x220]  }
0x351: {  	v2 =	vadd.f32 v2, v3;
	v3 =	vld [tilespmem:$0x1F980]  }
0x352: {  	v1 =	vadd.f32 v7, v1;
	v7 =	vld [tilespmem:$0x1FA10]  }
0x353: {  	v23 =	vld [tilespmem:s11+$0x260];
	v0 =	vadd.f32 v13, v0  }
0x354: {  	v9 =	vld [tilespmem:s12+$0x4A70]  }
0x355: {  	v13 =	vld [tilespmem:s12+$0x4260];
	v0 =	vadd.f32 v14, v0;
	v1 =	vadd.f32 v17, v1  }
0x356: {  	v14 =	vld [tilespmem:s12+$0x4270]  }
0x357: {  	v3 =	vmul.f32 v3, v15;
	v15 =	vld [tilespmem:s12+$0x4200];
	[tilespmem:$0x1F7B0] =	vst v0;
	v0 =	vadd.f32 v5, v1;
	v7 =	vmul.f32 v7, v24  }
0x358: {  	v17 =	vld [tilespmem:s12+$0x4210]  }
0x359: {  	v10 =	vmul.f32 v10, v6;
	[tilespmem:$0x1F7C0] =	vst v0;
	v0 =	vld [tilespmem:s12+$0x4A20];
	v4 =	vadd.f32 v7, v4  }
0x35a: {  	v7 =	vld [tilespmem:s12+$0x4A10]  }
0x35b: {  	v24 =	vld [tilespmem:s11+$0x270];
	v1 =	vadd.f32 v10, v4  }
0x35c: {  	v10 =	vld [tilespmem:s12+$0x4240]  }
0x35d: {  	[tilespmem:$0x1F7D0] =	vst v1;
	v1 =	vadd.f32 v3, v2;
	v2 =	vld [tilespmem:s12+$0x4A30];
	s12 =	sshll.u32 s6, $0xD  }
0x35e: {  	v6 =	vshll.u32 v0, $0x10;
	v5 =	vand.u32 $0xFFFF0000, v0;
	v0 =	vld [tilespmem:s10+$0x200];
	s6 =	sor.u32 s29, s12  }
0x35f: {  	v62 =	vshll.u32 v7, $0x10;
	v4 =	vand.u32 $0xFFFF0000, v7;
	v7 =	vld [tilespmem:s10+$0x260];
	s6 =	sadd.s32 $0x8200, s6  }
0x360: {  	v35 =	vld [tilespmem:s6+$0x8840]  }
0x361: {  	v33 =	vld [tilespmem:s6+$0x9840]  }
0x362: {  	v36 =	vld [tilespmem:s6+$0x8850]  }
0x363: {  	v38 =	vld [tilespmem:s6+$0x9850]  }
0x364: {  	v41 =	vld [tilespmem:s6+$0x8860]  }
0x365: {  	v40 =	vld [tilespmem:s6+$0x9860]  }
0x366: {  	v49 =	vld [tilespmem:s6+$0x8870]  }
0x367: {  	v42 =	vld [tilespmem:s6+$0x9870]  }
0x368: {  	v51 =	vld [tilespmem:s6+$0x8800]  }
0x369: {  	v48 =	vld [tilespmem:s6+$0x9800]  }
0x36a: {  	v56 =	vshll.u32 v9, $0x10;
	v57 =	vand.u32 $0xFFFF0000, v9;
	v9 =	vshll.u32 v21, $0x10;
	v53 =	vld [tilespmem:s6+$0x8810]  }
0x36b: {  	[tilespmem:$0x1F780] =	vst v9;
	v50 =	vld [tilespmem:s6+$0x9810]  }
0x36c: {  	v9 =	vand.u32 $0xFFFF0000, v21;
	[tilespmem:$0x1F7E0] =	vst v1;
	v1 =	vld [tilespmem:s6+$0x8820]  }
0x36d: {  	v21 =	vshll.u32 v22, $0x10;
	[tilespmem:$0x1F770] =	vst v9;
	v58 =	vld [tilespmem:s6+$0x9820]  }
0x36e: {  	v22 =	vand.u32 $0xFFFF0000, v22;
	[tilespmem:$0x1F920] =	vst v21;
	v54 =	vld [tilespmem:s6+$0x9830]  }
0x36f: {  	[tilespmem:$0x1F930] =	vst v22;
	v22 =	vshll.u32 v23, $0x10;
	v3 =	vld [tilespmem:s6+$0x8040]  }
0x370: {  	[tilespmem:$0x1F950] =	vst v22;
	v22 =	vand.u32 $0xFFFF0000, v23;
	v21 =	vld [tilespmem:s6+$0x9040]  }
0x371: {  	v45 =	vshll.u32 v16, $0x10;
	[tilespmem:$0x1F960] =	vst v22;
	v23 =	vshll.u32 v24, $0x10;
	v24 =	vand.u32 $0xFFFF0000, v24;
	v22 =	vld [tilespmem:s6+$0x8050]  }
0x372: {  	v16 =	vand.u32 $0xFFFF0000, v16;
	v60 =	vshll.u32 v12, $0x10;
	v61 =	vand.u32 $0xFFFF0000, v12;
	[tilespmem:$0x1F980] =	vst v24;
	v24 =	vld [tilespmem:s6+$0x9050]  }
0x373: {  	[tilespmem:$0x1F970] =	vst v23;
	v26 =	vshll.u32 v2, $0x10;
	v12 =	vand.u32 $0xFFFF0000, v2;
	v2 =	vld [tilespmem:s10+$0x230];
	v23 =	vmul.f32 v45, v35  }
0x374: {  	v55 =	vshll.u32 v8, $0x10;
	[tilespmem:$0x1F700] =	vst v1;
	v1 =	vld [tilespmem:s6+$0x8830];
	v16 =	vmul.f32 v16, v33  }
0x375: {  	v46 =	vshll.u32 v18, $0x10;
	v8 =	vand.u32 $0xFFFF0000, v8;
	v33 =	vld [tilespmem:s6+$0x8060];
	v55 =	vmul.f32 v55, v41;
	[tilespmem:$0x1F830] =	vst v23  }
0x376: {  	v9 =	vshll.u32 v25, $0x10;
	v34 =	vshll.u32 v10, $0x10;
	v35 =	vld [tilespmem:s6+$0x9060];
	v8 =	vmul.f32 v8, v40;
	[tilespmem:$0x1F850] =	vst v16  }
0x377: {  	v45 =	vand.u32 $0xFFFF0000, v25;
	v25 =	vmul.f32 v46, v36;
	v36 =	vld [tilespmem:s6+$0x8070];
	v5 =	vmul.f32 v5, v58;
	[tilespmem:$0x1F870] =	vst v55  }
0x378: {  	v10 =	vand.u32 $0xFFFF0000, v10;
	v41 =	vmul.f32 v61, v48;
	v48 =	vld [tilespmem:s6+$0x8000];
	v12 =	vmul.f32 v12, v54;
	[tilespmem:$0x1F880] =	vst v8  }
0x379: {  	v10 =	vmul.f32 v10, v21;
	v21 =	vld [tilespmem:s6+$0x8030];
	[tilespmem:$0x1F8F0] =	vst v5  }
0x37a: {  	v18 =	vand.u32 $0xFFFF0000, v18;
	v55 =	vld [tilespmem:s6+$0x9070];
	v23 =	vand.u32 $0xFFFF0000, v30;
	[tilespmem:$0x1F910] =	vst v12  }
0x37b: {  	v16 =	vmul.f32 v18, v38;
	v38 =	vmul.f32 v4, v50;
	v4 =	vshll.u32 v28, $0x10;
	[tilespmem:$0x1F9D0] =	vst v23;
	v23 =	vld [tilespmem:$0x1F700]  }
0x37c: {  	v8 =	vmul.f32 v56, v49;
	v5 =	vand.u32 $0xFFFF0000, v28;
	v50 =	vld [tilespmem:s6+$0x8020];
	[tilespmem:$0x1FA10] =	vst v4  }
0x37d: {  	v4 =	vld [tilespmem:s6+$0x9000];
	[tilespmem:$0x1FA20] =	vst v5  }
0x37e: {  	v44 =	vshll.u32 v19, $0x10;
	v52 =	vshll.u32 v20, $0x10;
	v5 =	vld [tilespmem:s6+$0x8010];
	[tilespmem:$0x1F8A0] =	vst v8  }
0x37f: {  	s12 =	sadd.s32 s12, s28;
	v12 =	vshll.u32 v27, $0x10;
	v8 =	vmul.f32 v57, v42;
	v42 =	vand.u32 $0xFFFF0000, v27;
	v27 =	vld [tilespmem:s6+$0x9030];
	[tilespmem:$0x1F710] =	vst v1  }
0x380: {  	v20 =	vand.u32 $0xFFFF0000, v20;
	v31 =	vshll.u32 v11, $0x10;
	s29 =	sor.u32 $0x8400, s12;
	v6 =	vmul.f32 v6, v23;
	v23 =	vld [tilespmem:$0x1F710]  }
0x381: {  	v32 =	vshll.u32 v13, $0x10;
	v13 =	vand.u32 $0xFFFF0000, v13;
	v37 =	vshll.u32 v14, $0x10;
	v1 =	vld [tilespmem:s29+$0x8240]  }
0x382: {  	v43 =	vshll.u32 v15, $0x10;
	v15 =	vand.u32 $0xFFFF0000, v15;
	s9 =	sor.u32 $0x9C00, s12;
	v49 =	vmul.f32 v52, v21;
	v21 =	vld [tilespmem:$0x1F740]  }
0x383: {  	v22 =	vmul.f32 v31, v22;
	v31 =	vmul.f32 v37, v36;
	v36 =	vld [tilespmem:s9+$0x8200];
	[tilespmem:$0x1F8B0] =	vst v8;
	v8 =	vshll.u32 v30, $0x10  }
0x384: {  	v39 =	vshll.u32 v17, $0x10;
	v17 =	vand.u32 $0xFFFF0000, v17;
	[tilespmem:$0x1F9C0] =	vst v8;
	v8 =	vmul.f32 v62, v53;
	v62 =	vld [tilespmem:s6+$0x9020]  }
0x385: {  	v46 =	vand.u32 $0xFFFF0000, v29;
	v40 =	vmul.f32 v60, v51;
	v23 =	vmul.f32 v26, v23;
	v26 =	vld [tilespmem:s6+$0x9010]  }
0x386: {  	v60 =	vshll.u32 v63, $0x10;
	v61 =	vand.u32 $0xFFFF0000, v63;
	v4 =	vmul.f32 v15, v4;
	v15 =	vld [tilespmem:s29+$0x8200]  }
0x387: {  	v63 =	vand.u32 $0xFFFF0000, v47;
	v51 =	vmul.f32 v44, v50;
	v50 =	vmul.f32 v20, v27;
	v20 =	vld [tilespmem:$0x1F730];
	[tilespmem:$0x1F720] =	vst v1  }
0x388: {  	v18 =	vshll.u32 v29, $0x10;
	v56 =	vshll.u32 v2, $0x10;
	v54 =	vand.u32 $0xFFFF0000, v2;
	v2 =	vld [tilespmem:$0x1F720]  }
0x389: {  	v29 =	vand.u32 $0xFFFF0000, v7;
	v30 =	vmul.f32 v13, v35;
	v13 =	vshll.u32 v47, $0x10;
	v47 =	vmovc v9;
	s6 =	sor.u32 $0x9400, s12;
	v9 =	vmovc v23;
	v23 =	vld [tilespmem:$0x1F750]  }
0x38a: {  	v53 =	vshll.u32 v7, $0x10;
	v7 =	vmul.f32 v32, v33;
	v17 =	vmul.f32 v17, v26;
	v26 =	vld [tilespmem:s6+$0x8200]  }
0x38b: {  	v19 =	vand.u32 $0xFFFF0000, v19;
	v11 =	vand.u32 $0xFFFF0000, v11;
	v14 =	vand.u32 $0xFFFF0000, v14;
	v1 =	vld [tilespmem:s10+$0x220]  }
0x38c: {  	v58 =	vand.u32 $0xFFFF0000, v59;
	v11 =	vmul.f32 v11, v24;
	[tilespmem:$0x1F940] =	vst v7;
	v7 =	vmul.f32 v14, v55;
	v14 =	vld [tilespmem:s6+$0x8240]  }
0x38d: {  	v5 =	vmul.f32 v39, v5;
	[tilespmem:$0x1F8E0] =	vst v6;
	v6 =	vshll.u32 v59, $0x10;
	v4 =	vadd.f32 v4, v21;
	v21 =	vld [tilespmem:s6+$0x8250]  }
0x38e: {  	v24 =	vshll.u32 v0, $0x10;
	v0 =	vand.u32 $0xFFFF0000, v0;
	v6 =	vmul.f32 v6, v2;
	v2 =	vld [tilespmem:s29+$0x8250]  }
0x38f: {  	v4 =	vadd.f32 v10, v4;
	v5 =	vadd.f32 v5, v23;
	v23 =	vld [tilespmem:$0x1F760];
	v0 =	vmul.f32 v0, v26  }
0x390: {  	v28 =	vmul.f32 v43, v48;
	v48 =	vmul.f32 v19, v62;
	v19 =	vld [tilespmem:s29+$0x8210];
	v57 =	vshll.u32 v1, $0x10  }
0x391: {  	s10 =	sor.u32 $0x8C00, s12;
	v55 =	vand.u32 $0xFFFF0000, v1;
	v1 =	vld [tilespmem:s6+$0x8210];
	v14 =	vmul.f32 v58, v14;
	v0 =	vadd.f32 v0, v4  }
0x392: {  	v3 =	vmul.f32 v34, v3;
	v15 =	vmul.f32 v24, v15;
	v24 =	vld [tilespmem:s10+$0x8240];
	v20 =	vadd.f32 v28, v20  }
0x393: {  	p1 =	sne.s32 s23, $0xF;
	v34 =	vmul.f32 v60, v2;
	v2 =	vmul.f32 v61, v21;
	v61 =	vadd.f32 v14, v0;
	v0 =	vld [tilespmem:$0x1F780]  }
.Ltmp2:
0x394: {  	v59 =	vld [tilespmem:s9+$0x8240];
	v3 =	vadd.f32 v3, v20;
	v17 =	vadd.f32 v17, v23;
	(pc) =	sbr.rel @p1 .LBB2_7-.Ltmp2, $4  }
0x395: {  	v35 =	vld [tilespmem:s10+$0x8200];
	v10 =	vmul.f32 v13, v19;
	v5 =	vadd.f32 v22, v5  }
0x396: {  	v62 =	vld [tilespmem:s9+$0x8210];
	v3 =	vadd.f32 v15, v3;
	v1 =	vmul.f32 v63, v1;
	v11 =	vadd.f32 v11, v17  }
0x397: {  	v63 =	vld [tilespmem:s10+$0x8210];
	v33 =	vadd.f32 v10, v5  }
0x398: {  	s23 =	sadd.s32 $0x1, s23;
	v23 =	vld [tilespmem:$0x1F770];
	v60 =	vadd.f32 v1, v11;
	v1 =	vadd.f32 v6, v3;
	v58 =	vmul.f32 v0, v24  }
0x399: {  	v0 =	vld @!p0 [tilespmem:s26+$0x60]  }
0x39a: {  	v3 =	vld [tilespmem:s10+$0x8250]  }
0x39b: {  	v4 =	vld [tilespmem:s9+$0x8250]  }
0x39c: {  	v5 =	vld [tilespmem:s29+$0x8260]  }
0x39d: {  	v6 =	vld [tilespmem:s6+$0x8260]  }
0x39e: {  	v10 =	vld [tilespmem:s29+$0x8220];
	v20 =	vlaneseq.u32 @!p0;
	v17 =	vshll.u32 @!p0 v0, $0x2  }
0x39f: {  	v11 =	vld [tilespmem:s6+$0x8220];
	v21 =	vand.u32 @!p0 $0x7, v20;
	v0 =	vand.u32 @!p0 $0x7, v0;
	v17 =	vand.u32 @!p0 $0xFFFFFFE0, v17  }
0x3a0: {  	v13 =	vld [tilespmem:s29+$0x8230];
	v22 =	vshrl.u32 @!p0 v20, $0x3;
	v20 =	vor.u32 @!p0 $0x8, v20;
	v0 =	vor.u32 @!p0 v0, v17  }
0x3a1: {  	v21 =	vperm.xlane @!p0 v0, v21;
	v0 =	vperm.xlane @!p0 v0, v20;
	v20 =	vld [tilespmem:s9+$0x8230]  }
0x3a2: {  	v14 =	vld [tilespmem:s6+$0x8230]  }
0x3a3: {  	v15 =	vld [tilespmem:s29+$0x8270]  }
0x3a4: {  	v19 =	vld [tilespmem:s6+$0x8270];
	v22 =	vmul.u32 @!p0 $0x8, v22  }
0x3a5: {  	v27 =	vld [tilespmem:s9+$0x8260]  }
0x3a6: {  	v21 =	vadd.s32 @!p0 v22, v21;
	[tilespmem:$0x1F500] =	vst v20;
	v20 =	vld [tilespmem:s10+$0x8270]  }
0x3a7: {  	v28 =	vld [tilespmem:s10+$0x8220]  }
0x3a8: {  	v32 =	vld [tilespmem:s9+$0x8220]  }
0x3a9: {  	v24 =	vld [tilespmem:s10+$0x8230]  }
0x3aa: {  	s6 =	simm.s32 @!p0 $0x0;
	v17 =	vld [tilespmem:s10+$0x8260];
	v0 =	vadd.s32 @!p0 v22, v0;
	s10 =	simm.s32 @!p0 $0x4200  }
0x3ab: {  	[tilespmem:$0x1F510] =	vst v20;
	v20 =	vld [tilespmem:s9+$0x8270];
	[tilespmem:s10], [sflag:$0x3] =	stream.indirect_vreg.gather @!p0 [hbm4b:s4+s6], $0x80, v21, vm1, $0xb8  }
0x3ac: {  	s9 =	simm.s32 @!p0 $0x4A00  }
0x3ad: {  	[tilespmem:s9], [sflag:$0x3] =	stream.indirect_vreg.gather @!p0 [hbm4b:s8+s6], $0x80, v21, vm1, $0xb8;
	[tilespmem:$0x18280] =	vst v63  }
0x3ae: {  	s9 =	simm.s32 @!p0 $0x5200  }
0x3af: {  	[tilespmem:s9], [sflag:$0x3] =	stream.indirect_vreg.gather @!p0 [hbm4b:s4+s6], $0x80, v0, vm1, $0xb8;
	[tilespmem:$0x18280] =	vst v63  }
0x3b0: {  	s9 =	simm.s32 @!p0 $0x5A00  }
0x3b1: {  	[tilespmem:s9], [sflag:$0x3] =	stream.indirect_vreg.gather @!p0 [hbm4b:s8+s6], $0x80, v0, vm1, $0xb8;
	[tilespmem:$0x18280] =	vst v63  }
0x3b2: {  	s9 =	sadd.s32 @!p0 $0x60, s26  }
0x3b3: {  	s9 =	sadd.s32 @!p0 s5, s9  }
0x3b4: {  	[tilespmem:$0x1F4F0] =	vst v24;
	s9 =	sshll.u32 @!p0 s9, $0x7  }
0x3b5: {  	s10 =	simm.s32 @!p0 $0x10200;
	[tilespmem:$0x1F520] =	vst v20;
	s9 =	sadd.s32 @!p0 s2, s9  }
0x3b6: {  	[tilespmem:s10], [sflag:$0x7] =	stream.linear.gather @!p0 [hbm4b:s9+s6], $0x4000, $0x38;
	[tilespmem:$0x18280] =	vst v63  }
0x3b7: {  	_ =	swait.ge [sflag:s21], $0x2000  }
0x3b8: {  	[sflag:s21] =	ssyncset.done $0x0  }
0x3b9: {  	[sflag:s21] =	ssyncadd.s32 $0xFFFFE000  }
0x3ba: {  	s26 =	simm.s32 $0x0;
	_ =	swait.ge [sflag:s22], $0x4000  }
0x3bb: {  	s12 =	simm.s32 $0x0;
	s23 =	sand.u32 $0x380, s26;
	[sflag:s22] =	ssyncset.done $0x0  }
0x3bc: {  	s6 =	sor.u32 s23, s12;
	[sflag:s22] =	ssyncadd.s32 $0xFFFFC000  }
0x3bd: {  	v24 =	vld [tilespmem:s6+$0x6A30];
	_ =	sdelay $0x4  }
0x3be: {  	[tilespmem:$0x1F580] =	vst v24;
	v24 =	vld [tilespmem:s6+$0x6240];
	_ =	sdelay $0x4  }
0x3bf: {  	[tilespmem:$0x1F570] =	vst v24;
	v24 =	vld [tilespmem:s6+$0x6250];
	_ =	sdelay $0x4  }
0x3c0: {  	[tilespmem:$0x1F590] =	vst v24;
	v24 =	vld [tilespmem:s6+$0x6260];
	_ =	sdelay $0x4  }
0x3c1: {  	[tilespmem:$0x1F5A0] =	vst v24;
	v24 =	vld [tilespmem:s6+$0x6270];
	_ =	sdelay $0x4  }
0x3c2: {  	[tilespmem:$0x1F5C0] =	vst v24;
	v24 =	vld [tilespmem:s6+$0x6200];
	_ =	sdelay $0x1  }
0x3c3: {  	v52 =	vmul.f32 v23, v59;
	v23 =	vld [tilespmem:s6+$0x6220];
	_ =	sdelay $0x2  }
0x3c4: {  	[tilespmem:$0x1F5D0] =	vst v24;
	v24 =	vadd.f32 v34, v33;
	_ =	sdelay $0x1  }
0x3c5: {  	[tilespmem:$0x1F600] =	vst v23;
	v23 =	vadd.f32 v8, v24;
	v24 =	vld [tilespmem:$0x1F830];
	_ =	sdelay $0x2  }
0x3c6: {  	v1 =	vadd.f32 v40, v1;
	_ =	sdelay $0x1  }
0x3c7: {  	v2 =	vadd.f32 v2, v60;
	v1 =	vadd.f32 v24, v1;
	v24 =	vld [tilespmem:$0x1F850];
	_ =	sdelay $0x1  }
0x3c8: {  	v2 =	vadd.f32 v38, v2  }
0x3c9: {  	v61 =	vadd.f32 v41, v61;
	v35 =	vmul.f32 v47, v35  }
0x3ca: {  	v2 =	vadd.f32 v16, v2;
	v16 =	vmul.f32 v46, v62;
	v25 =	vadd.f32 v25, v23;
	v23 =	vld [tilespmem:$0x1F920]  }
0x3cb: {  	v36 =	vmul.f32 v45, v36;
	v1 =	vadd.f32 v35, v1;
	v34 =	vadd.f32 v24, v61  }
0x3cc: {  	v2 =	vadd.f32 v16, v2;
	v16 =	vld [tilespmem:$0x1F930]  }
0x3cd: {  	v18 =	vmul.f32 v18, v63;
	v1 =	vadd.f32 v58, v1;
	v34 =	vadd.f32 v36, v34;
	_ =	sdelay $0x1  }
0x3ce: {  	v18 =	vadd.f32 v18, v25;
	v3 =	vmul.f32 v23, v3;
	[tilespmem:$0x1F660] =	vst v1;
	v1 =	vadd.f32 v52, v34;
	_ =	sdelay $0x1  }
0x3cf: {  	v4 =	vmul.f32 v16, v4;
	[tilespmem:$0x1F670] =	vst v1;
	v1 =	vadd.f32 v3, v18;
	_ =	sdelay $0x1  }
0x3d0: {  	[tilespmem:$0x1F6A0] =	vst v1;
	v1 =	vadd.f32 v4, v2;
	_ =	sdelay $0x1  }
0x3d1: {  	[tilespmem:$0x1F6B0] =	vst v1;
	v1 =	vld [tilespmem:$0x1F7B0];
	_ =	sdelay $0x4  }
0x3d2: {  	v4 =	vadd.f32 v51, v1;
	v1 =	vld [tilespmem:$0x1F7C0];
	_ =	sdelay $0x4  }
0x3d3: {  	v3 =	vmul.f32 v29, v6;
	v6 =	vadd.f32 v48, v1;
	v1 =	vld [tilespmem:$0x1F7D0];
	_ =	sdelay $0x2  }
0x3d4: {  	s9 =	simm.s32 $0x0  }
0x3d5: {  	s11 =	sor.u32 $0x6C00, s9  }
0x3d6: {  	v16 =	vadd.f32 v49, v1;
	v1 =	vld [tilespmem:s11+$0x230];
	_ =	sdelay $0x4  }
0x3d7: {  	[tilespmem:$0x1F6C0] =	vst v1;
	v1 =	vld [tilespmem:$0x1F7E0];
	_ =	sdelay $0x4  }
0x3d8: {  	v18 =	vadd.f32 v50, v1;
	v1 =	vld [tilespmem:$0x1F940];
	_ =	sdelay $0x4  }
0x3d9: {  	v4 =	vadd.f32 v1, v4;
	v1 =	vld [tilespmem:$0x1F950]  }
0x3da: {  	v10 =	vmul.f32 v57, v10;
	_ =	sdelay $0x1  }
0x3db: {  	v5 =	vmul.f32 v53, v5;
	v4 =	vadd.f32 v10, v4;
	_ =	sdelay $0x1  }
0x3dc: {  	v11 =	vmul.f32 v55, v11;
	v4 =	vadd.f32 v5, v4;
	v5 =	vmul.f32 v1, v17;
	v1 =	vld [tilespmem:$0x1F960]  }
0x3dd: {  	v13 =	vmul.f32 v56, v13;
	v6 =	vadd.f32 v30, v6;
	v16 =	vadd.f32 v31, v16;
	_ =	sdelay $0x1  }
0x3de: {  	v6 =	vadd.f32 v11, v6;
	v11 =	vmul.f32 v12, v15;
	v12 =	vadd.f32 v13, v16;
	_ =	sdelay $0x1  }
0x3df: {  	v3 =	vadd.f32 v3, v6;
	v6 =	vadd.f32 v11, v12;
	v12 =	vmul.f32 v1, v27;
	v1 =	vld [tilespmem:$0x1F8E0];
	_ =	sdelay $0x4  }
0x3e0: {  	v4 =	vadd.f32 v1, v4;
	v1 =	vld [tilespmem:$0x1F8F0];
	_ =	sdelay $0x3  }
0x3e1: {  	v8 =	vld [tilespmem:s11+$0x270]  }
0x3e2: {  	v3 =	vadd.f32 v1, v3;
	v1 =	vld [tilespmem:$0x1F9C0];
	_ =	sdelay $0x3  }
0x3e3: {  	v14 =	vmul.f32 v54, v14;
	v7 =	vadd.f32 v7, v18  }
0x3e4: {  	[tilespmem:$0x1F650] =	vst v8;
	v8 =	vmul.f32 v1, v28;
	v1 =	vld [tilespmem:$0x1F910]  }
0x3e5: {  	v7 =	vadd.f32 v14, v7;
	v14 =	vmul.f32 v42, v19;
	_ =	sdelay $0x1  }
0x3e6: {  	v7 =	vadd.f32 v14, v7;
	_ =	sdelay $0x1  }
0x3e7: {  	v7 =	vadd.f32 v1, v7;
	v1 =	vld [tilespmem:$0x1F9D0];
	_ =	sdelay $0x4  }
0x3e8: {  	v6 =	vadd.f32 v9, v6;
	v9 =	vmul.f32 v1, v32;
	v1 =	vld [tilespmem:$0x1F870];
	_ =	sdelay $0x4  }
0x3e9: {  	v4 =	vadd.f32 v1, v4;
	v1 =	vld [tilespmem:$0x1F880];
	_ =	sdelay $0x3  }
0x3ea: {  	v11 =	vld [tilespmem:$0x1F4F0]  }
0x3eb: {  	v3 =	vadd.f32 v1, v3;
	v1 =	vld [tilespmem:$0x1FA10];
	_ =	sdelay $0x2  }
0x3ec: {  	v20 =	vld [tilespmem:s6+$0x6A40]  }
0x3ed: {  	v21 =	vld [tilespmem:s6+$0x6A50]  }
0x3ee: {  	v18 =	vmul.f32 v1, v11;
	v1 =	vld [tilespmem:$0x1F8A0]  }
0x3ef: {  	v22 =	vld [tilespmem:s6+$0x6A60]  }
0x3f0: {  	v43 =	vld [tilespmem:s6+$0x6A70]  }
0x3f1: {  	v26 =	vld [tilespmem:s6+$0x6A00]  }
0x3f2: {  	v0 =	vld [tilespmem:s6+$0x6A10]  }
0x3f3: {  	v6 =	vadd.f32 v1, v6;
	v1 =	vld [tilespmem:$0x1F8B0]  }
0x3f4: {  	v44 =	vld [tilespmem:s6+$0x6A20]  }
0x3f5: {  	v39 =	vld [tilespmem:s6+$0x6210]  }
0x3f6: {  	v37 =	vld [tilespmem:s6+$0x6230]  }
0x3f7: {  	v11 =	vld [tilespmem:$0x1F500]  }
0x3f8: {  	v7 =	vadd.f32 v1, v7;
	v1 =	vld [tilespmem:$0x1FA20]  }
0x3f9: {  	v47 =	vld [tilespmem:s11+$0x240]  }
0x3fa: {  	v63 =	vld [tilespmem:s11+$0x250]  }
0x3fb: {  	v46 =	vld [tilespmem:s11+$0x260]  }
0x3fc: {  	v4 =	vadd.f32 v8, v4;
	v8 =	vld [tilespmem:$0x1F510]  }
0x3fd: {  	s12 =	simm.s32 $0x0;
	v27 =	vmul.f32 v1, v11;
	v1 =	vld [tilespmem:$0x1F970]  }
0x3fe: {  	s9 =	sor.u32 $0x6400, s9;
	v53 =	vld [tilespmem:s11+$0x210];
	s6 =	sor.u32 s23, s12  }
0x3ff: {  	v60 =	vld [tilespmem:s9+$0x270];
	s6 =	sadd.s32 $0x8200, s6  }
0x400: {  	[tilespmem:$0x1F5F0] =	vst v39;
	v39 =	vld [tilespmem:s6+$0xD860]  }
0x401: {  	v3 =	vadd.f32 v9, v3;
	v9 =	vadd.f32 v18, v6;
	v6 =	vld [tilespmem:$0x1F520]  }
0x402: {  	s23 =	simm.s32 $0x0;
	v8 =	vmul.f32 v1, v8;
	v1 =	vld [tilespmem:$0x1F980]  }
0x403: {  	s28 =	sor.u32 $0xC400, s23;
	v41 =	vld [tilespmem:s6+$0xD800]  }
0x404: {  	v54 =	vld [tilespmem:s28+$0x8240]  }
0x405: {  	v55 =	vld [tilespmem:s6+$0xD040]  }
0x406: {  	v62 =	vld [tilespmem:s6+$0xC050];
	v33 =	vand.u32 $0xFFFF0000, v43;
	v35 =	vshll.u32 v43, $0x10  }
0x407: {  	v43 =	vld [tilespmem:s9+$0x240];
	v7 =	vadd.f32 v27, v7;
	v27 =	vmul.f32 v1, v6;
	v1 =	vadd.f32 v5, v4  }
0x408: {  	v2 =	vld [tilespmem:s6+$0xC870]  }
0x409: {  	v58 =	vld [tilespmem:s11+$0x200];
	[tilespmem:$0x1F530] =	vst v1;
	v1 =	vadd.f32 v12, v3  }
0x40a: {  	v36 =	vld [tilespmem:s6+$0xD070]  }
0x40b: {  	v52 =	vld [tilespmem:s11+$0x220];
	[tilespmem:$0x1F540] =	vst v1;
	v1 =	vadd.f32 v8, v9  }
0x40c: {  	v29 =	vld [tilespmem:s6+$0xC840]  }
0x40d: {  	v2 =	vmul.f32 v35, v2;
	v35 =	vld [tilespmem:s6+$0xC070];
	[tilespmem:$0x1F550] =	vst v1;
	v1 =	vadd.f32 v27, v7  }
0x40e: {  	v51 =	vld [tilespmem:s6+$0xC040]  }
0x40f: {  	[tilespmem:$0x1F560] =	vst v1;
	v1 =	vld [tilespmem:s9+$0x250]  }
0x410: {  	v30 =	vld [tilespmem:s6+$0xD840]  }
0x411: {  	v15 =	vld [tilespmem:s6+$0xC860]  }
0x412: {  	v31 =	vld [tilespmem:s6+$0xC810]  }
0x413: {  	v19 =	vld [tilespmem:s6+$0xD870]  }
0x414: {  	[tilespmem:$0x1F6F0] =	vst v1;
	v1 =	vld [tilespmem:$0x1F570]  }
0x415: {  	v13 =	vld [tilespmem:s6+$0xD850]  }
0x416: {  	v4 =	vld [tilespmem:$0x1F580]  }
0x417: {  	v40 =	vshll.u32 v0, $0x10;
	v14 =	vld [tilespmem:s6+$0xD830]  }
0x418: {  	v19 =	vmul.f32 v33, v19;
	v33 =	vmul.f32 v40, v31;
	v40 =	vld [tilespmem:s6+$0xC020]  }
0x419: {  	v48 =	vshll.u32 v1, $0x10;
	v56 =	vand.u32 $0xFFFF0000, v1;
	v1 =	vld [tilespmem:$0x1F590]  }
0x41a: {  	v32 =	vld [tilespmem:s6+$0xC820];
	v9 =	vshll.u32 v21, $0x10;
	v21 =	vand.u32 $0xFFFF0000, v21  }
0x41b: {  	v18 =	vld [tilespmem:s6+$0xD810];
	v45 =	vshll.u32 v4, $0x10;
	v50 =	vand.u32 $0xFFFF0000, v4;
	v4 =	vmul.f32 v21, v13  }
0x41c: {  	v5 =	vld [tilespmem:$0x1F5D0]  }
0x41d: {  	v38 =	vshll.u32 v26, $0x10;
	v26 =	vand.u32 $0xFFFF0000, v26;
	[tilespmem:$0x1F5B0] =	vst v4;
	v4 =	vld [tilespmem:$0x1F5C0]  }
0x41e: {  	v8 =	vand.u32 $0xFFFF0000, v20;
	v57 =	vshll.u32 v1, $0x10;
	v59 =	vand.u32 $0xFFFF0000, v1;
	v1 =	vld [tilespmem:$0x1F5A0]  }
0x41f: {  	v28 =	vmul.f32 v8, v30;
	v30 =	vmul.f32 v26, v41;
	v26 =	vld [tilespmem:s6+$0xD000]  }
0x420: {  	v0 =	vand.u32 $0xFFFF0000, v0;
	v34 =	vshll.u32 v22, $0x10;
	v22 =	vand.u32 $0xFFFF0000, v22;
	v27 =	vld [tilespmem:s6+$0xC830]  }
0x421: {  	v7 =	vshll.u32 v20, $0x10;
	v20 =	vmul.f32 v34, v15;
	v34 =	vmul.f32 v0, v18;
	v0 =	vld [tilespmem:s6+$0xC000]  }
0x422: {  	[tilespmem:$0x1F5E0] =	vst v2;
	v42 =	vshll.u32 v44, $0x10;
	v12 =	vshll.u32 v4, $0x10;
	v2 =	vand.u32 $0xFFFF0000, v4;
	v4 =	vld [tilespmem:$0x1F5F0]  }
0x423: {  	v21 =	vmul.f32 v22, v39;
	v61 =	vshll.u32 v1, $0x10;
	v8 =	vand.u32 $0xFFFF0000, v1;
	v1 =	vld [tilespmem:s6+$0xD050]  }
0x424: {  	v3 =	vld [tilespmem:s6+$0xD820];
	v24 =	vshll.u32 v5, $0x10;
	v25 =	vand.u32 $0xFFFF0000, v5;
	v5 =	vmul.f32 v42, v32  }
0x425: {  	v22 =	vld [tilespmem:s6+$0xD060];
	v16 =	vmul.f32 v7, v29;
	v7 =	vmul.f32 v45, v27  }
0x426: {  	v44 =	vand.u32 $0xFFFF0000, v44;
	v0 =	vmul.f32 v24, v0;
	v24 =	vmul.f32 v25, v26;
	v25 =	vld [tilespmem:s9+$0x200]  }
0x427: {  	v11 =	vshll.u32 v4, $0x10;
	v23 =	vand.u32 $0xFFFF0000, v4;
	v4 =	vld [tilespmem:$0x1F600];
	v45 =	vmul.f32 v48, v51  }
0x428: {  	[tilespmem:$0x1F610] =	vst v5;
	v48 =	vld [tilespmem:s6+$0xD010];
	v56 =	vmul.f32 v56, v55;
	v55 =	vmul.f32 v59, v1;
	v1 =	vshll.u32 v46, $0x10  }
0x429: {  	s29 =	sor.u32 $0xD400, s23;
	v3 =	vmul.f32 v44, v3;
	[tilespmem:$0x1F640] =	vst v1;
	v1 =	vld [tilespmem:$0x1F650]  }
0x42a: {  	[tilespmem:$0x1F630] =	vst v7;
	v7 =	vmul.f32 v2, v36;
	v2 =	vld [tilespmem:s29+$0x8240]  }
0x42b: {  	v31 =	vand.u32 $0xFFFF0000, v63;
	v5 =	vand.u32 $0xFFFF0000, v37;
	[tilespmem:$0x1F620] =	vst v3;
	v3 =	vshll.u32 v37, $0x10;
	v37 =	vld [tilespmem:s28+$0x8200]  }
0x42c: {  	v10 =	vld [tilespmem:s6+$0xC850];
	v32 =	vshll.u32 v63, $0x10;
	v44 =	vand.u32 $0xFFFF0000, v58;
	v35 =	vmul.f32 v12, v35  }
0x42d: {  	v17 =	vld [tilespmem:s6+$0xC800];
	v6 =	vshll.u32 v4, $0x10;
	v23 =	vmul.f32 v23, v48;
	v63 =	vmul.f32 v8, v22  }
0x42e: {  	v13 =	vld [tilespmem:s6+$0xC060];
	v22 =	vshll.u32 v1, $0x10;
	v36 =	vand.u32 $0xFFFF0000, v1;
	v1 =	vand.u32 $0xFFFF0000, v43  }
0x42f: {  	v39 =	vld [tilespmem:s6+$0xC010];
	v48 =	vmul.f32 v6, v40;
	v6 =	vmul.f32 v1, v2;
	v1 =	vshll.u32 v25, $0x10  }
0x430: {  	v41 =	vld [tilespmem:s6+$0xD020];
	v12 =	vshll.u32 v58, $0x10;
	v58 =	vmul.f32 v1, v37;
	v1 =	vshll.u32 v52, $0x10  }
0x431: {  	v57 =	vmul.f32 v57, v62;
	v62 =	vld [tilespmem:s6+$0xD030];
	[tilespmem:$0x1F680] =	vst v1;
	v1 =	vand.u32 $0xFFFF0000, v52  }
0x432: {  	[tilespmem:$0x1F690] =	vst v1;
	v1 =	vld [tilespmem:$0x1F6A0]  }
0x433: {  	v15 =	vmul.f32 v38, v17;
	v38 =	vld [tilespmem:s28+$0x8210];
	v29 =	vmul.f32 v9, v10  }
0x434: {  	v9 =	vmul.f32 v50, v14;
	v26 =	vmul.f32 v11, v39;
	v4 =	vand.u32 $0xFFFF0000, v4;
	v2 =	vld [tilespmem:$0x1F660]  }
0x435: {  	v50 =	vmul.f32 v4, v41;
	v4 =	vshll.u32 v43, $0x10;
	v27 =	vmul.f32 v61, v13;
	v61 =	vld [tilespmem:s6+$0xC030]  }
0x436: {  	v51 =	vmul.f32 v5, v62;
	v5 =	vmul.f32 v4, v54;
	v4 =	vld [tilespmem:$0x1F6C0]  }
0x437: {  	v26 =	vadd.f32 v26, v1;
	v1 =	vld [tilespmem:$0x1F6B0]  }
0x438: {  	v59 =	vld [tilespmem:s9+$0x260]  }
0x439: {  	v0 =	vadd.f32 v0, v2;
	v2 =	vld [tilespmem:$0x1F670]  }
0x43a: {  	v49 =	vmul.f32 v3, v61;
	v3 =	vld [tilespmem:s29+$0x8200]  }
0x43b: {  	v14 =	vshll.u32 v47, $0x10;
	v10 =	vand.u32 $0xFFFF0000, v47;
	v43 =	vld [tilespmem:s9+$0x210]  }
0x43c: {  	v47 =	vshll.u32 v53, $0x10;
	v39 =	vld [tilespmem:s29+$0x8210];
	v23 =	vadd.f32 v23, v1;
	v1 =	vshll.u32 v4, $0x10  }
0x43d: {  	v8 =	vand.u32 $0xFFFF0000, v46;
	v46 =	vand.u32 $0xFFFF0000, v53;
	v25 =	vand.u32 $0xFFFF0000, v25;
	[tilespmem:$0x1F6D0] =	vst v1;
	v1 =	vld [tilespmem:$0x1F6F0]  }
0x43e: {  	v62 =	vld [tilespmem:s9+$0x220];
	v24 =	vadd.f32 v24, v2;
	v2 =	vadd.f32 v45, v0;
	v0 =	vand.u32 $0xFFFF0000, v4  }
0x43f: {  	v53 =	vshll.u32 v59, $0x10;
	v25 =	vmul.f32 v25, v3;
	v52 =	vand.u32 $0xFFFF0000, v59;
	[tilespmem:$0x1F6E0] =	vst v0;
	v0 =	vld [tilespmem:s9+$0x230];
	s9 =	sor.u32 $0xCC00, s23  }
0x440: {  	v57 =	vadd.f32 v57, v26;
	v24 =	vadd.f32 v56, v24;
	v56 =	vshll.u32 v43, $0x10;
	v3 =	vld [tilespmem:s9+$0x8240]  }
0x441: {  	v61 =	vld [tilespmem:s28+$0x8250];
	v45 =	vshll.u32 v60, $0x10;
	v43 =	vand.u32 $0xFFFF0000, v43;
	v37 =	vmul.f32 v56, v38  }
0x442: {  	s6 =	sor.u32 $0xDC00, s23;
	v4 =	vld [tilespmem:s29+$0x8250];
	v23 =	vadd.f32 v55, v23;
	v26 =	vshll.u32 v1, $0x10;
	v38 =	vand.u32 $0xFFFF0000, v1  }
0x443: {  	v1 =	vmul.f32 v43, v39;
	v39 =	vadd.f32 v58, v2;
	v2 =	vadd.f32 v25, v24;
	v24 =	vld [tilespmem:s6+$0x8240]  }
0x444: {  	v55 =	vand.u32 $0xFFFF0000, v62;
	v56 =	vshll.u32 v0, $0x10;
	v54 =	vand.u32 $0xFFFF0000, v0;
	v25 =	vld [tilespmem:s9+$0x8200]  }
0x445: {  	v0 =	vmul.f32 v14, v3;
	v43 =	vand.u32 $0xFFFF0000, v60;
	v59 =	vadd.f32 v1, v23;
	v23 =	vld [tilespmem:s6+$0x8200]  }
0x446: {  	v58 =	vadd.f32 v37, v57;
	v57 =	vshll.u32 v62, $0x10;
	v26 =	vmul.f32 v26, v61;
	v1 =	vld [tilespmem:s9+$0x8210]  }
0x447: {  	s23 =	simm.s32 $0x1;
	v61 =	vmul.f32 v38, v4;
	v60 =	vadd.f32 v5, v39;
	v62 =	vadd.f32 v6, v2;
	v2 =	vld [tilespmem:s6+$0x8210]  }
.LBB2_9:
0x448: {  	v3 =	vld [tilespmem:$0x1F5B0];
	v26 =	vadd.f32 v26, v58  }
0x449: {  	v37 =	vld [tilespmem:s9+$0x8250];
	v61 =	vadd.f32 v61, v59  }
0x44a: {  	v39 =	vadd.f32 v15, v60;
	v26 =	vadd.f32 v33, v26  }
0x44b: {  	v42 =	vld [tilespmem:s6+$0x8250];
	v38 =	vadd.f32 v34, v61;
	v24 =	vmul.f32 v10, v24;
	v25 =	vmul.f32 v12, v25  }
0x44c: {  	v10 =	vmovc v27;
	v27 =	vadd.f32 v16, v39;
	v1 =	vmul.f32 v47, v1;
	v26 =	vadd.f32 v29, v26  }
0x44d: {  	v40 =	vld [tilespmem:s29+$0x8260];
	v2 =	vmul.f32 v46, v2;
	v29 =	vadd.f32 v3, v38  }
0x44e: {  	v6 =	vld [tilespmem:s29+$0x8270];
	v25 =	vadd.f32 v25, v27;
	v27 =	vmul.f32 v32, v37;
	v1 =	vadd.f32 v1, v26  }
0x44f: {  	v4 =	vld [tilespmem:$0x1F560];
	v41 =	vadd.f32 v30, v62  }
0x450: {  	v62 =	vld [tilespmem:s28+$0x8260];
	v2 =	vadd.f32 v2, v29;
	v29 =	vmul.f32 v31, v42;
	v1 =	vadd.f32 v27, v1  }
0x451: {  	v30 =	vld [tilespmem:s29+$0x8220]  }
0x452: {  	v15 =	vld [tilespmem:s6+$0x8270];
	[tilespmem:$0x1F460] =	vst v1;
	v1 =	vadd.f32 v29, v2  }
0x453: {  	v23 =	vmul.f32 v44, v23;
	v44 =	vld [tilespmem:s28+$0x8220]  }
0x454: {  	v4 =	vadd.f32 v51, v4;
	[tilespmem:$0x1F470] =	vst v1;
	v1 =	vld [tilespmem:$0x1F530]  }
0x455: {  	v3 =	vld [tilespmem:$0x1F550]  }
0x456: {  	v28 =	vadd.f32 v28, v41;
	v4 =	vadd.f32 v7, v4;
	v7 =	vld [tilespmem:$0x1F640]  }
0x457: {  	v29 =	vld [tilespmem:s9+$0x8260]  }
0x458: {  	v23 =	vadd.f32 v23, v28;
	v28 =	vld [tilespmem:s28+$0x8230]  }
0x459: {  	v2 =	vld [tilespmem:$0x1F540];
	v1 =	vadd.f32 v48, v1  }
0x45a: {  	s10 =	sshrl.u32 s23, $0x3;
	s26 =	sadd.s32 $0x80, s26;
	v47 =	vmul.f32 v53, v62;
	v53 =	vld [tilespmem:s28+$0x8270]  }
0x45b: {  	s11 =	sshll.u32 s10, $0xC;
	s28 =	sand.u32 $0x380, s26;
	v31 =	vld [tilespmem:s29+$0x8230];
	v5 =	vmul.f32 v57, v44;
	v1 =	vadd.f32 v10, v1  }
0x45c: {  	s12 =	sor.u32 s28, s11;
	v14 =	vmul.f32 v7, v29;
	v7 =	vld [tilespmem:$0x1F610]  }
0x45d: {  	v16 =	vld [tilespmem:s12+$0x6A40];
	v1 =	vadd.f32 v5, v1  }
0x45e: {  	v0 =	vadd.f32 v0, v25;
	v18 =	vld [tilespmem:s12+$0x6A50];
	v2 =	vadd.f32 v50, v2  }
0x45f: {  	v12 =	vld [tilespmem:s12+$0x6A00];
	v1 =	vadd.f32 v47, v1  }
0x460: {  	v11 =	vld [tilespmem:s12+$0x6250];
	v27 =	vmul.f32 v55, v30;
	[tilespmem:$0x1F440] =	vst v0;
	v0 =	vadd.f32 v24, v23;
	v2 =	vadd.f32 v63, v2  }
0x461: {  	v1 =	vadd.f32 v7, v1;
	v7 =	vld [tilespmem:$0x1F620]  }
0x462: {  	s29 =	sadd.s32 s11, s26;
	v30 =	vld [tilespmem:s6+$0x8260];
	[tilespmem:$0x1F450] =	vst v0;
	v0 =	vmul.f32 v52, v40;
	v2 =	vadd.f32 v27, v2  }
0x463: {  	s11 =	sor.u32 $0x6C00, s29;
	v55 =	vld [tilespmem:s9+$0x8220]  }
0x464: {  	v33 =	vld [tilespmem:s11+$0x210];
	v3 =	vadd.f32 v49, v3;
	v0 =	vadd.f32 v0, v2  }
0x465: {  	v34 =	vld [tilespmem:s11+$0x220];
	v31 =	vmul.f32 v54, v31  }
0x466: {  	v28 =	vmul.f32 v56, v28;
	v3 =	vadd.f32 v35, v3;
	v0 =	vadd.f32 v7, v0;
	v7 =	vld [tilespmem:$0x1F680]  }
0x467: {  	v6 =	vmul.f32 v43, v6;
	v23 =	vld [tilespmem:s11+$0x230];
	v4 =	vadd.f32 v31, v4  }
0x468: {  	v3 =	vadd.f32 v28, v3;
	v28 =	vld [tilespmem:s9+$0x8230]  }
0x469: {  	v4 =	vadd.f32 v6, v4;
	v6 =	vmul.f32 v8, v30;
	v8 =	vld [tilespmem:s12+$0x6A60]  }
0x46a: {  	v29 =	vld [tilespmem:s11+$0x200]  }
0x46b: {  	v13 =	vmul.f32 v7, v55;
	v7 =	vld [tilespmem:$0x1F630]  }
0x46c: {  	v4 =	vadd.f32 v9, v4;
	v9 =	vld [tilespmem:$0x1F5E0];
	v5 =	vmul.f32 v45, v53  }
0x46d: {  	v27 =	vld [tilespmem:s6+$0x8220]  }
0x46e: {  	v3 =	vadd.f32 v5, v3;
	v5 =	vld [tilespmem:s9+$0x8270]  }
0x46f: {  	v4 =	vadd.f32 v19, v4;
	v19 =	vld [tilespmem:s12+$0x6220]  }
0x470: {  	v3 =	vadd.f32 v7, v3;
	v7 =	vld [tilespmem:$0x1F690]  }
0x471: {  	v2 =	vld [tilespmem:s6+$0x8230]  }
0x472: {  	v1 =	vadd.f32 v20, v1;
	v20 =	vld [tilespmem:s12+$0x6230]  }
0x473: {  	v10 =	vmul.f32 v22, v5;
	v22 =	vld [tilespmem:s11+$0x250]  }
0x474: {  	v3 =	vadd.f32 v9, v3;
	v9 =	vld [tilespmem:$0x1F6E0]  }
0x475: {  	v17 =	vmul.f32 v7, v27;
	v7 =	vld [tilespmem:$0x1F6D0]  }
0x476: {  	v0 =	vadd.f32 v21, v0;
	v21 =	vld [tilespmem:s11+$0x240];
	v1 =	vadd.f32 v13, v1  }
0x477: {  	v13 =	vld [tilespmem:s12+$0x6260]  }
0x478: {  	v1 =	vadd.f32 v14, v1;
	v14 =	vld [tilespmem:s12+$0x6270]  }
0x479: {  	v27 =	vld [tilespmem:s11+$0x260];
	v0 =	vadd.f32 v17, v0  }
0x47a: {  	v2 =	vmul.f32 v9, v2;
	v9 =	vld [tilespmem:s12+$0x6A70];
	v7 =	vmul.f32 v7, v28  }
0x47b: {  	v17 =	vld [tilespmem:s12+$0x6210];
	v0 =	vadd.f32 v6, v0  }
0x47c: {  	v2 =	vadd.f32 v2, v4;
	v4 =	vmul.f32 v36, v15;
	v15 =	vld [tilespmem:s12+$0x6200];
	v3 =	vadd.f32 v7, v3  }
0x47d: {  	[tilespmem:$0x1F540] =	vst v0;
	v0 =	vld [tilespmem:s12+$0x6A20]  }
0x47e: {  	[tilespmem:$0x1F530] =	vst v1;
	v7 =	vld [tilespmem:s12+$0x6A10];
	v1 =	vadd.f32 v10, v3  }
0x47f: {  	s10 =	sshll.u32 s10, $0xD;
	v10 =	vld [tilespmem:s12+$0x6240]  }
0x480: {  	[tilespmem:$0x1F550] =	vst v1;
	v1 =	vadd.f32 v4, v2;
	v2 =	vld [tilespmem:s12+$0x6A30];
	s12 =	sor.u32 s28, s10  }
0x481: {  	v28 =	vld [tilespmem:s11+$0x270];
	s9 =	sadd.s32 $0x8200, s12  }
0x482: {  	v30 =	vld [tilespmem:s9+$0xC840]  }
0x483: {  	v35 =	vld [tilespmem:s9+$0xD840]  }
0x484: {  	v47 =	vld [tilespmem:s9+$0xC850]  }
0x485: {  	v40 =	vld [tilespmem:s9+$0xD850]  }
0x486: {  	v45 =	vld [tilespmem:s9+$0xC860]  }
0x487: {  	v43 =	vld [tilespmem:s9+$0xD860]  }
0x488: {  	v50 =	vld [tilespmem:s9+$0xC870]  }
0x489: {  	v48 =	vld [tilespmem:s9+$0xD870]  }
0x48a: {  	[tilespmem:$0x1F560] =	vst v1;
	v1 =	vld [tilespmem:s9+$0xC810]  }
0x48b: {  	v52 =	vld [tilespmem:s9+$0xC800]  }
0x48c: {  	v51 =	vld [tilespmem:s9+$0xD800]  }
0x48d: {  	v53 =	vld [tilespmem:s9+$0xD810]  }
0x48e: {  	v58 =	vld [tilespmem:s9+$0xD820]  }
0x48f: {  	[tilespmem:$0x1F3E0] =	vst v1;
	v1 =	vld [tilespmem:s9+$0xC820]  }
0x490: {  	s12 =	sor.u32 $0x6400, s29;
	v54 =	vld [tilespmem:s9+$0xD830]  }
0x491: {  	v59 =	vld [tilespmem:s12+$0x240]  }
0x492: {  	v63 =	vld [tilespmem:s12+$0x250]  }
0x493: {  	v62 =	vshll.u32 v7, $0x10;
	v4 =	vand.u32 $0xFFFF0000, v7;
	v7 =	vld [tilespmem:s12+$0x260]  }
0x494: {  	[tilespmem:$0x1F3F0] =	vst v1;
	v1 =	vld [tilespmem:s9+$0xC830]  }
0x495: {  	v6 =	vshll.u32 v0, $0x10;
	v5 =	vand.u32 $0xFFFF0000, v0;
	v0 =	vld [tilespmem:s12+$0x270]  }
0x496: {  	v55 =	vshll.u32 v8, $0x10;
	v3 =	vand.u32 $0xFFFF0000, v8;
	v8 =	vshll.u32 v21, $0x10;
	v31 =	vld [tilespmem:s12+$0x200]  }
0x497: {  	v44 =	vshll.u32 v16, $0x10;
	s11 =	sadd.s32 s10, s26;
	[tilespmem:$0x1F4E0] =	vst v8;
	v8 =	vand.u32 $0xFFFF0000, v21;
	v37 =	vld [tilespmem:s12+$0x210]  }
0x498: {  	v16 =	vand.u32 $0xFFFF0000, v16;
	v46 =	vshll.u32 v18, $0x10;
	v18 =	vand.u32 $0xFFFF0000, v18;
	s28 =	sor.u32 $0xC400, s11;
	[tilespmem:$0x1F4B0] =	vst v8;
	v42 =	vld [tilespmem:s12+$0x220]  }
0x499: {  	v60 =	vshll.u32 v12, $0x10;
	v61 =	vand.u32 $0xFFFF0000, v12;
	v8 =	vand.u32 $0xFFFF0000, v27;
	[tilespmem:$0x1F400] =	vst v1;
	v1 =	vld [tilespmem:s28+$0x8240]  }
0x49a: {  	v56 =	vshll.u32 v9, $0x10;
	[tilespmem:$0x1F4D0] =	vst v8;
	v8 =	vshll.u32 v29, $0x10;
	v36 =	vld [tilespmem:s12+$0x230];
	v3 =	vmul.f32 v3, v43  }
0x49b: {  	v24 =	vshll.u32 v11, $0x10;
	v11 =	vand.u32 $0xFFFF0000, v11;
	v21 =	vld [tilespmem:s9+$0xD040];
	[tilespmem:$0x1F490] =	vst v8;
	v56 =	vmul.f32 v56, v50  }
0x49c: {  	v49 =	vand.u32 $0xFFFF0000, v19;
	v32 =	vshll.u32 v22, $0x10;
	v25 =	vshll.u32 v13, $0x10;
	v8 =	vld [tilespmem:s9+$0xD050];
	[tilespmem:$0x1F4C0] =	vst v3  }
0x49d: {  	v13 =	vand.u32 $0xFFFF0000, v13;
	v57 =	vand.u32 $0xFFFF0000, v9;
	v9 =	vand.u32 $0xFFFF0000, v22;
	v50 =	vld [tilespmem:s9+$0xC020];
	[tilespmem:$0x1F5E0] =	vst v56  }
0x49e: {  	v22 =	vand.u32 $0xFFFF0000, v28;
	v56 =	vld [tilespmem:s9+$0xD070];
	[tilespmem:$0x1F430] =	vst v1;
	v1 =	vshll.u32 v19, $0x10;
	v19 =	vshll.u32 v27, $0x10  }
0x49f: {  	v3 =	vld [tilespmem:$0x1F3E0];
	[tilespmem:$0x1F640] =	vst v19;
	v19 =	vshll.u32 v28, $0x10;
	v28 =	vmul.f32 v44, v30;
	v30 =	vshll.u32 v34, $0x10  }
0x4a0: {  	[tilespmem:$0x1F680] =	vst v30;
	v30 =	vmul.f32 v61, v51;
	v61 =	vand.u32 $0xFFFF0000, v34;
	v34 =	vmul.f32 v4, v53;
	v4 =	vld [tilespmem:$0x1F3F0]  }
0x4a1: {  	v38 =	vshll.u32 v14, $0x10;
	v14 =	vand.u32 $0xFFFF0000, v14;
	v27 =	vld [tilespmem:s9+$0xC050];
	[tilespmem:$0x1F410] =	vst v1;
	v1 =	vshll.u32 v20, $0x10  }
0x4a2: {  	v11 =	vmul.f32 v11, v8;
	v44 =	vand.u32 $0xFFFF0000, v29;
	v29 =	vmul.f32 v57, v48;
	v48 =	vld [tilespmem:s9+$0xC000];
	[tilespmem:$0x1F420] =	vst v1  }
0x4a3: {  	v1 =	vld [tilespmem:s9+$0xC040];
	[tilespmem:$0x1F480] =	vst v28;
	v28 =	vmul.f32 v16, v35;
	v16 =	vmul.f32 v46, v47;
	v47 =	vshll.u32 v33, $0x10  }
0x4a4: {  	v8 =	vld [tilespmem:$0x1F410];
	v46 =	vand.u32 $0xFFFF0000, v33;
	v33 =	vmul.f32 v62, v3;
	v3 =	vshll.u32 v23, $0x10  }
0x4a5: {  	v39 =	vshll.u32 v15, $0x10;
	v26 =	vshll.u32 v10, $0x10;
	v35 =	vld [tilespmem:s9+$0xC060];
	[tilespmem:$0x1F6D0] =	vst v3;
	v4 =	vmul.f32 v6, v4  }
0x4a6: {  	v10 =	vand.u32 $0xFFFF0000, v10;
	v12 =	vshll.u32 v2, $0x10;
	[tilespmem:$0x1F4A0] =	vst v16;
	v16 =	vmul.f32 v18, v40;
	v18 =	vld [tilespmem:s9+$0xD060]  }
0x4a7: {  	v2 =	vand.u32 $0xFFFF0000, v2;
	v10 =	vmul.f32 v10, v21;
	v3 =	vld [tilespmem:s9+$0xD000];
	[tilespmem:$0x1F610] =	vst v4;
	v4 =	vmul.f32 v5, v58  }
0x4a8: {  	s29 =	sor.u32 $0xD400, s11;
	v53 =	vshll.u32 v7, $0x10;
	v40 =	vmul.f32 v60, v52;
	v52 =	vand.u32 $0xFFFF0000, v7;
	v6 =	vld [tilespmem:$0x1F400]  }
0x4a9: {  	v7 =	vmul.f32 v14, v56;
	v14 =	vld [tilespmem:s29+$0x8200];
	[tilespmem:$0x1F620] =	vst v4;
	v4 =	vand.u32 $0xFFFF0000, v23;
	v23 =	vmul.f32 v2, v54  }
0x4aa: {  	v21 =	vshll.u32 v31, $0x10;
	v60 =	vand.u32 $0xFFFF0000, v63;
	[tilespmem:$0x1F5B0] =	vst v16;
	v16 =	vmul.f32 v55, v45;
	v55 =	vld [tilespmem:s9+$0xC070]  }
0x4ab: {  	v58 =	vshll.u32 v63, $0x10;
	v63 =	vmul.f32 v13, v18;
	v13 =	vand.u32 $0xFFFF0000, v31;
	v31 =	vmovc v9;
	v9 =	vmovc v23;
	v23 =	vld [tilespmem:s29+$0x8240]  }
0x4ac: {  	v15 =	vand.u32 $0xFFFF0000, v15;
	v43 =	vand.u32 $0xFFFF0000, v0;
	v45 =	vshll.u32 v0, $0x10;
	v0 =	vld [tilespmem:s9+$0xC030]  }
0x4ad: {  	v3 =	vmul.f32 v15, v3;
	v15 =	vld [tilespmem:s28+$0x8200];
	v6 =	vmul.f32 v12, v6  }
0x4ae: {  	v2 =	vld [tilespmem:s9+$0xD010]  }
0x4af: {  	v54 =	vld [tilespmem:s9+$0xD020];
	[tilespmem:$0x1F630] =	vst v6;
	v6 =	vand.u32 $0xFFFF0000, v59  }
0x4b0: {  	v6 =	vmul.f32 v6, v23;
	v23 =	vld [tilespmem:$0x1F450]  }
0x4b1: {  	[tilespmem:$0x1F6E0] =	vst v4;
	v4 =	vld [tilespmem:s9+$0xC010]  }
0x4b2: {  	v12 =	vmul.f32 v24, v27;
	v24 =	vld [tilespmem:s9+$0xD030];
	v27 =	vmul.f32 v25, v35  }
0x4b3: {  	v25 =	vmul.f32 v39, v48;
	v48 =	vmul.f32 v8, v50;
	v8 =	vld [tilespmem:$0x1F420];
	s9 =	sor.u32 $0xCC00, s11  }
0x4b4: {  	v13 =	vmul.f32 v13, v14;
	v14 =	vld [tilespmem:s9+$0x8240]  }
0x4b5: {  	v3 =	vadd.f32 v3, v23;
	v23 =	vld [tilespmem:$0x1F460]  }
0x4b6: {  	v41 =	vshll.u32 v17, $0x10;
	v17 =	vand.u32 $0xFFFF0000, v17;
	v15 =	vmul.f32 v21, v15;
	v21 =	vld [tilespmem:s29+$0x8250]  }
0x4b7: {  	v2 =	vmul.f32 v17, v2;
	v50 =	vmul.f32 v49, v54;
	v17 =	vld [tilespmem:s28+$0x8210]  }
0x4b8: {  	v20 =	vand.u32 $0xFFFF0000, v20;
	v4 =	vmul.f32 v41, v4;
	v49 =	vmul.f32 v8, v0;
	v8 =	vld [tilespmem:$0x1F430]  }
0x4b9: {  	v51 =	vmul.f32 v20, v24;
	v20 =	vld [tilespmem:$0x1F440]  }
0x4ba: {  	v4 =	vadd.f32 v4, v23;
	v23 =	vld [tilespmem:$0x1F470]  }
0x4bb: {  	v56 =	vshll.u32 v36, $0x10;
	v54 =	vand.u32 $0xFFFF0000, v36;
	v36 =	vmovc v22;
	v22 =	vmov v19;
	v19 =	vld [tilespmem:s28+$0x8250]  }
0x4bc: {  	s6 =	sor.u32 $0xDC00, s11;
	v0 =	vld [tilespmem:s29+$0x8210]  }
0x4bd: {  	v24 =	vld [tilespmem:s6+$0x8240]  }
0x4be: {  	[tilespmem:$0x1F690] =	vst v61;
	v5 =	vshll.u32 v59, $0x10;
	v61 =	vmul.f32 v60, v21;
	v21 =	vld [tilespmem:$0x1F4C0]  }
0x4bf: {  	v5 =	vmul.f32 v5, v8;
	v8 =	vadd.f32 v25, v20;
	v20 =	vmovc v16;
	v16 =	vld [tilespmem:$0x1F480];
	v2 =	vadd.f32 v2, v23  }
0x4c0: {  	v1 =	vmul.f32 v26, v1;
	v26 =	vand.u32 $0xFFFF0000, v37;
	v25 =	vld [tilespmem:s9+$0x8200]  }
0x4c1: {  	v0 =	vmul.f32 v26, v0;
	v26 =	vmul.f32 v58, v19;
	v19 =	vmovc v29;
	v29 =	vld [tilespmem:$0x1F4A0];
	v2 =	vadd.f32 v11, v2  }
0x4c2: {  	v18 =	vshll.u32 v37, $0x10;
	v1 =	vadd.f32 v1, v8;
	v8 =	vld [tilespmem:$0x1F4D0];
	v3 =	vadd.f32 v10, v3  }
0x4c3: {  	p0 =	sne.s32 s23, $0xF;
	v10 =	vmul.f32 v18, v17;
	v4 =	vadd.f32 v12, v4;
	v59 =	vadd.f32 v0, v2;
	v0 =	vld [tilespmem:$0x1F4E0]  }
.Ltmp3:
0x4c4: {  	v12 =	vld [tilespmem:$0x1F490];
	(pc) =	sbr.rel @p0 .LBB2_9-.Ltmp3, $4  }
0x4c5: {  	v58 =	vadd.f32 v10, v4;
	v10 =	vld [tilespmem:$0x1F4B0]  }
0x4c6: {  	v3 =	vadd.f32 v13, v3;
	v23 =	vld [tilespmem:s6+$0x8200];
	v11 =	vadd.f32 v15, v1  }
0x4c7: {  	v57 =	vshll.u32 v42, $0x10;
	v35 =	vmul.f32 v38, v55;
	v55 =	vand.u32 $0xFFFF0000, v42;
	v1 =	vld [tilespmem:s9+$0x8210]  }
0x4c8: {  	s23 =	sadd.s32 $0x1, s23;
	v62 =	vadd.f32 v6, v3;
	v15 =	vmovc v40;
	v60 =	vadd.f32 v5, v11;
	v2 =	vld [tilespmem:s6+$0x8210];
	v0 =	vmul.f32 v0, v14  }
0x4c9: {  	v18 =	vld [tilespmem:$0x1F5B0]  }
0x4ca: {  	v3 =	vadd.f32 v26, v58;
	v4 =	vadd.f32 v61, v59  }
0x4cb: {  	v13 =	vld [tilespmem:s6+$0x8250]  }
0x4cc: {  	v3 =	vadd.f32 v33, v3;
	v4 =	vadd.f32 v34, v4  }
0x4cd: {  	v1 =	vmul.f32 v47, v1  }
0x4ce: {  	v3 =	vadd.f32 v29, v3;
	v2 =	vmul.f32 v46, v2;
	v4 =	vadd.f32 v18, v4;
	_ =	sdelay $0x1  }
0x4cf: {  	v1 =	vadd.f32 v1, v3;
	v3 =	vmul.f32 v31, v13;
	v2 =	vadd.f32 v2, v4  }
0x4d0: {  	v6 =	vld [tilespmem:s9+$0x8250]  }
0x4d1: {  	v47 =	vadd.f32 v3, v2;
	v2 =	vld [tilespmem:$0x1F540]  }
0x4d2: {  	v14 =	vld [tilespmem:s28+$0x8260]  }
0x4d3: {  	v17 =	vld [tilespmem:s29+$0x8260]  }
0x4d4: {  	v41 =	vld [tilespmem:s28+$0x8220]  }
0x4d5: {  	v42 =	vld [tilespmem:s29+$0x8220];
	v11 =	vadd.f32 v30, v62  }
0x4d6: {  	v2 =	vadd.f32 v50, v2;
	v50 =	vld [tilespmem:$0x1F560]  }
0x4d7: {  	v58 =	vld [tilespmem:s6+$0x8270];
	v40 =	vmul.f32 v44, v23;
	v11 =	vadd.f32 v28, v11;
	v6 =	vmul.f32 v32, v6  }
0x4d8: {  	v4 =	vld [tilespmem:s29+$0x8230]  }
0x4d9: {  	v5 =	vmul.f32 v10, v24;
	v11 =	vadd.f32 v40, v11;
	v23 =	vadd.f32 v6, v1;
	v1 =	vld [tilespmem:$0x1F530]  }
0x4da: {  	v6 =	vld [tilespmem:s29+$0x8270]  }
0x4db: {  	v59 =	vld [tilespmem:$0x1F630];
	v33 =	vadd.f32 v5, v11;
	v11 =	vadd.f32 v51, v50  }
0x4dc: {  	v46 =	vmul.f32 v53, v14;
	v53 =	vld [tilespmem:s6+$0x8260]  }
0x4dd: {  	v61 =	vld [tilespmem:$0x1F6D0];
	v39 =	vadd.f32 v15, v60;
	v4 =	vmul.f32 v54, v4;
	v7 =	vadd.f32 v7, v11  }
0x4de: {  	v12 =	vmul.f32 v12, v25;
	v60 =	vld [tilespmem:$0x1F690];
	v1 =	vadd.f32 v48, v1  }
0x4df: {  	v10 =	vadd.f32 v16, v39;
	v48 =	vld [tilespmem:$0x1F550];
	v6 =	vmul.f32 v43, v6;
	v4 =	vadd.f32 v4, v7  }
0x4e0: {  	v44 =	vld [tilespmem:s28+$0x8230];
	v3 =	vmul.f32 v57, v41;
	v1 =	vadd.f32 v27, v1  }
0x4e1: {  	v10 =	vadd.f32 v12, v10;
	v4 =	vadd.f32 v6, v4;
	v6 =	vmul.f32 v8, v53;
	v8 =	vld [tilespmem:$0x1F610]  }
0x4e2: {  	v5 =	vld [tilespmem:s28+$0x8270];
	v1 =	vadd.f32 v3, v1  }
0x4e3: {  	v62 =	vld [tilespmem:$0x1F5E0];
	v24 =	vadd.f32 v0, v10  }
0x4e4: {  	v57 =	vld [tilespmem:s9+$0x8270];
	v10 =	vadd.f32 v49, v48;
	v1 =	vadd.f32 v46, v1  }
0x4e5: {  	v2 =	vadd.f32 v63, v2;
	v63 =	vld [tilespmem:$0x1F6E0];
	v51 =	vmul.f32 v55, v42  }
0x4e6: {  	v12 =	vmul.f32 v56, v44;
	v10 =	vadd.f32 v35, v10;
	v1 =	vadd.f32 v8, v1;
	v8 =	vld [tilespmem:$0x1F620]  }
0x4e7: {  	v0 =	vmul.f32 v52, v17;
	v3 =	vmul.f32 v45, v5;
	v5 =	vld [tilespmem:s6+$0x8220];
	v2 =	vadd.f32 v51, v2  }
0x4e8: {  	v55 =	vld [tilespmem:s9+$0x8220];
	v10 =	vadd.f32 v12, v10  }
0x4e9: {  	v7 =	vld [tilespmem:s9+$0x8230];
	v0 =	vadd.f32 v0, v2  }
0x4ea: {  	v2 =	vld [tilespmem:s6+$0x8230];
	v3 =	vadd.f32 v3, v10  }
0x4eb: {  	v0 =	vadd.f32 v8, v0;
	v8 =	vld [tilespmem:$0x1F680]  }
0x4ec: {  	v52 =	vld [tilespmem:s9+$0x8260];
	v3 =	vadd.f32 v59, v3  }
0x4ed: {  	v56 =	vld [tilespmem:$0x1F640];
	v5 =	vmul.f32 v60, v5;
	v4 =	vadd.f32 v9, v4  }
0x4ee: {  	s25 =	sadd.s32 $0x1, s25;
	v7 =	vmul.f32 v61, v7;
	v3 =	vadd.f32 v62, v3;
	v0 =	vadd.f32 v21, v0  }
0x4ef: {  	p0 =	sne.s32 s25, $0x8;
	v2 =	vmul.f32 v63, v2;
	v4 =	vadd.f32 v19, v4;
	v1 =	vadd.f32 v20, v1  }
.Ltmp4:
0x4f0: {  	v0 =	vadd.f32 v5, v0;
	v5 =	vmul.f32 v22, v57;
	v8 =	vmul.f32 v8, v55;
	(pc) =	sbr.rel @p0 .LBB2_2-.Ltmp4, $4  }
0x4f1: {  	v2 =	vadd.f32 v2, v4;
	v4 =	vmul.f32 v36, v58  }
0x4f2: {  	v12 =	vmul.f32 v56, v52;
	v3 =	vadd.f32 v7, v3;
	v1 =	vadd.f32 v8, v1  }
0x4f3: {  	v51 =	vadd.f32 v4, v2;
	v6 =	vadd.f32 v6, v0  }
0x4f4: {  	v7 =	vadd.f32 v12, v1;
	v1 =	vadd.f32 v5, v3;
	v5 =	vmov v47  }
0x4f5: {  	v0 =	vadd.f32 v33, v24;
	_ =	sdelay $0x1  }
0x4f6: {  	v0 =	vadd.f32 v23, v0;
	_ =	sdelay $0x1  }
0x4f7: {  	v0 =	vadd.f32 v5, v0;
	_ =	sdelay $0x1  }
0x4f8: {  	v0 =	vadd.f32 v7, v0;
	_ =	sdelay $0x1  }
0x4f9: {  	v0 =	vadd.f32 v6, v0;
	_ =	sdelay $0x1  }
0x4fa: {  	v0 =	vadd.f32 v1, v0;
	_ =	sdelay $0x1  }
0x4fb: {  	v0 =	vadd.f32 v51, v0;
	_ =	sdelay $0x1  }
0x4fc: {  	s6 =	rddreg [dreg:$0x6];
	s9 =	simm.s32 $0x18200;
	[tilespmem:$0x18200] =	vst v0  }
0x4fd: {  	[hbm4b:s6+s3] =	stream.linear.scatter [tilespmem:s9], [sflag:$0x9], $0x80, $0x38;
	[tilespmem:$0x18280] =	vst v63  }
0x4fe: {  	_ =	swait.ge [sflag:s13], $0x80  }
0x4ff: {  	s24 =	sadd.s32 $0x1, s24;
	s29 =	rddreg [dreg:$0x7]  }
0x500: {  	p0 =	sne.s32 s24, s29  }
.Ltmp5:
0x501: {  	_ = 	snop;
	(pc) =	sbr.rel @p0 .LBB2_1-.Ltmp5, $3  }
0x502: {  	_ =	sdelay $0x1  }
0x503: {  	[sflag:s13] =	ssyncset.done $0x0  }
0x504: {  	[sflag:s13] =	ssyncadd.s32 $0xFFFFFF80  }
0x505: {  	_ =	sfence.sel $0x180000  }
0x506: {  	[bflag:$0x0] =	sbarrier.arrive $0xFFFF  }
0x507: {  	_ =	strace $0x90000047  }
0x508: {  	s0 =	stileid.u32;
	[bflag:$0x2] =	sbarrier.arrive $0xFFFF  }
0x509: {  	p0 =	sne.s32 s0, $0x0;
	s0 =	rddreg [dreg:$0x2]  }
0x50a: {  	s0 =	sadd.s32 @!p0 $0x100000, s0  }
0x50b: {  	[sflag:s0] =	ssyncadd.tile.s32 @!p0 $0x1;
	_ =	shalt  }
.Lfunc_end2:
_tile_overlayer_lowered:
.L_overlay_start_2:
0x50c: {  	(tag) =	ssettag $0x2  }
0x50d: {  	s0 =	rddreg [dreg:$0x0];
	s2 =	stileid.u32  }
0x50e: {  	s1 =	rddreg [dreg:$0x1];
	p0 =	sne.s32 s2, $0x0  }
0x50f: {  	s3 =	rddreg [dreg:$0x2];
	[bflag:$0x3] =	sbarrier.arrive $0xFFFF;
	s2 =	simm.s32 @!p0 $0x1C09  }
0x510: {  	[timem:s3], [sflag:s2] =	dma.local @!p0 [hbm:s0], s1  }
0x511: {  	s0 =	simm.s32 @!p0 $0x9  }
0x512: {  	_ =	swait.ge @!p0 [sflag:s0], s1  }
0x513: {  	s1 =	ssub.s32 @!p0 $0x0, s1;
	[sflag:s0] =	ssyncset.done @!p0 $0x0  }
0x514: {  	[sflag:s0] =	ssyncadd.s32 @!p0 s1  }
0x515: {  	[bflag:$0x3] =	sbarrier.arrive $0xFFFF  }
0x516: {  	_ =	shalt  }

</sc_bundles>
